<compile_context>
chip_gen: v7x
topology: tpu7x:2x2x1
jax: 0.10.2.dev20260603
libtpu: 0.0.44.dev20260713+nightly
codegen_flags: <defaults>
</compile_context>

<pallas_src>
import jax
import jax.numpy as jnp
from jax import lax
from jax.experimental import pallas as pl
from jax.experimental.pallas import tpu as pltpu
from jax.experimental.pallas import tpu_sc as plsc

NUM_USERS = 1000000
NUM_ITEMS = 1000000
EMB = 64
BATCH = 16384

NC = 2
NS = 16
NW = NC * NS
LANES = 16
B_PER_W = BATCH // NW
IDX_CHUNK = 128
N_IDX_CHUNKS = B_PER_W // IDX_CHUNK
ROW_PAIR = 2 * EMB
N_PASS = 2
B_PER_PASS = B_PER_W // N_PASS


def _sc_kernel_body(uidx_hbm, iidx_hbm, uflat_hbm, iflat_hbm, ub_hbm, ib_hbm,
                    out_hbm,
                    uidx_v, iidx_v, urows_v, irows_v,
                    ubv, ibv, out_v, sem):
    wid = lax.axis_index("s") * NC + lax.axis_index("c")
    base = pl.multiple_of(wid * B_PER_W, B_PER_W)

    pltpu.sync_copy(uidx_hbm.at[pl.ds(base, B_PER_W)], uidx_v)
    pltpu.sync_copy(iidx_hbm.at[pl.ds(base, B_PER_W)], iidx_v)

    bias_copies = []
    for k in range(N_IDX_CHUNKS):
        s = pl.ds(k * IDX_CHUNK, IDX_CHUNK)
        bias_copies.append(pltpu.async_copy(ub_hbm.at[uidx_v.at[s]],
                                            ubv.at[s], sem))
        bias_copies.append(pltpu.async_copy(ib_hbm.at[iidx_v.at[s]],
                                            ibv.at[s], sem))

    for p in range(N_PASS):
        poff = p * B_PER_PASS

        def fire(j, _):
            start = pl.multiple_of(j * LANES, LANES)
            gsl = pl.ds(poff + start, LANES)
            uvec = lax.shift_right_logical(uidx_v[gsl], 1) * ROW_PAIR
            ivec = lax.shift_right_logical(iidx_v[gsl], 1) * ROW_PAIR
            for l in range(LANES):
                dst = pl.ds((start + l) * ROW_PAIR, ROW_PAIR)
                uo = pl.multiple_of(uvec[l], ROW_PAIR)
                io = pl.multiple_of(ivec[l], ROW_PAIR)
                pltpu.async_copy(uflat_hbm.at[pl.ds(uo, ROW_PAIR)],
                                 urows_v.at[dst], sem)
                pltpu.async_copy(iflat_hbm.at[pl.ds(io, ROW_PAIR)],
                                 irows_v.at[dst], sem)
            return 0

        lax.fori_loop(0, B_PER_PASS // LANES, fire, 0)

        def drain(e, _):
            for _u in range(2):
                pltpu.make_async_copy(uflat_hbm.at[pl.ds(0, ROW_PAIR)],
                                      urows_v.at[pl.ds(0, ROW_PAIR)],
                                      sem).wait()
            return 0

        lax.fori_loop(0, B_PER_PASS, drain, 0)
        if p == 0:
            for c in bias_copies:
                c.wait()

        def chunk(j, _):
            start = pl.multiple_of(j * LANES, LANES)
            gs = pl.ds(poff + start, LANES)
            slotbase = (lax.iota(jnp.int32, LANES) + start) * ROW_PAIR
            ubase = slotbase + (uidx_v[gs] & 1) * EMB
            ibase = slotbase + (iidx_v[gs] & 1) * EMB
            acc = ubv[gs] + ibv[gs]
            for d in range(EMB):
                u = plsc.load_gather(urows_v, [ubase + d])
                v = plsc.load_gather(irows_v, [ibase + d])
                acc = acc + u * v
            out_v[gs] = acc
            return 0

        lax.fori_loop(0, B_PER_PASS // LANES, chunk, 0)

    pltpu.sync_copy(out_v, out_hbm.at[pl.ds(base, B_PER_W)])


@jax.jit
def _run(uidx, iidx, uemb, iemb, ub, ib):
    mesh = plsc.VectorSubcoreMesh(core_axis_name="c", subcore_axis_name="s")
    f = pl.kernel(
        _sc_kernel_body, mesh=mesh,
        out_type=jax.ShapeDtypeStruct((BATCH,), jnp.float32),
        scratch_types=[
            pltpu.VMEM((B_PER_W,), jnp.int32),
            pltpu.VMEM((B_PER_W,), jnp.int32),
            pltpu.VMEM((B_PER_PASS * ROW_PAIR,), jnp.float32),
            pltpu.VMEM((B_PER_PASS * ROW_PAIR,), jnp.float32),
            pltpu.VMEM((B_PER_W,), jnp.float32),
            pltpu.VMEM((B_PER_W,), jnp.float32),
            pltpu.VMEM((B_PER_W,), jnp.float32),
            pltpu.SemaphoreType.DMA,
        ],
        compiler_params=pltpu.CompilerParams(needs_layout_passes=False,
                                             use_tc_tiling_on_sc=True),
    )
    return f(uidx, iidx, uemb, iemb, ub, ib)


def kernel(user_idx, item_idx, user_embeddings, item_embeddings,
           user_biases, item_biases):
    uidx = user_idx.astype(jnp.int32)
    iidx = item_idx.astype(jnp.int32)
    uflat = jnp.reshape(user_embeddings, (NUM_USERS * EMB,))
    iflat = jnp.reshape(item_embeddings, (NUM_ITEMS * EMB,))
    ub = jnp.reshape(user_biases, (NUM_USERS,))
    ib = jnp.reshape(item_biases, (NUM_ITEMS,))
    return _run(uidx, iidx, uflat, iflat, ub, ib)

# --- scband reference (transcript-rebuilt; emitter-appended) ---
"""Pipeline reference for scband-mfnet-41171556499554 (READ-ONLY COPY).

The authoritative reference and input builder live on the scoring server;
editing this copy changes nothing except your own understanding.
"""

import jax, jax.numpy as jnp
import numpy as np

NUM_USERS = 1000000
NUM_ITEMS = 1000000
EMB = 64
BATCH = 16384


def setup_inputs(seed: int = 0) -> dict:
    key = jax.random.key(seed)
    k1, k2, k3, k4, k5, k6 = jax.random.split(key, 6)
    user_idx = jax.random.randint(k1, (BATCH,), 0, NUM_USERS, dtype=jnp.int64 if jax.config.jax_enable_x64 else jnp.int32)
    item_idx = jax.random.randint(k2, (BATCH,), 0, NUM_ITEMS, dtype=jnp.int64 if jax.config.jax_enable_x64 else jnp.int32)
    user_embeddings = jax.random.normal(k3, (NUM_USERS, EMB), dtype=jnp.float32)
    item_embeddings = jax.random.normal(k4, (NUM_ITEMS, EMB), dtype=jnp.float32)
    user_biases = jax.random.normal(k5, (NUM_USERS, 1), dtype=jnp.float32)
    item_biases = jax.random.normal(k6, (NUM_ITEMS, 1), dtype=jnp.float32)
    return {
        "user_idx": user_idx,
        "item_idx": item_idx,
        "user_embeddings": user_embeddings,
        "item_embeddings": item_embeddings,
        "user_biases": user_biases,
        "item_biases": item_biases,
    }


def reference(user_idx, item_idx, user_embeddings, item_embeddings, user_biases, item_biases):
    user_emb = jnp.take(user_embeddings, user_idx, axis=0)
    movie_emb = jnp.take(item_embeddings, item_idx, axis=0)
    user_bias = jnp.take(user_biases, user_idx, axis=0)
    movie_bias = jnp.take(item_biases, item_idx, axis=0)
    rating = jnp.sum(user_emb * movie_emb, axis=1)
    rating = rating + jnp.squeeze(user_bias) + jnp.squeeze(movie_bias)
    return rating

if __name__ == "__main__":
    import jax
    _d = setup_inputs()
    print(jax.jit(kernel)(*tuple(_d.values())))

</pallas_src>

<mosaic_0001>
#map = affine_map<(d0, d1) -> (0)>
module attributes {stable_mosaic.version = 14 : i64} {
  func.func @_sc_kernel_body(%arg0: i32, %arg1: i32, %arg2: memref<16384xi32, #tpu.memory_space<hbm>>, %arg3: memref<16384xi32, #tpu.memory_space<hbm>>, %arg4: memref<64000000xf32, #tpu.memory_space<hbm>>, %arg5: memref<64000000xf32, #tpu.memory_space<hbm>>, %arg6: memref<1000000xf32, #tpu.memory_space<hbm>>, %arg7: memref<1000000xf32, #tpu.memory_space<hbm>>, %arg8: memref<16384xf32, #tpu.memory_space<hbm>>, %arg9: memref<512xi32, #tpu.memory_space<vmem>>, %arg10: memref<512xi32, #tpu.memory_space<vmem>>, %arg11: memref<32768xf32, #tpu.memory_space<vmem>>, %arg12: memref<32768xf32, #tpu.memory_space<vmem>>, %arg13: memref<512xf32, #tpu.memory_space<vmem>>, %arg14: memref<512xf32, #tpu.memory_space<vmem>>, %arg15: memref<512xf32, #tpu.memory_space<vmem>>, %arg16: memref<!tpu.dma_semaphore, #tpu.memory_space<semaphore_mem>>) attributes {dimension_semantics = [#tpu.dimension_semantics<core_parallel>, #tpu.dimension_semantics<subcore_parallel>], iteration_bounds = array<i64: 2, 16>, scalar_prefetch = 0 : i64, scratch_operands = 8 : i64, tpu.core_type = #tpu.core_type<sc_vector_subcore>, window_params = [{transform_indices = #map}, {transform_indices = #map}, {transform_indices = #map}, {transform_indices = #map}, {transform_indices = #map}, {transform_indices = #map}, {transform_indices = #map}]} {
    %mul3A = arith.constant 2 : i32
    %mul3A_0 = arith.muli %arg1, %mul3A : i32
    %add3A = arith.addi %mul3A_0, %arg0 : i32
    %mul3A_1 = arith.constant 512 : i32
    %mul3A_2 = arith.muli %add3A, %mul3A_1 : i32
    %multiple_of3A = tpu.assume_multiple %mul3A_2, 512 : i32
    "tpu.region"() ({
      %run_scoped3A = tpu.sem_alloc : memref<!tpu.dma_semaphore, #tpu.memory_space<semaphore_mem>>
      %dma_start3A_138 = tpu.memref_slice %arg2[%multiple_of3A] : memref<16384xi32, #tpu.memory_space<hbm>> -> memref<512xi32, #tpu.memory_space<hbm>>
      %dma_start3A_139 = tpu.memref_slice %arg2[%multiple_of3A] : memref<16384xi32, #tpu.memory_space<hbm>> -> memref<512xi32, #tpu.memory_space<hbm>>
      tpu.enqueue_dma source(%dma_start3A_139 : memref<512xi32, #tpu.memory_space<hbm>>) target(%arg9 : memref<512xi32, #tpu.memory_space<vmem>>) target_semaphore(%run_scoped3A : memref<!tpu.dma_semaphore, #tpu.memory_space<semaphore_mem>>)
      %dma_wait3A_140 = tpu.memref_slice %arg2[%multiple_of3A] : memref<16384xi32, #tpu.memory_space<hbm>> -> memref<512xi32, #tpu.memory_space<hbm>>
      %dma_wait3A_141 = tpu.memref_slice %arg2[%multiple_of3A] : memref<16384xi32, #tpu.memory_space<hbm>> -> memref<512xi32, #tpu.memory_space<hbm>>
      tpu.wait_dma2 semaphore(%run_scoped3A : memref<!tpu.dma_semaphore, #tpu.memory_space<semaphore_mem>>) src(%dma_wait3A_141 : memref<512xi32, #tpu.memory_space<hbm>>) dst(%arg9 : memref<512xi32, #tpu.memory_space<vmem>>)
      tpu.yield
    }) : () -> ()
    "tpu.region"() ({
      %run_scoped3A = tpu.sem_alloc : memref<!tpu.dma_semaphore, #tpu.memory_space<semaphore_mem>>
      %dma_start3A_138 = tpu.memref_slice %arg3[%multiple_of3A] : memref<16384xi32, #tpu.memory_space<hbm>> -> memref<512xi32, #tpu.memory_space<hbm>>
      %dma_start3A_139 = tpu.memref_slice %arg3[%multiple_of3A] : memref<16384xi32, #tpu.memory_space<hbm>> -> memref<512xi32, #tpu.memory_space<hbm>>
      tpu.enqueue_dma source(%dma_start3A_139 : memref<512xi32, #tpu.memory_space<hbm>>) target(%arg10 : memref<512xi32, #tpu.memory_space<vmem>>) target_semaphore(%run_scoped3A : memref<!tpu.dma_semaphore, #tpu.memory_space<semaphore_mem>>)
      %dma_wait3A_140 = tpu.memref_slice %arg3[%multiple_of3A] : memref<16384xi32, #tpu.memory_space<hbm>> -> memref<512xi32, #tpu.memory_space<hbm>>
      %dma_wait3A_141 = tpu.memref_slice %arg3[%multiple_of3A] : memref<16384xi32, #tpu.memory_space<hbm>> -> memref<512xi32, #tpu.memory_space<hbm>>
      tpu.wait_dma2 semaphore(%run_scoped3A : memref<!tpu.dma_semaphore, #tpu.memory_space<semaphore_mem>>) src(%dma_wait3A_141 : memref<512xi32, #tpu.memory_space<hbm>>) dst(%arg10 : memref<512xi32, #tpu.memory_space<vmem>>)
      tpu.yield
    }) : () -> ()
    %dma_start3A = arith.constant 0 : i32
    %dma_start3A_3 = tpu.memref_slice %arg13[%dma_start3A] : memref<512xf32, #tpu.memory_space<vmem>> -> memref<128xf32, #tpu.memory_space<vmem>>
    %dma_start3A_4 = arith.constant 0 : i32
    %dma_start3A_5 = tpu.memref_slice %arg9[%dma_start3A_4] : memref<512xi32, #tpu.memory_space<vmem>> -> memref<128xi32, #tpu.memory_space<vmem>>
    %dma_start3A_6 = arith.constant 0 : i32
    %dma_start3A_7 = tpu.memref_slice %arg6[%dma_start3A_6] : memref<1000000xf32, #tpu.memory_space<hbm>> -> memref<1000000xf32, #tpu.memory_space<hbm>>
    tpu.enqueue_indirect_dma source(%dma_start3A_7 : memref<1000000xf32, #tpu.memory_space<hbm>>) target(%dma_start3A_3 : memref<128xf32, #tpu.memory_space<vmem>>) offsets(%dma_start3A_5 : memref<128xi32, #tpu.memory_space<vmem>>) semaphore(%arg16 : memref<!tpu.dma_semaphore, #tpu.memory_space<semaphore_mem>>)
    %dma_start3A_8 = arith.constant 0 : i32
    %dma_start3A_9 = tpu.memref_slice %arg14[%dma_start3A_8] : memref<512xf32, #tpu.memory_space<vmem>> -> memref<128xf32, #tpu.memory_space<vmem>>
    %dma_start3A_10 = arith.constant 0 : i32
    %dma_start3A_11 = tpu.memref_slice %arg10[%dma_start3A_10] : memref<512xi32, #tpu.memory_space<vmem>> -> memref<128xi32, #tpu.memory_space<vmem>>
    %dma_start3A_12 = arith.constant 0 : i32
    %dma_start3A_13 = tpu.memref_slice %arg7[%dma_start3A_12] : memref<1000000xf32, #tpu.memory_space<hbm>> -> memref<1000000xf32, #tpu.memory_space<hbm>>
    tpu.enqueue_indirect_dma source(%dma_start3A_13 : memref<1000000xf32, #tpu.memory_space<hbm>>) target(%dma_start3A_9 : memref<128xf32, #tpu.memory_space<vmem>>) offsets(%dma_start3A_11 : memref<128xi32, #tpu.memory_space<vmem>>) semaphore(%arg16 : memref<!tpu.dma_semaphore, #tpu.memory_space<semaphore_mem>>)
    %dma_start3A_14 = arith.constant 128 : i32
    %dma_start3A_15 = tpu.memref_slice %arg13[%dma_start3A_14] : memref<512xf32, #tpu.memory_space<vmem>> -> memref<128xf32, #tpu.memory_space<vmem>>
    %dma_start3A_16 = arith.constant 128 : i32
    %dma_start3A_17 = tpu.memref_slice %arg9[%dma_start3A_16] : memref<512xi32, #tpu.memory_space<vmem>> -> memref<128xi32, #tpu.memory_space<vmem>>
    %dma_start3A_18 = arith.constant 0 : i32
    %dma_start3A_19 = tpu.memref_slice %arg6[%dma_start3A_18] : memref<1000000xf32, #tpu.memory_space<hbm>> -> memref<1000000xf32, #tpu.memory_space<hbm>>
    tpu.enqueue_indirect_dma source(%dma_start3A_19 : memref<1000000xf32, #tpu.memory_space<hbm>>) target(%dma_start3A_15 : memref<128xf32, #tpu.memory_space<vmem>>) offsets(%dma_start3A_17 : memref<128xi32, #tpu.memory_space<vmem>>) semaphore(%arg16 : memref<!tpu.dma_semaphore, #tpu.memory_space<semaphore_mem>>)
    %dma_start3A_20 = arith.constant 128 : i32
    %dma_start3A_21 = tpu.memref_slice %arg14[%dma_start3A_20] : memref<512xf32, #tpu.memory_space<vmem>> -> memref<128xf32, #tpu.memory_space<vmem>>
    %dma_start3A_22 = arith.constant 128 : i32
    %dma_start3A_23 = tpu.memref_slice %arg10[%dma_start3A_22] : memref<512xi32, #tpu.memory_space<vmem>> -> memref<128xi32, #tpu.memory_space<vmem>>
    %dma_start3A_24 = arith.constant 0 : i32
    %dma_start3A_25 = tpu.memref_slice %arg7[%dma_start3A_24] : memref<1000000xf32, #tpu.memory_space<hbm>> -> memref<1000000xf32, #tpu.memory_space<hbm>>
    tpu.enqueue_indirect_dma source(%dma_start3A_25 : memref<1000000xf32, #tpu.memory_space<hbm>>) target(%dma_start3A_21 : memref<128xf32, #tpu.memory_space<vmem>>) offsets(%dma_start3A_23 : memref<128xi32, #tpu.memory_space<vmem>>) semaphore(%arg16 : memref<!tpu.dma_semaphore, #tpu.memory_space<semaphore_mem>>)
    %dma_start3A_26 = arith.constant 256 : i32
    %dma_start3A_27 = tpu.memref_slice %arg13[%dma_start3A_26] : memref<512xf32, #tpu.memory_space<vmem>> -> memref<128xf32, #tpu.memory_space<vmem>>
    %dma_start3A_28 = arith.constant 256 : i32
    %dma_start3A_29 = tpu.memref_slice %arg9[%dma_start3A_28] : memref<512xi32, #tpu.memory_space<vmem>> -> memref<128xi32, #tpu.memory_space<vmem>>
    %dma_start3A_30 = arith.constant 0 : i32
    %dma_start3A_31 = tpu.memref_slice %arg6[%dma_start3A_30] : memref<1000000xf32, #tpu.memory_space<hbm>> -> memref<1000000xf32, #tpu.memory_space<hbm>>
    tpu.enqueue_indirect_dma source(%dma_start3A_31 : memref<1000000xf32, #tpu.memory_space<hbm>>) target(%dma_start3A_27 : memref<128xf32, #tpu.memory_space<vmem>>) offsets(%dma_start3A_29 : memref<128xi32, #tpu.memory_space<vmem>>) semaphore(%arg16 : memref<!tpu.dma_semaphore, #tpu.memory_space<semaphore_mem>>)
    %dma_start3A_32 = arith.constant 256 : i32
    %dma_start3A_33 = tpu.memref_slice %arg14[%dma_start3A_32] : memref<512xf32, #tpu.memory_space<vmem>> -> memref<128xf32, #tpu.memory_space<vmem>>
    %dma_start3A_34 = arith.constant 256 : i32
    %dma_start3A_35 = tpu.memref_slice %arg10[%dma_start3A_34] : memref<512xi32, #tpu.memory_space<vmem>> -> memref<128xi32, #tpu.memory_space<vmem>>
    %dma_start3A_36 = arith.constant 0 : i32
    %dma_start3A_37 = tpu.memref_slice %arg7[%dma_start3A_36] : memref<1000000xf32, #tpu.memory_space<hbm>> -> memref<1000000xf32, #tpu.memory_space<hbm>>
    tpu.enqueue_indirect_dma source(%dma_start3A_37 : memref<1000000xf32, #tpu.memory_space<hbm>>) target(%dma_start3A_33 : memref<128xf32, #tpu.memory_space<vmem>>) offsets(%dma_start3A_35 : memref<128xi32, #tpu.memory_space<vmem>>) semaphore(%arg16 : memref<!tpu.dma_semaphore, #tpu.memory_space<semaphore_mem>>)
    %dma_start3A_38 = arith.constant 384 : i32
    %dma_start3A_39 = tpu.memref_slice %arg13[%dma_start3A_38] : memref<512xf32, #tpu.memory_space<vmem>> -> memref<128xf32, #tpu.memory_space<vmem>>
    %dma_start3A_40 = arith.constant 384 : i32
    %dma_start3A_41 = tpu.memref_slice %arg9[%dma_start3A_40] : memref<512xi32, #tpu.memory_space<vmem>> -> memref<128xi32, #tpu.memory_space<vmem>>
    %dma_start3A_42 = arith.constant 0 : i32
    %dma_start3A_43 = tpu.memref_slice %arg6[%dma_start3A_42] : memref<1000000xf32, #tpu.memory_space<hbm>> -> memref<1000000xf32, #tpu.memory_space<hbm>>
    tpu.enqueue_indirect_dma source(%dma_start3A_43 : memref<1000000xf32, #tpu.memory_space<hbm>>) target(%dma_start3A_39 : memref<128xf32, #tpu.memory_space<vmem>>) offsets(%dma_start3A_41 : memref<128xi32, #tpu.memory_space<vmem>>) semaphore(%arg16 : memref<!tpu.dma_semaphore, #tpu.memory_space<semaphore_mem>>)
    %dma_start3A_44 = arith.constant 384 : i32
    %dma_start3A_45 = tpu.memref_slice %arg14[%dma_start3A_44] : memref<512xf32, #tpu.memory_space<vmem>> -> memref<128xf32, #tpu.memory_space<vmem>>
    %dma_start3A_46 = arith.constant 384 : i32
    %dma_start3A_47 = tpu.memref_slice %arg10[%dma_start3A_46] : memref<512xi32, #tpu.memory_space<vmem>> -> memref<128xi32, #tpu.memory_space<vmem>>
    %dma_start3A_48 = arith.constant 0 : i32
    %dma_start3A_49 = tpu.memref_slice %arg7[%dma_start3A_48] : memref<1000000xf32, #tpu.memory_space<hbm>> -> memref<1000000xf32, #tpu.memory_space<hbm>>
    tpu.enqueue_indirect_dma source(%dma_start3A_49 : memref<1000000xf32, #tpu.memory_space<hbm>>) target(%dma_start3A_45 : memref<128xf32, #tpu.memory_space<vmem>>) offsets(%dma_start3A_47 : memref<128xi32, #tpu.memory_space<vmem>>) semaphore(%arg16 : memref<!tpu.dma_semaphore, #tpu.memory_space<semaphore_mem>>)
    %scan3A = arith.constant 0 : i32
    %scan3A_50 = arith.constant 0 : i32
    %scan3A_51 = arith.constant 16 : i32
    %scan3A_52 = arith.addi %scan3A_50, %scan3A_51 : i32
    %scan3A_53 = arith.constant 1 : i32
    %scan3A_54 = scf.for %scan3A_138 = %scan3A_50 to %scan3A_52 step %scan3A_53 iter_args(%scan3A_139 = %scan3A) -> (i32)  : i32 {
      %mul3A_140 = arith.constant 16 : i32
      %mul3A_141 = arith.muli %scan3A_138, %mul3A_140 : i32
      %multiple_of3A_142 = tpu.assume_multiple %mul3A_141, 16 : i32
      %add3A_143 = arith.constant 0 : i32
      %add3A_144 = arith.addi %add3A_143, %multiple_of3A_142 : i32
      %get3A = arith.index_cast %add3A_144 : i32 to index
      %get3A_145 = tpu.vector_load %arg9[%get3A] {strides = array<i32>} : memref<512xi32, #tpu.memory_space<vmem>>, vector<16xi32>,
      %shift_right_logical3A = arith.constant 1 : i32
      %shift_right_logical3A_146 = vector.broadcast %shift_right_logical3A : i32 to vector<16xi32>
      %shift_right_logical3A_147 = arith.shrui %get3A_145, %shift_right_logical3A_146 : vector<16xi32>
      %mul3A_148 = arith.constant 128 : i32
      %mul3A_149 = vector.broadcast %mul3A_148 : i32 to vector<16xi32>
      %mul3A_150 = arith.muli %shift_right_logical3A_147, %mul3A_149 : vector<16xi32>
      %get3A_151 = arith.index_cast %add3A_144 : i32 to index
      %get3A_152 = tpu.vector_load %arg10[%get3A_151] {strides = array<i32>} : memref<512xi32, #tpu.memory_space<vmem>>, vector<16xi32>,
      %shift_right_logical3A_153 = arith.constant 1 : i32
      %shift_right_logical3A_154 = vector.broadcast %shift_right_logical3A_153 : i32 to vector<16xi32>
      %shift_right_logical3A_155 = arith.shrui %get3A_152, %shift_right_logical3A_154 : vector<16xi32>
      %mul3A_156 = arith.constant 128 : i32
      %mul3A_157 = vector.broadcast %mul3A_156 : i32 to vector<16xi32>
      %mul3A_158 = arith.muli %shift_right_logical3A_155, %mul3A_157 : vector<16xi32>
      %add3A_159 = arith.constant 0 : i32
      %add3A_160 = arith.addi %multiple_of3A_142, %add3A_159 : i32
      %mul3A_161 = arith.constant 128 : i32
      %mul3A_162 = arith.muli %add3A_160, %mul3A_161 : i32
      %slice3A = vector.extract_strided_slice %mul3A_150 {offsets = [0], sizes = [1], strides = [1]} : vector<16xi32> to vector<1xi32>
      %squeeze3A = vector.extract %slice3A[0] : i32 from vector<1xi32>
      %multiple_of3A_163 = tpu.assume_multiple %squeeze3A, 128 : i32
      %slice3A_164 = vector.extract_strided_slice %mul3A_158 {offsets = [0], sizes = [1], strides = [1]} : vector<16xi32> to vector<1xi32>
      %squeeze3A_165 = vector.extract %slice3A_164[0] : i32 from vector<1xi32>
      %multiple_of3A_166 = tpu.assume_multiple %squeeze3A_165, 128 : i32
      %dma_start3A_167 = tpu.memref_slice %arg11[%mul3A_162] : memref<32768xf32, #tpu.memory_space<vmem>> -> memref<128xf32, #tpu.memory_space<vmem>>
      %dma_start3A_168 = tpu.memref_slice %arg4[%multiple_of3A_163] : memref<64000000xf32, #tpu.memory_space<hbm>> -> memref<128xf32, #tpu.memory_space<hbm>>
      %dma_start3A_169 = tpu.memref_slice %arg11[%mul3A_162] : memref<32768xf32, #tpu.memory_space<vmem>> -> memref<128xf32, #tpu.memory_space<vmem>>
      %dma_start3A_170 = tpu.memref_slice %arg4[%multiple_of3A_163] : memref<64000000xf32, #tpu.memory_space<hbm>> -> memref<128xf32, #tpu.memory_space<hbm>>
      tpu.enqueue_dma source(%dma_start3A_170 : memref<128xf32, #tpu.memory_space<hbm>>) target(%dma_start3A_169 : memref<128xf32, #tpu.memory_space<vmem>>) target_semaphore(%arg16 : memref<!tpu.dma_semaphore, #tpu.memory_space<semaphore_mem>>)
      %dma_start3A_171 = tpu.memref_slice %arg12[%mul3A_162] : memref<32768xf32, #tpu.memory_space<vmem>> -> memref<128xf32, #tpu.memory_space<vmem>>
      %dma_start3A_172 = tpu.memref_slice %arg5[%multiple_of3A_166] : memref<64000000xf32, #tpu.memory_space<hbm>> -> memref<128xf32, #tpu.memory_space<hbm>>
      %dma_start3A_173 = tpu.memref_slice %arg12[%mul3A_162] : memref<32768xf32, #tpu.memory_space<vmem>> -> memref<128xf32, #tpu.memory_space<vmem>>
      %dma_start3A_174 = tpu.memref_slice %arg5[%multiple_of3A_166] : memref<64000000xf32, #tpu.memory_space<hbm>> -> memref<128xf32, #tpu.memory_space<hbm>>
      tpu.enqueue_dma source(%dma_start3A_174 : memref<128xf32, #tpu.memory_space<hbm>>) target(%dma_start3A_173 : memref<128xf32, #tpu.memory_space<vmem>>) target_semaphore(%arg16 : memref<!tpu.dma_semaphore, #tpu.memory_space<semaphore_mem>>)
      %add3A_175 = arith.constant 1 : i32
      %add3A_176 = arith.addi %multiple_of3A_142, %add3A_175 : i32
      %mul3A_177 = arith.constant 128 : i32
      %mul3A_178 = arith.muli %add3A_176, %mul3A_177 : i32
      %slice3A_179 = vector.extract_strided_slice %mul3A_150 {offsets = [1], sizes = [1], strides = [1]} : vector<16xi32> to vector<1xi32>
      %squeeze3A_180 = vector.extract %slice3A_179[0] : i32 from vector<1xi32>
      %multiple_of3A_181 = tpu.assume_multiple %squeeze3A_180, 128 : i32
      %slice3A_182 = vector.extract_strided_slice %mul3A_158 {offsets = [1], sizes = [1], strides = [1]} : vector<16xi32> to vector<1xi32>
      %squeeze3A_183 = vector.extract %slice3A_182[0] : i32 from vector<1xi32>
      %multiple_of3A_184 = tpu.assume_multiple %squeeze3A_183, 128 : i32
      %dma_start3A_185 = tpu.memref_slice %arg11[%mul3A_178] : memref<32768xf32, #tpu.memory_space<vmem>> -> memref<128xf32, #tpu.memory_space<vmem>>
      %dma_start3A_186 = tpu.memref_slice %arg4[%multiple_of3A_181] : memref<64000000xf32, #tpu.memory_space<hbm>> -> memref<128xf32, #tpu.memory_space<hbm>>
      %dma_start3A_187 = tpu.memref_slice %arg11[%mul3A_178] : memref<32768xf32, #tpu.memory_space<vmem>> -> memref<128xf32, #tpu.memory_space<vmem>>
      %dma_start3A_188 = tpu.memref_slice %arg4[%multiple_of3A_181] : memref<64000000xf32, #tpu.memory_space<hbm>> -> memref<128xf32, #tpu.memory_space<hbm>>
      tpu.enqueue_dma source(%dma_start3A_188 : memref<128xf32, #tpu.memory_space<hbm>>) target(%dma_start3A_187 : memref<128xf32, #tpu.memory_space<vmem>>) target_semaphore(%arg16 : memref<!tpu.dma_semaphore, #tpu.memory_space<semaphore_mem>>)
      %dma_start3A_189 = tpu.memref_slice %arg12[%mul3A_178] : memref<32768xf32, #tpu.memory_space<vmem>> -> memref<128xf32, #tpu.memory_space<vmem>>
      %dma_start3A_190 = tpu.memref_slice %arg5[%multiple_of3A_184] : memref<64000000xf32, #tpu.memory_space<hbm>> -> memref<128xf32, #tpu.memory_space<hbm>>
      %dma_start3A_191 = tpu.memref_slice %arg12[%mul3A_178] : memref<32768xf32, #tpu.memory_space<vmem>> -> memref<128xf32, #tpu.memory_space<vmem>>
      %dma_start3A_192 = tpu.memref_slice %arg5[%multiple_of3A_184] : memref<64000000xf32, #tpu.memory_space<hbm>> -> memref<128xf32, #tpu.memory_space<hbm>>
      tpu.enqueue_dma source(%dma_start3A_192 : memref<128xf32, #tpu.memory_space<hbm>>) target(%dma_start3A_191 : memref<128xf32, #tpu.memory_space<vmem>>) target_semaphore(%arg16 : memref<!tpu.dma_semaphore, #tpu.memory_space<semaphore_mem>>)
      %add3A_193 = arith.constant 2 : i32
      %add3A_194 = arith.addi %multiple_of3A_142, %add3A_193 : i32
      %mul3A_195 = arith.constant 128 : i32
      %mul3A_196 = arith.muli %add3A_194, %mul3A_195 : i32
      %slice3A_197 = vector.extract_strided_slice %mul3A_150 {offsets = [2], sizes = [1], strides = [1]} : vector<16xi32> to vector<1xi32>
      %squeeze3A_198 = vector.extract %slice3A_197[0] : i32 from vector<1xi32>
      %multiple_of3A_199 = tpu.assume_multiple %squeeze3A_198, 128 : i32
      %slice3A_200 = vector.extract_strided_slice %mul3A_158 {offsets = [2], sizes = [1], strides = [1]} : vector<16xi32> to vector<1xi32>
      %squeeze3A_201 = vector.extract %slice3A_200[0] : i32 from vector<1xi32>
      %multiple_of3A_202 = tpu.assume_multiple %squeeze3A_201, 128 : i32
      %dma_start3A_203 = tpu.memref_slice %arg11[%mul3A_196] : memref<32768xf32, #tpu.memory_space<vmem>> -> memref<128xf32, #tpu.memory_space<vmem>>
      %dma_start3A_204 = tpu.memref_slice %arg4[%multiple_of3A_199] : memref<64000000xf32, #tpu.memory_space<hbm>> -> memref<128xf32, #tpu.memory_space<hbm>>
      %dma_start3A_205 = tpu.memref_slice %arg11[%mul3A_196] : memref<32768xf32, #tpu.memory_space<vmem>> -> memref<128xf32, #tpu.memory_space<vmem>>
      %dma_start3A_206 = tpu.memref_slice %arg4[%multiple_of3A_199] : memref<64000000xf32, #tpu.memory_space<hbm>> -> memref<128xf32, #tpu.memory_space<hbm>>
      tpu.enqueue_dma source(%dma_start3A_206 : memref<128xf32, #tpu.memory_space<hbm>>) target(%dma_start3A_205 : memref<128xf32, #tpu.memory_space<vmem>>) target_semaphore(%arg16 : memref<!tpu.dma_semaphore, #tpu.memory_space<semaphore_mem>>)
      %dma_start3A_207 = tpu.memref_slice %arg12[%mul3A_196] : memref<32768xf32, #tpu.memory_space<vmem>> -> memref<128xf32, #tpu.memory_space<vmem>>
      %dma_start3A_208 = tpu.memref_slice %arg5[%multiple_of3A_202] : memref<64000000xf32, #tpu.memory_space<hbm>> -> memref<128xf32, #tpu.memory_space<hbm>>
      %dma_start3A_209 = tpu.memref_slice %arg12[%mul3A_196] : memref<32768xf32, #tpu.memory_space<vmem>> -> memref<128xf32, #tpu.memory_space<vmem>>
      %dma_start3A_210 = tpu.memref_slice %arg5[%multiple_of3A_202] : memref<64000000xf32, #tpu.memory_space<hbm>> -> memref<128xf32, #tpu.memory_space<hbm>>
      tpu.enqueue_dma source(%dma_start3A_210 : memref<128xf32, #tpu.memory_space<hbm>>) target(%dma_start3A_209 : memref<128xf32, #tpu.memory_space<vmem>>) target_semaphore(%arg16 : memref<!tpu.dma_semaphore, #tpu.memory_space<semaphore_mem>>)
      %add3A_211 = arith.constant 3 : i32
      %add3A_212 = arith.addi %multiple_of3A_142, %add3A_211 : i32
      %mul3A_213 = arith.constant 128 : i32
      %mul3A_214 = arith.muli %add3A_212, %mul3A_213 : i32
      %slice3A_215 = vector.extract_strided_slice %mul3A_150 {offsets = [3], sizes = [1], strides = [1]} : vector<16xi32> to vector<1xi32>
      %squeeze3A_216 = vector.extract %slice3A_215[0] : i32 from vector<1xi32>
      %multiple_of3A_217 = tpu.assume_multiple %squeeze3A_216, 128 : i32
      %slice3A_218 = vector.extract_strided_slice %mul3A_158 {offsets = [3], sizes = [1], strides = [1]} : vector<16xi32> to vector<1xi32>
      %squeeze3A_219 = vector.extract %slice3A_218[0] : i32 from vector<1xi32>
      %multiple_of3A_220 = tpu.assume_multiple %squeeze3A_219, 128 : i32
      %dma_start3A_221 = tpu.memref_slice %arg11[%mul3A_214] : memref<32768xf32, #tpu.memory_space<vmem>> -> memref<128xf32, #tpu.memory_space<vmem>>
      %dma_start3A_222 = tpu.memref_slice %arg4[%multiple_of3A_217] : memref<64000000xf32, #tpu.memory_space<hbm>> -> memref<128xf32, #tpu.memory_space<hbm>>
      %dma_start3A_223 = tpu.memref_slice %arg11[%mul3A_214] : memref<32768xf32, #tpu.memory_space<vmem>> -> memref<128xf32, #tpu.memory_space<vmem>>
      %dma_start3A_224 = tpu.memref_slice %arg4[%multiple_of3A_217] : memref<64000000xf32, #tpu.memory_space<hbm>> -> memref<128xf32, #tpu.memory_space<hbm>>
      tpu.enqueue_dma source(%dma_start3A_224 : memref<128xf32, #tpu.memory_space<hbm>>) target(%dma_start3A_223 : memref<128xf32, #tpu.memory_space<vmem>>) target_semaphore(%arg16 : memref<!tpu.dma_semaphore, #tpu.memory_space<semaphore_mem>>)
      %dma_start3A_225 = tpu.memref_slice %arg12[%mul3A_214] : memref<32768xf32, #tpu.memory_space<vmem>> -> memref<128xf32, #tpu.memory_space<vmem>>
      %dma_start3A_226 = tpu.memref_slice %arg5[%multiple_of3A_220] : memref<64000000xf32, #tpu.memory_space<hbm>> -> memref<128xf32, #tpu.memory_space<hbm>>
      %dma_start3A_227 = tpu.memref_slice %arg12[%mul3A_214] : memref<32768xf32, #tpu.memory_space<vmem>> -> memref<128xf32, #tpu.memory_space<vmem>>
      %dma_start3A_228 = tpu.memref_slice %arg5[%multiple_of3A_220] : memref<64000000xf32, #tpu.memory_space<hbm>> -> memref<128xf32, #tpu.memory_space<hbm>>
      tpu.enqueue_dma source(%dma_start3A_228 : memref<128xf32, #tpu.memory_space<hbm>>) target(%dma_start3A_227 : memref<128xf32, #tpu.memory_space<vmem>>) target_semaphore(%arg16 : memref<!tpu.dma_semaphore, #tpu.memory_space<semaphore_mem>>)
      %add3A_229 = arith.constant 4 : i32
      %add3A_230 = arith.addi %multiple_of3A_142, %add3A_229 : i32
      %mul3A_231 = arith.constant 128 : i32
      %mul3A_232 = arith.muli %add3A_230, %mul3A_231 : i32
      %slice3A_233 = vector.extract_strided_slice %mul3A_150 {offsets = [4], sizes = [1], strides = [1]} : vector<16xi32> to vector<1xi32>
      %squeeze3A_234 = vector.extract %slice3A_233[0] : i32 from vector<1xi32>
      %multiple_of3A_235 = tpu.assume_multiple %squeeze3A_234, 128 : i32
      %slice3A_236 = vector.extract_strided_slice %mul3A_158 {offsets = [4], sizes = [1], strides = [1]} : vector<16xi32> to vector<1xi32>
      %squeeze3A_237 = vector.extract %slice3A_236[0] : i32 from vector<1xi32>
      %multiple_of3A_238 = tpu.assume_multiple %squeeze3A_237, 128 : i32
      %dma_start3A_239 = tpu.memref_slice %arg11[%mul3A_232] : memref<32768xf32, #tpu.memory_space<vmem>> -> memref<128xf32, #tpu.memory_space<vmem>>
      %dma_start3A_240 = tpu.memref_slice %arg4[%multiple_of3A_235] : memref<64000000xf32, #tpu.memory_space<hbm>> -> memref<128xf32, #tpu.memory_space<hbm>>
      %dma_start3A_241 = tpu.memref_slice %arg11[%mul3A_232] : memref<32768xf32, #tpu.memory_space<vmem>> -> memref<128xf32, #tpu.memory_space<vmem>>
      %dma_start3A_242 = tpu.memref_slice %arg4[%multiple_of3A_235] : memref<64000000xf32, #tpu.memory_space<hbm>> -> memref<128xf32, #tpu.memory_space<hbm>>
      tpu.enqueue_dma source(%dma_start3A_242 : memref<128xf32, #tpu.memory_space<hbm>>) target(%dma_start3A_241 : memref<128xf32, #tpu.memory_space<vmem>>) target_semaphore(%arg16 : memref<!tpu.dma_semaphore, #tpu.memory_space<semaphore_mem>>)
      %dma_start3A_243 = tpu.memref_slice %arg12[%mul3A_232] : memref<32768xf32, #tpu.memory_space<vmem>> -> memref<128xf32, #tpu.memory_space<vmem>>
      %dma_start3A_244 = tpu.memref_slice %arg5[%multiple_of3A_238] : memref<64000000xf32, #tpu.memory_space<hbm>> -> memref<128xf32, #tpu.memory_space<hbm>>
      %dma_start3A_245 = tpu.memref_slice %arg12[%mul3A_232] : memref<32768xf32, #tpu.memory_space<vmem>> -> memref<128xf32, #tpu.memory_space<vmem>>
      %dma_start3A_246 = tpu.memref_slice %arg5[%multiple_of3A_238] : memref<64000000xf32, #tpu.memory_space<hbm>> -> memref<128xf32, #tpu.memory_space<hbm>>
      tpu.enqueue_dma source(%dma_start3A_246 : memref<128xf32, #tpu.memory_space<hbm>>) target(%dma_start3A_245 : memref<128xf32, #tpu.memory_space<vmem>>) target_semaphore(%arg16 : memref<!tpu.dma_semaphore, #tpu.memory_space<semaphore_mem>>)
      %add3A_247 = arith.constant 5 : i32
      %add3A_248 = arith.addi %multiple_of3A_142, %add3A_247 : i32
      %mul3A_249 = arith.constant 128 : i32
      %mul3A_250 = arith.muli %add3A_248, %mul3A_249 : i32
      %slice3A_251 = vector.extract_strided_slice %mul3A_150 {offsets = [5], sizes = [1], strides = [1]} : vector<16xi32> to vector<1xi32>
      %squeeze3A_252 = vector.extract %slice3A_251[0] : i32 from vector<1xi32>
      %multiple_of3A_253 = tpu.assume_multiple %squeeze3A_252, 128 : i32
      %slice3A_254 = vector.extract_strided_slice %mul3A_158 {offsets = [5], sizes = [1], strides = [1]} : vector<16xi32> to vector<1xi32>
      %squeeze3A_255 = vector.extract %slice3A_254[0] : i32 from vector<1xi32>
      %multiple_of3A_256 = tpu.assume_multiple %squeeze3A_255, 128 : i32
      %dma_start3A_257 = tpu.memref_slice %arg11[%mul3A_250] : memref<32768xf32, #tpu.memory_space<vmem>> -> memref<128xf32, #tpu.memory_space<vmem>>
      %dma_start3A_258 = tpu.memref_slice %arg4[%multiple_of3A_253] : memref<64000000xf32, #tpu.memory_space<hbm>> -> memref<128xf32, #tpu.memory_space<hbm>>
      %dma_start3A_259 = tpu.memref_slice %arg11[%mul3A_250] : memref<32768xf32, #tpu.memory_space<vmem>> -> memref<128xf32, #tpu.memory_space<vmem>>
      %dma_start3A_260 = tpu.memref_slice %arg4[%multiple_of3A_253] : memref<64000000xf32, #tpu.memory_space<hbm>> -> memref<128xf32, #tpu.memory_space<hbm>>
      tpu.enqueue_dma source(%dma_start3A_260 : memref<128xf32, #tpu.memory_space<hbm>>) target(%dma_start3A_259 : memref<128xf32, #tpu.memory_space<vmem>>) target_semaphore(%arg16 : memref<!tpu.dma_semaphore, #tpu.memory_space<semaphore_mem>>)
      %dma_start3A_261 = tpu.memref_slice %arg12[%mul3A_250] : memref<32768xf32, #tpu.memory_space<vmem>> -> memref<128xf32, #tpu.memory_space<vmem>>
      %dma_start3A_262 = tpu.memref_slice %arg5[%multiple_of3A_256] : memref<64000000xf32, #tpu.memory_space<hbm>> -> memref<128xf32, #tpu.memory_space<hbm>>
      %dma_start3A_263 = tpu.memref_slice %arg12[%mul3A_250] : memref<32768xf32, #tpu.memory_space<vmem>> -> memref<128xf32, #tpu.memory_space<vmem>>
      %dma_start3A_264 = tpu.memref_slice %arg5[%multiple_of3A_256] : memref<64000000xf32, #tpu.memory_space<hbm>> -> memref<128xf32, #tpu.memory_space<hbm>>
      tpu.enqueue_dma source(%dma_start3A_264 : memref<128xf32, #tpu.memory_space<hbm>>) target(%dma_start3A_263 : memref<128xf32, #tpu.memory_space<vmem>>) target_semaphore(%arg16 : memref<!tpu.dma_semaphore, #tpu.memory_space<semaphore_mem>>)
      %add3A_265 = arith.constant 6 : i32
      %add3A_266 = arith.addi %multiple_of3A_142, %add3A_265 : i32
      %mul3A_267 = arith.constant 128 : i32
      %mul3A_268 = arith.muli %add3A_266, %mul3A_267 : i32
      %slice3A_269 = vector.extract_strided_slice %mul3A_150 {offsets = [6], sizes = [1], strides = [1]} : vector<16xi32> to vector<1xi32>
      %squeeze3A_270 = vector.extract %slice3A_269[0] : i32 from vector<1xi32>
      %multiple_of3A_271 = tpu.assume_multiple %squeeze3A_270, 128 : i32
      %slice3A_272 = vector.extract_strided_slice %mul3A_158 {offsets = [6], sizes = [1], strides = [1]} : vector<16xi32> to vector<1xi32>
      %squeeze3A_273 = vector.extract %slice3A_272[0] : i32 from vector<1xi32>
      %multiple_of3A_274 = tpu.assume_multiple %squeeze3A_273, 128 : i32
      %dma_start3A_275 = tpu.memref_slice %arg11[%mul3A_268] : memref<32768xf32, #tpu.memory_space<vmem>> -> memref<128xf32, #tpu.memory_space<vmem>>
      %dma_start3A_276 = tpu.memref_slice %arg4[%multiple_of3A_271] : memref<64000000xf32, #tpu.memory_space<hbm>> -> memref<128xf32, #tpu.memory_space<hbm>>
      %dma_start3A_277 = tpu.memref_slice %arg11[%mul3A_268] : memref<32768xf32, #tpu.memory_space<vmem>> -> memref<128xf32, #tpu.memory_space<vmem>>
      %dma_start3A_278 = tpu.memref_slice %arg4[%multiple_of3A_271] : memref<64000000xf32, #tpu.memory_space<hbm>> -> memref<128xf32, #tpu.memory_space<hbm>>
      tpu.enqueue_dma source(%dma_start3A_278 : memref<128xf32, #tpu.memory_space<hbm>>) target(%dma_start3A_277 : memref<128xf32, #tpu.memory_space<vmem>>) target_semaphore(%arg16 : memref<!tpu.dma_semaphore, #tpu.memory_space<semaphore_mem>>)
      %dma_start3A_279 = tpu.memref_slice %arg12[%mul3A_268] : memref<32768xf32, #tpu.memory_space<vmem>> -> memref<128xf32, #tpu.memory_space<vmem>>
      %dma_start3A_280 = tpu.memref_slice %arg5[%multiple_of3A_274] : memref<64000000xf32, #tpu.memory_space<hbm>> -> memref<128xf32, #tpu.memory_space<hbm>>
      %dma_start3A_281 = tpu.memref_slice %arg12[%mul3A_268] : memref<32768xf32, #tpu.memory_space<vmem>> -> memref<128xf32, #tpu.memory_space<vmem>>
      %dma_start3A_282 = tpu.memref_slice %arg5[%multiple_of3A_274] : memref<64000000xf32, #tpu.memory_space<hbm>> -> memref<128xf32, #tpu.memory_space<hbm>>
      tpu.enqueue_dma source(%dma_start3A_282 : memref<128xf32, #tpu.memory_space<hbm>>) target(%dma_start3A_281 : memref<128xf32, #tpu.memory_space<vmem>>) target_semaphore(%arg16 : memref<!tpu.dma_semaphore, #tpu.memory_space<semaphore_mem>>)
      %add3A_283 = arith.constant 7 : i32
      %add3A_284 = arith.addi %multiple_of3A_142, %add3A_283 : i32
      %mul3A_285 = arith.constant 128 : i32
      %mul3A_286 = arith.muli %add3A_284, %mul3A_285 : i32
      %slice3A_287 = vector.extract_strided_slice %mul3A_150 {offsets = [7], sizes = [1], strides = [1]} : vector<16xi32> to vector<1xi32>
      %squeeze3A_288 = vector.extract %slice3A_287[0] : i32 from vector<1xi32>
      %multiple_of3A_289 = tpu.assume_multiple %squeeze3A_288, 128 : i32
      %slice3A_290 = vector.extract_strided_slice %mul3A_158 {offsets = [7], sizes = [1], strides = [1]} : vector<16xi32> to vector<1xi32>
      %squeeze3A_291 = vector.extract %slice3A_290[0] : i32 from vector<1xi32>
      %multiple_of3A_292 = tpu.assume_multiple %squeeze3A_291, 128 : i32
      %dma_start3A_293 = tpu.memref_slice %arg11[%mul3A_286] : memref<32768xf32, #tpu.memory_space<vmem>> -> memref<128xf32, #tpu.memory_space<vmem>>
      %dma_start3A_294 = tpu.memref_slice %arg4[%multiple_of3A_289] : memref<64000000xf32, #tpu.memory_space<hbm>> -> memref<128xf32, #tpu.memory_space<hbm>>
      %dma_start3A_295 = tpu.memref_slice %arg11[%mul3A_286] : memref<32768xf32, #tpu.memory_space<vmem>> -> memref<128xf32, #tpu.memory_space<vmem>>
      %dma_start3A_296 = tpu.memref_slice %arg4[%multiple_of3A_289] : memref<64000000xf32, #tpu.memory_space<hbm>> -> memref<128xf32, #tpu.memory_space<hbm>>
      tpu.enqueue_dma source(%dma_start3A_296 : memref<128xf32, #tpu.memory_space<hbm>>) target(%dma_start3A_295 : memref<128xf32, #tpu.memory_space<vmem>>) target_semaphore(%arg16 : memref<!tpu.dma_semaphore, #tpu.memory_space<semaphore_mem>>)
      %dma_start3A_297 = tpu.memref_slice %arg12[%mul3A_286] : memref<32768xf32, #tpu.memory_space<vmem>> -> memref<128xf32, #tpu.memory_space<vmem>>
      %dma_start3A_298 = tpu.memref_slice %arg5[%multiple_of3A_292] : memref<64000000xf32, #tpu.memory_space<hbm>> -> memref<128xf32, #tpu.memory_space<hbm>>
      %dma_start3A_299 = tpu.memref_slice %arg12[%mul3A_286] : memref<32768xf32, #tpu.memory_space<vmem>> -> memref<128xf32, #tpu.memory_space<vmem>>
      %dma_start3A_300 = tpu.memref_slice %arg5[%multiple_of3A_292] : memref<64000000xf32, #tpu.memory_space<hbm>> -> memref<128xf32, #tpu.memory_space<hbm>>
      tpu.enqueue_dma source(%dma_start3A_300 : memref<128xf32, #tpu.memory_space<hbm>>) target(%dma_start3A_299 : memref<128xf32, #tpu.memory_space<vmem>>) target_semaphore(%arg16 : memref<!tpu.dma_semaphore, #tpu.memory_space<semaphore_mem>>)
      %add3A_301 = arith.constant 8 : i32
      %add3A_302 = arith.addi %multiple_of3A_142, %add3A_301 : i32
      %mul3A_303 = arith.constant 128 : i32
      %mul3A_304 = arith.muli %add3A_302, %mul3A_303 : i32
      %slice3A_305 = vector.extract_strided_slice %mul3A_150 {offsets = [8], sizes = [1], strides = [1]} : vector<16xi32> to vector<1xi32>
      %squeeze3A_306 = vector.extract %slice3A_305[0] : i32 from vector<1xi32>
      %multiple_of3A_307 = tpu.assume_multiple %squeeze3A_306, 128 : i32
      %slice3A_308 = vector.extract_strided_slice %mul3A_158 {offsets = [8], sizes = [1], strides = [1]} : vector<16xi32> to vector<1xi32>
      %squeeze3A_309 = vector.extract %slice3A_308[0] : i32 from vector<1xi32>
      %multiple_of3A_310 = tpu.assume_multiple %squeeze3A_309, 128 : i32
      %dma_start3A_311 = tpu.memref_slice %arg11[%mul3A_304] : memref<32768xf32, #tpu.memory_space<vmem>> -> memref<128xf32, #tpu.memory_space<vmem>>
      %dma_start3A_312 = tpu.memref_slice %arg4[%multiple_of3A_307] : memref<64000000xf32, #tpu.memory_space<hbm>> -> memref<128xf32, #tpu.memory_space<hbm>>
      %dma_start3A_313 = tpu.memref_slice %arg11[%mul3A_304] : memref<32768xf32, #tpu.memory_space<vmem>> -> memref<128xf32, #tpu.memory_space<vmem>>
      %dma_start3A_314 = tpu.memref_slice %arg4[%multiple_of3A_307] : memref<64000000xf32, #tpu.memory_space<hbm>> -> memref<128xf32, #tpu.memory_space<hbm>>
      tpu.enqueue_dma source(%dma_start3A_314 : memref<128xf32, #tpu.memory_space<hbm>>) target(%dma_start3A_313 : memref<128xf32, #tpu.memory_space<vmem>>) target_semaphore(%arg16 : memref<!tpu.dma_semaphore, #tpu.memory_space<semaphore_mem>>)
      %dma_start3A_315 = tpu.memref_slice %arg12[%mul3A_304] : memref<32768xf32, #tpu.memory_space<vmem>> -> memref<128xf32, #tpu.memory_space<vmem>>
      %dma_start3A_316 = tpu.memref_slice %arg5[%multiple_of3A_310] : memref<64000000xf32, #tpu.memory_space<hbm>> -> memref<128xf32, #tpu.memory_space<hbm>>
      %dma_start3A_317 = tpu.memref_slice %arg12[%mul3A_304] : memref<32768xf32, #tpu.memory_space<vmem>> -> memref<128xf32, #tpu.memory_space<vmem>>
      %dma_start3A_318 = tpu.memref_slice %arg5[%multiple_of3A_310] : memref<64000000xf32, #tpu.memory_space<hbm>> -> memref<128xf32, #tpu.memory_space<hbm>>
      tpu.enqueue_dma source(%dma_start3A_318 : memref<128xf32, #tpu.memory_space<hbm>>) target(%dma_start3A_317 : memref<128xf32, #tpu.memory_space<vmem>>) target_semaphore(%arg16 : memref<!tpu.dma_semaphore, #tpu.memory_space<semaphore_mem>>)
      %add3A_319 = arith.constant 9 : i32
      %add3A_320 = arith.addi %multiple_of3A_142, %add3A_319 : i32
      %mul3A_321 = arith.constant 128 : i32
      %mul3A_322 = arith.muli %add3A_320, %mul3A_321 : i32
      %slice3A_323 = vector.extract_strided_slice %mul3A_150 {offsets = [9], sizes = [1], strides = [1]} : vector<16xi32> to vector<1xi32>
      %squeeze3A_324 = vector.extract %slice3A_323[0] : i32 from vector<1xi32>
      %multiple_of3A_325 = tpu.assume_multiple %squeeze3A_324, 128 : i32
      %slice3A_326 = vector.extract_strided_slice %mul3A_158 {offsets = [9], sizes = [1], strides = [1]} : vector<16xi32> to vector<1xi32>
      %squeeze3A_327 = vector.extract %slice3A_326[0] : i32 from vector<1xi32>
      %multiple_of3A_328 = tpu.assume_multiple %squeeze3A_327, 128 : i32
      %dma_start3A_329 = tpu.memref_slice %arg11[%mul3A_322] : memref<32768xf32, #tpu.memory_space<vmem>> -> memref<128xf32, #tpu.memory_space<vmem>>
      %dma_start3A_330 = tpu.memref_slice %arg4[%multiple_of3A_325] : memref<64000000xf32, #tpu.memory_space<hbm>> -> memref<128xf32, #tpu.memory_space<hbm>>
      %dma_start3A_331 = tpu.memref_slice %arg11[%mul3A_322] : memref<32768xf32, #tpu.memory_space<vmem>> -> memref<128xf32, #tpu.memory_space<vmem>>
      %dma_start3A_332 = tpu.memref_slice %arg4[%multiple_of3A_325] : memref<64000000xf32, #tpu.memory_space<hbm>> -> memref<128xf32, #tpu.memory_space<hbm>>
      tpu.enqueue_dma source(%dma_start3A_332 : memref<128xf32, #tpu.memory_space<hbm>>) target(%dma_start3A_331 : memref<128xf32, #tpu.memory_space<vmem>>) target_semaphore(%arg16 : memref<!tpu.dma_semaphore, #tpu.memory_space<semaphore_mem>>)
      %dma_start3A_333 = tpu.memref_slice %arg12[%mul3A_322] : memref<32768xf32, #tpu.memory_space<vmem>> -> memref<128xf32, #tpu.memory_space<vmem>>
      %dma_start3A_334 = tpu.memref_slice %arg5[%multiple_of3A_328] : memref<64000000xf32, #tpu.memory_space<hbm>> -> memref<128xf32, #tpu.memory_space<hbm>>
      %dma_start3A_335 = tpu.memref_slice %arg12[%mul3A_322] : memref<32768xf32, #tpu.memory_space<vmem>> -> memref<128xf32, #tpu.memory_space<vmem>>
      %dma_start3A_336 = tpu.memref_slice %arg5[%multiple_of3A_328] : memref<64000000xf32, #tpu.memory_space<hbm>> -> memref<128xf32, #tpu.memory_space<hbm>>
      tpu.enqueue_dma source(%dma_start3A_336 : memref<128xf32, #tpu.memory_space<hbm>>) target(%dma_start3A_335 : memref<128xf32, #tpu.memory_space<vmem>>) target_semaphore(%arg16 : memref<!tpu.dma_semaphore, #tpu.memory_space<semaphore_mem>>)
      %add3A_337 = arith.constant 10 : i32
      %add3A_338 = arith.addi %multiple_of3A_142, %add3A_337 : i32
      %mul3A_339 = arith.constant 128 : i32
      %mul3A_340 = arith.muli %add3A_338, %mul3A_339 : i32
      %slice3A_341 = vector.extract_strided_slice %mul3A_150 {offsets = [10], sizes = [1], strides = [1]} : vector<16xi32> to vector<1xi32>
      %squeeze3A_342 = vector.extract %slice3A_341[0] : i32 from vector<1xi32>
      %multiple_of3A_343 = tpu.assume_multiple %squeeze3A_342, 128 : i32
      %slice3A_344 = vector.extract_strided_slice %mul3A_158 {offsets = [10], sizes = [1], strides = [1]} : vector<16xi32> to vector<1xi32>
      %squeeze3A_345 = vector.extract %slice3A_344[0] : i32 from vector<1xi32>
      %multiple_of3A_346 = tpu.assume_multiple %squeeze3A_345, 128 : i32
      %dma_start3A_347 = tpu.memref_slice %arg11[%mul3A_340] : memref<32768xf32, #tpu.memory_space<vmem>> -> memref<128xf32, #tpu.memory_space<vmem>>
      %dma_start3A_348 = tpu.memref_slice %arg4[%multiple_of3A_343] : memref<64000000xf32, #tpu.memory_space<hbm>> -> memref<128xf32, #tpu.memory_space<hbm>>
      %dma_start3A_349 = tpu.memref_slice %arg11[%mul3A_340] : memref<32768xf32, #tpu.memory_space<vmem>> -> memref<128xf32, #tpu.memory_space<vmem>>
      %dma_start3A_350 = tpu.memref_slice %arg4[%multiple_of3A_343] : memref<64000000xf32, #tpu.memory_space<hbm>> -> memref<128xf32, #tpu.memory_space<hbm>>
      tpu.enqueue_dma source(%dma_start3A_350 : memref<128xf32, #tpu.memory_space<hbm>>) target(%dma_start3A_349 : memref<128xf32, #tpu.memory_space<vmem>>) target_semaphore(%arg16 : memref<!tpu.dma_semaphore, #tpu.memory_space<semaphore_mem>>)
      %dma_start3A_351 = tpu.memref_slice %arg12[%mul3A_340] : memref<32768xf32, #tpu.memory_space<vmem>> -> memref<128xf32, #tpu.memory_space<vmem>>
      %dma_start3A_352 = tpu.memref_slice %arg5[%multiple_of3A_346] : memref<64000000xf32, #tpu.memory_space<hbm>> -> memref<128xf32, #tpu.memory_space<hbm>>
      %dma_start3A_353 = tpu.memref_slice %arg12[%mul3A_340] : memref<32768xf32, #tpu.memory_space<vmem>> -> memref<128xf32, #tpu.memory_space<vmem>>
      %dma_start3A_354 = tpu.memref_slice %arg5[%multiple_of3A_346] : memref<64000000xf32, #tpu.memory_space<hbm>> -> memref<128xf32, #tpu.memory_space<hbm>>
      tpu.enqueue_dma source(%dma_start3A_354 : memref<128xf32, #tpu.memory_space<hbm>>) target(%dma_start3A_353 : memref<128xf32, #tpu.memory_space<vmem>>) target_semaphore(%arg16 : memref<!tpu.dma_semaphore, #tpu.memory_space<semaphore_mem>>)
      %add3A_355 = arith.constant 11 : i32
      %add3A_356 = arith.addi %multiple_of3A_142, %add3A_355 : i32
      %mul3A_357 = arith.constant 128 : i32
      %mul3A_358 = arith.muli %add3A_356, %mul3A_357 : i32
      %slice3A_359 = vector.extract_strided_slice %mul3A_150 {offsets = [11], sizes = [1], strides = [1]} : vector<16xi32> to vector<1xi32>
      %squeeze3A_360 = vector.extract %slice3A_359[0] : i32 from vector<1xi32>
      %multiple_of3A_361 = tpu.assume_multiple %squeeze3A_360, 128 : i32
      %slice3A_362 = vector.extract_strided_slice %mul3A_158 {offsets = [11], sizes = [1], strides = [1]} : vector<16xi32> to vector<1xi32>
      %squeeze3A_363 = vector.extract %slice3A_362[0] : i32 from vector<1xi32>
      %multiple_of3A_364 = tpu.assume_multiple %squeeze3A_363, 128 : i32
      %dma_start3A_365 = tpu.memref_slice %arg11[%mul3A_358] : memref<32768xf32, #tpu.memory_space<vmem>> -> memref<128xf32, #tpu.memory_space<vmem>>
      %dma_start3A_366 = tpu.memref_slice %arg4[%multiple_of3A_361] : memref<64000000xf32, #tpu.memory_space<hbm>> -> memref<128xf32, #tpu.memory_space<hbm>>
      %dma_start3A_367 = tpu.memref_slice %arg11[%mul3A_358] : memref<32768xf32, #tpu.memory_space<vmem>> -> memref<128xf32, #tpu.memory_space<vmem>>
      %dma_start3A_368 = tpu.memref_slice %arg4[%multiple_of3A_361] : memref<64000000xf32, #tpu.memory_space<hbm>> -> memref<128xf32, #tpu.memory_space<hbm>>
      tpu.enqueue_dma source(%dma_start3A_368 : memref<128xf32, #tpu.memory_space<hbm>>) target(%dma_start3A_367 : memref<128xf32, #tpu.memory_space<vmem>>) target_semaphore(%arg16 : memref<!tpu.dma_semaphore, #tpu.memory_space<semaphore_mem>>)
      %dma_start3A_369 = tpu.memref_slice %arg12[%mul3A_358] : memref<32768xf32, #tpu.memory_space<vmem>> -> memref<128xf32, #tpu.memory_space<vmem>>
      %dma_start3A_370 = tpu.memref_slice %arg5[%multiple_of3A_364] : memref<64000000xf32, #tpu.memory_space<hbm>> -> memref<128xf32, #tpu.memory_space<hbm>>
      %dma_start3A_371 = tpu.memref_slice %arg12[%mul3A_358] : memref<32768xf32, #tpu.memory_space<vmem>> -> memref<128xf32, #tpu.memory_space<vmem>>
      %dma_start3A_372 = tpu.memref_slice %arg5[%multiple_of3A_364] : memref<64000000xf32, #tpu.memory_space<hbm>> -> memref<128xf32, #tpu.memory_space<hbm>>
      tpu.enqueue_dma source(%dma_start3A_372 : memref<128xf32, #tpu.memory_space<hbm>>) target(%dma_start3A_371 : memref<128xf32, #tpu.memory_space<vmem>>) target_semaphore(%arg16 : memref<!tpu.dma_semaphore, #tpu.memory_space<semaphore_mem>>)
      %add3A_373 = arith.constant 12 : i32
      %add3A_374 = arith.addi %multiple_of3A_142, %add3A_373 : i32
      %mul3A_375 = arith.constant 128 : i32
      %mul3A_376 = arith.muli %add3A_374, %mul3A_375 : i32
      %slice3A_377 = vector.extract_strided_slice %mul3A_150 {offsets = [12], sizes = [1], strides = [1]} : vector<16xi32> to vector<1xi32>
      %squeeze3A_378 = vector.extract %slice3A_377[0] : i32 from vector<1xi32>
      %multiple_of3A_379 = tpu.assume_multiple %squeeze3A_378, 128 : i32
      %slice3A_380 = vector.extract_strided_slice %mul3A_158 {offsets = [12], sizes = [1], strides = [1]} : vector<16xi32> to vector<1xi32>
      %squeeze3A_381 = vector.extract %slice3A_380[0] : i32 from vector<1xi32>
      %multiple_of3A_382 = tpu.assume_multiple %squeeze3A_381, 128 : i32
      %dma_start3A_383 = tpu.memref_slice %arg11[%mul3A_376] : memref<32768xf32, #tpu.memory_space<vmem>> -> memref<128xf32, #tpu.memory_space<vmem>>
      %dma_start3A_384 = tpu.memref_slice %arg4[%multiple_of3A_379] : memref<64000000xf32, #tpu.memory_space<hbm>> -> memref<128xf32, #tpu.memory_space<hbm>>
      %dma_start3A_385 = tpu.memref_slice %arg11[%mul3A_376] : memref<32768xf32, #tpu.memory_space<vmem>> -> memref<128xf32, #tpu.memory_space<vmem>>
      %dma_start3A_386 = tpu.memref_slice %arg4[%multiple_of3A_379] : memref<64000000xf32, #tpu.memory_space<hbm>> -> memref<128xf32, #tpu.memory_space<hbm>>
      tpu.enqueue_dma source(%dma_start3A_386 : memref<128xf32, #tpu.memory_space<hbm>>) target(%dma_start3A_385 : memref<128xf32, #tpu.memory_space<vmem>>) target_semaphore(%arg16 : memref<!tpu.dma_semaphore, #tpu.memory_space<semaphore_mem>>)
      %dma_start3A_387 = tpu.memref_slice %arg12[%mul3A_376] : memref<32768xf32, #tpu.memory_space<vmem>> -> memref<128xf32, #tpu.memory_space<vmem>>
      %dma_start3A_388 = tpu.memref_slice %arg5[%multiple_of3A_382] : memref<64000000xf32, #tpu.memory_space<hbm>> -> memref<128xf32, #tpu.memory_space<hbm>>
      %dma_start3A_389 = tpu.memref_slice %arg12[%mul3A_376] : memref<32768xf32, #tpu.memory_space<vmem>> -> memref<128xf32, #tpu.memory_space<vmem>>
      %dma_start3A_390 = tpu.memref_slice %arg5[%multiple_of3A_382] : memref<64000000xf32, #tpu.memory_space<hbm>> -> memref<128xf32, #tpu.memory_space<hbm>>
      tpu.enqueue_dma source(%dma_start3A_390 : memref<128xf32, #tpu.memory_space<hbm>>) target(%dma_start3A_389 : memref<128xf32, #tpu.memory_space<vmem>>) target_semaphore(%arg16 : memref<!tpu.dma_semaphore, #tpu.memory_space<semaphore_mem>>)
      %add3A_391 = arith.constant 13 : i32
      %add3A_392 = arith.addi %multiple_of3A_142, %add3A_391 : i32
      %mul3A_393 = arith.constant 128 : i32
      %mul3A_394 = arith.muli %add3A_392, %mul3A_393 : i32
      %slice3A_395 = vector.extract_strided_slice %mul3A_150 {offsets = [13], sizes = [1], strides = [1]} : vector<16xi32> to vector<1xi32>
      %squeeze3A_396 = vector.extract %slice3A_395[0] : i32 from vector<1xi32>
      %multiple_of3A_397 = tpu.assume_multiple %squeeze3A_396, 128 : i32
      %slice3A_398 = vector.extract_strided_slice %mul3A_158 {offsets = [13], sizes = [1], strides = [1]} : vector<16xi32> to vector<1xi32>
      %squeeze3A_399 = vector.extract %slice3A_398[0] : i32 from vector<1xi32>
      %multiple_of3A_400 = tpu.assume_multiple %squeeze3A_399, 128 : i32
      %dma_start3A_401 = tpu.memref_slice %arg11[%mul3A_394] : memref<32768xf32, #tpu.memory_space<vmem>> -> memref<128xf32, #tpu.memory_space<vmem>>
      %dma_start3A_402 = tpu.memref_slice %arg4[%multiple_of3A_397] : memref<64000000xf32, #tpu.memory_space<hbm>> -> memref<128xf32, #tpu.memory_space<hbm>>
      %dma_start3A_403 = tpu.memref_slice %arg11[%mul3A_394] : memref<32768xf32, #tpu.memory_space<vmem>> -> memref<128xf32, #tpu.memory_space<vmem>>
      %dma_start3A_404 = tpu.memref_slice %arg4[%multiple_of3A_397] : memref<64000000xf32, #tpu.memory_space<hbm>> -> memref<128xf32, #tpu.memory_space<hbm>>
      tpu.enqueue_dma source(%dma_start3A_404 : memref<128xf32, #tpu.memory_space<hbm>>) target(%dma_start3A_403 : memref<128xf32, #tpu.memory_space<vmem>>) target_semaphore(%arg16 : memref<!tpu.dma_semaphore, #tpu.memory_space<semaphore_mem>>)
      %dma_start3A_405 = tpu.memref_slice %arg12[%mul3A_394] : memref<32768xf32, #tpu.memory_space<vmem>> -> memref<128xf32, #tpu.memory_space<vmem>>
      %dma_start3A_406 = tpu.memref_slice %arg5[%multiple_of3A_400] : memref<64000000xf32, #tpu.memory_space<hbm>> -> memref<128xf32, #tpu.memory_space<hbm>>
      %dma_start3A_407 = tpu.memref_slice %arg12[%mul3A_394] : memref<32768xf32, #tpu.memory_space<vmem>> -> memref<128xf32, #tpu.memory_space<vmem>>
      %dma_start3A_408 = tpu.memref_slice %arg5[%multiple_of3A_400] : memref<64000000xf32, #tpu.memory_space<hbm>> -> memref<128xf32, #tpu.memory_space<hbm>>
      tpu.enqueue_dma source(%dma_start3A_408 : memref<128xf32, #tpu.memory_space<hbm>>) target(%dma_start3A_407 : memref<128xf32, #tpu.memory_space<vmem>>) target_semaphore(%arg16 : memref<!tpu.dma_semaphore, #tpu.memory_space<semaphore_mem>>)
      %add3A_409 = arith.constant 14 : i32
      %add3A_410 = arith.addi %multiple_of3A_142, %add3A_409 : i32
      %mul3A_411 = arith.constant 128 : i32
      %mul3A_412 = arith.muli %add3A_410, %mul3A_411 : i32
      %slice3A_413 = vector.extract_strided_slice %mul3A_150 {offsets = [14], sizes = [1], strides = [1]} : vector<16xi32> to vector<1xi32>
      %squeeze3A_414 = vector.extract %slice3A_413[0] : i32 from vector<1xi32>
      %multiple_of3A_415 = tpu.assume_multiple %squeeze3A_414, 128 : i32
      %slice3A_416 = vector.extract_strided_slice %mul3A_158 {offsets = [14], sizes = [1], strides = [1]} : vector<16xi32> to vector<1xi32>
      %squeeze3A_417 = vector.extract %slice3A_416[0] : i32 from vector<1xi32>
      %multiple_of3A_418 = tpu.assume_multiple %squeeze3A_417, 128 : i32
      %dma_start3A_419 = tpu.memref_slice %arg11[%mul3A_412] : memref<32768xf32, #tpu.memory_space<vmem>> -> memref<128xf32, #tpu.memory_space<vmem>>
      %dma_start3A_420 = tpu.memref_slice %arg4[%multiple_of3A_415] : memref<64000000xf32, #tpu.memory_space<hbm>> -> memref<128xf32, #tpu.memory_space<hbm>>
      %dma_start3A_421 = tpu.memref_slice %arg11[%mul3A_412] : memref<32768xf32, #tpu.memory_space<vmem>> -> memref<128xf32, #tpu.memory_space<vmem>>
      %dma_start3A_422 = tpu.memref_slice %arg4[%multiple_of3A_415] : memref<64000000xf32, #tpu.memory_space<hbm>> -> memref<128xf32, #tpu.memory_space<hbm>>
      tpu.enqueue_dma source(%dma_start3A_422 : memref<128xf32, #tpu.memory_space<hbm>>) target(%dma_start3A_421 : memref<128xf32, #tpu.memory_space<vmem>>) target_semaphore(%arg16 : memref<!tpu.dma_semaphore, #tpu.memory_space<semaphore_mem>>)
      %dma_start3A_423 = tpu.memref_slice %arg12[%mul3A_412] : memref<32768xf32, #tpu.memory_space<vmem>> -> memref<128xf32, #tpu.memory_space<vmem>>
      %dma_start3A_424 = tpu.memref_slice %arg5[%multiple_of3A_418] : memref<64000000xf32, #tpu.memory_space<hbm>> -> memref<128xf32, #tpu.memory_space<hbm>>
      %dma_start3A_425 = tpu.memref_slice %arg12[%mul3A_412] : memref<32768xf32, #tpu.memory_space<vmem>> -> memref<128xf32, #tpu.memory_space<vmem>>
      %dma_start3A_426 = tpu.memref_slice %arg5[%multiple_of3A_418] : memref<64000000xf32, #tpu.memory_space<hbm>> -> memref<128xf32, #tpu.memory_space<hbm>>
      tpu.enqueue_dma source(%dma_start3A_426 : memref<128xf32, #tpu.memory_space<hbm>>) target(%dma_start3A_425 : memref<128xf32, #tpu.memory_space<vmem>>) target_semaphore(%arg16 : memref<!tpu.dma_semaphore, #tpu.memory_space<semaphore_mem>>)
      %add3A_427 = arith.constant 15 : i32
      %add3A_428 = arith.addi %multiple_of3A_142, %add3A_427 : i32
      %mul3A_429 = arith.constant 128 : i32
      %mul3A_430 = arith.muli %add3A_428, %mul3A_429 : i32
      %slice3A_431 = vector.extract_strided_slice %mul3A_150 {offsets = [15], sizes = [1], strides = [1]} : vector<16xi32> to vector<1xi32>
      %squeeze3A_432 = vector.extract %slice3A_431[0] : i32 from vector<1xi32>
      %multiple_of3A_433 = tpu.assume_multiple %squeeze3A_432, 128 : i32
      %slice3A_434 = vector.extract_strided_slice %mul3A_158 {offsets = [15], sizes = [1], strides = [1]} : vector<16xi32> to vector<1xi32>
      %squeeze3A_435 = vector.extract %slice3A_434[0] : i32 from vector<1xi32>
      %multiple_of3A_436 = tpu.assume_multiple %squeeze3A_435, 128 : i32
      %dma_start3A_437 = tpu.memref_slice %arg11[%mul3A_430] : memref<32768xf32, #tpu.memory_space<vmem>> -> memref<128xf32, #tpu.memory_space<vmem>>
      %dma_start3A_438 = tpu.memref_slice %arg4[%multiple_of3A_433] : memref<64000000xf32, #tpu.memory_space<hbm>> -> memref<128xf32, #tpu.memory_space<hbm>>
      %dma_start3A_439 = tpu.memref_slice %arg11[%mul3A_430] : memref<32768xf32, #tpu.memory_space<vmem>> -> memref<128xf32, #tpu.memory_space<vmem>>
      %dma_start3A_440 = tpu.memref_slice %arg4[%multiple_of3A_433] : memref<64000000xf32, #tpu.memory_space<hbm>> -> memref<128xf32, #tpu.memory_space<hbm>>
      tpu.enqueue_dma source(%dma_start3A_440 : memref<128xf32, #tpu.memory_space<hbm>>) target(%dma_start3A_439 : memref<128xf32, #tpu.memory_space<vmem>>) target_semaphore(%arg16 : memref<!tpu.dma_semaphore, #tpu.memory_space<semaphore_mem>>)
      %dma_start3A_441 = tpu.memref_slice %arg12[%mul3A_430] : memref<32768xf32, #tpu.memory_space<vmem>> -> memref<128xf32, #tpu.memory_space<vmem>>
      %dma_start3A_442 = tpu.memref_slice %arg5[%multiple_of3A_436] : memref<64000000xf32, #tpu.memory_space<hbm>> -> memref<128xf32, #tpu.memory_space<hbm>>
      %dma_start3A_443 = tpu.memref_slice %arg12[%mul3A_430] : memref<32768xf32, #tpu.memory_space<vmem>> -> memref<128xf32, #tpu.memory_space<vmem>>
      %dma_start3A_444 = tpu.memref_slice %arg5[%multiple_of3A_436] : memref<64000000xf32, #tpu.memory_space<hbm>> -> memref<128xf32, #tpu.memory_space<hbm>>
      tpu.enqueue_dma source(%dma_start3A_444 : memref<128xf32, #tpu.memory_space<hbm>>) target(%dma_start3A_443 : memref<128xf32, #tpu.memory_space<vmem>>) target_semaphore(%arg16 : memref<!tpu.dma_semaphore, #tpu.memory_space<semaphore_mem>>)
      %scan3A_445 = arith.constant 0 : i32
      scf.yield %scan3A_445 : i32
    }
    %scan3A_55 = arith.constant 16 : i32
    %scan3A_56 = arith.constant 0 : i32
    %scan3A_57 = arith.constant 0 : i32
    %scan3A_58 = arith.constant 256 : i32
    %scan3A_59 = arith.addi %scan3A_57, %scan3A_58 : i32
    %scan3A_60 = arith.constant 1 : i32
    %scan3A_61 = scf.for %scan3A_138 = %scan3A_57 to %scan3A_59 step %scan3A_60 iter_args(%scan3A_139 = %scan3A_56) -> (i32)  : i32 {
      %dma_wait3A_140 = arith.constant 0 : i32
      %dma_wait3A_141 = tpu.memref_slice %arg11[%dma_wait3A_140] : memref<32768xf32, #tpu.memory_space<vmem>> -> memref<128xf32, #tpu.memory_space<vmem>>
      %dma_wait3A_142 = arith.constant 0 : i32
      %dma_wait3A_143 = tpu.memref_slice %arg4[%dma_wait3A_142] : memref<64000000xf32, #tpu.memory_space<hbm>> -> memref<128xf32, #tpu.memory_space<hbm>>
      %dma_wait3A_144 = arith.constant 0 : i32
      %dma_wait3A_145 = tpu.memref_slice %arg11[%dma_wait3A_144] : memref<32768xf32, #tpu.memory_space<vmem>> -> memref<128xf32, #tpu.memory_space<vmem>>
      %dma_wait3A_146 = arith.constant 0 : i32
      %dma_wait3A_147 = tpu.memref_slice %arg4[%dma_wait3A_146] : memref<64000000xf32, #tpu.memory_space<hbm>> -> memref<128xf32, #tpu.memory_space<hbm>>
      tpu.wait_dma2 semaphore(%arg16 : memref<!tpu.dma_semaphore, #tpu.memory_space<semaphore_mem>>) src(%dma_wait3A_147 : memref<128xf32, #tpu.memory_space<hbm>>) dst(%dma_wait3A_145 : memref<128xf32, #tpu.memory_space<vmem>>)
      %dma_wait3A_148 = arith.constant 0 : i32
      %dma_wait3A_149 = tpu.memref_slice %arg11[%dma_wait3A_148] : memref<32768xf32, #tpu.memory_space<vmem>> -> memref<128xf32, #tpu.memory_space<vmem>>
      %dma_wait3A_150 = arith.constant 0 : i32
      %dma_wait3A_151 = tpu.memref_slice %arg4[%dma_wait3A_150] : memref<64000000xf32, #tpu.memory_space<hbm>> -> memref<128xf32, #tpu.memory_space<hbm>>
      %dma_wait3A_152 = arith.constant 0 : i32
      %dma_wait3A_153 = tpu.memref_slice %arg11[%dma_wait3A_152] : memref<32768xf32, #tpu.memory_space<vmem>> -> memref<128xf32, #tpu.memory_space<vmem>>
      %dma_wait3A_154 = arith.constant 0 : i32
      %dma_wait3A_155 = tpu.memref_slice %arg4[%dma_wait3A_154] : memref<64000000xf32, #tpu.memory_space<hbm>> -> memref<128xf32, #tpu.memory_space<hbm>>
      tpu.wait_dma2 semaphore(%arg16 : memref<!tpu.dma_semaphore, #tpu.memory_space<semaphore_mem>>) src(%dma_wait3A_155 : memref<128xf32, #tpu.memory_space<hbm>>) dst(%dma_wait3A_153 : memref<128xf32, #tpu.memory_space<vmem>>)
      %scan3A_156 = arith.constant 0 : i32
      scf.yield %scan3A_156 : i32
    }
    %scan3A_62 = arith.constant 256 : i32
    %dma_wait3A = arith.constant 0 : i32
    %dma_wait3A_63 = tpu.memref_slice %arg13[%dma_wait3A] : memref<512xf32, #tpu.memory_space<vmem>> -> memref<128xf32, #tpu.memory_space<vmem>>
    %dma_wait3A_64 = arith.constant 0 : i32
    %dma_wait3A_65 = tpu.memref_slice %arg9[%dma_wait3A_64] : memref<512xi32, #tpu.memory_space<vmem>> -> memref<128xi32, #tpu.memory_space<vmem>>
    %dma_wait3A_66 = arith.constant 0 : i32
    %dma_wait3A_67 = tpu.memref_slice %arg6[%dma_wait3A_66] : memref<1000000xf32, #tpu.memory_space<hbm>> -> memref<1000000xf32, #tpu.memory_space<hbm>>
    tpu.wait_indirect_dma semaphore(%arg16 : memref<!tpu.dma_semaphore, #tpu.memory_space<semaphore_mem>>) src(%dma_wait3A_67 : memref<1000000xf32, #tpu.memory_space<hbm>>) dst(%dma_wait3A_63 : memref<128xf32, #tpu.memory_space<vmem>>)
    %dma_wait3A_68 = arith.constant 0 : i32
    %dma_wait3A_69 = tpu.memref_slice %arg14[%dma_wait3A_68] : memref<512xf32, #tpu.memory_space<vmem>> -> memref<128xf32, #tpu.memory_space<vmem>>
    %dma_wait3A_70 = arith.constant 0 : i32
    %dma_wait3A_71 = tpu.memref_slice %arg10[%dma_wait3A_70] : memref<512xi32, #tpu.memory_space<vmem>> -> memref<128xi32, #tpu.memory_space<vmem>>
    %dma_wait3A_72 = arith.constant 0 : i32
    %dma_wait3A_73 = tpu.memref_slice %arg7[%dma_wait3A_72] : memref<1000000xf32, #tpu.memory_space<hbm>> -> memref<1000000xf32, #tpu.memory_space<hbm>>
    tpu.wait_indirect_dma semaphore(%arg16 : memref<!tpu.dma_semaphore, #tpu.memory_space<semaphore_mem>>) src(%dma_wait3A_73 : memref<1000000xf32, #tpu.memory_space<hbm>>) dst(%dma_wait3A_69 : memref<128xf32, #tpu.memory_space<vmem>>)
    %dma_wait3A_74 = arith.constant 128 : i32
    %dma_wait3A_75 = tpu.memref_slice %arg13[%dma_wait3A_74] : memref<512xf32, #tpu.memory_space<vmem>> -> memref<128xf32, #tpu.memory_space<vmem>>
    %dma_wait3A_76 = arith.constant 128 : i32
    %dma_wait3A_77 = tpu.memref_slice %arg9[%dma_wait3A_76] : memref<512xi32, #tpu.memory_space<vmem>> -> memref<128xi32, #tpu.memory_space<vmem>>
    %dma_wait3A_78 = arith.constant 0 : i32
    %dma_wait3A_79 = tpu.memref_slice %arg6[%dma_wait3A_78] : memref<1000000xf32, #tpu.memory_space<hbm>> -> memref<1000000xf32, #tpu.memory_space<hbm>>
    tpu.wait_indirect_dma semaphore(%arg16 : memref<!tpu.dma_semaphore, #tpu.memory_space<semaphore_mem>>) src(%dma_wait3A_79 : memref<1000000xf32, #tpu.memory_space<hbm>>) dst(%dma_wait3A_75 : memref<128xf32, #tpu.memory_space<vmem>>)
    %dma_wait3A_80 = arith.constant 128 : i32
    %dma_wait3A_81 = tpu.memref_slice %arg14[%dma_wait3A_80] : memref<512xf32, #tpu.memory_space<vmem>> -> memref<128xf32, #tpu.memory_space<vmem>>
    %dma_wait3A_82 = arith.constant 128 : i32
    %dma_wait3A_83 = tpu.memref_slice %arg10[%dma_wait3A_82] : memref<512xi32, #tpu.memory_space<vmem>> -> memref<128xi32, #tpu.memory_space<vmem>>
    %dma_wait3A_84 = arith.constant 0 : i32
    %dma_wait3A_85 = tpu.memref_slice %arg7[%dma_wait3A_84] : memref<1000000xf32, #tpu.memory_space<hbm>> -> memref<1000000xf32, #tpu.memory_space<hbm>>
    tpu.wait_indirect_dma semaphore(%arg16 : memref<!tpu.dma_semaphore, #tpu.memory_space<semaphore_mem>>) src(%dma_wait3A_85 : memref<1000000xf32, #tpu.memory_space<hbm>>) dst(%dma_wait3A_81 : memref<128xf32, #tpu.memory_space<vmem>>)
    %dma_wait3A_86 = arith.constant 256 : i32
    %dma_wait3A_87 = tpu.memref_slice %arg13[%dma_wait3A_86] : memref<512xf32, #tpu.memory_space<vmem>> -> memref<128xf32, #tpu.memory_space<vmem>>
    %dma_wait3A_88 = arith.constant 256 : i32
    %dma_wait3A_89 = tpu.memref_slice %arg9[%dma_wait3A_88] : memref<512xi32, #tpu.memory_space<vmem>> -> memref<128xi32, #tpu.memory_space<vmem>>
    %dma_wait3A_90 = arith.constant 0 : i32
    %dma_wait3A_91 = tpu.memref_slice %arg6[%dma_wait3A_90] : memref<1000000xf32, #tpu.memory_space<hbm>> -> memref<1000000xf32, #tpu.memory_space<hbm>>
    tpu.wait_indirect_dma semaphore(%arg16 : memref<!tpu.dma_semaphore, #tpu.memory_space<semaphore_mem>>) src(%dma_wait3A_91 : memref<1000000xf32, #tpu.memory_space<hbm>>) dst(%dma_wait3A_87 : memref<128xf32, #tpu.memory_space<vmem>>)
    %dma_wait3A_92 = arith.constant 256 : i32
    %dma_wait3A_93 = tpu.memref_slice %arg14[%dma_wait3A_92] : memref<512xf32, #tpu.memory_space<vmem>> -> memref<128xf32, #tpu.memory_space<vmem>>
    %dma_wait3A_94 = arith.constant 256 : i32
    %dma_wait3A_95 = tpu.memref_slice %arg10[%dma_wait3A_94] : memref<512xi32, #tpu.memory_space<vmem>> -> memref<128xi32, #tpu.memory_space<vmem>>
    %dma_wait3A_96 = arith.constant 0 : i32
    %dma_wait3A_97 = tpu.memref_slice %arg7[%dma_wait3A_96] : memref<1000000xf32, #tpu.memory_space<hbm>> -> memref<1000000xf32, #tpu.memory_space<hbm>>
    tpu.wait_indirect_dma semaphore(%arg16 : memref<!tpu.dma_semaphore, #tpu.memory_space<semaphore_mem>>) src(%dma_wait3A_97 : memref<1000000xf32, #tpu.memory_space<hbm>>) dst(%dma_wait3A_93 : memref<128xf32, #tpu.memory_space<vmem>>)
    %dma_wait3A_98 = arith.constant 384 : i32
    %dma_wait3A_99 = tpu.memref_slice %arg13[%dma_wait3A_98] : memref<512xf32, #tpu.memory_space<vmem>> -> memref<128xf32, #tpu.memory_space<vmem>>
    %dma_wait3A_100 = arith.constant 384 : i32
    %dma_wait3A_101 = tpu.memref_slice %arg9[%dma_wait3A_100] : memref<512xi32, #tpu.memory_space<vmem>> -> memref<128xi32, #tpu.memory_space<vmem>>
    %dma_wait3A_102 = arith.constant 0 : i32
    %dma_wait3A_103 = tpu.memref_slice %arg6[%dma_wait3A_102] : memref<1000000xf32, #tpu.memory_space<hbm>> -> memref<1000000xf32, #tpu.memory_space<hbm>>
    tpu.wait_indirect_dma semaphore(%arg16 : memref<!tpu.dma_semaphore, #tpu.memory_space<semaphore_mem>>) src(%dma_wait3A_103 : memref<1000000xf32, #tpu.memory_space<hbm>>) dst(%dma_wait3A_99 : memref<128xf32, #tpu.memory_space<vmem>>)
    %dma_wait3A_104 = arith.constant 384 : i32
    %dma_wait3A_105 = tpu.memref_slice %arg14[%dma_wait3A_104] : memref<512xf32, #tpu.memory_space<vmem>> -> memref<128xf32, #tpu.memory_space<vmem>>
    %dma_wait3A_106 = arith.constant 384 : i32
    %dma_wait3A_107 = tpu.memref_slice %arg10[%dma_wait3A_106] : memref<512xi32, #tpu.memory_space<vmem>> -> memref<128xi32, #tpu.memory_space<vmem>>
    %dma_wait3A_108 = arith.constant 0 : i32
    %dma_wait3A_109 = tpu.memref_slice %arg7[%dma_wait3A_108] : memref<1000000xf32, #tpu.memory_space<hbm>> -> memref<1000000xf32, #tpu.memory_space<hbm>>
    tpu.wait_indirect_dma semaphore(%arg16 : memref<!tpu.dma_semaphore, #tpu.memory_space<semaphore_mem>>) src(%dma_wait3A_109 : memref<1000000xf32, #tpu.memory_space<hbm>>) dst(%dma_wait3A_105 : memref<128xf32, #tpu.memory_space<vmem>>)
    %scan3A_110 = arith.constant 0 : i32
    %scan3A_111 = arith.constant 0 : i32
    %scan3A_112 = arith.constant 16 : i32
    %scan3A_113 = arith.addi %scan3A_111, %scan3A_112 : i32
    %scan3A_114 = arith.constant 1 : i32
    %scan3A_115 = scf.for %scan3A_138 = %scan3A_111 to %scan3A_113 step %scan3A_114 iter_args(%scan3A_139 = %scan3A_110) -> (i32)  : i32 {
      %mul3A_140 = arith.constant 16 : i32
      %mul3A_141 = arith.muli %scan3A_138, %mul3A_140 : i32
      %multiple_of3A_142 = tpu.assume_multiple %mul3A_141, 16 : i32
      %add3A_143 = arith.constant 0 : i32
      %add3A_144 = arith.addi %add3A_143, %multiple_of3A_142 : i32
      %iota3A = tpu.iota {dimensions = array<i32: 0>} : vector<16xi32>
      %add3A_145 = vector.broadcast %multiple_of3A_142 : i32 to vector<16xi32>
      %add3A_146 = arith.addi %iota3A, %add3A_145 : vector<16xi32>
      %mul3A_147 = arith.constant 128 : i32
      %mul3A_148 = vector.broadcast %mul3A_147 : i32 to vector<16xi32>
      %mul3A_149 = arith.muli %add3A_146, %mul3A_148 : vector<16xi32>
      %get3A = arith.index_cast %add3A_144 : i32 to index
      %get3A_150 = tpu.vector_load %arg9[%get3A] {strides = array<i32>} : memref<512xi32, #tpu.memory_space<vmem>>, vector<16xi32>,
      %and3A = arith.constant 1 : i32
      %and3A_151 = vector.broadcast %and3A : i32 to vector<16xi32>
      %and3A_152 = arith.andi %get3A_150, %and3A_151 : vector<16xi32>
      %mul3A_153 = arith.constant 64 : i32
      %mul3A_154 = vector.broadcast %mul3A_153 : i32 to vector<16xi32>
      %mul3A_155 = arith.muli %and3A_152, %mul3A_154 : vector<16xi32>
      %add3A_156 = arith.addi %mul3A_149, %mul3A_155 : vector<16xi32>
      %get3A_157 = arith.index_cast %add3A_144 : i32 to index
      %get3A_158 = tpu.vector_load %arg10[%get3A_157] {strides = array<i32>} : memref<512xi32, #tpu.memory_space<vmem>>, vector<16xi32>,
      %and3A_159 = arith.constant 1 : i32
      %and3A_160 = vector.broadcast %and3A_159 : i32 to vector<16xi32>
      %and3A_161 = arith.andi %get3A_158, %and3A_160 : vector<16xi32>
      %mul3A_162 = arith.constant 64 : i32
      %mul3A_163 = vector.broadcast %mul3A_162 : i32 to vector<16xi32>
      %mul3A_164 = arith.muli %and3A_161, %mul3A_163 : vector<16xi32>
      %add3A_165 = arith.addi %mul3A_149, %mul3A_164 : vector<16xi32>
      %get3A_166 = arith.index_cast %add3A_144 : i32 to index
      %get3A_167 = tpu.vector_load %arg13[%get3A_166] {strides = array<i32>} : memref<512xf32, #tpu.memory_space<vmem>>, vector<16xf32>,
      %get3A_168 = arith.index_cast %add3A_144 : i32 to index
      %get3A_169 = tpu.vector_load %arg14[%get3A_168] {strides = array<i32>} : memref<512xf32, #tpu.memory_space<vmem>>, vector<16xf32>,
      %add3A_170 = arith.addf %get3A_167, %get3A_169 : vector<16xf32>
      %add3A_171 = arith.constant 0 : i32
      %add3A_172 = vector.broadcast %add3A_171 : i32 to vector<16xi32>
      %add3A_173 = arith.addi %add3A_156, %add3A_172 : vector<16xi32>
      %gather3A = tpu.vector_load_idx %arg11[%add3A_173] : memref<32768xf32, #tpu.memory_space<vmem>>[vector<16xi32>], vector<16xf32>,
      %add3A_174 = arith.constant 0 : i32
      %add3A_175 = vector.broadcast %add3A_174 : i32 to vector<16xi32>
      %add3A_176 = arith.addi %add3A_165, %add3A_175 : vector<16xi32>
      %gather3A_177 = tpu.vector_load_idx %arg12[%add3A_176] : memref<32768xf32, #tpu.memory_space<vmem>>[vector<16xi32>], vector<16xf32>,
      %mul3A_178 = arith.mulf %gather3A, %gather3A_177 : vector<16xf32>
      %add3A_179 = arith.addf %add3A_170, %mul3A_178 : vector<16xf32>
      %add3A_180 = arith.constant 1 : i32
      %add3A_181 = vector.broadcast %add3A_180 : i32 to vector<16xi32>
      %add3A_182 = arith.addi %add3A_156, %add3A_181 : vector<16xi32>
      %gather3A_183 = tpu.vector_load_idx %arg11[%add3A_182] : memref<32768xf32, #tpu.memory_space<vmem>>[vector<16xi32>], vector<16xf32>,
      %add3A_184 = arith.constant 1 : i32
      %add3A_185 = vector.broadcast %add3A_184 : i32 to vector<16xi32>
      %add3A_186 = arith.addi %add3A_165, %add3A_185 : vector<16xi32>
      %gather3A_187 = tpu.vector_load_idx %arg12[%add3A_186] : memref<32768xf32, #tpu.memory_space<vmem>>[vector<16xi32>], vector<16xf32>,
      %mul3A_188 = arith.mulf %gather3A_183, %gather3A_187 : vector<16xf32>
      %add3A_189 = arith.addf %add3A_179, %mul3A_188 : vector<16xf32>
      %add3A_190 = arith.constant 2 : i32
      %add3A_191 = vector.broadcast %add3A_190 : i32 to vector<16xi32>
      %add3A_192 = arith.addi %add3A_156, %add3A_191 : vector<16xi32>
      %gather3A_193 = tpu.vector_load_idx %arg11[%add3A_192] : memref<32768xf32, #tpu.memory_space<vmem>>[vector<16xi32>], vector<16xf32>,
      %add3A_194 = arith.constant 2 : i32
      %add3A_195 = vector.broadcast %add3A_194 : i32 to vector<16xi32>
      %add3A_196 = arith.addi %add3A_165, %add3A_195 : vector<16xi32>
      %gather3A_197 = tpu.vector_load_idx %arg12[%add3A_196] : memref<32768xf32, #tpu.memory_space<vmem>>[vector<16xi32>], vector<16xf32>,
      %mul3A_198 = arith.mulf %gather3A_193, %gather3A_197 : vector<16xf32>
      %add3A_199 = arith.addf %add3A_189, %mul3A_198 : vector<16xf32>
      %add3A_200 = arith.constant 3 : i32
      %add3A_201 = vector.broadcast %add3A_200 : i32 to vector<16xi32>
      %add3A_202 = arith.addi %add3A_156, %add3A_201 : vector<16xi32>
      %gather3A_203 = tpu.vector_load_idx %arg11[%add3A_202] : memref<32768xf32, #tpu.memory_space<vmem>>[vector<16xi32>], vector<16xf32>,
      %add3A_204 = arith.constant 3 : i32
      %add3A_205 = vector.broadcast %add3A_204 : i32 to vector<16xi32>
      %add3A_206 = arith.addi %add3A_165, %add3A_205 : vector<16xi32>
      %gather3A_207 = tpu.vector_load_idx %arg12[%add3A_206] : memref<32768xf32, #tpu.memory_space<vmem>>[vector<16xi32>], vector<16xf32>,
      %mul3A_208 = arith.mulf %gather3A_203, %gather3A_207 : vector<16xf32>
      %add3A_209 = arith.addf %add3A_199, %mul3A_208 : vector<16xf32>
      %add3A_210 = arith.constant 4 : i32
      %add3A_211 = vector.broadcast %add3A_210 : i32 to vector<16xi32>
      %add3A_212 = arith.addi %add3A_156, %add3A_211 : vector<16xi32>
      %gather3A_213 = tpu.vector_load_idx %arg11[%add3A_212] : memref<32768xf32, #tpu.memory_space<vmem>>[vector<16xi32>], vector<16xf32>,
      %add3A_214 = arith.constant 4 : i32
      %add3A_215 = vector.broadcast %add3A_214 : i32 to vector<16xi32>
      %add3A_216 = arith.addi %add3A_165, %add3A_215 : vector<16xi32>
      %gather3A_217 = tpu.vector_load_idx %arg12[%add3A_216] : memref<32768xf32, #tpu.memory_space<vmem>>[vector<16xi32>], vector<16xf32>,
      %mul3A_218 = arith.mulf %gather3A_213, %gather3A_217 : vector<16xf32>
      %add3A_219 = arith.addf %add3A_209, %mul3A_218 : vector<16xf32>
      %add3A_220 = arith.constant 5 : i32
      %add3A_221 = vector.broadcast %add3A_220 : i32 to vector<16xi32>
      %add3A_222 = arith.addi %add3A_156, %add3A_221 : vector<16xi32>
      %gather3A_223 = tpu.vector_load_idx %arg11[%add3A_222] : memref<32768xf32, #tpu.memory_space<vmem>>[vector<16xi32>], vector<16xf32>,
      %add3A_224 = arith.constant 5 : i32
      %add3A_225 = vector.broadcast %add3A_224 : i32 to vector<16xi32>
      %add3A_226 = arith.addi %add3A_165, %add3A_225 : vector<16xi32>
      %gather3A_227 = tpu.vector_load_idx %arg12[%add3A_226] : memref<32768xf32, #tpu.memory_space<vmem>>[vector<16xi32>], vector<16xf32>,
      %mul3A_228 = arith.mulf %gather3A_223, %gather3A_227 : vector<16xf32>
      %add3A_229 = arith.addf %add3A_219, %mul3A_228 : vector<16xf32>
      %add3A_230 = arith.constant 6 : i32
      %add3A_231 = vector.broadcast %add3A_230 : i32 to vector<16xi32>
      %add3A_232 = arith.addi %add3A_156, %add3A_231 : vector<16xi32>
      %gather3A_233 = tpu.vector_load_idx %arg11[%add3A_232] : memref<32768xf32, #tpu.memory_space<vmem>>[vector<16xi32>], vector<16xf32>,
      %add3A_234 = arith.constant 6 : i32
      %add3A_235 = vector.broadcast %add3A_234 : i32 to vector<16xi32>
      %add3A_236 = arith.addi %add3A_165, %add3A_235 : vector<16xi32>
      %gather3A_237 = tpu.vector_load_idx %arg12[%add3A_236] : memref<32768xf32, #tpu.memory_space<vmem>>[vector<16xi32>], vector<16xf32>,
      %mul3A_238 = arith.mulf %gather3A_233, %gather3A_237 : vector<16xf32>
      %add3A_239 = arith.addf %add3A_229, %mul3A_238 : vector<16xf32>
      %add3A_240 = arith.constant 7 : i32
      %add3A_241 = vector.broadcast %add3A_240 : i32 to vector<16xi32>
      %add3A_242 = arith.addi %add3A_156, %add3A_241 : vector<16xi32>
      %gather3A_243 = tpu.vector_load_idx %arg11[%add3A_242] : memref<32768xf32, #tpu.memory_space<vmem>>[vector<16xi32>], vector<16xf32>,
      %add3A_244 = arith.constant 7 : i32
      %add3A_245 = vector.broadcast %add3A_244 : i32 to vector<16xi32>
      %add3A_246 = arith.addi %add3A_165, %add3A_245 : vector<16xi32>
      %gather3A_247 = tpu.vector_load_idx %arg12[%add3A_246] : memref<32768xf32, #tpu.memory_space<vmem>>[vector<16xi32>], vector<16xf32>,
      %mul3A_248 = arith.mulf %gather3A_243, %gather3A_247 : vector<16xf32>
      %add3A_249 = arith.addf %add3A_239, %mul3A_248 : vector<16xf32>
      %add3A_250 = arith.constant 8 : i32
      %add3A_251 = vector.broadcast %add3A_250 : i32 to vector<16xi32>
      %add3A_252 = arith.addi %add3A_156, %add3A_251 : vector<16xi32>
      %gather3A_253 = tpu.vector_load_idx %arg11[%add3A_252] : memref<32768xf32, #tpu.memory_space<vmem>>[vector<16xi32>], vector<16xf32>,
      %add3A_254 = arith.constant 8 : i32
      %add3A_255 = vector.broadcast %add3A_254 : i32 to vector<16xi32>
      %add3A_256 = arith.addi %add3A_165, %add3A_255 : vector<16xi32>
      %gather3A_257 = tpu.vector_load_idx %arg12[%add3A_256] : memref<32768xf32, #tpu.memory_space<vmem>>[vector<16xi32>], vector<16xf32>,
      %mul3A_258 = arith.mulf %gather3A_253, %gather3A_257 : vector<16xf32>
      %add3A_259 = arith.addf %add3A_249, %mul3A_258 : vector<16xf32>
      %add3A_260 = arith.constant 9 : i32
      %add3A_261 = vector.broadcast %add3A_260 : i32 to vector<16xi32>
      %add3A_262 = arith.addi %add3A_156, %add3A_261 : vector<16xi32>
      %gather3A_263 = tpu.vector_load_idx %arg11[%add3A_262] : memref<32768xf32, #tpu.memory_space<vmem>>[vector<16xi32>], vector<16xf32>,
      %add3A_264 = arith.constant 9 : i32
      %add3A_265 = vector.broadcast %add3A_264 : i32 to vector<16xi32>
      %add3A_266 = arith.addi %add3A_165, %add3A_265 : vector<16xi32>
      %gather3A_267 = tpu.vector_load_idx %arg12[%add3A_266] : memref<32768xf32, #tpu.memory_space<vmem>>[vector<16xi32>], vector<16xf32>,
      %mul3A_268 = arith.mulf %gather3A_263, %gather3A_267 : vector<16xf32>
      %add3A_269 = arith.addf %add3A_259, %mul3A_268 : vector<16xf32>
      %add3A_270 = arith.constant 10 : i32
      %add3A_271 = vector.broadcast %add3A_270 : i32 to vector<16xi32>
      %add3A_272 = arith.addi %add3A_156, %add3A_271 : vector<16xi32>
      %gather3A_273 = tpu.vector_load_idx %arg11[%add3A_272] : memref<32768xf32, #tpu.memory_space<vmem>>[vector<16xi32>], vector<16xf32>,
      %add3A_274 = arith.constant 10 : i32
      %add3A_275 = vector.broadcast %add3A_274 : i32 to vector<16xi32>
      %add3A_276 = arith.addi %add3A_165, %add3A_275 : vector<16xi32>
      %gather3A_277 = tpu.vector_load_idx %arg12[%add3A_276] : memref<32768xf32, #tpu.memory_space<vmem>>[vector<16xi32>], vector<16xf32>,
      %mul3A_278 = arith.mulf %gather3A_273, %gather3A_277 : vector<16xf32>
      %add3A_279 = arith.addf %add3A_269, %mul3A_278 : vector<16xf32>
      %add3A_280 = arith.constant 11 : i32
      %add3A_281 = vector.broadcast %add3A_280 : i32 to vector<16xi32>
      %add3A_282 = arith.addi %add3A_156, %add3A_281 : vector<16xi32>
      %gather3A_283 = tpu.vector_load_idx %arg11[%add3A_282] : memref<32768xf32, #tpu.memory_space<vmem>>[vector<16xi32>], vector<16xf32>,
      %add3A_284 = arith.constant 11 : i32
      %add3A_285 = vector.broadcast %add3A_284 : i32 to vector<16xi32>
      %add3A_286 = arith.addi %add3A_165, %add3A_285 : vector<16xi32>
      %gather3A_287 = tpu.vector_load_idx %arg12[%add3A_286] : memref<32768xf32, #tpu.memory_space<vmem>>[vector<16xi32>], vector<16xf32>,
      %mul3A_288 = arith.mulf %gather3A_283, %gather3A_287 : vector<16xf32>
      %add3A_289 = arith.addf %add3A_279, %mul3A_288 : vector<16xf32>
      %add3A_290 = arith.constant 12 : i32
      %add3A_291 = vector.broadcast %add3A_290 : i32 to vector<16xi32>
      %add3A_292 = arith.addi %add3A_156, %add3A_291 : vector<16xi32>
      %gather3A_293 = tpu.vector_load_idx %arg11[%add3A_292] : memref<32768xf32, #tpu.memory_space<vmem>>[vector<16xi32>], vector<16xf32>,
      %add3A_294 = arith.constant 12 : i32
      %add3A_295 = vector.broadcast %add3A_294 : i32 to vector<16xi32>
      %add3A_296 = arith.addi %add3A_165, %add3A_295 : vector<16xi32>
      %gather3A_297 = tpu.vector_load_idx %arg12[%add3A_296] : memref<32768xf32, #tpu.memory_space<vmem>>[vector<16xi32>], vector<16xf32>,
      %mul3A_298 = arith.mulf %gather3A_293, %gather3A_297 : vector<16xf32>
      %add3A_299 = arith.addf %add3A_289, %mul3A_298 : vector<16xf32>
      %add3A_300 = arith.constant 13 : i32
      %add3A_301 = vector.broadcast %add3A_300 : i32 to vector<16xi32>
      %add3A_302 = arith.addi %add3A_156, %add3A_301 : vector<16xi32>
      %gather3A_303 = tpu.vector_load_idx %arg11[%add3A_302] : memref<32768xf32, #tpu.memory_space<vmem>>[vector<16xi32>], vector<16xf32>,
      %add3A_304 = arith.constant 13 : i32
      %add3A_305 = vector.broadcast %add3A_304 : i32 to vector<16xi32>
      %add3A_306 = arith.addi %add3A_165, %add3A_305 : vector<16xi32>
      %gather3A_307 = tpu.vector_load_idx %arg12[%add3A_306] : memref<32768xf32, #tpu.memory_space<vmem>>[vector<16xi32>], vector<16xf32>,
      %mul3A_308 = arith.mulf %gather3A_303, %gather3A_307 : vector<16xf32>
      %add3A_309 = arith.addf %add3A_299, %mul3A_308 : vector<16xf32>
      %add3A_310 = arith.constant 14 : i32
      %add3A_311 = vector.broadcast %add3A_310 : i32 to vector<16xi32>
      %add3A_312 = arith.addi %add3A_156, %add3A_311 : vector<16xi32>
      %gather3A_313 = tpu.vector_load_idx %arg11[%add3A_312] : memref<32768xf32, #tpu.memory_space<vmem>>[vector<16xi32>], vector<16xf32>,
      %add3A_314 = arith.constant 14 : i32
      %add3A_315 = vector.broadcast %add3A_314 : i32 to vector<16xi32>
      %add3A_316 = arith.addi %add3A_165, %add3A_315 : vector<16xi32>
      %gather3A_317 = tpu.vector_load_idx %arg12[%add3A_316] : memref<32768xf32, #tpu.memory_space<vmem>>[vector<16xi32>], vector<16xf32>,
      %mul3A_318 = arith.mulf %gather3A_313, %gather3A_317 : vector<16xf32>
      %add3A_319 = arith.addf %add3A_309, %mul3A_318 : vector<16xf32>
      %add3A_320 = arith.constant 15 : i32
      %add3A_321 = vector.broadcast %add3A_320 : i32 to vector<16xi32>
      %add3A_322 = arith.addi %add3A_156, %add3A_321 : vector<16xi32>
      %gather3A_323 = tpu.vector_load_idx %arg11[%add3A_322] : memref<32768xf32, #tpu.memory_space<vmem>>[vector<16xi32>], vector<16xf32>,
      %add3A_324 = arith.constant 15 : i32
      %add3A_325 = vector.broadcast %add3A_324 : i32 to vector<16xi32>
      %add3A_326 = arith.addi %add3A_165, %add3A_325 : vector<16xi32>
      %gather3A_327 = tpu.vector_load_idx %arg12[%add3A_326] : memref<32768xf32, #tpu.memory_space<vmem>>[vector<16xi32>], vector<16xf32>,
      %mul3A_328 = arith.mulf %gather3A_323, %gather3A_327 : vector<16xf32>
      %add3A_329 = arith.addf %add3A_319, %mul3A_328 : vector<16xf32>
      %add3A_330 = arith.constant 16 : i32
      %add3A_331 = vector.broadcast %add3A_330 : i32 to vector<16xi32>
      %add3A_332 = arith.addi %add3A_156, %add3A_331 : vector<16xi32>
      %gather3A_333 = tpu.vector_load_idx %arg11[%add3A_332] : memref<32768xf32, #tpu.memory_space<vmem>>[vector<16xi32>], vector<16xf32>,
      %add3A_334 = arith.constant 16 : i32
      %add3A_335 = vector.broadcast %add3A_334 : i32 to vector<16xi32>
      %add3A_336 = arith.addi %add3A_165, %add3A_335 : vector<16xi32>
      %gather3A_337 = tpu.vector_load_idx %arg12[%add3A_336] : memref<32768xf32, #tpu.memory_space<vmem>>[vector<16xi32>], vector<16xf32>,
      %mul3A_338 = arith.mulf %gather3A_333, %gather3A_337 : vector<16xf32>
      %add3A_339 = arith.addf %add3A_329, %mul3A_338 : vector<16xf32>
      %add3A_340 = arith.constant 17 : i32
      %add3A_341 = vector.broadcast %add3A_340 : i32 to vector<16xi32>
      %add3A_342 = arith.addi %add3A_156, %add3A_341 : vector<16xi32>
      %gather3A_343 = tpu.vector_load_idx %arg11[%add3A_342] : memref<32768xf32, #tpu.memory_space<vmem>>[vector<16xi32>], vector<16xf32>,
      %add3A_344 = arith.constant 17 : i32
      %add3A_345 = vector.broadcast %add3A_344 : i32 to vector<16xi32>
      %add3A_346 = arith.addi %add3A_165, %add3A_345 : vector<16xi32>
      %gather3A_347 = tpu.vector_load_idx %arg12[%add3A_346] : memref<32768xf32, #tpu.memory_space<vmem>>[vector<16xi32>], vector<16xf32>,
      %mul3A_348 = arith.mulf %gather3A_343, %gather3A_347 : vector<16xf32>
      %add3A_349 = arith.addf %add3A_339, %mul3A_348 : vector<16xf32>
      %add3A_350 = arith.constant 18 : i32
      %add3A_351 = vector.broadcast %add3A_350 : i32 to vector<16xi32>
      %add3A_352 = arith.addi %add3A_156, %add3A_351 : vector<16xi32>
      %gather3A_353 = tpu.vector_load_idx %arg11[%add3A_352] : memref<32768xf32, #tpu.memory_space<vmem>>[vector<16xi32>], vector<16xf32>,
      %add3A_354 = arith.constant 18 : i32
      %add3A_355 = vector.broadcast %add3A_354 : i32 to vector<16xi32>
      %add3A_356 = arith.addi %add3A_165, %add3A_355 : vector<16xi32>
      %gather3A_357 = tpu.vector_load_idx %arg12[%add3A_356] : memref<32768xf32, #tpu.memory_space<vmem>>[vector<16xi32>], vector<16xf32>,
      %mul3A_358 = arith.mulf %gather3A_353, %gather3A_357 : vector<16xf32>
      %add3A_359 = arith.addf %add3A_349, %mul3A_358 : vector<16xf32>
      %add3A_360 = arith.constant 19 : i32
      %add3A_361 = vector.broadcast %add3A_360 : i32 to vector<16xi32>
      %add3A_362 = arith.addi %add3A_156, %add3A_361 : vector<16xi32>
      %gather3A_363 = tpu.vector_load_idx %arg11[%add3A_362] : memref<32768xf32, #tpu.memory_space<vmem>>[vector<16xi32>], vector<16xf32>,
      %add3A_364 = arith.constant 19 : i32
      %add3A_365 = vector.broadcast %add3A_364 : i32 to vector<16xi32>
      %add3A_366 = arith.addi %add3A_165, %add3A_365 : vector<16xi32>
      %gather3A_367 = tpu.vector_load_idx %arg12[%add3A_366] : memref<32768xf32, #tpu.memory_space<vmem>>[vector<16xi32>], vector<16xf32>,
      %mul3A_368 = arith.mulf %gather3A_363, %gather3A_367 : vector<16xf32>
      %add3A_369 = arith.addf %add3A_359, %mul3A_368 : vector<16xf32>
      %add3A_370 = arith.constant 20 : i32
      %add3A_371 = vector.broadcast %add3A_370 : i32 to vector<16xi32>
      %add3A_372 = arith.addi %add3A_156, %add3A_371 : vector<16xi32>
      %gather3A_373 = tpu.vector_load_idx %arg11[%add3A_372] : memref<32768xf32, #tpu.memory_space<vmem>>[vector<16xi32>], vector<16xf32>,
      %add3A_374 = arith.constant 20 : i32
      %add3A_375 = vector.broadcast %add3A_374 : i32 to vector<16xi32>
      %add3A_376 = arith.addi %add3A_165, %add3A_375 : vector<16xi32>
      %gather3A_377 = tpu.vector_load_idx %arg12[%add3A_376] : memref<32768xf32, #tpu.memory_space<vmem>>[vector<16xi32>], vector<16xf32>,
      %mul3A_378 = arith.mulf %gather3A_373, %gather3A_377 : vector<16xf32>
      %add3A_379 = arith.addf %add3A_369, %mul3A_378 : vector<16xf32>
      %add3A_380 = arith.constant 21 : i32
      %add3A_381 = vector.broadcast %add3A_380 : i32 to vector<16xi32>
      %add3A_382 = arith.addi %add3A_156, %add3A_381 : vector<16xi32>
      %gather3A_383 = tpu.vector_load_idx %arg11[%add3A_382] : memref<32768xf32, #tpu.memory_space<vmem>>[vector<16xi32>], vector<16xf32>,
      %add3A_384 = arith.constant 21 : i32
      %add3A_385 = vector.broadcast %add3A_384 : i32 to vector<16xi32>
      %add3A_386 = arith.addi %add3A_165, %add3A_385 : vector<16xi32>
      %gather3A_387 = tpu.vector_load_idx %arg12[%add3A_386] : memref<32768xf32, #tpu.memory_space<vmem>>[vector<16xi32>], vector<16xf32>,
      %mul3A_388 = arith.mulf %gather3A_383, %gather3A_387 : vector<16xf32>
      %add3A_389 = arith.addf %add3A_379, %mul3A_388 : vector<16xf32>
      %add3A_390 = arith.constant 22 : i32
      %add3A_391 = vector.broadcast %add3A_390 : i32 to vector<16xi32>
      %add3A_392 = arith.addi %add3A_156, %add3A_391 : vector<16xi32>
      %gather3A_393 = tpu.vector_load_idx %arg11[%add3A_392] : memref<32768xf32, #tpu.memory_space<vmem>>[vector<16xi32>], vector<16xf32>,
      %add3A_394 = arith.constant 22 : i32
      %add3A_395 = vector.broadcast %add3A_394 : i32 to vector<16xi32>
      %add3A_396 = arith.addi %add3A_165, %add3A_395 : vector<16xi32>
      %gather3A_397 = tpu.vector_load_idx %arg12[%add3A_396] : memref<32768xf32, #tpu.memory_space<vmem>>[vector<16xi32>], vector<16xf32>,
      %mul3A_398 = arith.mulf %gather3A_393, %gather3A_397 : vector<16xf32>
      %add3A_399 = arith.addf %add3A_389, %mul3A_398 : vector<16xf32>
      %add3A_400 = arith.constant 23 : i32
      %add3A_401 = vector.broadcast %add3A_400 : i32 to vector<16xi32>
      %add3A_402 = arith.addi %add3A_156, %add3A_401 : vector<16xi32>
      %gather3A_403 = tpu.vector_load_idx %arg11[%add3A_402] : memref<32768xf32, #tpu.memory_space<vmem>>[vector<16xi32>], vector<16xf32>,
      %add3A_404 = arith.constant 23 : i32
      %add3A_405 = vector.broadcast %add3A_404 : i32 to vector<16xi32>
      %add3A_406 = arith.addi %add3A_165, %add3A_405 : vector<16xi32>
      %gather3A_407 = tpu.vector_load_idx %arg12[%add3A_406] : memref<32768xf32, #tpu.memory_space<vmem>>[vector<16xi32>], vector<16xf32>,
      %mul3A_408 = arith.mulf %gather3A_403, %gather3A_407 : vector<16xf32>
      %add3A_409 = arith.addf %add3A_399, %mul3A_408 : vector<16xf32>
      %add3A_410 = arith.constant 24 : i32
      %add3A_411 = vector.broadcast %add3A_410 : i32 to vector<16xi32>
      %add3A_412 = arith.addi %add3A_156, %add3A_411 : vector<16xi32>
      %gather3A_413 = tpu.vector_load_idx %arg11[%add3A_412] : memref<32768xf32, #tpu.memory_space<vmem>>[vector<16xi32>], vector<16xf32>,
      %add3A_414 = arith.constant 24 : i32
      %add3A_415 = vector.broadcast %add3A_414 : i32 to vector<16xi32>
      %add3A_416 = arith.addi %add3A_165, %add3A_415 : vector<16xi32>
      %gather3A_417 = tpu.vector_load_idx %arg12[%add3A_416] : memref<32768xf32, #tpu.memory_space<vmem>>[vector<16xi32>], vector<16xf32>,
      %mul3A_418 = arith.mulf %gather3A_413, %gather3A_417 : vector<16xf32>
      %add3A_419 = arith.addf %add3A_409, %mul3A_418 : vector<16xf32>
      %add3A_420 = arith.constant 25 : i32
      %add3A_421 = vector.broadcast %add3A_420 : i32 to vector<16xi32>
      %add3A_422 = arith.addi %add3A_156, %add3A_421 : vector<16xi32>
      %gather3A_423 = tpu.vector_load_idx %arg11[%add3A_422] : memref<32768xf32, #tpu.memory_space<vmem>>[vector<16xi32>], vector<16xf32>,
      %add3A_424 = arith.constant 25 : i32
      %add3A_425 = vector.broadcast %add3A_424 : i32 to vector<16xi32>
      %add3A_426 = arith.addi %add3A_165, %add3A_425 : vector<16xi32>
      %gather3A_427 = tpu.vector_load_idx %arg12[%add3A_426] : memref<32768xf32, #tpu.memory_space<vmem>>[vector<16xi32>], vector<16xf32>,
      %mul3A_428 = arith.mulf %gather3A_423, %gather3A_427 : vector<16xf32>
      %add3A_429 = arith.addf %add3A_419, %mul3A_428 : vector<16xf32>
      %add3A_430 = arith.constant 26 : i32
      %add3A_431 = vector.broadcast %add3A_430 : i32 to vector<16xi32>
      %add3A_432 = arith.addi %add3A_156, %add3A_431 : vector<16xi32>
      %gather3A_433 = tpu.vector_load_idx %arg11[%add3A_432] : memref<32768xf32, #tpu.memory_space<vmem>>[vector<16xi32>], vector<16xf32>,
      %add3A_434 = arith.constant 26 : i32
      %add3A_435 = vector.broadcast %add3A_434 : i32 to vector<16xi32>
      %add3A_436 = arith.addi %add3A_165, %add3A_435 : vector<16xi32>
      %gather3A_437 = tpu.vector_load_idx %arg12[%add3A_436] : memref<32768xf32, #tpu.memory_space<vmem>>[vector<16xi32>], vector<16xf32>,
      %mul3A_438 = arith.mulf %gather3A_433, %gather3A_437 : vector<16xf32>
      %add3A_439 = arith.addf %add3A_429, %mul3A_438 : vector<16xf32>
      %add3A_440 = arith.constant 27 : i32
      %add3A_441 = vector.broadcast %add3A_440 : i32 to vector<16xi32>
      %add3A_442 = arith.addi %add3A_156, %add3A_441 : vector<16xi32>
      %gather3A_443 = tpu.vector_load_idx %arg11[%add3A_442] : memref<32768xf32, #tpu.memory_space<vmem>>[vector<16xi32>], vector<16xf32>,
      %add3A_444 = arith.constant 27 : i32
      %add3A_445 = vector.broadcast %add3A_444 : i32 to vector<16xi32>
      %add3A_446 = arith.addi %add3A_165, %add3A_445 : vector<16xi32>
      %gather3A_447 = tpu.vector_load_idx %arg12[%add3A_446] : memref<32768xf32, #tpu.memory_space<vmem>>[vector<16xi32>], vector<16xf32>,
      %mul3A_448 = arith.mulf %gather3A_443, %gather3A_447 : vector<16xf32>
      %add3A_449 = arith.addf %add3A_439, %mul3A_448 : vector<16xf32>
      %add3A_450 = arith.constant 28 : i32
      %add3A_451 = vector.broadcast %add3A_450 : i32 to vector<16xi32>
      %add3A_452 = arith.addi %add3A_156, %add3A_451 : vector<16xi32>
      %gather3A_453 = tpu.vector_load_idx %arg11[%add3A_452] : memref<32768xf32, #tpu.memory_space<vmem>>[vector<16xi32>], vector<16xf32>,
      %add3A_454 = arith.constant 28 : i32
      %add3A_455 = vector.broadcast %add3A_454 : i32 to vector<16xi32>
      %add3A_456 = arith.addi %add3A_165, %add3A_455 : vector<16xi32>
      %gather3A_457 = tpu.vector_load_idx %arg12[%add3A_456] : memref<32768xf32, #tpu.memory_space<vmem>>[vector<16xi32>], vector<16xf32>,
      %mul3A_458 = arith.mulf %gather3A_453, %gather3A_457 : vector<16xf32>
      %add3A_459 = arith.addf %add3A_449, %mul3A_458 : vector<16xf32>
      %add3A_460 = arith.constant 29 : i32
      %add3A_461 = vector.broadcast %add3A_460 : i32 to vector<16xi32>
      %add3A_462 = arith.addi %add3A_156, %add3A_461 : vector<16xi32>
      %gather3A_463 = tpu.vector_load_idx %arg11[%add3A_462] : memref<32768xf32, #tpu.memory_space<vmem>>[vector<16xi32>], vector<16xf32>,
      %add3A_464 = arith.constant 29 : i32
      %add3A_465 = vector.broadcast %add3A_464 : i32 to vector<16xi32>
      %add3A_466 = arith.addi %add3A_165, %add3A_465 : vector<16xi32>
      %gather3A_467 = tpu.vector_load_idx %arg12[%add3A_466] : memref<32768xf32, #tpu.memory_space<vmem>>[vector<16xi32>], vector<16xf32>,
      %mul3A_468 = arith.mulf %gather3A_463, %gather3A_467 : vector<16xf32>
      %add3A_469 = arith.addf %add3A_459, %mul3A_468 : vector<16xf32>
      %add3A_470 = arith.constant 30 : i32
      %add3A_471 = vector.broadcast %add3A_470 : i32 to vector<16xi32>
      %add3A_472 = arith.addi %add3A_156, %add3A_471 : vector<16xi32>
      %gather3A_473 = tpu.vector_load_idx %arg11[%add3A_472] : memref<32768xf32, #tpu.memory_space<vmem>>[vector<16xi32>], vector<16xf32>,
      %add3A_474 = arith.constant 30 : i32
      %add3A_475 = vector.broadcast %add3A_474 : i32 to vector<16xi32>
      %add3A_476 = arith.addi %add3A_165, %add3A_475 : vector<16xi32>
      %gather3A_477 = tpu.vector_load_idx %arg12[%add3A_476] : memref<32768xf32, #tpu.memory_space<vmem>>[vector<16xi32>], vector<16xf32>,
      %mul3A_478 = arith.mulf %gather3A_473, %gather3A_477 : vector<16xf32>
      %add3A_479 = arith.addf %add3A_469, %mul3A_478 : vector<16xf32>
      %add3A_480 = arith.constant 31 : i32
      %add3A_481 = vector.broadcast %add3A_480 : i32 to vector<16xi32>
      %add3A_482 = arith.addi %add3A_156, %add3A_481 : vector<16xi32>
      %gather3A_483 = tpu.vector_load_idx %arg11[%add3A_482] : memref<32768xf32, #tpu.memory_space<vmem>>[vector<16xi32>], vector<16xf32>,
      %add3A_484 = arith.constant 31 : i32
      %add3A_485 = vector.broadcast %add3A_484 : i32 to vector<16xi32>
      %add3A_486 = arith.addi %add3A_165, %add3A_485 : vector<16xi32>
      %gather3A_487 = tpu.vector_load_idx %arg12[%add3A_486] : memref<32768xf32, #tpu.memory_space<vmem>>[vector<16xi32>], vector<16xf32>,
      %mul3A_488 = arith.mulf %gather3A_483, %gather3A_487 : vector<16xf32>
      %add3A_489 = arith.addf %add3A_479, %mul3A_488 : vector<16xf32>
      %add3A_490 = arith.constant 32 : i32
      %add3A_491 = vector.broadcast %add3A_490 : i32 to vector<16xi32>
      %add3A_492 = arith.addi %add3A_156, %add3A_491 : vector<16xi32>
      %gather3A_493 = tpu.vector_load_idx %arg11[%add3A_492] : memref<32768xf32, #tpu.memory_space<vmem>>[vector<16xi32>], vector<16xf32>,
      %add3A_494 = arith.constant 32 : i32
      %add3A_495 = vector.broadcast %add3A_494 : i32 to vector<16xi32>
      %add3A_496 = arith.addi %add3A_165, %add3A_495 : vector<16xi32>
      %gather3A_497 = tpu.vector_load_idx %arg12[%add3A_496] : memref<32768xf32, #tpu.memory_space<vmem>>[vector<16xi32>], vector<16xf32>,
      %mul3A_498 = arith.mulf %gather3A_493, %gather3A_497 : vector<16xf32>
      %add3A_499 = arith.addf %add3A_489, %mul3A_498 : vector<16xf32>
      %add3A_500 = arith.constant 33 : i32
      %add3A_501 = vector.broadcast %add3A_500 : i32 to vector<16xi32>
      %add3A_502 = arith.addi %add3A_156, %add3A_501 : vector<16xi32>
      %gather3A_503 = tpu.vector_load_idx %arg11[%add3A_502] : memref<32768xf32, #tpu.memory_space<vmem>>[vector<16xi32>], vector<16xf32>,
      %add3A_504 = arith.constant 33 : i32
      %add3A_505 = vector.broadcast %add3A_504 : i32 to vector<16xi32>
      %add3A_506 = arith.addi %add3A_165, %add3A_505 : vector<16xi32>
      %gather3A_507 = tpu.vector_load_idx %arg12[%add3A_506] : memref<32768xf32, #tpu.memory_space<vmem>>[vector<16xi32>], vector<16xf32>,
      %mul3A_508 = arith.mulf %gather3A_503, %gather3A_507 : vector<16xf32>
      %add3A_509 = arith.addf %add3A_499, %mul3A_508 : vector<16xf32>
      %add3A_510 = arith.constant 34 : i32
      %add3A_511 = vector.broadcast %add3A_510 : i32 to vector<16xi32>
      %add3A_512 = arith.addi %add3A_156, %add3A_511 : vector<16xi32>
      %gather3A_513 = tpu.vector_load_idx %arg11[%add3A_512] : memref<32768xf32, #tpu.memory_space<vmem>>[vector<16xi32>], vector<16xf32>,
      %add3A_514 = arith.constant 34 : i32
      %add3A_515 = vector.broadcast %add3A_514 : i32 to vector<16xi32>
      %add3A_516 = arith.addi %add3A_165, %add3A_515 : vector<16xi32>
      %gather3A_517 = tpu.vector_load_idx %arg12[%add3A_516] : memref<32768xf32, #tpu.memory_space<vmem>>[vector<16xi32>], vector<16xf32>,
      %mul3A_518 = arith.mulf %gather3A_513, %gather3A_517 : vector<16xf32>
      %add3A_519 = arith.addf %add3A_509, %mul3A_518 : vector<16xf32>
      %add3A_520 = arith.constant 35 : i32
      %add3A_521 = vector.broadcast %add3A_520 : i32 to vector<16xi32>
      %add3A_522 = arith.addi %add3A_156, %add3A_521 : vector<16xi32>
      %gather3A_523 = tpu.vector_load_idx %arg11[%add3A_522] : memref<32768xf32, #tpu.memory_space<vmem>>[vector<16xi32>], vector<16xf32>,
      %add3A_524 = arith.constant 35 : i32
      %add3A_525 = vector.broadcast %add3A_524 : i32 to vector<16xi32>
      %add3A_526 = arith.addi %add3A_165, %add3A_525 : vector<16xi32>
      %gather3A_527 = tpu.vector_load_idx %arg12[%add3A_526] : memref<32768xf32, #tpu.memory_space<vmem>>[vector<16xi32>], vector<16xf32>,
      %mul3A_528 = arith.mulf %gather3A_523, %gather3A_527 : vector<16xf32>
      %add3A_529 = arith.addf %add3A_519, %mul3A_528 : vector<16xf32>
      %add3A_530 = arith.constant 36 : i32
      %add3A_531 = vector.broadcast %add3A_530 : i32 to vector<16xi32>
      %add3A_532 = arith.addi %add3A_156, %add3A_531 : vector<16xi32>
      %gather3A_533 = tpu.vector_load_idx %arg11[%add3A_532] : memref<32768xf32, #tpu.memory_space<vmem>>[vector<16xi32>], vector<16xf32>,
      %add3A_534 = arith.constant 36 : i32
      %add3A_535 = vector.broadcast %add3A_534 : i32 to vector<16xi32>
      %add3A_536 = arith.addi %add3A_165, %add3A_535 : vector<16xi32>
      %gather3A_537 = tpu.vector_load_idx %arg12[%add3A_536] : memref<32768xf32, #tpu.memory_space<vmem>>[vector<16xi32>], vector<16xf32>,
      %mul3A_538 = arith.mulf %gather3A_533, %gather3A_537 : vector<16xf32>
      %add3A_539 = arith.addf %add3A_529, %mul3A_538 : vector<16xf32>
      %add3A_540 = arith.constant 37 : i32
      %add3A_541 = vector.broadcast %add3A_540 : i32 to vector<16xi32>
      %add3A_542 = arith.addi %add3A_156, %add3A_541 : vector<16xi32>
      %gather3A_543 = tpu.vector_load_idx %arg11[%add3A_542] : memref<32768xf32, #tpu.memory_space<vmem>>[vector<16xi32>], vector<16xf32>,
      %add3A_544 = arith.constant 37 : i32
      %add3A_545 = vector.broadcast %add3A_544 : i32 to vector<16xi32>
      %add3A_546 = arith.addi %add3A_165, %add3A_545 : vector<16xi32>
      %gather3A_547 = tpu.vector_load_idx %arg12[%add3A_546] : memref<32768xf32, #tpu.memory_space<vmem>>[vector<16xi32>], vector<16xf32>,
      %mul3A_548 = arith.mulf %gather3A_543, %gather3A_547 : vector<16xf32>
      %add3A_549 = arith.addf %add3A_539, %mul3A_548 : vector<16xf32>
      %add3A_550 = arith.constant 38 : i32
      %add3A_551 = vector.broadcast %add3A_550 : i32 to vector<16xi32>
      %add3A_552 = arith.addi %add3A_156, %add3A_551 : vector<16xi32>
      %gather3A_553 = tpu.vector_load_idx %arg11[%add3A_552] : memref<32768xf32, #tpu.memory_space<vmem>>[vector<16xi32>], vector<16xf32>,
      %add3A_554 = arith.constant 38 : i32
      %add3A_555 = vector.broadcast %add3A_554 : i32 to vector<16xi32>
      %add3A_556 = arith.addi %add3A_165, %add3A_555 : vector<16xi32>
      %gather3A_557 = tpu.vector_load_idx %arg12[%add3A_556] : memref<32768xf32, #tpu.memory_space<vmem>>[vector<16xi32>], vector<16xf32>,
      %mul3A_558 = arith.mulf %gather3A_553, %gather3A_557 : vector<16xf32>
      %add3A_559 = arith.addf %add3A_549, %mul3A_558 : vector<16xf32>
      %add3A_560 = arith.constant 39 : i32
      %add3A_561 = vector.broadcast %add3A_560 : i32 to vector<16xi32>
      %add3A_562 = arith.addi %add3A_156, %add3A_561 : vector<16xi32>
      %gather3A_563 = tpu.vector_load_idx %arg11[%add3A_562] : memref<32768xf32, #tpu.memory_space<vmem>>[vector<16xi32>], vector<16xf32>,
      %add3A_564 = arith.constant 39 : i32
      %add3A_565 = vector.broadcast %add3A_564 : i32 to vector<16xi32>
      %add3A_566 = arith.addi %add3A_165, %add3A_565 : vector<16xi32>
      %gather3A_567 = tpu.vector_load_idx %arg12[%add3A_566] : memref<32768xf32, #tpu.memory_space<vmem>>[vector<16xi32>], vector<16xf32>,
      %mul3A_568 = arith.mulf %gather3A_563, %gather3A_567 : vector<16xf32>
      %add3A_569 = arith.addf %add3A_559, %mul3A_568 : vector<16xf32>
      %add3A_570 = arith.constant 40 : i32
      %add3A_571 = vector.broadcast %add3A_570 : i32 to vector<16xi32>
      %add3A_572 = arith.addi %add3A_156, %add3A_571 : vector<16xi32>
      %gather3A_573 = tpu.vector_load_idx %arg11[%add3A_572] : memref<32768xf32, #tpu.memory_space<vmem>>[vector<16xi32>], vector<16xf32>,
      %add3A_574 = arith.constant 40 : i32
      %add3A_575 = vector.broadcast %add3A_574 : i32 to vector<16xi32>
      %add3A_576 = arith.addi %add3A_165, %add3A_575 : vector<16xi32>
      %gather3A_577 = tpu.vector_load_idx %arg12[%add3A_576] : memref<32768xf32, #tpu.memory_space<vmem>>[vector<16xi32>], vector<16xf32>,
      %mul3A_578 = arith.mulf %gather3A_573, %gather3A_577 : vector<16xf32>
      %add3A_579 = arith.addf %add3A_569, %mul3A_578 : vector<16xf32>
      %add3A_580 = arith.constant 41 : i32
      %add3A_581 = vector.broadcast %add3A_580 : i32 to vector<16xi32>
      %add3A_582 = arith.addi %add3A_156, %add3A_581 : vector<16xi32>
      %gather3A_583 = tpu.vector_load_idx %arg11[%add3A_582] : memref<32768xf32, #tpu.memory_space<vmem>>[vector<16xi32>], vector<16xf32>,
      %add3A_584 = arith.constant 41 : i32
      %add3A_585 = vector.broadcast %add3A_584 : i32 to vector<16xi32>
      %add3A_586 = arith.addi %add3A_165, %add3A_585 : vector<16xi32>
      %gather3A_587 = tpu.vector_load_idx %arg12[%add3A_586] : memref<32768xf32, #tpu.memory_space<vmem>>[vector<16xi32>], vector<16xf32>,
      %mul3A_588 = arith.mulf %gather3A_583, %gather3A_587 : vector<16xf32>
      %add3A_589 = arith.addf %add3A_579, %mul3A_588 : vector<16xf32>
      %add3A_590 = arith.constant 42 : i32
      %add3A_591 = vector.broadcast %add3A_590 : i32 to vector<16xi32>
      %add3A_592 = arith.addi %add3A_156, %add3A_591 : vector<16xi32>
      %gather3A_593 = tpu.vector_load_idx %arg11[%add3A_592] : memref<32768xf32, #tpu.memory_space<vmem>>[vector<16xi32>], vector<16xf32>,
      %add3A_594 = arith.constant 42 : i32
      %add3A_595 = vector.broadcast %add3A_594 : i32 to vector<16xi32>
      %add3A_596 = arith.addi %add3A_165, %add3A_595 : vector<16xi32>
      %gather3A_597 = tpu.vector_load_idx %arg12[%add3A_596] : memref<32768xf32, #tpu.memory_space<vmem>>[vector<16xi32>], vector<16xf32>,
      %mul3A_598 = arith.mulf %gather3A_593, %gather3A_597 : vector<16xf32>
      %add3A_599 = arith.addf %add3A_589, %mul3A_598 : vector<16xf32>
      %add3A_600 = arith.constant 43 : i32
      %add3A_601 = vector.broadcast %add3A_600 : i32 to vector<16xi32>
      %add3A_602 = arith.addi %add3A_156, %add3A_601 : vector<16xi32>
      %gather3A_603 = tpu.vector_load_idx %arg11[%add3A_602] : memref<32768xf32, #tpu.memory_space<vmem>>[vector<16xi32>], vector<16xf32>,
      %add3A_604 = arith.constant 43 : i32
      %add3A_605 = vector.broadcast %add3A_604 : i32 to vector<16xi32>
      %add3A_606 = arith.addi %add3A_165, %add3A_605 : vector<16xi32>
      %gather3A_607 = tpu.vector_load_idx %arg12[%add3A_606] : memref<32768xf32, #tpu.memory_space<vmem>>[vector<16xi32>], vector<16xf32>,
      %mul3A_608 = arith.mulf %gather3A_603, %gather3A_607 : vector<16xf32>
      %add3A_609 = arith.addf %add3A_599, %mul3A_608 : vector<16xf32>
      %add3A_610 = arith.constant 44 : i32
      %add3A_611 = vector.broadcast %add3A_610 : i32 to vector<16xi32>
      %add3A_612 = arith.addi %add3A_156, %add3A_611 : vector<16xi32>
      %gather3A_613 = tpu.vector_load_idx %arg11[%add3A_612] : memref<32768xf32, #tpu.memory_space<vmem>>[vector<16xi32>], vector<16xf32>,
      %add3A_614 = arith.constant 44 : i32
      %add3A_615 = vector.broadcast %add3A_614 : i32 to vector<16xi32>
      %add3A_616 = arith.addi %add3A_165, %add3A_615 : vector<16xi32>
      %gather3A_617 = tpu.vector_load_idx %arg12[%add3A_616] : memref<32768xf32, #tpu.memory_space<vmem>>[vector<16xi32>], vector<16xf32>,
      %mul3A_618 = arith.mulf %gather3A_613, %gather3A_617 : vector<16xf32>
      %add3A_619 = arith.addf %add3A_609, %mul3A_618 : vector<16xf32>
      %add3A_620 = arith.constant 45 : i32
      %add3A_621 = vector.broadcast %add3A_620 : i32 to vector<16xi32>
      %add3A_622 = arith.addi %add3A_156, %add3A_621 : vector<16xi32>
      %gather3A_623 = tpu.vector_load_idx %arg11[%add3A_622] : memref<32768xf32, #tpu.memory_space<vmem>>[vector<16xi32>], vector<16xf32>,
      %add3A_624 = arith.constant 45 : i32
      %add3A_625 = vector.broadcast %add3A_624 : i32 to vector<16xi32>
      %add3A_626 = arith.addi %add3A_165, %add3A_625 : vector<16xi32>
      %gather3A_627 = tpu.vector_load_idx %arg12[%add3A_626] : memref<32768xf32, #tpu.memory_space<vmem>>[vector<16xi32>], vector<16xf32>,
      %mul3A_628 = arith.mulf %gather3A_623, %gather3A_627 : vector<16xf32>
      %add3A_629 = arith.addf %add3A_619, %mul3A_628 : vector<16xf32>
      %add3A_630 = arith.constant 46 : i32
      %add3A_631 = vector.broadcast %add3A_630 : i32 to vector<16xi32>
      %add3A_632 = arith.addi %add3A_156, %add3A_631 : vector<16xi32>
      %gather3A_633 = tpu.vector_load_idx %arg11[%add3A_632] : memref<32768xf32, #tpu.memory_space<vmem>>[vector<16xi32>], vector<16xf32>,
      %add3A_634 = arith.constant 46 : i32
      %add3A_635 = vector.broadcast %add3A_634 : i32 to vector<16xi32>
      %add3A_636 = arith.addi %add3A_165, %add3A_635 : vector<16xi32>
      %gather3A_637 = tpu.vector_load_idx %arg12[%add3A_636] : memref<32768xf32, #tpu.memory_space<vmem>>[vector<16xi32>], vector<16xf32>,
      %mul3A_638 = arith.mulf %gather3A_633, %gather3A_637 : vector<16xf32>
      %add3A_639 = arith.addf %add3A_629, %mul3A_638 : vector<16xf32>
      %add3A_640 = arith.constant 47 : i32
      %add3A_641 = vector.broadcast %add3A_640 : i32 to vector<16xi32>
      %add3A_642 = arith.addi %add3A_156, %add3A_641 : vector<16xi32>
      %gather3A_643 = tpu.vector_load_idx %arg11[%add3A_642] : memref<32768xf32, #tpu.memory_space<vmem>>[vector<16xi32>], vector<16xf32>,
      %add3A_644 = arith.constant 47 : i32
      %add3A_645 = vector.broadcast %add3A_644 : i32 to vector<16xi32>
      %add3A_646 = arith.addi %add3A_165, %add3A_645 : vector<16xi32>
      %gather3A_647 = tpu.vector_load_idx %arg12[%add3A_646] : memref<32768xf32, #tpu.memory_space<vmem>>[vector<16xi32>], vector<16xf32>,
      %mul3A_648 = arith.mulf %gather3A_643, %gather3A_647 : vector<16xf32>
      %add3A_649 = arith.addf %add3A_639, %mul3A_648 : vector<16xf32>
      %add3A_650 = arith.constant 48 : i32
      %add3A_651 = vector.broadcast %add3A_650 : i32 to vector<16xi32>
      %add3A_652 = arith.addi %add3A_156, %add3A_651 : vector<16xi32>
      %gather3A_653 = tpu.vector_load_idx %arg11[%add3A_652] : memref<32768xf32, #tpu.memory_space<vmem>>[vector<16xi32>], vector<16xf32>,
      %add3A_654 = arith.constant 48 : i32
      %add3A_655 = vector.broadcast %add3A_654 : i32 to vector<16xi32>
      %add3A_656 = arith.addi %add3A_165, %add3A_655 : vector<16xi32>
      %gather3A_657 = tpu.vector_load_idx %arg12[%add3A_656] : memref<32768xf32, #tpu.memory_space<vmem>>[vector<16xi32>], vector<16xf32>,
      %mul3A_658 = arith.mulf %gather3A_653, %gather3A_657 : vector<16xf32>
      %add3A_659 = arith.addf %add3A_649, %mul3A_658 : vector<16xf32>
      %add3A_660 = arith.constant 49 : i32
      %add3A_661 = vector.broadcast %add3A_660 : i32 to vector<16xi32>
      %add3A_662 = arith.addi %add3A_156, %add3A_661 : vector<16xi32>
      %gather3A_663 = tpu.vector_load_idx %arg11[%add3A_662] : memref<32768xf32, #tpu.memory_space<vmem>>[vector<16xi32>], vector<16xf32>,
      %add3A_664 = arith.constant 49 : i32
      %add3A_665 = vector.broadcast %add3A_664 : i32 to vector<16xi32>
      %add3A_666 = arith.addi %add3A_165, %add3A_665 : vector<16xi32>
      %gather3A_667 = tpu.vector_load_idx %arg12[%add3A_666] : memref<32768xf32, #tpu.memory_space<vmem>>[vector<16xi32>], vector<16xf32>,
      %mul3A_668 = arith.mulf %gather3A_663, %gather3A_667 : vector<16xf32>
      %add3A_669 = arith.addf %add3A_659, %mul3A_668 : vector<16xf32>
      %add3A_670 = arith.constant 50 : i32
      %add3A_671 = vector.broadcast %add3A_670 : i32 to vector<16xi32>
      %add3A_672 = arith.addi %add3A_156, %add3A_671 : vector<16xi32>
      %gather3A_673 = tpu.vector_load_idx %arg11[%add3A_672] : memref<32768xf32, #tpu.memory_space<vmem>>[vector<16xi32>], vector<16xf32>,
      %add3A_674 = arith.constant 50 : i32
      %add3A_675 = vector.broadcast %add3A_674 : i32 to vector<16xi32>
      %add3A_676 = arith.addi %add3A_165, %add3A_675 : vector<16xi32>
      %gather3A_677 = tpu.vector_load_idx %arg12[%add3A_676] : memref<32768xf32, #tpu.memory_space<vmem>>[vector<16xi32>], vector<16xf32>,
      %mul3A_678 = arith.mulf %gather3A_673, %gather3A_677 : vector<16xf32>
      %add3A_679 = arith.addf %add3A_669, %mul3A_678 : vector<16xf32>
      %add3A_680 = arith.constant 51 : i32
      %add3A_681 = vector.broadcast %add3A_680 : i32 to vector<16xi32>
      %add3A_682 = arith.addi %add3A_156, %add3A_681 : vector<16xi32>
      %gather3A_683 = tpu.vector_load_idx %arg11[%add3A_682] : memref<32768xf32, #tpu.memory_space<vmem>>[vector<16xi32>], vector<16xf32>,
      %add3A_684 = arith.constant 51 : i32
      %add3A_685 = vector.broadcast %add3A_684 : i32 to vector<16xi32>
      %add3A_686 = arith.addi %add3A_165, %add3A_685 : vector<16xi32>
      %gather3A_687 = tpu.vector_load_idx %arg12[%add3A_686] : memref<32768xf32, #tpu.memory_space<vmem>>[vector<16xi32>], vector<16xf32>,
      %mul3A_688 = arith.mulf %gather3A_683, %gather3A_687 : vector<16xf32>
      %add3A_689 = arith.addf %add3A_679, %mul3A_688 : vector<16xf32>
      %add3A_690 = arith.constant 52 : i32
      %add3A_691 = vector.broadcast %add3A_690 : i32 to vector<16xi32>
      %add3A_692 = arith.addi %add3A_156, %add3A_691 : vector<16xi32>
      %gather3A_693 = tpu.vector_load_idx %arg11[%add3A_692] : memref<32768xf32, #tpu.memory_space<vmem>>[vector<16xi32>], vector<16xf32>,
      %add3A_694 = arith.constant 52 : i32
      %add3A_695 = vector.broadcast %add3A_694 : i32 to vector<16xi32>
      %add3A_696 = arith.addi %add3A_165, %add3A_695 : vector<16xi32>
      %gather3A_697 = tpu.vector_load_idx %arg12[%add3A_696] : memref<32768xf32, #tpu.memory_space<vmem>>[vector<16xi32>], vector<16xf32>,
      %mul3A_698 = arith.mulf %gather3A_693, %gather3A_697 : vector<16xf32>
      %add3A_699 = arith.addf %add3A_689, %mul3A_698 : vector<16xf32>
      %add3A_700 = arith.constant 53 : i32
      %add3A_701 = vector.broadcast %add3A_700 : i32 to vector<16xi32>
      %add3A_702 = arith.addi %add3A_156, %add3A_701 : vector<16xi32>
      %gather3A_703 = tpu.vector_load_idx %arg11[%add3A_702] : memref<32768xf32, #tpu.memory_space<vmem>>[vector<16xi32>], vector<16xf32>,
      %add3A_704 = arith.constant 53 : i32
      %add3A_705 = vector.broadcast %add3A_704 : i32 to vector<16xi32>
      %add3A_706 = arith.addi %add3A_165, %add3A_705 : vector<16xi32>
      %gather3A_707 = tpu.vector_load_idx %arg12[%add3A_706] : memref<32768xf32, #tpu.memory_space<vmem>>[vector<16xi32>], vector<16xf32>,
      %mul3A_708 = arith.mulf %gather3A_703, %gather3A_707 : vector<16xf32>
      %add3A_709 = arith.addf %add3A_699, %mul3A_708 : vector<16xf32>
      %add3A_710 = arith.constant 54 : i32
      %add3A_711 = vector.broadcast %add3A_710 : i32 to vector<16xi32>
      %add3A_712 = arith.addi %add3A_156, %add3A_711 : vector<16xi32>
      %gather3A_713 = tpu.vector_load_idx %arg11[%add3A_712] : memref<32768xf32, #tpu.memory_space<vmem>>[vector<16xi32>], vector<16xf32>,
      %add3A_714 = arith.constant 54 : i32
      %add3A_715 = vector.broadcast %add3A_714 : i32 to vector<16xi32>
      %add3A_716 = arith.addi %add3A_165, %add3A_715 : vector<16xi32>
      %gather3A_717 = tpu.vector_load_idx %arg12[%add3A_716] : memref<32768xf32, #tpu.memory_space<vmem>>[vector<16xi32>], vector<16xf32>,
      %mul3A_718 = arith.mulf %gather3A_713, %gather3A_717 : vector<16xf32>
      %add3A_719 = arith.addf %add3A_709, %mul3A_718 : vector<16xf32>
      %add3A_720 = arith.constant 55 : i32
      %add3A_721 = vector.broadcast %add3A_720 : i32 to vector<16xi32>
      %add3A_722 = arith.addi %add3A_156, %add3A_721 : vector<16xi32>
      %gather3A_723 = tpu.vector_load_idx %arg11[%add3A_722] : memref<32768xf32, #tpu.memory_space<vmem>>[vector<16xi32>], vector<16xf32>,
      %add3A_724 = arith.constant 55 : i32
      %add3A_725 = vector.broadcast %add3A_724 : i32 to vector<16xi32>
      %add3A_726 = arith.addi %add3A_165, %add3A_725 : vector<16xi32>
      %gather3A_727 = tpu.vector_load_idx %arg12[%add3A_726] : memref<32768xf32, #tpu.memory_space<vmem>>[vector<16xi32>], vector<16xf32>,
      %mul3A_728 = arith.mulf %gather3A_723, %gather3A_727 : vector<16xf32>
      %add3A_729 = arith.addf %add3A_719, %mul3A_728 : vector<16xf32>
      %add3A_730 = arith.constant 56 : i32
      %add3A_731 = vector.broadcast %add3A_730 : i32 to vector<16xi32>
      %add3A_732 = arith.addi %add3A_156, %add3A_731 : vector<16xi32>
      %gather3A_733 = tpu.vector_load_idx %arg11[%add3A_732] : memref<32768xf32, #tpu.memory_space<vmem>>[vector<16xi32>], vector<16xf32>,
      %add3A_734 = arith.constant 56 : i32
      %add3A_735 = vector.broadcast %add3A_734 : i32 to vector<16xi32>
      %add3A_736 = arith.addi %add3A_165, %add3A_735 : vector<16xi32>
      %gather3A_737 = tpu.vector_load_idx %arg12[%add3A_736] : memref<32768xf32, #tpu.memory_space<vmem>>[vector<16xi32>], vector<16xf32>,
      %mul3A_738 = arith.mulf %gather3A_733, %gather3A_737 : vector<16xf32>
      %add3A_739 = arith.addf %add3A_729, %mul3A_738 : vector<16xf32>
      %add3A_740 = arith.constant 57 : i32
      %add3A_741 = vector.broadcast %add3A_740 : i32 to vector<16xi32>
      %add3A_742 = arith.addi %add3A_156, %add3A_741 : vector<16xi32>
      %gather3A_743 = tpu.vector_load_idx %arg11[%add3A_742] : memref<32768xf32, #tpu.memory_space<vmem>>[vector<16xi32>], vector<16xf32>,
      %add3A_744 = arith.constant 57 : i32
      %add3A_745 = vector.broadcast %add3A_744 : i32 to vector<16xi32>
      %add3A_746 = arith.addi %add3A_165, %add3A_745 : vector<16xi32>
      %gather3A_747 = tpu.vector_load_idx %arg12[%add3A_746] : memref<32768xf32, #tpu.memory_space<vmem>>[vector<16xi32>], vector<16xf32>,
      %mul3A_748 = arith.mulf %gather3A_743, %gather3A_747 : vector<16xf32>
      %add3A_749 = arith.addf %add3A_739, %mul3A_748 : vector<16xf32>
      %add3A_750 = arith.constant 58 : i32
      %add3A_751 = vector.broadcast %add3A_750 : i32 to vector<16xi32>
      %add3A_752 = arith.addi %add3A_156, %add3A_751 : vector<16xi32>
      %gather3A_753 = tpu.vector_load_idx %arg11[%add3A_752] : memref<32768xf32, #tpu.memory_space<vmem>>[vector<16xi32>], vector<16xf32>,
      %add3A_754 = arith.constant 58 : i32
      %add3A_755 = vector.broadcast %add3A_754 : i32 to vector<16xi32>
      %add3A_756 = arith.addi %add3A_165, %add3A_755 : vector<16xi32>
      %gather3A_757 = tpu.vector_load_idx %arg12[%add3A_756] : memref<32768xf32, #tpu.memory_space<vmem>>[vector<16xi32>], vector<16xf32>,
      %mul3A_758 = arith.mulf %gather3A_753, %gather3A_757 : vector<16xf32>
      %add3A_759 = arith.addf %add3A_749, %mul3A_758 : vector<16xf32>
      %add3A_760 = arith.constant 59 : i32
      %add3A_761 = vector.broadcast %add3A_760 : i32 to vector<16xi32>
      %add3A_762 = arith.addi %add3A_156, %add3A_761 : vector<16xi32>
      %gather3A_763 = tpu.vector_load_idx %arg11[%add3A_762] : memref<32768xf32, #tpu.memory_space<vmem>>[vector<16xi32>], vector<16xf32>,
      %add3A_764 = arith.constant 59 : i32
      %add3A_765 = vector.broadcast %add3A_764 : i32 to vector<16xi32>
      %add3A_766 = arith.addi %add3A_165, %add3A_765 : vector<16xi32>
      %gather3A_767 = tpu.vector_load_idx %arg12[%add3A_766] : memref<32768xf32, #tpu.memory_space<vmem>>[vector<16xi32>], vector<16xf32>,
      %mul3A_768 = arith.mulf %gather3A_763, %gather3A_767 : vector<16xf32>
      %add3A_769 = arith.addf %add3A_759, %mul3A_768 : vector<16xf32>
      %add3A_770 = arith.constant 60 : i32
      %add3A_771 = vector.broadcast %add3A_770 : i32 to vector<16xi32>
      %add3A_772 = arith.addi %add3A_156, %add3A_771 : vector<16xi32>
      %gather3A_773 = tpu.vector_load_idx %arg11[%add3A_772] : memref<32768xf32, #tpu.memory_space<vmem>>[vector<16xi32>], vector<16xf32>,
      %add3A_774 = arith.constant 60 : i32
      %add3A_775 = vector.broadcast %add3A_774 : i32 to vector<16xi32>
      %add3A_776 = arith.addi %add3A_165, %add3A_775 : vector<16xi32>
      %gather3A_777 = tpu.vector_load_idx %arg12[%add3A_776] : memref<32768xf32, #tpu.memory_space<vmem>>[vector<16xi32>], vector<16xf32>,
      %mul3A_778 = arith.mulf %gather3A_773, %gather3A_777 : vector<16xf32>
      %add3A_779 = arith.addf %add3A_769, %mul3A_778 : vector<16xf32>
      %add3A_780 = arith.constant 61 : i32
      %add3A_781 = vector.broadcast %add3A_780 : i32 to vector<16xi32>
      %add3A_782 = arith.addi %add3A_156, %add3A_781 : vector<16xi32>
      %gather3A_783 = tpu.vector_load_idx %arg11[%add3A_782] : memref<32768xf32, #tpu.memory_space<vmem>>[vector<16xi32>], vector<16xf32>,
      %add3A_784 = arith.constant 61 : i32
      %add3A_785 = vector.broadcast %add3A_784 : i32 to vector<16xi32>
      %add3A_786 = arith.addi %add3A_165, %add3A_785 : vector<16xi32>
      %gather3A_787 = tpu.vector_load_idx %arg12[%add3A_786] : memref<32768xf32, #tpu.memory_space<vmem>>[vector<16xi32>], vector<16xf32>,
      %mul3A_788 = arith.mulf %gather3A_783, %gather3A_787 : vector<16xf32>
      %add3A_789 = arith.addf %add3A_779, %mul3A_788 : vector<16xf32>
      %add3A_790 = arith.constant 62 : i32
      %add3A_791 = vector.broadcast %add3A_790 : i32 to vector<16xi32>
      %add3A_792 = arith.addi %add3A_156, %add3A_791 : vector<16xi32>
      %gather3A_793 = tpu.vector_load_idx %arg11[%add3A_792] : memref<32768xf32, #tpu.memory_space<vmem>>[vector<16xi32>], vector<16xf32>,
      %add3A_794 = arith.constant 62 : i32
      %add3A_795 = vector.broadcast %add3A_794 : i32 to vector<16xi32>
      %add3A_796 = arith.addi %add3A_165, %add3A_795 : vector<16xi32>
      %gather3A_797 = tpu.vector_load_idx %arg12[%add3A_796] : memref<32768xf32, #tpu.memory_space<vmem>>[vector<16xi32>], vector<16xf32>,
      %mul3A_798 = arith.mulf %gather3A_793, %gather3A_797 : vector<16xf32>
      %add3A_799 = arith.addf %add3A_789, %mul3A_798 : vector<16xf32>
      %add3A_800 = arith.constant 63 : i32
      %add3A_801 = vector.broadcast %add3A_800 : i32 to vector<16xi32>
      %add3A_802 = arith.addi %add3A_156, %add3A_801 : vector<16xi32>
      %gather3A_803 = tpu.vector_load_idx %arg11[%add3A_802] : memref<32768xf32, #tpu.memory_space<vmem>>[vector<16xi32>], vector<16xf32>,
      %add3A_804 = arith.constant 63 : i32
      %add3A_805 = vector.broadcast %add3A_804 : i32 to vector<16xi32>
      %add3A_806 = arith.addi %add3A_165, %add3A_805 : vector<16xi32>
      %gather3A_807 = tpu.vector_load_idx %arg12[%add3A_806] : memref<32768xf32, #tpu.memory_space<vmem>>[vector<16xi32>], vector<16xf32>,
      %mul3A_808 = arith.mulf %gather3A_803, %gather3A_807 : vector<16xf32>
      %add3A_809 = arith.addf %add3A_799, %mul3A_808 : vector<16xf32>
      %swap3A = arith.index_cast %add3A_144 : i32 to index
      %swap3A_810 = tpu.vector_load %arg15[%swap3A] {strides = array<i32>} : memref<512xf32, #tpu.memory_space<vmem>>, vector<16xf32>,
      tpu.vector_store %arg15[%swap3A], %add3A_809 {strides = array<i32>} : memref<512xf32, #tpu.memory_space<vmem>>, vector<16xf32>,
      %scan3A_811 = arith.constant 0 : i32
      scf.yield %scan3A_811 : i32
    }
    %scan3A_116 = arith.constant 16 : i32
    %scan3A_117 = arith.constant 0 : i32
    %scan3A_118 = arith.constant 0 : i32
    %scan3A_119 = arith.constant 16 : i32
    %scan3A_120 = arith.addi %scan3A_118, %scan3A_119 : i32
    %scan3A_121 = arith.constant 1 : i32
    %scan3A_122 = scf.for %scan3A_138 = %scan3A_118 to %scan3A_120 step %scan3A_121 iter_args(%scan3A_139 = %scan3A_117) -> (i32)  : i32 {
      %mul3A_140 = arith.constant 16 : i32
      %mul3A_141 = arith.muli %scan3A_138, %mul3A_140 : i32
      %multiple_of3A_142 = tpu.assume_multiple %mul3A_141, 16 : i32
      %add3A_143 = arith.constant 256 : i32
      %add3A_144 = arith.addi %add3A_143, %multiple_of3A_142 : i32
      %get3A = arith.index_cast %add3A_144 : i32 to index
      %get3A_145 = tpu.vector_load %arg9[%get3A] {strides = array<i32>} : memref<512xi32, #tpu.memory_space<vmem>>, vector<16xi32>,
      %shift_right_logical3A = arith.constant 1 : i32
      %shift_right_logical3A_146 = vector.broadcast %shift_right_logical3A : i32 to vector<16xi32>
      %shift_right_logical3A_147 = arith.shrui %get3A_145, %shift_right_logical3A_146 : vector<16xi32>
      %mul3A_148 = arith.constant 128 : i32
      %mul3A_149 = vector.broadcast %mul3A_148 : i32 to vector<16xi32>
      %mul3A_150 = arith.muli %shift_right_logical3A_147, %mul3A_149 : vector<16xi32>
      %get3A_151 = arith.index_cast %add3A_144 : i32 to index
      %get3A_152 = tpu.vector_load %arg10[%get3A_151] {strides = array<i32>} : memref<512xi32, #tpu.memory_space<vmem>>, vector<16xi32>,
      %shift_right_logical3A_153 = arith.constant 1 : i32
      %shift_right_logical3A_154 = vector.broadcast %shift_right_logical3A_153 : i32 to vector<16xi32>
      %shift_right_logical3A_155 = arith.shrui %get3A_152, %shift_right_logical3A_154 : vector<16xi32>
      %mul3A_156 = arith.constant 128 : i32
      %mul3A_157 = vector.broadcast %mul3A_156 : i32 to vector<16xi32>
      %mul3A_158 = arith.muli %shift_right_logical3A_155, %mul3A_157 : vector<16xi32>
      %add3A_159 = arith.constant 0 : i32
      %add3A_160 = arith.addi %multiple_of3A_142, %add3A_159 : i32
      %mul3A_161 = arith.constant 128 : i32
      %mul3A_162 = arith.muli %add3A_160, %mul3A_161 : i32
      %slice3A = vector.extract_strided_slice %mul3A_150 {offsets = [0], sizes = [1], strides = [1]} : vector<16xi32> to vector<1xi32>
      %squeeze3A = vector.extract %slice3A[0] : i32 from vector<1xi32>
      %multiple_of3A_163 = tpu.assume_multiple %squeeze3A, 128 : i32
      %slice3A_164 = vector.extract_strided_slice %mul3A_158 {offsets = [0], sizes = [1], strides = [1]} : vector<16xi32> to vector<1xi32>
      %squeeze3A_165 = vector.extract %slice3A_164[0] : i32 from vector<1xi32>
      %multiple_of3A_166 = tpu.assume_multiple %squeeze3A_165, 128 : i32
      %dma_start3A_167 = tpu.memref_slice %arg11[%mul3A_162] : memref<32768xf32, #tpu.memory_space<vmem>> -> memref<128xf32, #tpu.memory_space<vmem>>
      %dma_start3A_168 = tpu.memref_slice %arg4[%multiple_of3A_163] : memref<64000000xf32, #tpu.memory_space<hbm>> -> memref<128xf32, #tpu.memory_space<hbm>>
      %dma_start3A_169 = tpu.memref_slice %arg11[%mul3A_162] : memref<32768xf32, #tpu.memory_space<vmem>> -> memref<128xf32, #tpu.memory_space<vmem>>
      %dma_start3A_170 = tpu.memref_slice %arg4[%multiple_of3A_163] : memref<64000000xf32, #tpu.memory_space<hbm>> -> memref<128xf32, #tpu.memory_space<hbm>>
      tpu.enqueue_dma source(%dma_start3A_170 : memref<128xf32, #tpu.memory_space<hbm>>) target(%dma_start3A_169 : memref<128xf32, #tpu.memory_space<vmem>>) target_semaphore(%arg16 : memref<!tpu.dma_semaphore, #tpu.memory_space<semaphore_mem>>)
      %dma_start3A_171 = tpu.memref_slice %arg12[%mul3A_162] : memref<32768xf32, #tpu.memory_space<vmem>> -> memref<128xf32, #tpu.memory_space<vmem>>
      %dma_start3A_172 = tpu.memref_slice %arg5[%multiple_of3A_166] : memref<64000000xf32, #tpu.memory_space<hbm>> -> memref<128xf32, #tpu.memory_space<hbm>>
      %dma_start3A_173 = tpu.memref_slice %arg12[%mul3A_162] : memref<32768xf32, #tpu.memory_space<vmem>> -> memref<128xf32, #tpu.memory_space<vmem>>
      %dma_start3A_174 = tpu.memref_slice %arg5[%multiple_of3A_166] : memref<64000000xf32, #tpu.memory_space<hbm>> -> memref<128xf32, #tpu.memory_space<hbm>>
      tpu.enqueue_dma source(%dma_start3A_174 : memref<128xf32, #tpu.memory_space<hbm>>) target(%dma_start3A_173 : memref<128xf32, #tpu.memory_space<vmem>>) target_semaphore(%arg16 : memref<!tpu.dma_semaphore, #tpu.memory_space<semaphore_mem>>)
      %add3A_175 = arith.constant 1 : i32
      %add3A_176 = arith.addi %multiple_of3A_142, %add3A_175 : i32
      %mul3A_177 = arith.constant 128 : i32
      %mul3A_178 = arith.muli %add3A_176, %mul3A_177 : i32
      %slice3A_179 = vector.extract_strided_slice %mul3A_150 {offsets = [1], sizes = [1], strides = [1]} : vector<16xi32> to vector<1xi32>
      %squeeze3A_180 = vector.extract %slice3A_179[0] : i32 from vector<1xi32>
      %multiple_of3A_181 = tpu.assume_multiple %squeeze3A_180, 128 : i32
      %slice3A_182 = vector.extract_strided_slice %mul3A_158 {offsets = [1], sizes = [1], strides = [1]} : vector<16xi32> to vector<1xi32>
      %squeeze3A_183 = vector.extract %slice3A_182[0] : i32 from vector<1xi32>
      %multiple_of3A_184 = tpu.assume_multiple %squeeze3A_183, 128 : i32
      %dma_start3A_185 = tpu.memref_slice %arg11[%mul3A_178] : memref<32768xf32, #tpu.memory_space<vmem>> -> memref<128xf32, #tpu.memory_space<vmem>>
      %dma_start3A_186 = tpu.memref_slice %arg4[%multiple_of3A_181] : memref<64000000xf32, #tpu.memory_space<hbm>> -> memref<128xf32, #tpu.memory_space<hbm>>
      %dma_start3A_187 = tpu.memref_slice %arg11[%mul3A_178] : memref<32768xf32, #tpu.memory_space<vmem>> -> memref<128xf32, #tpu.memory_space<vmem>>
      %dma_start3A_188 = tpu.memref_slice %arg4[%multiple_of3A_181] : memref<64000000xf32, #tpu.memory_space<hbm>> -> memref<128xf32, #tpu.memory_space<hbm>>
      tpu.enqueue_dma source(%dma_start3A_188 : memref<128xf32, #tpu.memory_space<hbm>>) target(%dma_start3A_187 : memref<128xf32, #tpu.memory_space<vmem>>) target_semaphore(%arg16 : memref<!tpu.dma_semaphore, #tpu.memory_space<semaphore_mem>>)
      %dma_start3A_189 = tpu.memref_slice %arg12[%mul3A_178] : memref<32768xf32, #tpu.memory_space<vmem>> -> memref<128xf32, #tpu.memory_space<vmem>>
      %dma_start3A_190 = tpu.memref_slice %arg5[%multiple_of3A_184] : memref<64000000xf32, #tpu.memory_space<hbm>> -> memref<128xf32, #tpu.memory_space<hbm>>
      %dma_start3A_191 = tpu.memref_slice %arg12[%mul3A_178] : memref<32768xf32, #tpu.memory_space<vmem>> -> memref<128xf32, #tpu.memory_space<vmem>>
      %dma_start3A_192 = tpu.memref_slice %arg5[%multiple_of3A_184] : memref<64000000xf32, #tpu.memory_space<hbm>> -> memref<128xf32, #tpu.memory_space<hbm>>
      tpu.enqueue_dma source(%dma_start3A_192 : memref<128xf32, #tpu.memory_space<hbm>>) target(%dma_start3A_191 : memref<128xf32, #tpu.memory_space<vmem>>) target_semaphore(%arg16 : memref<!tpu.dma_semaphore, #tpu.memory_space<semaphore_mem>>)
      %add3A_193 = arith.constant 2 : i32
      %add3A_194 = arith.addi %multiple_of3A_142, %add3A_193 : i32
      %mul3A_195 = arith.constant 128 : i32
      %mul3A_196 = arith.muli %add3A_194, %mul3A_195 : i32
      %slice3A_197 = vector.extract_strided_slice %mul3A_150 {offsets = [2], sizes = [1], strides = [1]} : vector<16xi32> to vector<1xi32>
      %squeeze3A_198 = vector.extract %slice3A_197[0] : i32 from vector<1xi32>
      %multiple_of3A_199 = tpu.assume_multiple %squeeze3A_198, 128 : i32
      %slice3A_200 = vector.extract_strided_slice %mul3A_158 {offsets = [2], sizes = [1], strides = [1]} : vector<16xi32> to vector<1xi32>
      %squeeze3A_201 = vector.extract %slice3A_200[0] : i32 from vector<1xi32>
      %multiple_of3A_202 = tpu.assume_multiple %squeeze3A_201, 128 : i32
      %dma_start3A_203 = tpu.memref_slice %arg11[%mul3A_196] : memref<32768xf32, #tpu.memory_space<vmem>> -> memref<128xf32, #tpu.memory_space<vmem>>
      %dma_start3A_204 = tpu.memref_slice %arg4[%multiple_of3A_199] : memref<64000000xf32, #tpu.memory_space<hbm>> -> memref<128xf32, #tpu.memory_space<hbm>>
      %dma_start3A_205 = tpu.memref_slice %arg11[%mul3A_196] : memref<32768xf32, #tpu.memory_space<vmem>> -> memref<128xf32, #tpu.memory_space<vmem>>
      %dma_start3A_206 = tpu.memref_slice %arg4[%multiple_of3A_199] : memref<64000000xf32, #tpu.memory_space<hbm>> -> memref<128xf32, #tpu.memory_space<hbm>>
      tpu.enqueue_dma source(%dma_start3A_206 : memref<128xf32, #tpu.memory_space<hbm>>) target(%dma_start3A_205 : memref<128xf32, #tpu.memory_space<vmem>>) target_semaphore(%arg16 : memref<!tpu.dma_semaphore, #tpu.memory_space<semaphore_mem>>)
      %dma_start3A_207 = tpu.memref_slice %arg12[%mul3A_196] : memref<32768xf32, #tpu.memory_space<vmem>> -> memref<128xf32, #tpu.memory_space<vmem>>
      %dma_start3A_208 = tpu.memref_slice %arg5[%multiple_of3A_202] : memref<64000000xf32, #tpu.memory_space<hbm>> -> memref<128xf32, #tpu.memory_space<hbm>>
      %dma_start3A_209 = tpu.memref_slice %arg12[%mul3A_196] : memref<32768xf32, #tpu.memory_space<vmem>> -> memref<128xf32, #tpu.memory_space<vmem>>
      %dma_start3A_210 = tpu.memref_slice %arg5[%multiple_of3A_202] : memref<64000000xf32, #tpu.memory_space<hbm>> -> memref<128xf32, #tpu.memory_space<hbm>>
      tpu.enqueue_dma source(%dma_start3A_210 : memref<128xf32, #tpu.memory_space<hbm>>) target(%dma_start3A_209 : memref<128xf32, #tpu.memory_space<vmem>>) target_semaphore(%arg16 : memref<!tpu.dma_semaphore, #tpu.memory_space<semaphore_mem>>)
      %add3A_211 = arith.constant 3 : i32
      %add3A_212 = arith.addi %multiple_of3A_142, %add3A_211 : i32
      %mul3A_213 = arith.constant 128 : i32
      %mul3A_214 = arith.muli %add3A_212, %mul3A_213 : i32
      %slice3A_215 = vector.extract_strided_slice %mul3A_150 {offsets = [3], sizes = [1], strides = [1]} : vector<16xi32> to vector<1xi32>
      %squeeze3A_216 = vector.extract %slice3A_215[0] : i32 from vector<1xi32>
      %multiple_of3A_217 = tpu.assume_multiple %squeeze3A_216, 128 : i32
      %slice3A_218 = vector.extract_strided_slice %mul3A_158 {offsets = [3], sizes = [1], strides = [1]} : vector<16xi32> to vector<1xi32>
      %squeeze3A_219 = vector.extract %slice3A_218[0] : i32 from vector<1xi32>
      %multiple_of3A_220 = tpu.assume_multiple %squeeze3A_219, 128 : i32
      %dma_start3A_221 = tpu.memref_slice %arg11[%mul3A_214] : memref<32768xf32, #tpu.memory_space<vmem>> -> memref<128xf32, #tpu.memory_space<vmem>>
      %dma_start3A_222 = tpu.memref_slice %arg4[%multiple_of3A_217] : memref<64000000xf32, #tpu.memory_space<hbm>> -> memref<128xf32, #tpu.memory_space<hbm>>
      %dma_start3A_223 = tpu.memref_slice %arg11[%mul3A_214] : memref<32768xf32, #tpu.memory_space<vmem>> -> memref<128xf32, #tpu.memory_space<vmem>>
      %dma_start3A_224 = tpu.memref_slice %arg4[%multiple_of3A_217] : memref<64000000xf32, #tpu.memory_space<hbm>> -> memref<128xf32, #tpu.memory_space<hbm>>
      tpu.enqueue_dma source(%dma_start3A_224 : memref<128xf32, #tpu.memory_space<hbm>>) target(%dma_start3A_223 : memref<128xf32, #tpu.memory_space<vmem>>) target_semaphore(%arg16 : memref<!tpu.dma_semaphore, #tpu.memory_space<semaphore_mem>>)
      %dma_start3A_225 = tpu.memref_slice %arg12[%mul3A_214] : memref<32768xf32, #tpu.memory_space<vmem>> -> memref<128xf32, #tpu.memory_space<vmem>>
      %dma_start3A_226 = tpu.memref_slice %arg5[%multiple_of3A_220] : memref<64000000xf32, #tpu.memory_space<hbm>> -> memref<128xf32, #tpu.memory_space<hbm>>
      %dma_start3A_227 = tpu.memref_slice %arg12[%mul3A_214] : memref<32768xf32, #tpu.memory_space<vmem>> -> memref<128xf32, #tpu.memory_space<vmem>>
      %dma_start3A_228 = tpu.memref_slice %arg5[%multiple_of3A_220] : memref<64000000xf32, #tpu.memory_space<hbm>> -> memref<128xf32, #tpu.memory_space<hbm>>
      tpu.enqueue_dma source(%dma_start3A_228 : memref<128xf32, #tpu.memory_space<hbm>>) target(%dma_start3A_227 : memref<128xf32, #tpu.memory_space<vmem>>) target_semaphore(%arg16 : memref<!tpu.dma_semaphore, #tpu.memory_space<semaphore_mem>>)
      %add3A_229 = arith.constant 4 : i32
      %add3A_230 = arith.addi %multiple_of3A_142, %add3A_229 : i32
      %mul3A_231 = arith.constant 128 : i32
      %mul3A_232 = arith.muli %add3A_230, %mul3A_231 : i32
      %slice3A_233 = vector.extract_strided_slice %mul3A_150 {offsets = [4], sizes = [1], strides = [1]} : vector<16xi32> to vector<1xi32>
      %squeeze3A_234 = vector.extract %slice3A_233[0] : i32 from vector<1xi32>
      %multiple_of3A_235 = tpu.assume_multiple %squeeze3A_234, 128 : i32
      %slice3A_236 = vector.extract_strided_slice %mul3A_158 {offsets = [4], sizes = [1], strides = [1]} : vector<16xi32> to vector<1xi32>
      %squeeze3A_237 = vector.extract %slice3A_236[0] : i32 from vector<1xi32>
      %multiple_of3A_238 = tpu.assume_multiple %squeeze3A_237, 128 : i32
      %dma_start3A_239 = tpu.memref_slice %arg11[%mul3A_232] : memref<32768xf32, #tpu.memory_space<vmem>> -> memref<128xf32, #tpu.memory_space<vmem>>
      %dma_start3A_240 = tpu.memref_slice %arg4[%multiple_of3A_235] : memref<64000000xf32, #tpu.memory_space<hbm>> -> memref<128xf32, #tpu.memory_space<hbm>>
      %dma_start3A_241 = tpu.memref_slice %arg11[%mul3A_232] : memref<32768xf32, #tpu.memory_space<vmem>> -> memref<128xf32, #tpu.memory_space<vmem>>
      %dma_start3A_242 = tpu.memref_slice %arg4[%multiple_of3A_235] : memref<64000000xf32, #tpu.memory_space<hbm>> -> memref<128xf32, #tpu.memory_space<hbm>>
      tpu.enqueue_dma source(%dma_start3A_242 : memref<128xf32, #tpu.memory_space<hbm>>) target(%dma_start3A_241 : memref<128xf32, #tpu.memory_space<vmem>>) target_semaphore(%arg16 : memref<!tpu.dma_semaphore, #tpu.memory_space<semaphore_mem>>)
      %dma_start3A_243 = tpu.memref_slice %arg12[%mul3A_232] : memref<32768xf32, #tpu.memory_space<vmem>> -> memref<128xf32, #tpu.memory_space<vmem>>
      %dma_start3A_244 = tpu.memref_slice %arg5[%multiple_of3A_238] : memref<64000000xf32, #tpu.memory_space<hbm>> -> memref<128xf32, #tpu.memory_space<hbm>>
      %dma_start3A_245 = tpu.memref_slice %arg12[%mul3A_232] : memref<32768xf32, #tpu.memory_space<vmem>> -> memref<128xf32, #tpu.memory_space<vmem>>
      %dma_start3A_246 = tpu.memref_slice %arg5[%multiple_of3A_238] : memref<64000000xf32, #tpu.memory_space<hbm>> -> memref<128xf32, #tpu.memory_space<hbm>>
      tpu.enqueue_dma source(%dma_start3A_246 : memref<128xf32, #tpu.memory_space<hbm>>) target(%dma_start3A_245 : memref<128xf32, #tpu.memory_space<vmem>>) target_semaphore(%arg16 : memref<!tpu.dma_semaphore, #tpu.memory_space<semaphore_mem>>)
      %add3A_247 = arith.constant 5 : i32
      %add3A_248 = arith.addi %multiple_of3A_142, %add3A_247 : i32
      %mul3A_249 = arith.constant 128 : i32
      %mul3A_250 = arith.muli %add3A_248, %mul3A_249 : i32
      %slice3A_251 = vector.extract_strided_slice %mul3A_150 {offsets = [5], sizes = [1], strides = [1]} : vector<16xi32> to vector<1xi32>
      %squeeze3A_252 = vector.extract %slice3A_251[0] : i32 from vector<1xi32>
      %multiple_of3A_253 = tpu.assume_multiple %squeeze3A_252, 128 : i32
      %slice3A_254 = vector.extract_strided_slice %mul3A_158 {offsets = [5], sizes = [1], strides = [1]} : vector<16xi32> to vector<1xi32>
      %squeeze3A_255 = vector.extract %slice3A_254[0] : i32 from vector<1xi32>
      %multiple_of3A_256 = tpu.assume_multiple %squeeze3A_255, 128 : i32
      %dma_start3A_257 = tpu.memref_slice %arg11[%mul3A_250] : memref<32768xf32, #tpu.memory_space<vmem>> -> memref<128xf32, #tpu.memory_space<vmem>>
      %dma_start3A_258 = tpu.memref_slice %arg4[%multiple_of3A_253] : memref<64000000xf32, #tpu.memory_space<hbm>> -> memref<128xf32, #tpu.memory_space<hbm>>
      %dma_start3A_259 = tpu.memref_slice %arg11[%mul3A_250] : memref<32768xf32, #tpu.memory_space<vmem>> -> memref<128xf32, #tpu.memory_space<vmem>>
      %dma_start3A_260 = tpu.memref_slice %arg4[%multiple_of3A_253] : memref<64000000xf32, #tpu.memory_space<hbm>> -> memref<128xf32, #tpu.memory_space<hbm>>
      tpu.enqueue_dma source(%dma_start3A_260 : memref<128xf32, #tpu.memory_space<hbm>>) target(%dma_start3A_259 : memref<128xf32, #tpu.memory_space<vmem>>) target_semaphore(%arg16 : memref<!tpu.dma_semaphore, #tpu.memory_space<semaphore_mem>>)
      %dma_start3A_261 = tpu.memref_slice %arg12[%mul3A_250] : memref<32768xf32, #tpu.memory_space<vmem>> -> memref<128xf32, #tpu.memory_space<vmem>>
      %dma_start3A_262 = tpu.memref_slice %arg5[%multiple_of3A_256] : memref<64000000xf32, #tpu.memory_space<hbm>> -> memref<128xf32, #tpu.memory_space<hbm>>
      %dma_start3A_263 = tpu.memref_slice %arg12[%mul3A_250] : memref<32768xf32, #tpu.memory_space<vmem>> -> memref<128xf32, #tpu.memory_space<vmem>>
      %dma_start3A_264 = tpu.memref_slice %arg5[%multiple_of3A_256] : memref<64000000xf32, #tpu.memory_space<hbm>> -> memref<128xf32, #tpu.memory_space<hbm>>
      tpu.enqueue_dma source(%dma_start3A_264 : memref<128xf32, #tpu.memory_space<hbm>>) target(%dma_start3A_263 : memref<128xf32, #tpu.memory_space<vmem>>) target_semaphore(%arg16 : memref<!tpu.dma_semaphore, #tpu.memory_space<semaphore_mem>>)
      %add3A_265 = arith.constant 6 : i32
      %add3A_266 = arith.addi %multiple_of3A_142, %add3A_265 : i32
      %mul3A_267 = arith.constant 128 : i32
      %mul3A_268 = arith.muli %add3A_266, %mul3A_267 : i32
      %slice3A_269 = vector.extract_strided_slice %mul3A_150 {offsets = [6], sizes = [1], strides = [1]} : vector<16xi32> to vector<1xi32>
      %squeeze3A_270 = vector.extract %slice3A_269[0] : i32 from vector<1xi32>
      %multiple_of3A_271 = tpu.assume_multiple %squeeze3A_270, 128 : i32
      %slice3A_272 = vector.extract_strided_slice %mul3A_158 {offsets = [6], sizes = [1], strides = [1]} : vector<16xi32> to vector<1xi32>
      %squeeze3A_273 = vector.extract %slice3A_272[0] : i32 from vector<1xi32>
      %multiple_of3A_274 = tpu.assume_multiple %squeeze3A_273, 128 : i32
      %dma_start3A_275 = tpu.memref_slice %arg11[%mul3A_268] : memref<32768xf32, #tpu.memory_space<vmem>> -> memref<128xf32, #tpu.memory_space<vmem>>
      %dma_start3A_276 = tpu.memref_slice %arg4[%multiple_of3A_271] : memref<64000000xf32, #tpu.memory_space<hbm>> -> memref<128xf32, #tpu.memory_space<hbm>>
      %dma_start3A_277 = tpu.memref_slice %arg11[%mul3A_268] : memref<32768xf32, #tpu.memory_space<vmem>> -> memref<128xf32, #tpu.memory_space<vmem>>
      %dma_start3A_278 = tpu.memref_slice %arg4[%multiple_of3A_271] : memref<64000000xf32, #tpu.memory_space<hbm>> -> memref<128xf32, #tpu.memory_space<hbm>>
      tpu.enqueue_dma source(%dma_start3A_278 : memref<128xf32, #tpu.memory_space<hbm>>) target(%dma_start3A_277 : memref<128xf32, #tpu.memory_space<vmem>>) target_semaphore(%arg16 : memref<!tpu.dma_semaphore, #tpu.memory_space<semaphore_mem>>)
      %dma_start3A_279 = tpu.memref_slice %arg12[%mul3A_268] : memref<32768xf32, #tpu.memory_space<vmem>> -> memref<128xf32, #tpu.memory_space<vmem>>
      %dma_start3A_280 = tpu.memref_slice %arg5[%multiple_of3A_274] : memref<64000000xf32, #tpu.memory_space<hbm>> -> memref<128xf32, #tpu.memory_space<hbm>>
      %dma_start3A_281 = tpu.memref_slice %arg12[%mul3A_268] : memref<32768xf32, #tpu.memory_space<vmem>> -> memref<128xf32, #tpu.memory_space<vmem>>
      %dma_start3A_282 = tpu.memref_slice %arg5[%multiple_of3A_274] : memref<64000000xf32, #tpu.memory_space<hbm>> -> memref<128xf32, #tpu.memory_space<hbm>>
      tpu.enqueue_dma source(%dma_start3A_282 : memref<128xf32, #tpu.memory_space<hbm>>) target(%dma_start3A_281 : memref<128xf32, #tpu.memory_space<vmem>>) target_semaphore(%arg16 : memref<!tpu.dma_semaphore, #tpu.memory_space<semaphore_mem>>)
      %add3A_283 = arith.constant 7 : i32
      %add3A_284 = arith.addi %multiple_of3A_142, %add3A_283 : i32
      %mul3A_285 = arith.constant 128 : i32
      %mul3A_286 = arith.muli %add3A_284, %mul3A_285 : i32
      %slice3A_287 = vector.extract_strided_slice %mul3A_150 {offsets = [7], sizes = [1], strides = [1]} : vector<16xi32> to vector<1xi32>
      %squeeze3A_288 = vector.extract %slice3A_287[0] : i32 from vector<1xi32>
      %multiple_of3A_289 = tpu.assume_multiple %squeeze3A_288, 128 : i32
      %slice3A_290 = vector.extract_strided_slice %mul3A_158 {offsets = [7], sizes = [1], strides = [1]} : vector<16xi32> to vector<1xi32>
      %squeeze3A_291 = vector.extract %slice3A_290[0] : i32 from vector<1xi32>
      %multiple_of3A_292 = tpu.assume_multiple %squeeze3A_291, 128 : i32
      %dma_start3A_293 = tpu.memref_slice %arg11[%mul3A_286] : memref<32768xf32, #tpu.memory_space<vmem>> -> memref<128xf32, #tpu.memory_space<vmem>>
      %dma_start3A_294 = tpu.memref_slice %arg4[%multiple_of3A_289] : memref<64000000xf32, #tpu.memory_space<hbm>> -> memref<128xf32, #tpu.memory_space<hbm>>
      %dma_start3A_295 = tpu.memref_slice %arg11[%mul3A_286] : memref<32768xf32, #tpu.memory_space<vmem>> -> memref<128xf32, #tpu.memory_space<vmem>>
      %dma_start3A_296 = tpu.memref_slice %arg4[%multiple_of3A_289] : memref<64000000xf32, #tpu.memory_space<hbm>> -> memref<128xf32, #tpu.memory_space<hbm>>
      tpu.enqueue_dma source(%dma_start3A_296 : memref<128xf32, #tpu.memory_space<hbm>>) target(%dma_start3A_295 : memref<128xf32, #tpu.memory_space<vmem>>) target_semaphore(%arg16 : memref<!tpu.dma_semaphore, #tpu.memory_space<semaphore_mem>>)
      %dma_start3A_297 = tpu.memref_slice %arg12[%mul3A_286] : memref<32768xf32, #tpu.memory_space<vmem>> -> memref<128xf32, #tpu.memory_space<vmem>>
      %dma_start3A_298 = tpu.memref_slice %arg5[%multiple_of3A_292] : memref<64000000xf32, #tpu.memory_space<hbm>> -> memref<128xf32, #tpu.memory_space<hbm>>
      %dma_start3A_299 = tpu.memref_slice %arg12[%mul3A_286] : memref<32768xf32, #tpu.memory_space<vmem>> -> memref<128xf32, #tpu.memory_space<vmem>>
      %dma_start3A_300 = tpu.memref_slice %arg5[%multiple_of3A_292] : memref<64000000xf32, #tpu.memory_space<hbm>> -> memref<128xf32, #tpu.memory_space<hbm>>
      tpu.enqueue_dma source(%dma_start3A_300 : memref<128xf32, #tpu.memory_space<hbm>>) target(%dma_start3A_299 : memref<128xf32, #tpu.memory_space<vmem>>) target_semaphore(%arg16 : memref<!tpu.dma_semaphore, #tpu.memory_space<semaphore_mem>>)
      %add3A_301 = arith.constant 8 : i32
      %add3A_302 = arith.addi %multiple_of3A_142, %add3A_301 : i32
      %mul3A_303 = arith.constant 128 : i32
      %mul3A_304 = arith.muli %add3A_302, %mul3A_303 : i32
      %slice3A_305 = vector.extract_strided_slice %mul3A_150 {offsets = [8], sizes = [1], strides = [1]} : vector<16xi32> to vector<1xi32>
      %squeeze3A_306 = vector.extract %slice3A_305[0] : i32 from vector<1xi32>
      %multiple_of3A_307 = tpu.assume_multiple %squeeze3A_306, 128 : i32
      %slice3A_308 = vector.extract_strided_slice %mul3A_158 {offsets = [8], sizes = [1], strides = [1]} : vector<16xi32> to vector<1xi32>
      %squeeze3A_309 = vector.extract %slice3A_308[0] : i32 from vector<1xi32>
      %multiple_of3A_310 = tpu.assume_multiple %squeeze3A_309, 128 : i32
      %dma_start3A_311 = tpu.memref_slice %arg11[%mul3A_304] : memref<32768xf32, #tpu.memory_space<vmem>> -> memref<128xf32, #tpu.memory_space<vmem>>
      %dma_start3A_312 = tpu.memref_slice %arg4[%multiple_of3A_307] : memref<64000000xf32, #tpu.memory_space<hbm>> -> memref<128xf32, #tpu.memory_space<hbm>>
      %dma_start3A_313 = tpu.memref_slice %arg11[%mul3A_304] : memref<32768xf32, #tpu.memory_space<vmem>> -> memref<128xf32, #tpu.memory_space<vmem>>
      %dma_start3A_314 = tpu.memref_slice %arg4[%multiple_of3A_307] : memref<64000000xf32, #tpu.memory_space<hbm>> -> memref<128xf32, #tpu.memory_space<hbm>>
      tpu.enqueue_dma source(%dma_start3A_314 : memref<128xf32, #tpu.memory_space<hbm>>) target(%dma_start3A_313 : memref<128xf32, #tpu.memory_space<vmem>>) target_semaphore(%arg16 : memref<!tpu.dma_semaphore, #tpu.memory_space<semaphore_mem>>)
      %dma_start3A_315 = tpu.memref_slice %arg12[%mul3A_304] : memref<32768xf32, #tpu.memory_space<vmem>> -> memref<128xf32, #tpu.memory_space<vmem>>
      %dma_start3A_316 = tpu.memref_slice %arg5[%multiple_of3A_310] : memref<64000000xf32, #tpu.memory_space<hbm>> -> memref<128xf32, #tpu.memory_space<hbm>>
      %dma_start3A_317 = tpu.memref_slice %arg12[%mul3A_304] : memref<32768xf32, #tpu.memory_space<vmem>> -> memref<128xf32, #tpu.memory_space<vmem>>
      %dma_start3A_318 = tpu.memref_slice %arg5[%multiple_of3A_310] : memref<64000000xf32, #tpu.memory_space<hbm>> -> memref<128xf32, #tpu.memory_space<hbm>>
      tpu.enqueue_dma source(%dma_start3A_318 : memref<128xf32, #tpu.memory_space<hbm>>) target(%dma_start3A_317 : memref<128xf32, #tpu.memory_space<vmem>>) target_semaphore(%arg16 : memref<!tpu.dma_semaphore, #tpu.memory_space<semaphore_mem>>)
      %add3A_319 = arith.constant 9 : i32
      %add3A_320 = arith.addi %multiple_of3A_142, %add3A_319 : i32
      %mul3A_321 = arith.constant 128 : i32
      %mul3A_322 = arith.muli %add3A_320, %mul3A_321 : i32
      %slice3A_323 = vector.extract_strided_slice %mul3A_150 {offsets = [9], sizes = [1], strides = [1]} : vector<16xi32> to vector<1xi32>
      %squeeze3A_324 = vector.extract %slice3A_323[0] : i32 from vector<1xi32>
      %multiple_of3A_325 = tpu.assume_multiple %squeeze3A_324, 128 : i32
      %slice3A_326 = vector.extract_strided_slice %mul3A_158 {offsets = [9], sizes = [1], strides = [1]} : vector<16xi32> to vector<1xi32>
      %squeeze3A_327 = vector.extract %slice3A_326[0] : i32 from vector<1xi32>
      %multiple_of3A_328 = tpu.assume_multiple %squeeze3A_327, 128 : i32
      %dma_start3A_329 = tpu.memref_slice %arg11[%mul3A_322] : memref<32768xf32, #tpu.memory_space<vmem>> -> memref<128xf32, #tpu.memory_space<vmem>>
      %dma_start3A_330 = tpu.memref_slice %arg4[%multiple_of3A_325] : memref<64000000xf32, #tpu.memory_space<hbm>> -> memref<128xf32, #tpu.memory_space<hbm>>
      %dma_start3A_331 = tpu.memref_slice %arg11[%mul3A_322] : memref<32768xf32, #tpu.memory_space<vmem>> -> memref<128xf32, #tpu.memory_space<vmem>>
      %dma_start3A_332 = tpu.memref_slice %arg4[%multiple_of3A_325] : memref<64000000xf32, #tpu.memory_space<hbm>> -> memref<128xf32, #tpu.memory_space<hbm>>
      tpu.enqueue_dma source(%dma_start3A_332 : memref<128xf32, #tpu.memory_space<hbm>>) target(%dma_start3A_331 : memref<128xf32, #tpu.memory_space<vmem>>) target_semaphore(%arg16 : memref<!tpu.dma_semaphore, #tpu.memory_space<semaphore_mem>>)
      %dma_start3A_333 = tpu.memref_slice %arg12[%mul3A_322] : memref<32768xf32, #tpu.memory_space<vmem>> -> memref<128xf32, #tpu.memory_space<vmem>>
      %dma_start3A_334 = tpu.memref_slice %arg5[%multiple_of3A_328] : memref<64000000xf32, #tpu.memory_space<hbm>> -> memref<128xf32, #tpu.memory_space<hbm>>
      %dma_start3A_335 = tpu.memref_slice %arg12[%mul3A_322] : memref<32768xf32, #tpu.memory_space<vmem>> -> memref<128xf32, #tpu.memory_space<vmem>>
      %dma_start3A_336 = tpu.memref_slice %arg5[%multiple_of3A_328] : memref<64000000xf32, #tpu.memory_space<hbm>> -> memref<128xf32, #tpu.memory_space<hbm>>
      tpu.enqueue_dma source(%dma_start3A_336 : memref<128xf32, #tpu.memory_space<hbm>>) target(%dma_start3A_335 : memref<128xf32, #tpu.memory_space<vmem>>) target_semaphore(%arg16 : memref<!tpu.dma_semaphore, #tpu.memory_space<semaphore_mem>>)
      %add3A_337 = arith.constant 10 : i32
      %add3A_338 = arith.addi %multiple_of3A_142, %add3A_337 : i32
      %mul3A_339 = arith.constant 128 : i32
      %mul3A_340 = arith.muli %add3A_338, %mul3A_339 : i32
      %slice3A_341 = vector.extract_strided_slice %mul3A_150 {offsets = [10], sizes = [1], strides = [1]} : vector<16xi32> to vector<1xi32>
      %squeeze3A_342 = vector.extract %slice3A_341[0] : i32 from vector<1xi32>
      %multiple_of3A_343 = tpu.assume_multiple %squeeze3A_342, 128 : i32
      %slice3A_344 = vector.extract_strided_slice %mul3A_158 {offsets = [10], sizes = [1], strides = [1]} : vector<16xi32> to vector<1xi32>
      %squeeze3A_345 = vector.extract %slice3A_344[0] : i32 from vector<1xi32>
      %multiple_of3A_346 = tpu.assume_multiple %squeeze3A_345, 128 : i32
      %dma_start3A_347 = tpu.memref_slice %arg11[%mul3A_340] : memref<32768xf32, #tpu.memory_space<vmem>> -> memref<128xf32, #tpu.memory_space<vmem>>
      %dma_start3A_348 = tpu.memref_slice %arg4[%multiple_of3A_343] : memref<64000000xf32, #tpu.memory_space<hbm>> -> memref<128xf32, #tpu.memory_space<hbm>>
      %dma_start3A_349 = tpu.memref_slice %arg11[%mul3A_340] : memref<32768xf32, #tpu.memory_space<vmem>> -> memref<128xf32, #tpu.memory_space<vmem>>
      %dma_start3A_350 = tpu.memref_slice %arg4[%multiple_of3A_343] : memref<64000000xf32, #tpu.memory_space<hbm>> -> memref<128xf32, #tpu.memory_space<hbm>>
      tpu.enqueue_dma source(%dma_start3A_350 : memref<128xf32, #tpu.memory_space<hbm>>) target(%dma_start3A_349 : memref<128xf32, #tpu.memory_space<vmem>>) target_semaphore(%arg16 : memref<!tpu.dma_semaphore, #tpu.memory_space<semaphore_mem>>)
      %dma_start3A_351 = tpu.memref_slice %arg12[%mul3A_340] : memref<32768xf32, #tpu.memory_space<vmem>> -> memref<128xf32, #tpu.memory_space<vmem>>
      %dma_start3A_352 = tpu.memref_slice %arg5[%multiple_of3A_346] : memref<64000000xf32, #tpu.memory_space<hbm>> -> memref<128xf32, #tpu.memory_space<hbm>>
      %dma_start3A_353 = tpu.memref_slice %arg12[%mul3A_340] : memref<32768xf32, #tpu.memory_space<vmem>> -> memref<128xf32, #tpu.memory_space<vmem>>
      %dma_start3A_354 = tpu.memref_slice %arg5[%multiple_of3A_346] : memref<64000000xf32, #tpu.memory_space<hbm>> -> memref<128xf32, #tpu.memory_space<hbm>>
      tpu.enqueue_dma source(%dma_start3A_354 : memref<128xf32, #tpu.memory_space<hbm>>) target(%dma_start3A_353 : memref<128xf32, #tpu.memory_space<vmem>>) target_semaphore(%arg16 : memref<!tpu.dma_semaphore, #tpu.memory_space<semaphore_mem>>)
      %add3A_355 = arith.constant 11 : i32
      %add3A_356 = arith.addi %multiple_of3A_142, %add3A_355 : i32
      %mul3A_357 = arith.constant 128 : i32
      %mul3A_358 = arith.muli %add3A_356, %mul3A_357 : i32
      %slice3A_359 = vector.extract_strided_slice %mul3A_150 {offsets = [11], sizes = [1], strides = [1]} : vector<16xi32> to vector<1xi32>
      %squeeze3A_360 = vector.extract %slice3A_359[0] : i32 from vector<1xi32>
      %multiple_of3A_361 = tpu.assume_multiple %squeeze3A_360, 128 : i32
      %slice3A_362 = vector.extract_strided_slice %mul3A_158 {offsets = [11], sizes = [1], strides = [1]} : vector<16xi32> to vector<1xi32>
      %squeeze3A_363 = vector.extract %slice3A_362[0] : i32 from vector<1xi32>
      %multiple_of3A_364 = tpu.assume_multiple %squeeze3A_363, 128 : i32
      %dma_start3A_365 = tpu.memref_slice %arg11[%mul3A_358] : memref<32768xf32, #tpu.memory_space<vmem>> -> memref<128xf32, #tpu.memory_space<vmem>>
      %dma_start3A_366 = tpu.memref_slice %arg4[%multiple_of3A_361] : memref<64000000xf32, #tpu.memory_space<hbm>> -> memref<128xf32, #tpu.memory_space<hbm>>
      %dma_start3A_367 = tpu.memref_slice %arg11[%mul3A_358] : memref<32768xf32, #tpu.memory_space<vmem>> -> memref<128xf32, #tpu.memory_space<vmem>>
      %dma_start3A_368 = tpu.memref_slice %arg4[%multiple_of3A_361] : memref<64000000xf32, #tpu.memory_space<hbm>> -> memref<128xf32, #tpu.memory_space<hbm>>
      tpu.enqueue_dma source(%dma_start3A_368 : memref<128xf32, #tpu.memory_space<hbm>>) target(%dma_start3A_367 : memref<128xf32, #tpu.memory_space<vmem>>) target_semaphore(%arg16 : memref<!tpu.dma_semaphore, #tpu.memory_space<semaphore_mem>>)
      %dma_start3A_369 = tpu.memref_slice %arg12[%mul3A_358] : memref<32768xf32, #tpu.memory_space<vmem>> -> memref<128xf32, #tpu.memory_space<vmem>>
      %dma_start3A_370 = tpu.memref_slice %arg5[%multiple_of3A_364] : memref<64000000xf32, #tpu.memory_space<hbm>> -> memref<128xf32, #tpu.memory_space<hbm>>
      %dma_start3A_371 = tpu.memref_slice %arg12[%mul3A_358] : memref<32768xf32, #tpu.memory_space<vmem>> -> memref<128xf32, #tpu.memory_space<vmem>>
      %dma_start3A_372 = tpu.memref_slice %arg5[%multiple_of3A_364] : memref<64000000xf32, #tpu.memory_space<hbm>> -> memref<128xf32, #tpu.memory_space<hbm>>
      tpu.enqueue_dma source(%dma_start3A_372 : memref<128xf32, #tpu.memory_space<hbm>>) target(%dma_start3A_371 : memref<128xf32, #tpu.memory_space<vmem>>) target_semaphore(%arg16 : memref<!tpu.dma_semaphore, #tpu.memory_space<semaphore_mem>>)
      %add3A_373 = arith.constant 12 : i32
      %add3A_374 = arith.addi %multiple_of3A_142, %add3A_373 : i32
      %mul3A_375 = arith.constant 128 : i32
      %mul3A_376 = arith.muli %add3A_374, %mul3A_375 : i32
      %slice3A_377 = vector.extract_strided_slice %mul3A_150 {offsets = [12], sizes = [1], strides = [1]} : vector<16xi32> to vector<1xi32>
      %squeeze3A_378 = vector.extract %slice3A_377[0] : i32 from vector<1xi32>
      %multiple_of3A_379 = tpu.assume_multiple %squeeze3A_378, 128 : i32
      %slice3A_380 = vector.extract_strided_slice %mul3A_158 {offsets = [12], sizes = [1], strides = [1]} : vector<16xi32> to vector<1xi32>
      %squeeze3A_381 = vector.extract %slice3A_380[0] : i32 from vector<1xi32>
      %multiple_of3A_382 = tpu.assume_multiple %squeeze3A_381, 128 : i32
      %dma_start3A_383 = tpu.memref_slice %arg11[%mul3A_376] : memref<32768xf32, #tpu.memory_space<vmem>> -> memref<128xf32, #tpu.memory_space<vmem>>
      %dma_start3A_384 = tpu.memref_slice %arg4[%multiple_of3A_379] : memref<64000000xf32, #tpu.memory_space<hbm>> -> memref<128xf32, #tpu.memory_space<hbm>>
      %dma_start3A_385 = tpu.memref_slice %arg11[%mul3A_376] : memref<32768xf32, #tpu.memory_space<vmem>> -> memref<128xf32, #tpu.memory_space<vmem>>
      %dma_start3A_386 = tpu.memref_slice %arg4[%multiple_of3A_379] : memref<64000000xf32, #tpu.memory_space<hbm>> -> memref<128xf32, #tpu.memory_space<hbm>>
      tpu.enqueue_dma source(%dma_start3A_386 : memref<128xf32, #tpu.memory_space<hbm>>) target(%dma_start3A_385 : memref<128xf32, #tpu.memory_space<vmem>>) target_semaphore(%arg16 : memref<!tpu.dma_semaphore, #tpu.memory_space<semaphore_mem>>)
      %dma_start3A_387 = tpu.memref_slice %arg12[%mul3A_376] : memref<32768xf32, #tpu.memory_space<vmem>> -> memref<128xf32, #tpu.memory_space<vmem>>
      %dma_start3A_388 = tpu.memref_slice %arg5[%multiple_of3A_382] : memref<64000000xf32, #tpu.memory_space<hbm>> -> memref<128xf32, #tpu.memory_space<hbm>>
      %dma_start3A_389 = tpu.memref_slice %arg12[%mul3A_376] : memref<32768xf32, #tpu.memory_space<vmem>> -> memref<128xf32, #tpu.memory_space<vmem>>
      %dma_start3A_390 = tpu.memref_slice %arg5[%multiple_of3A_382] : memref<64000000xf32, #tpu.memory_space<hbm>> -> memref<128xf32, #tpu.memory_space<hbm>>
      tpu.enqueue_dma source(%dma_start3A_390 : memref<128xf32, #tpu.memory_space<hbm>>) target(%dma_start3A_389 : memref<128xf32, #tpu.memory_space<vmem>>) target_semaphore(%arg16 : memref<!tpu.dma_semaphore, #tpu.memory_space<semaphore_mem>>)
      %add3A_391 = arith.constant 13 : i32
      %add3A_392 = arith.addi %multiple_of3A_142, %add3A_391 : i32
      %mul3A_393 = arith.constant 128 : i32
      %mul3A_394 = arith.muli %add3A_392, %mul3A_393 : i32
      %slice3A_395 = vector.extract_strided_slice %mul3A_150 {offsets = [13], sizes = [1], strides = [1]} : vector<16xi32> to vector<1xi32>
      %squeeze3A_396 = vector.extract %slice3A_395[0] : i32 from vector<1xi32>
      %multiple_of3A_397 = tpu.assume_multiple %squeeze3A_396, 128 : i32
      %slice3A_398 = vector.extract_strided_slice %mul3A_158 {offsets = [13], sizes = [1], strides = [1]} : vector<16xi32> to vector<1xi32>
      %squeeze3A_399 = vector.extract %slice3A_398[0] : i32 from vector<1xi32>
      %multiple_of3A_400 = tpu.assume_multiple %squeeze3A_399, 128 : i32
      %dma_start3A_401 = tpu.memref_slice %arg11[%mul3A_394] : memref<32768xf32, #tpu.memory_space<vmem>> -> memref<128xf32, #tpu.memory_space<vmem>>
      %dma_start3A_402 = tpu.memref_slice %arg4[%multiple_of3A_397] : memref<64000000xf32, #tpu.memory_space<hbm>> -> memref<128xf32, #tpu.memory_space<hbm>>
      %dma_start3A_403 = tpu.memref_slice %arg11[%mul3A_394] : memref<32768xf32, #tpu.memory_space<vmem>> -> memref<128xf32, #tpu.memory_space<vmem>>
      %dma_start3A_404 = tpu.memref_slice %arg4[%multiple_of3A_397] : memref<64000000xf32, #tpu.memory_space<hbm>> -> memref<128xf32, #tpu.memory_space<hbm>>
      tpu.enqueue_dma source(%dma_start3A_404 : memref<128xf32, #tpu.memory_space<hbm>>) target(%dma_start3A_403 : memref<128xf32, #tpu.memory_space<vmem>>) target_semaphore(%arg16 : memref<!tpu.dma_semaphore, #tpu.memory_space<semaphore_mem>>)
      %dma_start3A_405 = tpu.memref_slice %arg12[%mul3A_394] : memref<32768xf32, #tpu.memory_space<vmem>> -> memref<128xf32, #tpu.memory_space<vmem>>
      %dma_start3A_406 = tpu.memref_slice %arg5[%multiple_of3A_400] : memref<64000000xf32, #tpu.memory_space<hbm>> -> memref<128xf32, #tpu.memory_space<hbm>>
      %dma_start3A_407 = tpu.memref_slice %arg12[%mul3A_394] : memref<32768xf32, #tpu.memory_space<vmem>> -> memref<128xf32, #tpu.memory_space<vmem>>
      %dma_start3A_408 = tpu.memref_slice %arg5[%multiple_of3A_400] : memref<64000000xf32, #tpu.memory_space<hbm>> -> memref<128xf32, #tpu.memory_space<hbm>>
      tpu.enqueue_dma source(%dma_start3A_408 : memref<128xf32, #tpu.memory_space<hbm>>) target(%dma_start3A_407 : memref<128xf32, #tpu.memory_space<vmem>>) target_semaphore(%arg16 : memref<!tpu.dma_semaphore, #tpu.memory_space<semaphore_mem>>)
      %add3A_409 = arith.constant 14 : i32
      %add3A_410 = arith.addi %multiple_of3A_142, %add3A_409 : i32
      %mul3A_411 = arith.constant 128 : i32
      %mul3A_412 = arith.muli %add3A_410, %mul3A_411 : i32
      %slice3A_413 = vector.extract_strided_slice %mul3A_150 {offsets = [14], sizes = [1], strides = [1]} : vector<16xi32> to vector<1xi32>
      %squeeze3A_414 = vector.extract %slice3A_413[0] : i32 from vector<1xi32>
      %multiple_of3A_415 = tpu.assume_multiple %squeeze3A_414, 128 : i32
      %slice3A_416 = vector.extract_strided_slice %mul3A_158 {offsets = [14], sizes = [1], strides = [1]} : vector<16xi32> to vector<1xi32>
      %squeeze3A_417 = vector.extract %slice3A_416[0] : i32 from vector<1xi32>
      %multiple_of3A_418 = tpu.assume_multiple %squeeze3A_417, 128 : i32
      %dma_start3A_419 = tpu.memref_slice %arg11[%mul3A_412] : memref<32768xf32, #tpu.memory_space<vmem>> -> memref<128xf32, #tpu.memory_space<vmem>>
      %dma_start3A_420 = tpu.memref_slice %arg4[%multiple_of3A_415] : memref<64000000xf32, #tpu.memory_space<hbm>> -> memref<128xf32, #tpu.memory_space<hbm>>
      %dma_start3A_421 = tpu.memref_slice %arg11[%mul3A_412] : memref<32768xf32, #tpu.memory_space<vmem>> -> memref<128xf32, #tpu.memory_space<vmem>>
      %dma_start3A_422 = tpu.memref_slice %arg4[%multiple_of3A_415] : memref<64000000xf32, #tpu.memory_space<hbm>> -> memref<128xf32, #tpu.memory_space<hbm>>
      tpu.enqueue_dma source(%dma_start3A_422 : memref<128xf32, #tpu.memory_space<hbm>>) target(%dma_start3A_421 : memref<128xf32, #tpu.memory_space<vmem>>) target_semaphore(%arg16 : memref<!tpu.dma_semaphore, #tpu.memory_space<semaphore_mem>>)
      %dma_start3A_423 = tpu.memref_slice %arg12[%mul3A_412] : memref<32768xf32, #tpu.memory_space<vmem>> -> memref<128xf32, #tpu.memory_space<vmem>>
      %dma_start3A_424 = tpu.memref_slice %arg5[%multiple_of3A_418] : memref<64000000xf32, #tpu.memory_space<hbm>> -> memref<128xf32, #tpu.memory_space<hbm>>
      %dma_start3A_425 = tpu.memref_slice %arg12[%mul3A_412] : memref<32768xf32, #tpu.memory_space<vmem>> -> memref<128xf32, #tpu.memory_space<vmem>>
      %dma_start3A_426 = tpu.memref_slice %arg5[%multiple_of3A_418] : memref<64000000xf32, #tpu.memory_space<hbm>> -> memref<128xf32, #tpu.memory_space<hbm>>
      tpu.enqueue_dma source(%dma_start3A_426 : memref<128xf32, #tpu.memory_space<hbm>>) target(%dma_start3A_425 : memref<128xf32, #tpu.memory_space<vmem>>) target_semaphore(%arg16 : memref<!tpu.dma_semaphore, #tpu.memory_space<semaphore_mem>>)
      %add3A_427 = arith.constant 15 : i32
      %add3A_428 = arith.addi %multiple_of3A_142, %add3A_427 : i32
      %mul3A_429 = arith.constant 128 : i32
      %mul3A_430 = arith.muli %add3A_428, %mul3A_429 : i32
      %slice3A_431 = vector.extract_strided_slice %mul3A_150 {offsets = [15], sizes = [1], strides = [1]} : vector<16xi32> to vector<1xi32>
      %squeeze3A_432 = vector.extract %slice3A_431[0] : i32 from vector<1xi32>
      %multiple_of3A_433 = tpu.assume_multiple %squeeze3A_432, 128 : i32
      %slice3A_434 = vector.extract_strided_slice %mul3A_158 {offsets = [15], sizes = [1], strides = [1]} : vector<16xi32> to vector<1xi32>
      %squeeze3A_435 = vector.extract %slice3A_434[0] : i32 from vector<1xi32>
      %multiple_of3A_436 = tpu.assume_multiple %squeeze3A_435, 128 : i32
      %dma_start3A_437 = tpu.memref_slice %arg11[%mul3A_430] : memref<32768xf32, #tpu.memory_space<vmem>> -> memref<128xf32, #tpu.memory_space<vmem>>
      %dma_start3A_438 = tpu.memref_slice %arg4[%multiple_of3A_433] : memref<64000000xf32, #tpu.memory_space<hbm>> -> memref<128xf32, #tpu.memory_space<hbm>>
      %dma_start3A_439 = tpu.memref_slice %arg11[%mul3A_430] : memref<32768xf32, #tpu.memory_space<vmem>> -> memref<128xf32, #tpu.memory_space<vmem>>
      %dma_start3A_440 = tpu.memref_slice %arg4[%multiple_of3A_433] : memref<64000000xf32, #tpu.memory_space<hbm>> -> memref<128xf32, #tpu.memory_space<hbm>>
      tpu.enqueue_dma source(%dma_start3A_440 : memref<128xf32, #tpu.memory_space<hbm>>) target(%dma_start3A_439 : memref<128xf32, #tpu.memory_space<vmem>>) target_semaphore(%arg16 : memref<!tpu.dma_semaphore, #tpu.memory_space<semaphore_mem>>)
      %dma_start3A_441 = tpu.memref_slice %arg12[%mul3A_430] : memref<32768xf32, #tpu.memory_space<vmem>> -> memref<128xf32, #tpu.memory_space<vmem>>
      %dma_start3A_442 = tpu.memref_slice %arg5[%multiple_of3A_436] : memref<64000000xf32, #tpu.memory_space<hbm>> -> memref<128xf32, #tpu.memory_space<hbm>>
      %dma_start3A_443 = tpu.memref_slice %arg12[%mul3A_430] : memref<32768xf32, #tpu.memory_space<vmem>> -> memref<128xf32, #tpu.memory_space<vmem>>
      %dma_start3A_444 = tpu.memref_slice %arg5[%multiple_of3A_436] : memref<64000000xf32, #tpu.memory_space<hbm>> -> memref<128xf32, #tpu.memory_space<hbm>>
      tpu.enqueue_dma source(%dma_start3A_444 : memref<128xf32, #tpu.memory_space<hbm>>) target(%dma_start3A_443 : memref<128xf32, #tpu.memory_space<vmem>>) target_semaphore(%arg16 : memref<!tpu.dma_semaphore, #tpu.memory_space<semaphore_mem>>)
      %scan3A_445 = arith.constant 0 : i32
      scf.yield %scan3A_445 : i32
    }
    %scan3A_123 = arith.constant 16 : i32
    %scan3A_124 = arith.constant 0 : i32
    %scan3A_125 = arith.constant 0 : i32
    %scan3A_126 = arith.constant 256 : i32
    %scan3A_127 = arith.addi %scan3A_125, %scan3A_126 : i32
    %scan3A_128 = arith.constant 1 : i32
    %scan3A_129 = scf.for %scan3A_138 = %scan3A_125 to %scan3A_127 step %scan3A_128 iter_args(%scan3A_139 = %scan3A_124) -> (i32)  : i32 {
      %dma_wait3A_140 = arith.constant 0 : i32
      %dma_wait3A_141 = tpu.memref_slice %arg11[%dma_wait3A_140] : memref<32768xf32, #tpu.memory_space<vmem>> -> memref<128xf32, #tpu.memory_space<vmem>>
      %dma_wait3A_142 = arith.constant 0 : i32
      %dma_wait3A_143 = tpu.memref_slice %arg4[%dma_wait3A_142] : memref<64000000xf32, #tpu.memory_space<hbm>> -> memref<128xf32, #tpu.memory_space<hbm>>
      %dma_wait3A_144 = arith.constant 0 : i32
      %dma_wait3A_145 = tpu.memref_slice %arg11[%dma_wait3A_144] : memref<32768xf32, #tpu.memory_space<vmem>> -> memref<128xf32, #tpu.memory_space<vmem>>
      %dma_wait3A_146 = arith.constant 0 : i32
      %dma_wait3A_147 = tpu.memref_slice %arg4[%dma_wait3A_146] : memref<64000000xf32, #tpu.memory_space<hbm>> -> memref<128xf32, #tpu.memory_space<hbm>>
      tpu.wait_dma2 semaphore(%arg16 : memref<!tpu.dma_semaphore, #tpu.memory_space<semaphore_mem>>) src(%dma_wait3A_147 : memref<128xf32, #tpu.memory_space<hbm>>) dst(%dma_wait3A_145 : memref<128xf32, #tpu.memory_space<vmem>>)
      %dma_wait3A_148 = arith.constant 0 : i32
      %dma_wait3A_149 = tpu.memref_slice %arg11[%dma_wait3A_148] : memref<32768xf32, #tpu.memory_space<vmem>> -> memref<128xf32, #tpu.memory_space<vmem>>
      %dma_wait3A_150 = arith.constant 0 : i32
      %dma_wait3A_151 = tpu.memref_slice %arg4[%dma_wait3A_150] : memref<64000000xf32, #tpu.memory_space<hbm>> -> memref<128xf32, #tpu.memory_space<hbm>>
      %dma_wait3A_152 = arith.constant 0 : i32
      %dma_wait3A_153 = tpu.memref_slice %arg11[%dma_wait3A_152] : memref<32768xf32, #tpu.memory_space<vmem>> -> memref<128xf32, #tpu.memory_space<vmem>>
      %dma_wait3A_154 = arith.constant 0 : i32
      %dma_wait3A_155 = tpu.memref_slice %arg4[%dma_wait3A_154] : memref<64000000xf32, #tpu.memory_space<hbm>> -> memref<128xf32, #tpu.memory_space<hbm>>
      tpu.wait_dma2 semaphore(%arg16 : memref<!tpu.dma_semaphore, #tpu.memory_space<semaphore_mem>>) src(%dma_wait3A_155 : memref<128xf32, #tpu.memory_space<hbm>>) dst(%dma_wait3A_153 : memref<128xf32, #tpu.memory_space<vmem>>)
      %scan3A_156 = arith.constant 0 : i32
      scf.yield %scan3A_156 : i32
    }
    %scan3A_130 = arith.constant 256 : i32
    %scan3A_131 = arith.constant 0 : i32
    %scan3A_132 = arith.constant 0 : i32
    %scan3A_133 = arith.constant 16 : i32
    %scan3A_134 = arith.addi %scan3A_132, %scan3A_133 : i32
    %scan3A_135 = arith.constant 1 : i32
    %scan3A_136 = scf.for %scan3A_138 = %scan3A_132 to %scan3A_134 step %scan3A_135 iter_args(%scan3A_139 = %scan3A_131) -> (i32)  : i32 {
      %mul3A_140 = arith.constant 16 : i32
      %mul3A_141 = arith.muli %scan3A_138, %mul3A_140 : i32
      %multiple_of3A_142 = tpu.assume_multiple %mul3A_141, 16 : i32
      %add3A_143 = arith.constant 256 : i32
      %add3A_144 = arith.addi %add3A_143, %multiple_of3A_142 : i32
      %iota3A = tpu.iota {dimensions = array<i32: 0>} : vector<16xi32>
      %add3A_145 = vector.broadcast %multiple_of3A_142 : i32 to vector<16xi32>
      %add3A_146 = arith.addi %iota3A, %add3A_145 : vector<16xi32>
      %mul3A_147 = arith.constant 128 : i32
      %mul3A_148 = vector.broadcast %mul3A_147 : i32 to vector<16xi32>
      %mul3A_149 = arith.muli %add3A_146, %mul3A_148 : vector<16xi32>
      %get3A = arith.index_cast %add3A_144 : i32 to index
      %get3A_150 = tpu.vector_load %arg9[%get3A] {strides = array<i32>} : memref<512xi32, #tpu.memory_space<vmem>>, vector<16xi32>,
      %and3A = arith.constant 1 : i32
      %and3A_151 = vector.broadcast %and3A : i32 to vector<16xi32>
      %and3A_152 = arith.andi %get3A_150, %and3A_151 : vector<16xi32>
      %mul3A_153 = arith.constant 64 : i32
      %mul3A_154 = vector.broadcast %mul3A_153 : i32 to vector<16xi32>
      %mul3A_155 = arith.muli %and3A_152, %mul3A_154 : vector<16xi32>
      %add3A_156 = arith.addi %mul3A_149, %mul3A_155 : vector<16xi32>
      %get3A_157 = arith.index_cast %add3A_144 : i32 to index
      %get3A_158 = tpu.vector_load %arg10[%get3A_157] {strides = array<i32>} : memref<512xi32, #tpu.memory_space<vmem>>, vector<16xi32>,
      %and3A_159 = arith.constant 1 : i32
      %and3A_160 = vector.broadcast %and3A_159 : i32 to vector<16xi32>
      %and3A_161 = arith.andi %get3A_158, %and3A_160 : vector<16xi32>
      %mul3A_162 = arith.constant 64 : i32
      %mul3A_163 = vector.broadcast %mul3A_162 : i32 to vector<16xi32>
      %mul3A_164 = arith.muli %and3A_161, %mul3A_163 : vector<16xi32>
      %add3A_165 = arith.addi %mul3A_149, %mul3A_164 : vector<16xi32>
      %get3A_166 = arith.index_cast %add3A_144 : i32 to index
      %get3A_167 = tpu.vector_load %arg13[%get3A_166] {strides = array<i32>} : memref<512xf32, #tpu.memory_space<vmem>>, vector<16xf32>,
      %get3A_168 = arith.index_cast %add3A_144 : i32 to index
      %get3A_169 = tpu.vector_load %arg14[%get3A_168] {strides = array<i32>} : memref<512xf32, #tpu.memory_space<vmem>>, vector<16xf32>,
      %add3A_170 = arith.addf %get3A_167, %get3A_169 : vector<16xf32>
      %add3A_171 = arith.constant 0 : i32
      %add3A_172 = vector.broadcast %add3A_171 : i32 to vector<16xi32>
      %add3A_173 = arith.addi %add3A_156, %add3A_172 : vector<16xi32>
      %gather3A = tpu.vector_load_idx %arg11[%add3A_173] : memref<32768xf32, #tpu.memory_space<vmem>>[vector<16xi32>], vector<16xf32>,
      %add3A_174 = arith.constant 0 : i32
      %add3A_175 = vector.broadcast %add3A_174 : i32 to vector<16xi32>
      %add3A_176 = arith.addi %add3A_165, %add3A_175 : vector<16xi32>
      %gather3A_177 = tpu.vector_load_idx %arg12[%add3A_176] : memref<32768xf32, #tpu.memory_space<vmem>>[vector<16xi32>], vector<16xf32>,
      %mul3A_178 = arith.mulf %gather3A, %gather3A_177 : vector<16xf32>
      %add3A_179 = arith.addf %add3A_170, %mul3A_178 : vector<16xf32>
      %add3A_180 = arith.constant 1 : i32
      %add3A_181 = vector.broadcast %add3A_180 : i32 to vector<16xi32>
      %add3A_182 = arith.addi %add3A_156, %add3A_181 : vector<16xi32>
      %gather3A_183 = tpu.vector_load_idx %arg11[%add3A_182] : memref<32768xf32, #tpu.memory_space<vmem>>[vector<16xi32>], vector<16xf32>,
      %add3A_184 = arith.constant 1 : i32
      %add3A_185 = vector.broadcast %add3A_184 : i32 to vector<16xi32>
      %add3A_186 = arith.addi %add3A_165, %add3A_185 : vector<16xi32>
      %gather3A_187 = tpu.vector_load_idx %arg12[%add3A_186] : memref<32768xf32, #tpu.memory_space<vmem>>[vector<16xi32>], vector<16xf32>,
      %mul3A_188 = arith.mulf %gather3A_183, %gather3A_187 : vector<16xf32>
      %add3A_189 = arith.addf %add3A_179, %mul3A_188 : vector<16xf32>
      %add3A_190 = arith.constant 2 : i32
      %add3A_191 = vector.broadcast %add3A_190 : i32 to vector<16xi32>
      %add3A_192 = arith.addi %add3A_156, %add3A_191 : vector<16xi32>
      %gather3A_193 = tpu.vector_load_idx %arg11[%add3A_192] : memref<32768xf32, #tpu.memory_space<vmem>>[vector<16xi32>], vector<16xf32>,
      %add3A_194 = arith.constant 2 : i32
      %add3A_195 = vector.broadcast %add3A_194 : i32 to vector<16xi32>
      %add3A_196 = arith.addi %add3A_165, %add3A_195 : vector<16xi32>
      %gather3A_197 = tpu.vector_load_idx %arg12[%add3A_196] : memref<32768xf32, #tpu.memory_space<vmem>>[vector<16xi32>], vector<16xf32>,
      %mul3A_198 = arith.mulf %gather3A_193, %gather3A_197 : vector<16xf32>
      %add3A_199 = arith.addf %add3A_189, %mul3A_198 : vector<16xf32>
      %add3A_200 = arith.constant 3 : i32
      %add3A_201 = vector.broadcast %add3A_200 : i32 to vector<16xi32>
      %add3A_202 = arith.addi %add3A_156, %add3A_201 : vector<16xi32>
      %gather3A_203 = tpu.vector_load_idx %arg11[%add3A_202] : memref<32768xf32, #tpu.memory_space<vmem>>[vector<16xi32>], vector<16xf32>,
      %add3A_204 = arith.constant 3 : i32
      %add3A_205 = vector.broadcast %add3A_204 : i32 to vector<16xi32>
      %add3A_206 = arith.addi %add3A_165, %add3A_205 : vector<16xi32>
      %gather3A_207 = tpu.vector_load_idx %arg12[%add3A_206] : memref<32768xf32, #tpu.memory_space<vmem>>[vector<16xi32>], vector<16xf32>,
      %mul3A_208 = arith.mulf %gather3A_203, %gather3A_207 : vector<16xf32>
      %add3A_209 = arith.addf %add3A_199, %mul3A_208 : vector<16xf32>
      %add3A_210 = arith.constant 4 : i32
      %add3A_211 = vector.broadcast %add3A_210 : i32 to vector<16xi32>
      %add3A_212 = arith.addi %add3A_156, %add3A_211 : vector<16xi32>
      %gather3A_213 = tpu.vector_load_idx %arg11[%add3A_212] : memref<32768xf32, #tpu.memory_space<vmem>>[vector<16xi32>], vector<16xf32>,
      %add3A_214 = arith.constant 4 : i32
      %add3A_215 = vector.broadcast %add3A_214 : i32 to vector<16xi32>
      %add3A_216 = arith.addi %add3A_165, %add3A_215 : vector<16xi32>
      %gather3A_217 = tpu.vector_load_idx %arg12[%add3A_216] : memref<32768xf32, #tpu.memory_space<vmem>>[vector<16xi32>], vector<16xf32>,
      %mul3A_218 = arith.mulf %gather3A_213, %gather3A_217 : vector<16xf32>
      %add3A_219 = arith.addf %add3A_209, %mul3A_218 : vector<16xf32>
      %add3A_220 = arith.constant 5 : i32
      %add3A_221 = vector.broadcast %add3A_220 : i32 to vector<16xi32>
      %add3A_222 = arith.addi %add3A_156, %add3A_221 : vector<16xi32>
      %gather3A_223 = tpu.vector_load_idx %arg11[%add3A_222] : memref<32768xf32, #tpu.memory_space<vmem>>[vector<16xi32>], vector<16xf32>,
      %add3A_224 = arith.constant 5 : i32
      %add3A_225 = vector.broadcast %add3A_224 : i32 to vector<16xi32>
      %add3A_226 = arith.addi %add3A_165, %add3A_225 : vector<16xi32>
      %gather3A_227 = tpu.vector_load_idx %arg12[%add3A_226] : memref<32768xf32, #tpu.memory_space<vmem>>[vector<16xi32>], vector<16xf32>,
      %mul3A_228 = arith.mulf %gather3A_223, %gather3A_227 : vector<16xf32>
      %add3A_229 = arith.addf %add3A_219, %mul3A_228 : vector<16xf32>
      %add3A_230 = arith.constant 6 : i32
      %add3A_231 = vector.broadcast %add3A_230 : i32 to vector<16xi32>
      %add3A_232 = arith.addi %add3A_156, %add3A_231 : vector<16xi32>
      %gather3A_233 = tpu.vector_load_idx %arg11[%add3A_232] : memref<32768xf32, #tpu.memory_space<vmem>>[vector<16xi32>], vector<16xf32>,
      %add3A_234 = arith.constant 6 : i32
      %add3A_235 = vector.broadcast %add3A_234 : i32 to vector<16xi32>
      %add3A_236 = arith.addi %add3A_165, %add3A_235 : vector<16xi32>
      %gather3A_237 = tpu.vector_load_idx %arg12[%add3A_236] : memref<32768xf32, #tpu.memory_space<vmem>>[vector<16xi32>], vector<16xf32>,
      %mul3A_238 = arith.mulf %gather3A_233, %gather3A_237 : vector<16xf32>
      %add3A_239 = arith.addf %add3A_229, %mul3A_238 : vector<16xf32>
      %add3A_240 = arith.constant 7 : i32
      %add3A_241 = vector.broadcast %add3A_240 : i32 to vector<16xi32>
      %add3A_242 = arith.addi %add3A_156, %add3A_241 : vector<16xi32>
      %gather3A_243 = tpu.vector_load_idx %arg11[%add3A_242] : memref<32768xf32, #tpu.memory_space<vmem>>[vector<16xi32>], vector<16xf32>,
      %add3A_244 = arith.constant 7 : i32
      %add3A_245 = vector.broadcast %add3A_244 : i32 to vector<16xi32>
      %add3A_246 = arith.addi %add3A_165, %add3A_245 : vector<16xi32>
      %gather3A_247 = tpu.vector_load_idx %arg12[%add3A_246] : memref<32768xf32, #tpu.memory_space<vmem>>[vector<16xi32>], vector<16xf32>,
      %mul3A_248 = arith.mulf %gather3A_243, %gather3A_247 : vector<16xf32>
      %add3A_249 = arith.addf %add3A_239, %mul3A_248 : vector<16xf32>
      %add3A_250 = arith.constant 8 : i32
      %add3A_251 = vector.broadcast %add3A_250 : i32 to vector<16xi32>
      %add3A_252 = arith.addi %add3A_156, %add3A_251 : vector<16xi32>
      %gather3A_253 = tpu.vector_load_idx %arg11[%add3A_252] : memref<32768xf32, #tpu.memory_space<vmem>>[vector<16xi32>], vector<16xf32>,
      %add3A_254 = arith.constant 8 : i32
      %add3A_255 = vector.broadcast %add3A_254 : i32 to vector<16xi32>
      %add3A_256 = arith.addi %add3A_165, %add3A_255 : vector<16xi32>
      %gather3A_257 = tpu.vector_load_idx %arg12[%add3A_256] : memref<32768xf32, #tpu.memory_space<vmem>>[vector<16xi32>], vector<16xf32>,
      %mul3A_258 = arith.mulf %gather3A_253, %gather3A_257 : vector<16xf32>
      %add3A_259 = arith.addf %add3A_249, %mul3A_258 : vector<16xf32>
      %add3A_260 = arith.constant 9 : i32
      %add3A_261 = vector.broadcast %add3A_260 : i32 to vector<16xi32>
      %add3A_262 = arith.addi %add3A_156, %add3A_261 : vector<16xi32>
      %gather3A_263 = tpu.vector_load_idx %arg11[%add3A_262] : memref<32768xf32, #tpu.memory_space<vmem>>[vector<16xi32>], vector<16xf32>,
      %add3A_264 = arith.constant 9 : i32
      %add3A_265 = vector.broadcast %add3A_264 : i32 to vector<16xi32>
      %add3A_266 = arith.addi %add3A_165, %add3A_265 : vector<16xi32>
      %gather3A_267 = tpu.vector_load_idx %arg12[%add3A_266] : memref<32768xf32, #tpu.memory_space<vmem>>[vector<16xi32>], vector<16xf32>,
      %mul3A_268 = arith.mulf %gather3A_263, %gather3A_267 : vector<16xf32>
      %add3A_269 = arith.addf %add3A_259, %mul3A_268 : vector<16xf32>
      %add3A_270 = arith.constant 10 : i32
      %add3A_271 = vector.broadcast %add3A_270 : i32 to vector<16xi32>
      %add3A_272 = arith.addi %add3A_156, %add3A_271 : vector<16xi32>
      %gather3A_273 = tpu.vector_load_idx %arg11[%add3A_272] : memref<32768xf32, #tpu.memory_space<vmem>>[vector<16xi32>], vector<16xf32>,
      %add3A_274 = arith.constant 10 : i32
      %add3A_275 = vector.broadcast %add3A_274 : i32 to vector<16xi32>
      %add3A_276 = arith.addi %add3A_165, %add3A_275 : vector<16xi32>
      %gather3A_277 = tpu.vector_load_idx %arg12[%add3A_276] : memref<32768xf32, #tpu.memory_space<vmem>>[vector<16xi32>], vector<16xf32>,
      %mul3A_278 = arith.mulf %gather3A_273, %gather3A_277 : vector<16xf32>
      %add3A_279 = arith.addf %add3A_269, %mul3A_278 : vector<16xf32>
      %add3A_280 = arith.constant 11 : i32
      %add3A_281 = vector.broadcast %add3A_280 : i32 to vector<16xi32>
      %add3A_282 = arith.addi %add3A_156, %add3A_281 : vector<16xi32>
      %gather3A_283 = tpu.vector_load_idx %arg11[%add3A_282] : memref<32768xf32, #tpu.memory_space<vmem>>[vector<16xi32>], vector<16xf32>,
      %add3A_284 = arith.constant 11 : i32
      %add3A_285 = vector.broadcast %add3A_284 : i32 to vector<16xi32>
      %add3A_286 = arith.addi %add3A_165, %add3A_285 : vector<16xi32>
      %gather3A_287 = tpu.vector_load_idx %arg12[%add3A_286] : memref<32768xf32, #tpu.memory_space<vmem>>[vector<16xi32>], vector<16xf32>,
      %mul3A_288 = arith.mulf %gather3A_283, %gather3A_287 : vector<16xf32>
      %add3A_289 = arith.addf %add3A_279, %mul3A_288 : vector<16xf32>
      %add3A_290 = arith.constant 12 : i32
      %add3A_291 = vector.broadcast %add3A_290 : i32 to vector<16xi32>
      %add3A_292 = arith.addi %add3A_156, %add3A_291 : vector<16xi32>
      %gather3A_293 = tpu.vector_load_idx %arg11[%add3A_292] : memref<32768xf32, #tpu.memory_space<vmem>>[vector<16xi32>], vector<16xf32>,
      %add3A_294 = arith.constant 12 : i32
      %add3A_295 = vector.broadcast %add3A_294 : i32 to vector<16xi32>
      %add3A_296 = arith.addi %add3A_165, %add3A_295 : vector<16xi32>
      %gather3A_297 = tpu.vector_load_idx %arg12[%add3A_296] : memref<32768xf32, #tpu.memory_space<vmem>>[vector<16xi32>], vector<16xf32>,
      %mul3A_298 = arith.mulf %gather3A_293, %gather3A_297 : vector<16xf32>
      %add3A_299 = arith.addf %add3A_289, %mul3A_298 : vector<16xf32>
      %add3A_300 = arith.constant 13 : i32
      %add3A_301 = vector.broadcast %add3A_300 : i32 to vector<16xi32>
      %add3A_302 = arith.addi %add3A_156, %add3A_301 : vector<16xi32>
      %gather3A_303 = tpu.vector_load_idx %arg11[%add3A_302] : memref<32768xf32, #tpu.memory_space<vmem>>[vector<16xi32>], vector<16xf32>,
      %add3A_304 = arith.constant 13 : i32
      %add3A_305 = vector.broadcast %add3A_304 : i32 to vector<16xi32>
      %add3A_306 = arith.addi %add3A_165, %add3A_305 : vector<16xi32>
      %gather3A_307 = tpu.vector_load_idx %arg12[%add3A_306] : memref<32768xf32, #tpu.memory_space<vmem>>[vector<16xi32>], vector<16xf32>,
      %mul3A_308 = arith.mulf %gather3A_303, %gather3A_307 : vector<16xf32>
      %add3A_309 = arith.addf %add3A_299, %mul3A_308 : vector<16xf32>
      %add3A_310 = arith.constant 14 : i32
      %add3A_311 = vector.broadcast %add3A_310 : i32 to vector<16xi32>
      %add3A_312 = arith.addi %add3A_156, %add3A_311 : vector<16xi32>
      %gather3A_313 = tpu.vector_load_idx %arg11[%add3A_312] : memref<32768xf32, #tpu.memory_space<vmem>>[vector<16xi32>], vector<16xf32>,
      %add3A_314 = arith.constant 14 : i32
      %add3A_315 = vector.broadcast %add3A_314 : i32 to vector<16xi32>
      %add3A_316 = arith.addi %add3A_165, %add3A_315 : vector<16xi32>
      %gather3A_317 = tpu.vector_load_idx %arg12[%add3A_316] : memref<32768xf32, #tpu.memory_space<vmem>>[vector<16xi32>], vector<16xf32>,
      %mul3A_318 = arith.mulf %gather3A_313, %gather3A_317 : vector<16xf32>
      %add3A_319 = arith.addf %add3A_309, %mul3A_318 : vector<16xf32>
      %add3A_320 = arith.constant 15 : i32
      %add3A_321 = vector.broadcast %add3A_320 : i32 to vector<16xi32>
      %add3A_322 = arith.addi %add3A_156, %add3A_321 : vector<16xi32>
      %gather3A_323 = tpu.vector_load_idx %arg11[%add3A_322] : memref<32768xf32, #tpu.memory_space<vmem>>[vector<16xi32>], vector<16xf32>,
      %add3A_324 = arith.constant 15 : i32
      %add3A_325 = vector.broadcast %add3A_324 : i32 to vector<16xi32>
      %add3A_326 = arith.addi %add3A_165, %add3A_325 : vector<16xi32>
      %gather3A_327 = tpu.vector_load_idx %arg12[%add3A_326] : memref<32768xf32, #tpu.memory_space<vmem>>[vector<16xi32>], vector<16xf32>,
      %mul3A_328 = arith.mulf %gather3A_323, %gather3A_327 : vector<16xf32>
      %add3A_329 = arith.addf %add3A_319, %mul3A_328 : vector<16xf32>
      %add3A_330 = arith.constant 16 : i32
      %add3A_331 = vector.broadcast %add3A_330 : i32 to vector<16xi32>
      %add3A_332 = arith.addi %add3A_156, %add3A_331 : vector<16xi32>
      %gather3A_333 = tpu.vector_load_idx %arg11[%add3A_332] : memref<32768xf32, #tpu.memory_space<vmem>>[vector<16xi32>], vector<16xf32>,
      %add3A_334 = arith.constant 16 : i32
      %add3A_335 = vector.broadcast %add3A_334 : i32 to vector<16xi32>
      %add3A_336 = arith.addi %add3A_165, %add3A_335 : vector<16xi32>
      %gather3A_337 = tpu.vector_load_idx %arg12[%add3A_336] : memref<32768xf32, #tpu.memory_space<vmem>>[vector<16xi32>], vector<16xf32>,
      %mul3A_338 = arith.mulf %gather3A_333, %gather3A_337 : vector<16xf32>
      %add3A_339 = arith.addf %add3A_329, %mul3A_338 : vector<16xf32>
      %add3A_340 = arith.constant 17 : i32
      %add3A_341 = vector.broadcast %add3A_340 : i32 to vector<16xi32>
      %add3A_342 = arith.addi %add3A_156, %add3A_341 : vector<16xi32>
      %gather3A_343 = tpu.vector_load_idx %arg11[%add3A_342] : memref<32768xf32, #tpu.memory_space<vmem>>[vector<16xi32>], vector<16xf32>,
      %add3A_344 = arith.constant 17 : i32
      %add3A_345 = vector.broadcast %add3A_344 : i32 to vector<16xi32>
      %add3A_346 = arith.addi %add3A_165, %add3A_345 : vector<16xi32>
      %gather3A_347 = tpu.vector_load_idx %arg12[%add3A_346] : memref<32768xf32, #tpu.memory_space<vmem>>[vector<16xi32>], vector<16xf32>,
      %mul3A_348 = arith.mulf %gather3A_343, %gather3A_347 : vector<16xf32>
      %add3A_349 = arith.addf %add3A_339, %mul3A_348 : vector<16xf32>
      %add3A_350 = arith.constant 18 : i32
      %add3A_351 = vector.broadcast %add3A_350 : i32 to vector<16xi32>
      %add3A_352 = arith.addi %add3A_156, %add3A_351 : vector<16xi32>
      %gather3A_353 = tpu.vector_load_idx %arg11[%add3A_352] : memref<32768xf32, #tpu.memory_space<vmem>>[vector<16xi32>], vector<16xf32>,
      %add3A_354 = arith.constant 18 : i32
      %add3A_355 = vector.broadcast %add3A_354 : i32 to vector<16xi32>
      %add3A_356 = arith.addi %add3A_165, %add3A_355 : vector<16xi32>
      %gather3A_357 = tpu.vector_load_idx %arg12[%add3A_356] : memref<32768xf32, #tpu.memory_space<vmem>>[vector<16xi32>], vector<16xf32>,
      %mul3A_358 = arith.mulf %gather3A_353, %gather3A_357 : vector<16xf32>
      %add3A_359 = arith.addf %add3A_349, %mul3A_358 : vector<16xf32>
      %add3A_360 = arith.constant 19 : i32
      %add3A_361 = vector.broadcast %add3A_360 : i32 to vector<16xi32>
      %add3A_362 = arith.addi %add3A_156, %add3A_361 : vector<16xi32>
      %gather3A_363 = tpu.vector_load_idx %arg11[%add3A_362] : memref<32768xf32, #tpu.memory_space<vmem>>[vector<16xi32>], vector<16xf32>,
      %add3A_364 = arith.constant 19 : i32
      %add3A_365 = vector.broadcast %add3A_364 : i32 to vector<16xi32>
      %add3A_366 = arith.addi %add3A_165, %add3A_365 : vector<16xi32>
      %gather3A_367 = tpu.vector_load_idx %arg12[%add3A_366] : memref<32768xf32, #tpu.memory_space<vmem>>[vector<16xi32>], vector<16xf32>,
      %mul3A_368 = arith.mulf %gather3A_363, %gather3A_367 : vector<16xf32>
      %add3A_369 = arith.addf %add3A_359, %mul3A_368 : vector<16xf32>
      %add3A_370 = arith.constant 20 : i32
      %add3A_371 = vector.broadcast %add3A_370 : i32 to vector<16xi32>
      %add3A_372 = arith.addi %add3A_156, %add3A_371 : vector<16xi32>
      %gather3A_373 = tpu.vector_load_idx %arg11[%add3A_372] : memref<32768xf32, #tpu.memory_space<vmem>>[vector<16xi32>], vector<16xf32>,
      %add3A_374 = arith.constant 20 : i32
      %add3A_375 = vector.broadcast %add3A_374 : i32 to vector<16xi32>
      %add3A_376 = arith.addi %add3A_165, %add3A_375 : vector<16xi32>
      %gather3A_377 = tpu.vector_load_idx %arg12[%add3A_376] : memref<32768xf32, #tpu.memory_space<vmem>>[vector<16xi32>], vector<16xf32>,
      %mul3A_378 = arith.mulf %gather3A_373, %gather3A_377 : vector<16xf32>
      %add3A_379 = arith.addf %add3A_369, %mul3A_378 : vector<16xf32>
      %add3A_380 = arith.constant 21 : i32
      %add3A_381 = vector.broadcast %add3A_380 : i32 to vector<16xi32>
      %add3A_382 = arith.addi %add3A_156, %add3A_381 : vector<16xi32>
      %gather3A_383 = tpu.vector_load_idx %arg11[%add3A_382] : memref<32768xf32, #tpu.memory_space<vmem>>[vector<16xi32>], vector<16xf32>,
      %add3A_384 = arith.constant 21 : i32
      %add3A_385 = vector.broadcast %add3A_384 : i32 to vector<16xi32>
      %add3A_386 = arith.addi %add3A_165, %add3A_385 : vector<16xi32>
      %gather3A_387 = tpu.vector_load_idx %arg12[%add3A_386] : memref<32768xf32, #tpu.memory_space<vmem>>[vector<16xi32>], vector<16xf32>,
      %mul3A_388 = arith.mulf %gather3A_383, %gather3A_387 : vector<16xf32>
      %add3A_389 = arith.addf %add3A_379, %mul3A_388 : vector<16xf32>
      %add3A_390 = arith.constant 22 : i32
      %add3A_391 = vector.broadcast %add3A_390 : i32 to vector<16xi32>
      %add3A_392 = arith.addi %add3A_156, %add3A_391 : vector<16xi32>
      %gather3A_393 = tpu.vector_load_idx %arg11[%add3A_392] : memref<32768xf32, #tpu.memory_space<vmem>>[vector<16xi32>], vector<16xf32>,
      %add3A_394 = arith.constant 22 : i32
      %add3A_395 = vector.broadcast %add3A_394 : i32 to vector<16xi32>
      %add3A_396 = arith.addi %add3A_165, %add3A_395 : vector<16xi32>
      %gather3A_397 = tpu.vector_load_idx %arg12[%add3A_396] : memref<32768xf32, #tpu.memory_space<vmem>>[vector<16xi32>], vector<16xf32>,
      %mul3A_398 = arith.mulf %gather3A_393, %gather3A_397 : vector<16xf32>
      %add3A_399 = arith.addf %add3A_389, %mul3A_398 : vector<16xf32>
      %add3A_400 = arith.constant 23 : i32
      %add3A_401 = vector.broadcast %add3A_400 : i32 to vector<16xi32>
      %add3A_402 = arith.addi %add3A_156, %add3A_401 : vector<16xi32>
      %gather3A_403 = tpu.vector_load_idx %arg11[%add3A_402] : memref<32768xf32, #tpu.memory_space<vmem>>[vector<16xi32>], vector<16xf32>,
      %add3A_404 = arith.constant 23 : i32
      %add3A_405 = vector.broadcast %add3A_404 : i32 to vector<16xi32>
      %add3A_406 = arith.addi %add3A_165, %add3A_405 : vector<16xi32>
      %gather3A_407 = tpu.vector_load_idx %arg12[%add3A_406] : memref<32768xf32, #tpu.memory_space<vmem>>[vector<16xi32>], vector<16xf32>,
      %mul3A_408 = arith.mulf %gather3A_403, %gather3A_407 : vector<16xf32>
      %add3A_409 = arith.addf %add3A_399, %mul3A_408 : vector<16xf32>
      %add3A_410 = arith.constant 24 : i32
      %add3A_411 = vector.broadcast %add3A_410 : i32 to vector<16xi32>
      %add3A_412 = arith.addi %add3A_156, %add3A_411 : vector<16xi32>
      %gather3A_413 = tpu.vector_load_idx %arg11[%add3A_412] : memref<32768xf32, #tpu.memory_space<vmem>>[vector<16xi32>], vector<16xf32>,
      %add3A_414 = arith.constant 24 : i32
      %add3A_415 = vector.broadcast %add3A_414 : i32 to vector<16xi32>
      %add3A_416 = arith.addi %add3A_165, %add3A_415 : vector<16xi32>
      %gather3A_417 = tpu.vector_load_idx %arg12[%add3A_416] : memref<32768xf32, #tpu.memory_space<vmem>>[vector<16xi32>], vector<16xf32>,
      %mul3A_418 = arith.mulf %gather3A_413, %gather3A_417 : vector<16xf32>
      %add3A_419 = arith.addf %add3A_409, %mul3A_418 : vector<16xf32>
      %add3A_420 = arith.constant 25 : i32
      %add3A_421 = vector.broadcast %add3A_420 : i32 to vector<16xi32>
      %add3A_422 = arith.addi %add3A_156, %add3A_421 : vector<16xi32>
      %gather3A_423 = tpu.vector_load_idx %arg11[%add3A_422] : memref<32768xf32, #tpu.memory_space<vmem>>[vector<16xi32>], vector<16xf32>,
      %add3A_424 = arith.constant 25 : i32
      %add3A_425 = vector.broadcast %add3A_424 : i32 to vector<16xi32>
      %add3A_426 = arith.addi %add3A_165, %add3A_425 : vector<16xi32>
      %gather3A_427 = tpu.vector_load_idx %arg12[%add3A_426] : memref<32768xf32, #tpu.memory_space<vmem>>[vector<16xi32>], vector<16xf32>,
      %mul3A_428 = arith.mulf %gather3A_423, %gather3A_427 : vector<16xf32>
      %add3A_429 = arith.addf %add3A_419, %mul3A_428 : vector<16xf32>
      %add3A_430 = arith.constant 26 : i32
      %add3A_431 = vector.broadcast %add3A_430 : i32 to vector<16xi32>
      %add3A_432 = arith.addi %add3A_156, %add3A_431 : vector<16xi32>
      %gather3A_433 = tpu.vector_load_idx %arg11[%add3A_432] : memref<32768xf32, #tpu.memory_space<vmem>>[vector<16xi32>], vector<16xf32>,
      %add3A_434 = arith.constant 26 : i32
      %add3A_435 = vector.broadcast %add3A_434 : i32 to vector<16xi32>
      %add3A_436 = arith.addi %add3A_165, %add3A_435 : vector<16xi32>
      %gather3A_437 = tpu.vector_load_idx %arg12[%add3A_436] : memref<32768xf32, #tpu.memory_space<vmem>>[vector<16xi32>], vector<16xf32>,
      %mul3A_438 = arith.mulf %gather3A_433, %gather3A_437 : vector<16xf32>
      %add3A_439 = arith.addf %add3A_429, %mul3A_438 : vector<16xf32>
      %add3A_440 = arith.constant 27 : i32
      %add3A_441 = vector.broadcast %add3A_440 : i32 to vector<16xi32>
      %add3A_442 = arith.addi %add3A_156, %add3A_441 : vector<16xi32>
      %gather3A_443 = tpu.vector_load_idx %arg11[%add3A_442] : memref<32768xf32, #tpu.memory_space<vmem>>[vector<16xi32>], vector<16xf32>,
      %add3A_444 = arith.constant 27 : i32
      %add3A_445 = vector.broadcast %add3A_444 : i32 to vector<16xi32>
      %add3A_446 = arith.addi %add3A_165, %add3A_445 : vector<16xi32>
      %gather3A_447 = tpu.vector_load_idx %arg12[%add3A_446] : memref<32768xf32, #tpu.memory_space<vmem>>[vector<16xi32>], vector<16xf32>,
      %mul3A_448 = arith.mulf %gather3A_443, %gather3A_447 : vector<16xf32>
      %add3A_449 = arith.addf %add3A_439, %mul3A_448 : vector<16xf32>
      %add3A_450 = arith.constant 28 : i32
      %add3A_451 = vector.broadcast %add3A_450 : i32 to vector<16xi32>
      %add3A_452 = arith.addi %add3A_156, %add3A_451 : vector<16xi32>
      %gather3A_453 = tpu.vector_load_idx %arg11[%add3A_452] : memref<32768xf32, #tpu.memory_space<vmem>>[vector<16xi32>], vector<16xf32>,
      %add3A_454 = arith.constant 28 : i32
      %add3A_455 = vector.broadcast %add3A_454 : i32 to vector<16xi32>
      %add3A_456 = arith.addi %add3A_165, %add3A_455 : vector<16xi32>
      %gather3A_457 = tpu.vector_load_idx %arg12[%add3A_456] : memref<32768xf32, #tpu.memory_space<vmem>>[vector<16xi32>], vector<16xf32>,
      %mul3A_458 = arith.mulf %gather3A_453, %gather3A_457 : vector<16xf32>
      %add3A_459 = arith.addf %add3A_449, %mul3A_458 : vector<16xf32>
      %add3A_460 = arith.constant 29 : i32
      %add3A_461 = vector.broadcast %add3A_460 : i32 to vector<16xi32>
      %add3A_462 = arith.addi %add3A_156, %add3A_461 : vector<16xi32>
      %gather3A_463 = tpu.vector_load_idx %arg11[%add3A_462] : memref<32768xf32, #tpu.memory_space<vmem>>[vector<16xi32>], vector<16xf32>,
      %add3A_464 = arith.constant 29 : i32
      %add3A_465 = vector.broadcast %add3A_464 : i32 to vector<16xi32>
      %add3A_466 = arith.addi %add3A_165, %add3A_465 : vector<16xi32>
      %gather3A_467 = tpu.vector_load_idx %arg12[%add3A_466] : memref<32768xf32, #tpu.memory_space<vmem>>[vector<16xi32>], vector<16xf32>,
      %mul3A_468 = arith.mulf %gather3A_463, %gather3A_467 : vector<16xf32>
      %add3A_469 = arith.addf %add3A_459, %mul3A_468 : vector<16xf32>
      %add3A_470 = arith.constant 30 : i32
      %add3A_471 = vector.broadcast %add3A_470 : i32 to vector<16xi32>
      %add3A_472 = arith.addi %add3A_156, %add3A_471 : vector<16xi32>
      %gather3A_473 = tpu.vector_load_idx %arg11[%add3A_472] : memref<32768xf32, #tpu.memory_space<vmem>>[vector<16xi32>], vector<16xf32>,
      %add3A_474 = arith.constant 30 : i32
      %add3A_475 = vector.broadcast %add3A_474 : i32 to vector<16xi32>
      %add3A_476 = arith.addi %add3A_165, %add3A_475 : vector<16xi32>
      %gather3A_477 = tpu.vector_load_idx %arg12[%add3A_476] : memref<32768xf32, #tpu.memory_space<vmem>>[vector<16xi32>], vector<16xf32>,
      %mul3A_478 = arith.mulf %gather3A_473, %gather3A_477 : vector<16xf32>
      %add3A_479 = arith.addf %add3A_469, %mul3A_478 : vector<16xf32>
      %add3A_480 = arith.constant 31 : i32
      %add3A_481 = vector.broadcast %add3A_480 : i32 to vector<16xi32>
      %add3A_482 = arith.addi %add3A_156, %add3A_481 : vector<16xi32>
      %gather3A_483 = tpu.vector_load_idx %arg11[%add3A_482] : memref<32768xf32, #tpu.memory_space<vmem>>[vector<16xi32>], vector<16xf32>,
      %add3A_484 = arith.constant 31 : i32
      %add3A_485 = vector.broadcast %add3A_484 : i32 to vector<16xi32>
      %add3A_486 = arith.addi %add3A_165, %add3A_485 : vector<16xi32>
      %gather3A_487 = tpu.vector_load_idx %arg12[%add3A_486] : memref<32768xf32, #tpu.memory_space<vmem>>[vector<16xi32>], vector<16xf32>,
      %mul3A_488 = arith.mulf %gather3A_483, %gather3A_487 : vector<16xf32>
      %add3A_489 = arith.addf %add3A_479, %mul3A_488 : vector<16xf32>
      %add3A_490 = arith.constant 32 : i32
      %add3A_491 = vector.broadcast %add3A_490 : i32 to vector<16xi32>
      %add3A_492 = arith.addi %add3A_156, %add3A_491 : vector<16xi32>
      %gather3A_493 = tpu.vector_load_idx %arg11[%add3A_492] : memref<32768xf32, #tpu.memory_space<vmem>>[vector<16xi32>], vector<16xf32>,
      %add3A_494 = arith.constant 32 : i32
      %add3A_495 = vector.broadcast %add3A_494 : i32 to vector<16xi32>
      %add3A_496 = arith.addi %add3A_165, %add3A_495 : vector<16xi32>
      %gather3A_497 = tpu.vector_load_idx %arg12[%add3A_496] : memref<32768xf32, #tpu.memory_space<vmem>>[vector<16xi32>], vector<16xf32>,
      %mul3A_498 = arith.mulf %gather3A_493, %gather3A_497 : vector<16xf32>
      %add3A_499 = arith.addf %add3A_489, %mul3A_498 : vector<16xf32>
      %add3A_500 = arith.constant 33 : i32
      %add3A_501 = vector.broadcast %add3A_500 : i32 to vector<16xi32>
      %add3A_502 = arith.addi %add3A_156, %add3A_501 : vector<16xi32>
      %gather3A_503 = tpu.vector_load_idx %arg11[%add3A_502] : memref<32768xf32, #tpu.memory_space<vmem>>[vector<16xi32>], vector<16xf32>,
      %add3A_504 = arith.constant 33 : i32
      %add3A_505 = vector.broadcast %add3A_504 : i32 to vector<16xi32>
      %add3A_506 = arith.addi %add3A_165, %add3A_505 : vector<16xi32>
      %gather3A_507 = tpu.vector_load_idx %arg12[%add3A_506] : memref<32768xf32, #tpu.memory_space<vmem>>[vector<16xi32>], vector<16xf32>,
      %mul3A_508 = arith.mulf %gather3A_503, %gather3A_507 : vector<16xf32>
      %add3A_509 = arith.addf %add3A_499, %mul3A_508 : vector<16xf32>
      %add3A_510 = arith.constant 34 : i32
      %add3A_511 = vector.broadcast %add3A_510 : i32 to vector<16xi32>
      %add3A_512 = arith.addi %add3A_156, %add3A_511 : vector<16xi32>
      %gather3A_513 = tpu.vector_load_idx %arg11[%add3A_512] : memref<32768xf32, #tpu.memory_space<vmem>>[vector<16xi32>], vector<16xf32>,
      %add3A_514 = arith.constant 34 : i32
      %add3A_515 = vector.broadcast %add3A_514 : i32 to vector<16xi32>
      %add3A_516 = arith.addi %add3A_165, %add3A_515 : vector<16xi32>
      %gather3A_517 = tpu.vector_load_idx %arg12[%add3A_516] : memref<32768xf32, #tpu.memory_space<vmem>>[vector<16xi32>], vector<16xf32>,
      %mul3A_518 = arith.mulf %gather3A_513, %gather3A_517 : vector<16xf32>
      %add3A_519 = arith.addf %add3A_509, %mul3A_518 : vector<16xf32>
      %add3A_520 = arith.constant 35 : i32
      %add3A_521 = vector.broadcast %add3A_520 : i32 to vector<16xi32>
      %add3A_522 = arith.addi %add3A_156, %add3A_521 : vector<16xi32>
      %gather3A_523 = tpu.vector_load_idx %arg11[%add3A_522] : memref<32768xf32, #tpu.memory_space<vmem>>[vector<16xi32>], vector<16xf32>,
      %add3A_524 = arith.constant 35 : i32
      %add3A_525 = vector.broadcast %add3A_524 : i32 to vector<16xi32>
      %add3A_526 = arith.addi %add3A_165, %add3A_525 : vector<16xi32>
      %gather3A_527 = tpu.vector_load_idx %arg12[%add3A_526] : memref<32768xf32, #tpu.memory_space<vmem>>[vector<16xi32>], vector<16xf32>,
      %mul3A_528 = arith.mulf %gather3A_523, %gather3A_527 : vector<16xf32>
      %add3A_529 = arith.addf %add3A_519, %mul3A_528 : vector<16xf32>
      %add3A_530 = arith.constant 36 : i32
      %add3A_531 = vector.broadcast %add3A_530 : i32 to vector<16xi32>
      %add3A_532 = arith.addi %add3A_156, %add3A_531 : vector<16xi32>
      %gather3A_533 = tpu.vector_load_idx %arg11[%add3A_532] : memref<32768xf32, #tpu.memory_space<vmem>>[vector<16xi32>], vector<16xf32>,
      %add3A_534 = arith.constant 36 : i32
      %add3A_535 = vector.broadcast %add3A_534 : i32 to vector<16xi32>
      %add3A_536 = arith.addi %add3A_165, %add3A_535 : vector<16xi32>
      %gather3A_537 = tpu.vector_load_idx %arg12[%add3A_536] : memref<32768xf32, #tpu.memory_space<vmem>>[vector<16xi32>], vector<16xf32>,
      %mul3A_538 = arith.mulf %gather3A_533, %gather3A_537 : vector<16xf32>
      %add3A_539 = arith.addf %add3A_529, %mul3A_538 : vector<16xf32>
      %add3A_540 = arith.constant 37 : i32
      %add3A_541 = vector.broadcast %add3A_540 : i32 to vector<16xi32>
      %add3A_542 = arith.addi %add3A_156, %add3A_541 : vector<16xi32>
      %gather3A_543 = tpu.vector_load_idx %arg11[%add3A_542] : memref<32768xf32, #tpu.memory_space<vmem>>[vector<16xi32>], vector<16xf32>,
      %add3A_544 = arith.constant 37 : i32
      %add3A_545 = vector.broadcast %add3A_544 : i32 to vector<16xi32>
      %add3A_546 = arith.addi %add3A_165, %add3A_545 : vector<16xi32>
      %gather3A_547 = tpu.vector_load_idx %arg12[%add3A_546] : memref<32768xf32, #tpu.memory_space<vmem>>[vector<16xi32>], vector<16xf32>,
      %mul3A_548 = arith.mulf %gather3A_543, %gather3A_547 : vector<16xf32>
      %add3A_549 = arith.addf %add3A_539, %mul3A_548 : vector<16xf32>
      %add3A_550 = arith.constant 38 : i32
      %add3A_551 = vector.broadcast %add3A_550 : i32 to vector<16xi32>
      %add3A_552 = arith.addi %add3A_156, %add3A_551 : vector<16xi32>
      %gather3A_553 = tpu.vector_load_idx %arg11[%add3A_552] : memref<32768xf32, #tpu.memory_space<vmem>>[vector<16xi32>], vector<16xf32>,
      %add3A_554 = arith.constant 38 : i32
      %add3A_555 = vector.broadcast %add3A_554 : i32 to vector<16xi32>
      %add3A_556 = arith.addi %add3A_165, %add3A_555 : vector<16xi32>
      %gather3A_557 = tpu.vector_load_idx %arg12[%add3A_556] : memref<32768xf32, #tpu.memory_space<vmem>>[vector<16xi32>], vector<16xf32>,
      %mul3A_558 = arith.mulf %gather3A_553, %gather3A_557 : vector<16xf32>
      %add3A_559 = arith.addf %add3A_549, %mul3A_558 : vector<16xf32>
      %add3A_560 = arith.constant 39 : i32
      %add3A_561 = vector.broadcast %add3A_560 : i32 to vector<16xi32>
      %add3A_562 = arith.addi %add3A_156, %add3A_561 : vector<16xi32>
      %gather3A_563 = tpu.vector_load_idx %arg11[%add3A_562] : memref<32768xf32, #tpu.memory_space<vmem>>[vector<16xi32>], vector<16xf32>,
      %add3A_564 = arith.constant 39 : i32
      %add3A_565 = vector.broadcast %add3A_564 : i32 to vector<16xi32>
      %add3A_566 = arith.addi %add3A_165, %add3A_565 : vector<16xi32>
      %gather3A_567 = tpu.vector_load_idx %arg12[%add3A_566] : memref<32768xf32, #tpu.memory_space<vmem>>[vector<16xi32>], vector<16xf32>,
      %mul3A_568 = arith.mulf %gather3A_563, %gather3A_567 : vector<16xf32>
      %add3A_569 = arith.addf %add3A_559, %mul3A_568 : vector<16xf32>
      %add3A_570 = arith.constant 40 : i32
      %add3A_571 = vector.broadcast %add3A_570 : i32 to vector<16xi32>
      %add3A_572 = arith.addi %add3A_156, %add3A_571 : vector<16xi32>
      %gather3A_573 = tpu.vector_load_idx %arg11[%add3A_572] : memref<32768xf32, #tpu.memory_space<vmem>>[vector<16xi32>], vector<16xf32>,
      %add3A_574 = arith.constant 40 : i32
      %add3A_575 = vector.broadcast %add3A_574 : i32 to vector<16xi32>
      %add3A_576 = arith.addi %add3A_165, %add3A_575 : vector<16xi32>
      %gather3A_577 = tpu.vector_load_idx %arg12[%add3A_576] : memref<32768xf32, #tpu.memory_space<vmem>>[vector<16xi32>], vector<16xf32>,
      %mul3A_578 = arith.mulf %gather3A_573, %gather3A_577 : vector<16xf32>
      %add3A_579 = arith.addf %add3A_569, %mul3A_578 : vector<16xf32>
      %add3A_580 = arith.constant 41 : i32
      %add3A_581 = vector.broadcast %add3A_580 : i32 to vector<16xi32>
      %add3A_582 = arith.addi %add3A_156, %add3A_581 : vector<16xi32>
      %gather3A_583 = tpu.vector_load_idx %arg11[%add3A_582] : memref<32768xf32, #tpu.memory_space<vmem>>[vector<16xi32>], vector<16xf32>,
      %add3A_584 = arith.constant 41 : i32
      %add3A_585 = vector.broadcast %add3A_584 : i32 to vector<16xi32>
      %add3A_586 = arith.addi %add3A_165, %add3A_585 : vector<16xi32>
      %gather3A_587 = tpu.vector_load_idx %arg12[%add3A_586] : memref<32768xf32, #tpu.memory_space<vmem>>[vector<16xi32>], vector<16xf32>,
      %mul3A_588 = arith.mulf %gather3A_583, %gather3A_587 : vector<16xf32>
      %add3A_589 = arith.addf %add3A_579, %mul3A_588 : vector<16xf32>
      %add3A_590 = arith.constant 42 : i32
      %add3A_591 = vector.broadcast %add3A_590 : i32 to vector<16xi32>
      %add3A_592 = arith.addi %add3A_156, %add3A_591 : vector<16xi32>
      %gather3A_593 = tpu.vector_load_idx %arg11[%add3A_592] : memref<32768xf32, #tpu.memory_space<vmem>>[vector<16xi32>], vector<16xf32>,
      %add3A_594 = arith.constant 42 : i32
      %add3A_595 = vector.broadcast %add3A_594 : i32 to vector<16xi32>
      %add3A_596 = arith.addi %add3A_165, %add3A_595 : vector<16xi32>
      %gather3A_597 = tpu.vector_load_idx %arg12[%add3A_596] : memref<32768xf32, #tpu.memory_space<vmem>>[vector<16xi32>], vector<16xf32>,
      %mul3A_598 = arith.mulf %gather3A_593, %gather3A_597 : vector<16xf32>
      %add3A_599 = arith.addf %add3A_589, %mul3A_598 : vector<16xf32>
      %add3A_600 = arith.constant 43 : i32
      %add3A_601 = vector.broadcast %add3A_600 : i32 to vector<16xi32>
      %add3A_602 = arith.addi %add3A_156, %add3A_601 : vector<16xi32>
      %gather3A_603 = tpu.vector_load_idx %arg11[%add3A_602] : memref<32768xf32, #tpu.memory_space<vmem>>[vector<16xi32>], vector<16xf32>,
      %add3A_604 = arith.constant 43 : i32
      %add3A_605 = vector.broadcast %add3A_604 : i32 to vector<16xi32>
      %add3A_606 = arith.addi %add3A_165, %add3A_605 : vector<16xi32>
      %gather3A_607 = tpu.vector_load_idx %arg12[%add3A_606] : memref<32768xf32, #tpu.memory_space<vmem>>[vector<16xi32>], vector<16xf32>,
      %mul3A_608 = arith.mulf %gather3A_603, %gather3A_607 : vector<16xf32>
      %add3A_609 = arith.addf %add3A_599, %mul3A_608 : vector<16xf32>
      %add3A_610 = arith.constant 44 : i32
      %add3A_611 = vector.broadcast %add3A_610 : i32 to vector<16xi32>
      %add3A_612 = arith.addi %add3A_156, %add3A_611 : vector<16xi32>
      %gather3A_613 = tpu.vector_load_idx %arg11[%add3A_612] : memref<32768xf32, #tpu.memory_space<vmem>>[vector<16xi32>], vector<16xf32>,
      %add3A_614 = arith.constant 44 : i32
      %add3A_615 = vector.broadcast %add3A_614 : i32 to vector<16xi32>
      %add3A_616 = arith.addi %add3A_165, %add3A_615 : vector<16xi32>
      %gather3A_617 = tpu.vector_load_idx %arg12[%add3A_616] : memref<32768xf32, #tpu.memory_space<vmem>>[vector<16xi32>], vector<16xf32>,
      %mul3A_618 = arith.mulf %gather3A_613, %gather3A_617 : vector<16xf32>
      %add3A_619 = arith.addf %add3A_609, %mul3A_618 : vector<16xf32>
      %add3A_620 = arith.constant 45 : i32
      %add3A_621 = vector.broadcast %add3A_620 : i32 to vector<16xi32>
      %add3A_622 = arith.addi %add3A_156, %add3A_621 : vector<16xi32>
      %gather3A_623 = tpu.vector_load_idx %arg11[%add3A_622] : memref<32768xf32, #tpu.memory_space<vmem>>[vector<16xi32>], vector<16xf32>,
      %add3A_624 = arith.constant 45 : i32
      %add3A_625 = vector.broadcast %add3A_624 : i32 to vector<16xi32>
      %add3A_626 = arith.addi %add3A_165, %add3A_625 : vector<16xi32>
      %gather3A_627 = tpu.vector_load_idx %arg12[%add3A_626] : memref<32768xf32, #tpu.memory_space<vmem>>[vector<16xi32>], vector<16xf32>,
      %mul3A_628 = arith.mulf %gather3A_623, %gather3A_627 : vector<16xf32>
      %add3A_629 = arith.addf %add3A_619, %mul3A_628 : vector<16xf32>
      %add3A_630 = arith.constant 46 : i32
      %add3A_631 = vector.broadcast %add3A_630 : i32 to vector<16xi32>
      %add3A_632 = arith.addi %add3A_156, %add3A_631 : vector<16xi32>
      %gather3A_633 = tpu.vector_load_idx %arg11[%add3A_632] : memref<32768xf32, #tpu.memory_space<vmem>>[vector<16xi32>], vector<16xf32>,
      %add3A_634 = arith.constant 46 : i32
      %add3A_635 = vector.broadcast %add3A_634 : i32 to vector<16xi32>
      %add3A_636 = arith.addi %add3A_165, %add3A_635 : vector<16xi32>
      %gather3A_637 = tpu.vector_load_idx %arg12[%add3A_636] : memref<32768xf32, #tpu.memory_space<vmem>>[vector<16xi32>], vector<16xf32>,
      %mul3A_638 = arith.mulf %gather3A_633, %gather3A_637 : vector<16xf32>
      %add3A_639 = arith.addf %add3A_629, %mul3A_638 : vector<16xf32>
      %add3A_640 = arith.constant 47 : i32
      %add3A_641 = vector.broadcast %add3A_640 : i32 to vector<16xi32>
      %add3A_642 = arith.addi %add3A_156, %add3A_641 : vector<16xi32>
      %gather3A_643 = tpu.vector_load_idx %arg11[%add3A_642] : memref<32768xf32, #tpu.memory_space<vmem>>[vector<16xi32>], vector<16xf32>,
      %add3A_644 = arith.constant 47 : i32
      %add3A_645 = vector.broadcast %add3A_644 : i32 to vector<16xi32>
      %add3A_646 = arith.addi %add3A_165, %add3A_645 : vector<16xi32>
      %gather3A_647 = tpu.vector_load_idx %arg12[%add3A_646] : memref<32768xf32, #tpu.memory_space<vmem>>[vector<16xi32>], vector<16xf32>,
      %mul3A_648 = arith.mulf %gather3A_643, %gather3A_647 : vector<16xf32>
      %add3A_649 = arith.addf %add3A_639, %mul3A_648 : vector<16xf32>
      %add3A_650 = arith.constant 48 : i32
      %add3A_651 = vector.broadcast %add3A_650 : i32 to vector<16xi32>
      %add3A_652 = arith.addi %add3A_156, %add3A_651 : vector<16xi32>
      %gather3A_653 = tpu.vector_load_idx %arg11[%add3A_652] : memref<32768xf32, #tpu.memory_space<vmem>>[vector<16xi32>], vector<16xf32>,
      %add3A_654 = arith.constant 48 : i32
      %add3A_655 = vector.broadcast %add3A_654 : i32 to vector<16xi32>
      %add3A_656 = arith.addi %add3A_165, %add3A_655 : vector<16xi32>
      %gather3A_657 = tpu.vector_load_idx %arg12[%add3A_656] : memref<32768xf32, #tpu.memory_space<vmem>>[vector<16xi32>], vector<16xf32>,
      %mul3A_658 = arith.mulf %gather3A_653, %gather3A_657 : vector<16xf32>
      %add3A_659 = arith.addf %add3A_649, %mul3A_658 : vector<16xf32>
      %add3A_660 = arith.constant 49 : i32
      %add3A_661 = vector.broadcast %add3A_660 : i32 to vector<16xi32>
      %add3A_662 = arith.addi %add3A_156, %add3A_661 : vector<16xi32>
      %gather3A_663 = tpu.vector_load_idx %arg11[%add3A_662] : memref<32768xf32, #tpu.memory_space<vmem>>[vector<16xi32>], vector<16xf32>,
      %add3A_664 = arith.constant 49 : i32
      %add3A_665 = vector.broadcast %add3A_664 : i32 to vector<16xi32>
      %add3A_666 = arith.addi %add3A_165, %add3A_665 : vector<16xi32>
      %gather3A_667 = tpu.vector_load_idx %arg12[%add3A_666] : memref<32768xf32, #tpu.memory_space<vmem>>[vector<16xi32>], vector<16xf32>,
      %mul3A_668 = arith.mulf %gather3A_663, %gather3A_667 : vector<16xf32>
      %add3A_669 = arith.addf %add3A_659, %mul3A_668 : vector<16xf32>
      %add3A_670 = arith.constant 50 : i32
      %add3A_671 = vector.broadcast %add3A_670 : i32 to vector<16xi32>
      %add3A_672 = arith.addi %add3A_156, %add3A_671 : vector<16xi32>
      %gather3A_673 = tpu.vector_load_idx %arg11[%add3A_672] : memref<32768xf32, #tpu.memory_space<vmem>>[vector<16xi32>], vector<16xf32>,
      %add3A_674 = arith.constant 50 : i32
      %add3A_675 = vector.broadcast %add3A_674 : i32 to vector<16xi32>
      %add3A_676 = arith.addi %add3A_165, %add3A_675 : vector<16xi32>
      %gather3A_677 = tpu.vector_load_idx %arg12[%add3A_676] : memref<32768xf32, #tpu.memory_space<vmem>>[vector<16xi32>], vector<16xf32>,
      %mul3A_678 = arith.mulf %gather3A_673, %gather3A_677 : vector<16xf32>
      %add3A_679 = arith.addf %add3A_669, %mul3A_678 : vector<16xf32>
      %add3A_680 = arith.constant 51 : i32
      %add3A_681 = vector.broadcast %add3A_680 : i32 to vector<16xi32>
      %add3A_682 = arith.addi %add3A_156, %add3A_681 : vector<16xi32>
      %gather3A_683 = tpu.vector_load_idx %arg11[%add3A_682] : memref<32768xf32, #tpu.memory_space<vmem>>[vector<16xi32>], vector<16xf32>,
      %add3A_684 = arith.constant 51 : i32
      %add3A_685 = vector.broadcast %add3A_684 : i32 to vector<16xi32>
      %add3A_686 = arith.addi %add3A_165, %add3A_685 : vector<16xi32>
      %gather3A_687 = tpu.vector_load_idx %arg12[%add3A_686] : memref<32768xf32, #tpu.memory_space<vmem>>[vector<16xi32>], vector<16xf32>,
      %mul3A_688 = arith.mulf %gather3A_683, %gather3A_687 : vector<16xf32>
      %add3A_689 = arith.addf %add3A_679, %mul3A_688 : vector<16xf32>
      %add3A_690 = arith.constant 52 : i32
      %add3A_691 = vector.broadcast %add3A_690 : i32 to vector<16xi32>
      %add3A_692 = arith.addi %add3A_156, %add3A_691 : vector<16xi32>
      %gather3A_693 = tpu.vector_load_idx %arg11[%add3A_692] : memref<32768xf32, #tpu.memory_space<vmem>>[vector<16xi32>], vector<16xf32>,
      %add3A_694 = arith.constant 52 : i32
      %add3A_695 = vector.broadcast %add3A_694 : i32 to vector<16xi32>
      %add3A_696 = arith.addi %add3A_165, %add3A_695 : vector<16xi32>
      %gather3A_697 = tpu.vector_load_idx %arg12[%add3A_696] : memref<32768xf32, #tpu.memory_space<vmem>>[vector<16xi32>], vector<16xf32>,
      %mul3A_698 = arith.mulf %gather3A_693, %gather3A_697 : vector<16xf32>
      %add3A_699 = arith.addf %add3A_689, %mul3A_698 : vector<16xf32>
      %add3A_700 = arith.constant 53 : i32
      %add3A_701 = vector.broadcast %add3A_700 : i32 to vector<16xi32>
      %add3A_702 = arith.addi %add3A_156, %add3A_701 : vector<16xi32>
      %gather3A_703 = tpu.vector_load_idx %arg11[%add3A_702] : memref<32768xf32, #tpu.memory_space<vmem>>[vector<16xi32>], vector<16xf32>,
      %add3A_704 = arith.constant 53 : i32
      %add3A_705 = vector.broadcast %add3A_704 : i32 to vector<16xi32>
      %add3A_706 = arith.addi %add3A_165, %add3A_705 : vector<16xi32>
      %gather3A_707 = tpu.vector_load_idx %arg12[%add3A_706] : memref<32768xf32, #tpu.memory_space<vmem>>[vector<16xi32>], vector<16xf32>,
      %mul3A_708 = arith.mulf %gather3A_703, %gather3A_707 : vector<16xf32>
      %add3A_709 = arith.addf %add3A_699, %mul3A_708 : vector<16xf32>
      %add3A_710 = arith.constant 54 : i32
      %add3A_711 = vector.broadcast %add3A_710 : i32 to vector<16xi32>
      %add3A_712 = arith.addi %add3A_156, %add3A_711 : vector<16xi32>
      %gather3A_713 = tpu.vector_load_idx %arg11[%add3A_712] : memref<32768xf32, #tpu.memory_space<vmem>>[vector<16xi32>], vector<16xf32>,
      %add3A_714 = arith.constant 54 : i32
      %add3A_715 = vector.broadcast %add3A_714 : i32 to vector<16xi32>
      %add3A_716 = arith.addi %add3A_165, %add3A_715 : vector<16xi32>
      %gather3A_717 = tpu.vector_load_idx %arg12[%add3A_716] : memref<32768xf32, #tpu.memory_space<vmem>>[vector<16xi32>], vector<16xf32>,
      %mul3A_718 = arith.mulf %gather3A_713, %gather3A_717 : vector<16xf32>
      %add3A_719 = arith.addf %add3A_709, %mul3A_718 : vector<16xf32>
      %add3A_720 = arith.constant 55 : i32
      %add3A_721 = vector.broadcast %add3A_720 : i32 to vector<16xi32>
      %add3A_722 = arith.addi %add3A_156, %add3A_721 : vector<16xi32>
      %gather3A_723 = tpu.vector_load_idx %arg11[%add3A_722] : memref<32768xf32, #tpu.memory_space<vmem>>[vector<16xi32>], vector<16xf32>,
      %add3A_724 = arith.constant 55 : i32
      %add3A_725 = vector.broadcast %add3A_724 : i32 to vector<16xi32>
      %add3A_726 = arith.addi %add3A_165, %add3A_725 : vector<16xi32>
      %gather3A_727 = tpu.vector_load_idx %arg12[%add3A_726] : memref<32768xf32, #tpu.memory_space<vmem>>[vector<16xi32>], vector<16xf32>,
      %mul3A_728 = arith.mulf %gather3A_723, %gather3A_727 : vector<16xf32>
      %add3A_729 = arith.addf %add3A_719, %mul3A_728 : vector<16xf32>
      %add3A_730 = arith.constant 56 : i32
      %add3A_731 = vector.broadcast %add3A_730 : i32 to vector<16xi32>
      %add3A_732 = arith.addi %add3A_156, %add3A_731 : vector<16xi32>
      %gather3A_733 = tpu.vector_load_idx %arg11[%add3A_732] : memref<32768xf32, #tpu.memory_space<vmem>>[vector<16xi32>], vector<16xf32>,
      %add3A_734 = arith.constant 56 : i32
      %add3A_735 = vector.broadcast %add3A_734 : i32 to vector<16xi32>
      %add3A_736 = arith.addi %add3A_165, %add3A_735 : vector<16xi32>
      %gather3A_737 = tpu.vector_load_idx %arg12[%add3A_736] : memref<32768xf32, #tpu.memory_space<vmem>>[vector<16xi32>], vector<16xf32>,
      %mul3A_738 = arith.mulf %gather3A_733, %gather3A_737 : vector<16xf32>
      %add3A_739 = arith.addf %add3A_729, %mul3A_738 : vector<16xf32>
      %add3A_740 = arith.constant 57 : i32
      %add3A_741 = vector.broadcast %add3A_740 : i32 to vector<16xi32>
      %add3A_742 = arith.addi %add3A_156, %add3A_741 : vector<16xi32>
      %gather3A_743 = tpu.vector_load_idx %arg11[%add3A_742] : memref<32768xf32, #tpu.memory_space<vmem>>[vector<16xi32>], vector<16xf32>,
      %add3A_744 = arith.constant 57 : i32
      %add3A_745 = vector.broadcast %add3A_744 : i32 to vector<16xi32>
      %add3A_746 = arith.addi %add3A_165, %add3A_745 : vector<16xi32>
      %gather3A_747 = tpu.vector_load_idx %arg12[%add3A_746] : memref<32768xf32, #tpu.memory_space<vmem>>[vector<16xi32>], vector<16xf32>,
      %mul3A_748 = arith.mulf %gather3A_743, %gather3A_747 : vector<16xf32>
      %add3A_749 = arith.addf %add3A_739, %mul3A_748 : vector<16xf32>
      %add3A_750 = arith.constant 58 : i32
      %add3A_751 = vector.broadcast %add3A_750 : i32 to vector<16xi32>
      %add3A_752 = arith.addi %add3A_156, %add3A_751 : vector<16xi32>
      %gather3A_753 = tpu.vector_load_idx %arg11[%add3A_752] : memref<32768xf32, #tpu.memory_space<vmem>>[vector<16xi32>], vector<16xf32>,
      %add3A_754 = arith.constant 58 : i32
      %add3A_755 = vector.broadcast %add3A_754 : i32 to vector<16xi32>
      %add3A_756 = arith.addi %add3A_165, %add3A_755 : vector<16xi32>
      %gather3A_757 = tpu.vector_load_idx %arg12[%add3A_756] : memref<32768xf32, #tpu.memory_space<vmem>>[vector<16xi32>], vector<16xf32>,
      %mul3A_758 = arith.mulf %gather3A_753, %gather3A_757 : vector<16xf32>
      %add3A_759 = arith.addf %add3A_749, %mul3A_758 : vector<16xf32>
      %add3A_760 = arith.constant 59 : i32
      %add3A_761 = vector.broadcast %add3A_760 : i32 to vector<16xi32>
      %add3A_762 = arith.addi %add3A_156, %add3A_761 : vector<16xi32>
      %gather3A_763 = tpu.vector_load_idx %arg11[%add3A_762] : memref<32768xf32, #tpu.memory_space<vmem>>[vector<16xi32>], vector<16xf32>,
      %add3A_764 = arith.constant 59 : i32
      %add3A_765 = vector.broadcast %add3A_764 : i32 to vector<16xi32>
      %add3A_766 = arith.addi %add3A_165, %add3A_765 : vector<16xi32>
      %gather3A_767 = tpu.vector_load_idx %arg12[%add3A_766] : memref<32768xf32, #tpu.memory_space<vmem>>[vector<16xi32>], vector<16xf32>,
      %mul3A_768 = arith.mulf %gather3A_763, %gather3A_767 : vector<16xf32>
      %add3A_769 = arith.addf %add3A_759, %mul3A_768 : vector<16xf32>
      %add3A_770 = arith.constant 60 : i32
      %add3A_771 = vector.broadcast %add3A_770 : i32 to vector<16xi32>
      %add3A_772 = arith.addi %add3A_156, %add3A_771 : vector<16xi32>
      %gather3A_773 = tpu.vector_load_idx %arg11[%add3A_772] : memref<32768xf32, #tpu.memory_space<vmem>>[vector<16xi32>], vector<16xf32>,
      %add3A_774 = arith.constant 60 : i32
      %add3A_775 = vector.broadcast %add3A_774 : i32 to vector<16xi32>
      %add3A_776 = arith.addi %add3A_165, %add3A_775 : vector<16xi32>
      %gather3A_777 = tpu.vector_load_idx %arg12[%add3A_776] : memref<32768xf32, #tpu.memory_space<vmem>>[vector<16xi32>], vector<16xf32>,
      %mul3A_778 = arith.mulf %gather3A_773, %gather3A_777 : vector<16xf32>
      %add3A_779 = arith.addf %add3A_769, %mul3A_778 : vector<16xf32>
      %add3A_780 = arith.constant 61 : i32
      %add3A_781 = vector.broadcast %add3A_780 : i32 to vector<16xi32>
      %add3A_782 = arith.addi %add3A_156, %add3A_781 : vector<16xi32>
      %gather3A_783 = tpu.vector_load_idx %arg11[%add3A_782] : memref<32768xf32, #tpu.memory_space<vmem>>[vector<16xi32>], vector<16xf32>,
      %add3A_784 = arith.constant 61 : i32
      %add3A_785 = vector.broadcast %add3A_784 : i32 to vector<16xi32>
      %add3A_786 = arith.addi %add3A_165, %add3A_785 : vector<16xi32>
      %gather3A_787 = tpu.vector_load_idx %arg12[%add3A_786] : memref<32768xf32, #tpu.memory_space<vmem>>[vector<16xi32>], vector<16xf32>,
      %mul3A_788 = arith.mulf %gather3A_783, %gather3A_787 : vector<16xf32>
      %add3A_789 = arith.addf %add3A_779, %mul3A_788 : vector<16xf32>
      %add3A_790 = arith.constant 62 : i32
      %add3A_791 = vector.broadcast %add3A_790 : i32 to vector<16xi32>
      %add3A_792 = arith.addi %add3A_156, %add3A_791 : vector<16xi32>
      %gather3A_793 = tpu.vector_load_idx %arg11[%add3A_792] : memref<32768xf32, #tpu.memory_space<vmem>>[vector<16xi32>], vector<16xf32>,
      %add3A_794 = arith.constant 62 : i32
      %add3A_795 = vector.broadcast %add3A_794 : i32 to vector<16xi32>
      %add3A_796 = arith.addi %add3A_165, %add3A_795 : vector<16xi32>
      %gather3A_797 = tpu.vector_load_idx %arg12[%add3A_796] : memref<32768xf32, #tpu.memory_space<vmem>>[vector<16xi32>], vector<16xf32>,
      %mul3A_798 = arith.mulf %gather3A_793, %gather3A_797 : vector<16xf32>
      %add3A_799 = arith.addf %add3A_789, %mul3A_798 : vector<16xf32>
      %add3A_800 = arith.constant 63 : i32
      %add3A_801 = vector.broadcast %add3A_800 : i32 to vector<16xi32>
      %add3A_802 = arith.addi %add3A_156, %add3A_801 : vector<16xi32>
      %gather3A_803 = tpu.vector_load_idx %arg11[%add3A_802] : memref<32768xf32, #tpu.memory_space<vmem>>[vector<16xi32>], vector<16xf32>,
      %add3A_804 = arith.constant 63 : i32
      %add3A_805 = vector.broadcast %add3A_804 : i32 to vector<16xi32>
      %add3A_806 = arith.addi %add3A_165, %add3A_805 : vector<16xi32>
      %gather3A_807 = tpu.vector_load_idx %arg12[%add3A_806] : memref<32768xf32, #tpu.memory_space<vmem>>[vector<16xi32>], vector<16xf32>,
      %mul3A_808 = arith.mulf %gather3A_803, %gather3A_807 : vector<16xf32>
      %add3A_809 = arith.addf %add3A_799, %mul3A_808 : vector<16xf32>
      %swap3A = arith.index_cast %add3A_144 : i32 to index
      %swap3A_810 = tpu.vector_load %arg15[%swap3A] {strides = array<i32>} : memref<512xf32, #tpu.memory_space<vmem>>, vector<16xf32>,
      tpu.vector_store %arg15[%swap3A], %add3A_809 {strides = array<i32>} : memref<512xf32, #tpu.memory_space<vmem>>, vector<16xf32>,
      %scan3A_811 = arith.constant 0 : i32
      scf.yield %scan3A_811 : i32
    }
    %scan3A_137 = arith.constant 16 : i32
    "tpu.region"() ({
      %run_scoped3A = tpu.sem_alloc : memref<!tpu.dma_semaphore, #tpu.memory_space<semaphore_mem>>
      %dma_start3A_138 = tpu.memref_slice %arg8[%multiple_of3A] : memref<16384xf32, #tpu.memory_space<hbm>> -> memref<512xf32, #tpu.memory_space<hbm>>
      %dma_start3A_139 = tpu.memref_slice %arg8[%multiple_of3A] : memref<16384xf32, #tpu.memory_space<hbm>> -> memref<512xf32, #tpu.memory_space<hbm>>
      tpu.enqueue_dma source(%arg15 : memref<512xf32, #tpu.memory_space<vmem>>) target(%dma_start3A_139 : memref<512xf32, #tpu.memory_space<hbm>>) target_semaphore(%run_scoped3A : memref<!tpu.dma_semaphore, #tpu.memory_space<semaphore_mem>>)
      %dma_wait3A_140 = tpu.memref_slice %arg8[%multiple_of3A] : memref<16384xf32, #tpu.memory_space<hbm>> -> memref<512xf32, #tpu.memory_space<hbm>>
      %dma_wait3A_141 = tpu.memref_slice %arg8[%multiple_of3A] : memref<16384xf32, #tpu.memory_space<hbm>> -> memref<512xf32, #tpu.memory_space<hbm>>
      tpu.wait_dma2 semaphore(%run_scoped3A : memref<!tpu.dma_semaphore, #tpu.memory_space<semaphore_mem>>) src(%arg15 : memref<512xf32, #tpu.memory_space<vmem>>) dst(%dma_wait3A_141 : memref<512xf32, #tpu.memory_space<hbm>>)
      tpu.yield
    }) : () -> ()
    return
  }
}

</mosaic_0001>

<sc_bundles>
// kernel: _run.3.cloned.1.call-start
scs
__scs_entry_jumppad:
0x0: {  	(pc) =	sbr.rel $0x88, $3  }
0x1: {  	(tag) =	ssettag $0x0;
	lr =	simm.s32 $0x1  }
0x2: {  	[smem:$0x3F9B] =	sst lr;
	_ =	strace $0xD0000000  }
0x3: {  	_ = 	snop  }
0x4: {  	_ = 	snop  }
0x5: {  	_ = 	snop  }
0x6: {  	_ = 	snop  }
0x7: {  	_ = 	snop  }
__scs_overlays_trampoline_lowered:
0x8: {  	[smem:$0x3FAA] =	sst s0  }
0x9: {  	[smem:$0x3FAB] =	sst s1  }
0xa: {  	[smem:$0x3FAC] =	sst s2  }
0xb: {  	[smem:$0x3FAD] =	sst s3  }
0xc: {  	[smem:$0x3FAE] =	sst s4  }
0xd: {  	[smem:$0x3FAF] =	sst s5  }
0xe: {  	[smem:$0x3FB0] =	sst s6  }
0xf: {  	[smem:$0x3FB1] =	sst s7  }
0x10: {  	[smem:$0x3FB2] =	sst s8  }
0x11: {  	[smem:$0x3FB3] =	sst s9;
	s0 =	simm.s32 @!p0 $0x0  }
0x12: {  	s1 =	sld [smem:$0x3F99];
	s0 =	simm.s32 @p0 $0x1  }
0x13: {  	[smem:$0x3FB4] =	sst s0;
	s0 =	simm.s32 @!p1 $0x0  }
0x14: {  	s2 =	sld [smem:$0x3F98];
	s0 =	simm.s32 @p1 $0x1  }
0x15: {  	[smem:$0x3FB5] =	sst s0;
	s0 =	simm.s32 @!p2 $0x0  }
0x16: {  	s3 =	sld [smem:$0x3FDB];
	s0 =	simm.s32 @p2 $0x1  }
0x17: {  	s4 =	simm.s32 $0x1BF5;
	[smem:$0x3FB7] =	sst s0  }
0x18: {  	s0 =	sld [smem:$0x3F9A];
	_ =	swait.ge [sflag:s4], $0x0  }
0x19: {  	s7 =	sld [smem:$0x3F9B]  }
0x1a: {  	s8 =	sadd.s32 $0xFFFFE003, lr  }
0x1b: {  	s9 =	sadd.s32 $0xFFFFFEF7, lr;
	s5 =	simm.s32 $0xFFFFFFFF;
	p2 =	slt.u32 s8, $0xFFFFF086  }
0x1c: {  	p1 =	slt.u32 s9, $0xF7A;
	s5 =	simm.s32 @!p2 $0x0  }
0x1d: {  	s5 =	simm.s32 @p1 $0x1;
	p0 =	seq.s32 s7, s2  }
0x1e: {  	s7 =	smul.u32 @!p0 $0xF7A, s2;
	p2 =	seq.s32 @!p0 s5, $0x0  }
0x1f: {  	s9 =	smul.u32 $0xF7A, s1;
	s8 =	simm.s32 @!p0 $0x1BF5;
	p2 =	por !p2, p0  }
0x20: {  	[sflag:s8] =	ssyncset.s32 @!p0 $0xFFFFF086;
	s6 =	sadd.s32 @!p0 s3, s7;
	s7 =	simm.s32 @!p0 $0x108  }
0x21: {  	s3 =	sadd.s32 s3, s9;
	s6 =	sadd.s32 @!p0 $0x88, s6;
	s7 =	simm.s32 @p2 $0x1082  }
0x22: {  	[simem:s7], [sflag:s8] =	dma.local @!p0 [hbm:s6], $0xF7A  }
0x23: {  	s9 =	sor.u32 $0xD0000000, s2;
	s6 =	simm.s32 $0x108;
	_ =	swait.ge @!p0 [sflag:s8], $0x0  }
0x24: {  	s3 =	sadd.s32 $0x88, s3;
	s6 =	simm.s32 @!p1 $0x1082;
	[sflag:s4] =	ssyncset.s32 $0xFFFFF086  }
0x25: {  	[simem:s6], [sflag:s4] =	dma.local [hbm:s3], $0xF7A  }
0x26: {  	[smem:$0x3F9B] =	sst s1;
	(tag) =	ssettag s2;
	_ =	strace s9  }
0x27: {  	s1 =	sld [smem:$0x3FAB]  }
0x28: {  	s2 =	sld [smem:$0x3FAC]  }
0x29: {  	s4 =	sld [smem:$0x3FAE]  }
0x2a: {  	p0 =	seq.s32 s5, $0x0;
	s5 =	sld [smem:$0x3FAF]  }
0x2b: {  	s6 =	sld [smem:$0x3FB0]  }
0x2c: {  	s7 =	sld [smem:$0x3FB1]  }
0x2d: {  	s3 =	simm.s32 $0x108;
	s8 =	sld [smem:$0x3FB2]  }
0x2e: {  	s3 =	simm.s32 @!p0 $0x1082;
	s9 =	sld [smem:$0x3FB3]  }
0x2f: {  	lr =	sadd.s32 s0, s3;
	s0 =	sld [smem:$0x3FAA]  }
0x30: {  	s3 =	sld [smem:$0x3FAD]  }
0x31: {  	[smem:$0x3FB6] =	sst s10  }
0x32: {  	s10 =	sld [smem:$0x3FB4];
	_ =	sdelay $0x3  }
0x33: {  	p0 =	seq.s32 s10, $0x1;
	s10 =	sld [smem:$0x3FB6];
	_ =	sdelay $0x3  }
0x34: {  	[smem:$0x3FB6] =	sst s10  }
0x35: {  	s10 =	sld [smem:$0x3FB5];
	_ =	sdelay $0x3  }
0x36: {  	p1 =	seq.s32 s10, $0x1;
	s10 =	sld [smem:$0x3FB6];
	_ =	sdelay $0x3  }
0x37: {  	[smem:$0x3FB6] =	sst s10  }
0x38: {  	s10 =	sld [smem:$0x3FB7]  }
0x39: {  	_ = 	snop;
	(pc) =	sbr.ind lr, $3  }
0x3a: {  	_ = 	snop  }
0x3b: {  	_ = 	snop  }
0x3c: {  	p2 =	seq.s32 s10, $0x1;
	s10 =	sld [smem:$0x3FB6]  }
0x3d: {  	_ =	shalt  }
0x3e: {  	_ =	shalt  }
0x3f: {  	_ =	shalt  }
0x40: {  	_ =	shalt  }
0x41: {  	_ =	shalt  }
0x42: {  	_ =	shalt  }
0x43: {  	_ =	shalt  }
0x44: {  	_ =	shalt  }
0x45: {  	_ =	shalt  }
0x46: {  	_ =	shalt  }
0x47: {  	_ =	shalt  }
0x48: {  	_ =	shalt  }
0x49: {  	_ =	shalt  }
0x4a: {  	_ =	shalt  }
0x4b: {  	_ =	shalt  }
0x4c: {  	_ =	shalt  }
0x4d: {  	_ =	shalt  }
0x4e: {  	_ =	shalt  }
0x4f: {  	_ =	shalt  }
0x50: {  	_ =	shalt  }
0x51: {  	_ =	shalt  }
0x52: {  	_ =	shalt  }
0x53: {  	_ =	shalt  }
0x54: {  	_ =	shalt  }
0x55: {  	_ =	shalt  }
0x56: {  	_ =	shalt  }
0x57: {  	_ =	shalt  }
0x58: {  	_ =	shalt  }
0x59: {  	_ =	shalt  }
0x5a: {  	_ =	shalt  }
0x5b: {  	_ =	shalt  }
0x5c: {  	_ =	shalt  }
0x5d: {  	_ =	shalt  }
0x5e: {  	_ =	shalt  }
0x5f: {  	_ =	shalt  }
0x60: {  	_ =	shalt  }
0x61: {  	_ =	shalt  }
0x62: {  	_ =	shalt  }
0x63: {  	_ =	shalt  }
0x64: {  	_ =	shalt  }
0x65: {  	_ =	shalt  }
0x66: {  	_ =	shalt  }
0x67: {  	_ =	shalt  }
0x68: {  	_ =	shalt  }
0x69: {  	_ =	shalt  }
0x6a: {  	_ =	shalt  }
0x6b: {  	_ =	shalt  }
0x6c: {  	_ =	shalt  }
0x6d: {  	_ =	shalt  }
0x6e: {  	_ =	shalt  }
0x6f: {  	_ =	shalt  }
0x70: {  	_ =	shalt  }
0x71: {  	_ =	shalt  }
0x72: {  	_ =	shalt  }
0x73: {  	_ =	shalt  }
0x74: {  	_ =	shalt  }
0x75: {  	_ =	shalt  }
0x76: {  	_ =	shalt  }
0x77: {  	_ =	shalt  }
0x78: {  	_ =	shalt  }
0x79: {  	_ =	shalt  }
0x7a: {  	_ =	shalt  }
0x7b: {  	_ =	shalt  }
0x7c: {  	_ =	shalt  }
0x7d: {  	_ =	shalt  }
0x7e: {  	_ =	shalt  }
0x7f: {  	_ =	shalt  }
0x80: {  	_ =	shalt  }
0x81: {  	_ =	shalt  }
0x82: {  	_ =	shalt  }
0x83: {  	_ =	shalt  }
0x84: {  	_ =	shalt  }
0x85: {  	_ =	shalt  }
0x86: {  	_ =	shalt  }
0x87: {  	_ =	shalt  }
.Lfunc_end0:
.L_simem_size_0:
called_computation_lowered:
.L_overlay_start_0:
0x88: {  	s2 =	sld [smem:$0x3FD9]  }
0x89: {  	s3 =	sld [smem:$0x3FFE];
	_ =	sdelay $0x1  }
0x8a: {  	s1 =	srdreg.scid  }
0x8b: {  	s0 =	sand.u32 $0x1, s1  }
0x8c: {  	s18 =	sshll.u32 s0, $0xA;
	s2 =	sadd.s32 s3, s2  }
0x8d: {  	s2 =	sadd.s32 s2, s18  }
0x8e: {  	[smem:$0x3FC2] =	sst s2  }
0x8f: {  	_ = 	snop  }
0x90: {  	s2 =	sld [smem:$0x3FC9]  }
0x91: {  	s19 =	sld [smem:$0x3FC8]  }
0x92: {  	s4 =	sld [smem:$0x3FC7]  }
0x93: {  	s5 =	sld [smem:$0x3FC6]  }
0x94: {  	s6 =	sld [smem:$0x3FC5]  }
0x95: {  	s7 =	sld [smem:$0x3FC4]  }
0x96: {  	s8 =	sld [smem:$0x3FD0];
	(tm) =	ssettm $0x1  }
0x97: {  	s9 =	sld [smem:$0x3FFB];
	_ =	sdelay $0x3  }
0x98: {  	_ =	strace s9  }
0x99: {  	s9 =	sld [smem:$0x3FFC];
	_ =	sdelay $0x3  }
0x9a: {  	_ =	strace s9  }
0x9b: {  	s9 =	sld [smem:$0x3FFD];
	_ =	sdelay $0x3  }
0x9c: {  	_ =	strace s9  }
0x9d: {  	_ =	strace $0x8FFFFFFF  }
0x9e: {  	s20 =	sld [smem:$0x3FDB];
	_ =	sdelay $0x1  }
0x9f: {  	s10 =	simm.s32 $_scs_section_size  }
0xa0: {  	s11 =	simm.s32 $_size__tile_overlayer_lowered;
	s12 =	simm.s32 $_tile_overlayer_lowered  }
0xa1: {  	s23 =	simm.s32 $0x1BFF;
	s22 =	sshll.u32 s12, $0x1;
	s9 =	sadd.s32 s10, s20  }
0xa2: {  	s13 =	simm.s32 $0x0;
	s21 =	sshll.u32 s11, $0x1;
	s11 =	sadd.s32 s22, s9  }
0xa3: {  	[timem:s13], [sflag:s23] =	dma.local [hbm:s11], s21  }
0xa4: {  	_ =	swait.ge [sflag:s23], s21  }
0xa5: {  	s10 =	ssub.s32 $0x0, s21;
	[sflag:s23] =	ssyncset.done $0x0  }
0xa6: {  	[sflag:s23] =	ssyncadd.s32 s10;
	_ =	sdelay $0x1  }
0xa7: {  	s24 =	simm.s32 $0x1B8B  }
0xa8: {  	_ =	swait.ge [sflag:s24], $0x1  }
0xa9: {  	[sflag:s24] =	ssyncset.done $0x0  }
0xaa: {  	s25 =	simm.s32 $0x1B8E;
	[sflag:s24] =	ssyncadd.s32 $0xFFFFFFFF  }
0xab: {  	s26 =	simm.s32 $execute0_lowered;
	[smem:$0x3FD2] =	sst s25  }
0xac: {  	s10 =	sshll.u32 s26, $0x1;
	_ =	strace $0x80000046;
	[dreg:$0x1] =	wrdreg $0xFFFFFFFF  }
0xad: {  	s28 =	simm.s32 $_size_execute0_lowered;
	s9 =	sadd.s32 s9, s10;
	[dreg:$0x0] =	wrdreg $0x0  }
0xae: {  	s10 =	sshll.u32 s28, $0x1;
	[dreg:$0x2] =	wrdreg s9  }
0xaf: {  	[dreg:$0x3] =	wrdreg s10  }
0xb0: {  	[dreg:$0x4] =	wrdreg $0xC0  }
0xb1: {  	_ =	task [dreg:s13], $0x5FFFF  }
0xb2: {  	[dreg:$0x1] =	wrdreg $0xFFFFFFFF  }
0xb3: {  	[dreg:$0x0] =	wrdreg $0x60  }
0xb4: {  	[dreg:$0x2] =	wrdreg s2  }
0xb5: {  	[dreg:$0x3] =	wrdreg s19  }
0xb6: {  	[dreg:$0x4] =	wrdreg s4  }
0xb7: {  	[dreg:$0x5] =	wrdreg s5  }
0xb8: {  	[dreg:$0x6] =	wrdreg s6  }
0xb9: {  	[dreg:$0x7] =	wrdreg s7  }
0xba: {  	[dreg:$0x8] =	wrdreg s8  }
0xbb: {  	[dreg:$0x9] =	wrdreg $0x9  }
0xbc: {  	_ =	task.clear_ibuf [dreg:s13], $0xAFFFF;
	_ =	strace $0x90000046  }
0xbd: {  	s29 =	simm.s32 $0x9;
	_ =	strace $0x80000048  }
0xbe: {  	_ =	swait.ge [sflag:s29], $0x1  }
0xbf: {  	[sflag:s29] =	ssyncadd.s32 $0xFFFFFFFF  }
0xc0: {  	_ =	strace $0x90000048  }
0xc1: {  	_ =	sfence  }
0xc2: {  	s30 =	sld [smem:$0x0];
	_ =	sdelay $0x2  }
0xc3: {  	s31 =	sshll.u32 s1, $0xD;
	s1 =	sshrl.u32 s1, $0x2  }
0xc4: {  	s3 =	sand.u32 $0x4000, s31;
	s1 =	sadd.s32 s1, s30  }
0xc5: {  	s0 =	sor.u32 s3, s0;
	s1 =	sshll.u32 s1, $0x11  }
0xc6: {  	s0 =	sor.u32 s1, s0  }
0xc7: {  	s0 =	sadd.s32 $0x8F2B, s0  }
0xc8: {  	[sflag:s0] =	ssyncadd.remote.s32 $0x1  }
0xc9: {  	_ =	sfence.sel $0xFFFF  }
0xca: {  	[dreg:$0x0] =	wrdreg $0xFFFFFFFF;
	(pc) =	sbr.abs _section_cstart, $3  }
0xcb: {  	[dreg:$0x1] =	wrdreg $0xFFFFFFFF  }
0xcc: {  	_ =	task.clear_ibuf [dreg:s13], $0x2FFFF;
	_ =	strace $0x9FFFFFFF  }
0xcd: {  	(tm) =	ssettm $0x7FFFFFFF  }
tec
execute0_lowered:
.L_overlay_start_1:
0x0: {  	(tag) =	ssettag $0x1  }
0x1: {  	s0 =	rddreg [dreg:$0x0]  }
0x2: {  	s5 =	rddreg [dreg:$0x1]  }
0x3: {  	s1 =	rddreg [dreg:$0x2]  }
0x4: {  	s2 =	rddreg [dreg:$0x3]  }
0x5: {  	s3 =	rddreg [dreg:$0x4]  }
0x6: {  	s4 =	rddreg [dreg:$0x5]  }
0x7: {  	s9 =	rddreg [dreg:$0x6];
	s7 =	srdreg.scid  }
0x8: {  	s6 =	simm.s32 $0x0;
	s11 =	stileid.u32;
	s12 =	simm.s32 $0x80  }
0x9: {  	s18 =	simm.s32 $0x100;
	s19 =	simm.s32 $0x10500;
	s20 =	simm.s32 $0x300  }
0xa: {  	s21 =	simm.s32 $0x10700;
	s22 =	simm.s32 $0x180;
	s23 =	simm.s32 $0x10580  }
0xb: {  	s24 =	simm.s32 $0x380;
	s25 =	simm.s32 $0x10780;
	s26 =	simm.s32 $0x1  }
0xc: {  	s28 =	simm.s32 $0x400;
	s29 =	simm.s32 $0x8400;
	s30 =	simm.s32 $0x10800  }
0xd: {  	s31 =	simm.s32 $0x0;
	s7 =	sand.u32 $0x1, s7;
	[smem:$0x7FF] =	sst s6  }
0xe: {  	s11 =	sshll.u32 s11, $0x7;
	s8 =	ssub.s32 $0x2, s7;
	s7 =	sshll.u32 s7, $0x6  }
0xf: {  	_ =	strace $0x80000047;
	s10 =	sshrl.u32 s8, $0x1;
	s11 =	sor.u32 s7, s11  }
0x10: {  	v0 =	vlaneseq.u32;
	s10 =	ssub.s32 s8, s10;
	s7 =	sadd.s32 s0, s11;
	s8 =	sadd.s32 s5, s11  }
0x11: {  	v0 =	vmul.u32 $0x80, v0;
	s9 =	sadd.s32 s9, s11;
	s11 =	simm.s32 $0x2;
	s10 =	smax.u32 s10, $0x1  }
.LBB2_1:
0x12: {  	[tilespmem:s6], [sflag:$0x2] =	stream.linear.gather [hbm4b:s7+s6], $0x200, $0x38;
	[tilespmem:$0x10A00] =	vst v63  }
0x13: {  	_ =	swait.ge [sflag:s11], $0x200  }
0x14: {  	[sflag:s11] =	ssyncset.done $0x0  }
0x15: {  	s0 =	simm.s32 $0x200;
	[sflag:s11] =	ssyncadd.s32 $0xFFFFFE00  }
0x16: {  	[tilespmem:s0], [sflag:$0x2] =	stream.linear.gather [hbm4b:s8+s6], $0x200, $0x38;
	[tilespmem:$0x10A00] =	vst v63  }
0x17: {  	_ =	swait.ge [sflag:s11], $0x200  }
0x18: {  	[sflag:s11] =	ssyncset.done $0x0  }
0x19: {  	s5 =	simm.s32 $0x10400;
	[sflag:s11] =	ssyncadd.s32 $0xFFFFFE00  }
0x1a: {  	[tilespmem:s5], [sflag:$0x1] =	stream.indirect.gather [hbm4b:s3+s12], $0x1, s6, s12, $0xb8;
	[tilespmem:$0x10A00] =	vst v63  }
0x1b: {  	s13 =	simm.s32 $0x10600  }
0x1c: {  	[tilespmem:s13], [sflag:$0x1] =	stream.indirect.gather [hbm4b:s4+s12], $0x1, s0, s12, $0xb8;
	[tilespmem:$0x10A00] =	vst v63  }
0x1d: {  	s14 =	simm.s32 $0x10480  }
0x1e: {  	[tilespmem:s14], [sflag:$0x1] =	stream.indirect.gather [hbm4b:s3+s12], $0x1, s12, s12, $0xb8;
	[tilespmem:$0x10A00] =	vst v63  }
0x1f: {  	s15 =	simm.s32 $0x280;
	s13 =	simm.s32 $0x10680  }
0x20: {  	[tilespmem:s13], [sflag:$0x1] =	stream.indirect.gather [hbm4b:s4+s12], $0x1, s15, s12, $0xb8;
	[tilespmem:$0x10A00] =	vst v63  }
0x21: {  	_ = 	snop  }
0x22: {  	[tilespmem:s19], [sflag:$0x1] =	stream.indirect.gather [hbm4b:s3+s12], $0x1, s18, s12, $0xb8;
	[tilespmem:$0x10A00] =	vst v63  }
0x23: {  	_ = 	snop  }
0x24: {  	[tilespmem:s21], [sflag:$0x1] =	stream.indirect.gather [hbm4b:s4+s12], $0x1, s20, s12, $0xb8;
	[tilespmem:$0x10A00] =	vst v63  }
0x25: {  	_ = 	snop  }
0x26: {  	[tilespmem:s23], [sflag:$0x1] =	stream.indirect.gather [hbm4b:s3+s12], $0x1, s22, s12, $0xb8;
	[tilespmem:$0x10A00] =	vst v63  }
0x27: {  	_ = 	snop  }
0x28: {  	[tilespmem:s25], [sflag:$0x1] =	stream.indirect.gather [hbm4b:s4+s12], $0x1, s24, s12, $0xb8;
	[tilespmem:$0x10A00] =	vst v63  }
0x29: {  	v1 =	vld [tilespmem:s6+$0x0];
	_ =	sdelay $0x1  }
0x2a: {  	v2 =	vld [tilespmem:s0+$0x0];
	_ =	sdelay $0x2  }
0x2b: {  	v1 =	vshll.u32 v1, $0x6  }
0x2c: {  	v1 =	vand.u32 $0xFFFFFF80, v1  }
0x2d: {  	v2 =	vshll.u32 v2, $0x6;
	v1 =	vshrl.u32 v1, $0x3  }
0x2e: {  	v2 =	vand.u32 $0xFFFFFF80, v2;
	v1 =	vadd.s32 s1, v1  }
0x2f: {  	v2 =	vshrl.u32 v2, $0x3;
	(v2sf) =	vpush v1, $0x0  }
0x30: {  	v2 =	vadd.s32 s2, v2  }
0x31: {  	(v2sf) =	vpush v2, $0x0;
	_ =	sdelay $0x1  }
0x32: {  	(v2sf) =	vpush v1, $0x1;
	_ =	sdelay $0x1  }
0x33: {  	(v2sf) =	vpush v2, $0x1;
	_ =	sdelay $0x1  }
0x34: {  	(v2sf) =	vpush v1, $0x2;
	_ =	sdelay $0x1  }
0x35: {  	(v2sf) =	vpush v2, $0x2;
	_ =	sdelay $0x1  }
0x36: {  	(v2sf) =	vpush v1, $0x3;
	_ =	sdelay $0x1  }
0x37: {  	(v2sf) =	vpush v2, $0x3  }
0x38: {  	s16 =	simm.s32 $0x400;
	s17 =	spop (v2sf)  }
0x39: {  	(v2sf) =	vpush v1, $0x4;
	[tilespmem:s16], [sflag:$0x1] =	stream.linear.gather [hbm4b:s17+s6], $0x80, $0x38;
	[tilespmem:$0x10A00] =	vst v63  }
0x3a: {  	s5 =	simm.s32 $0x8400;
	s13 =	spop (v2sf);
	(v2sf) =	vpush v2, $0x4  }
0x3b: {  	[tilespmem:s5], [sflag:$0x1] =	stream.linear.gather [hbm4b:s13+s6], $0x80, $0x38;
	[tilespmem:$0x10A00] =	vst v63  }
0x3c: {  	s14 =	simm.s32 $0x480;
	s15 =	spop (v2sf);
	(v2sf) =	vpush v1, $0x5  }
0x3d: {  	[tilespmem:s14], [sflag:$0x1] =	stream.linear.gather [hbm4b:s15+s6], $0x80, $0x38;
	[tilespmem:$0x10A00] =	vst v63  }
0x3e: {  	s16 =	simm.s32 $0x8480;
	s17 =	spop (v2sf);
	(v2sf) =	vpush v2, $0x5  }
0x3f: {  	[tilespmem:s16], [sflag:$0x1] =	stream.linear.gather [hbm4b:s17+s6], $0x80, $0x38;
	[tilespmem:$0x10A00] =	vst v63  }
0x40: {  	s5 =	simm.s32 $0x500;
	s13 =	spop (v2sf);
	(v2sf) =	vpush v1, $0x6  }
0x41: {  	[tilespmem:s5], [sflag:$0x1] =	stream.linear.gather [hbm4b:s13+s6], $0x80, $0x38;
	[tilespmem:$0x10A00] =	vst v63  }
0x42: {  	s14 =	simm.s32 $0x8500;
	s15 =	spop (v2sf);
	(v2sf) =	vpush v2, $0x6  }
0x43: {  	[tilespmem:s14], [sflag:$0x1] =	stream.linear.gather [hbm4b:s15+s6], $0x80, $0x38;
	[tilespmem:$0x10A00] =	vst v63  }
0x44: {  	s16 =	simm.s32 $0x580;
	s17 =	spop (v2sf);
	(v2sf) =	vpush v1, $0x7  }
0x45: {  	[tilespmem:s16], [sflag:$0x1] =	stream.linear.gather [hbm4b:s17+s6], $0x80, $0x38;
	[tilespmem:$0x10A00] =	vst v63  }
0x46: {  	s5 =	simm.s32 $0x8580;
	s13 =	spop (v2sf);
	(v2sf) =	vpush v2, $0x7  }
0x47: {  	[tilespmem:s5], [sflag:$0x1] =	stream.linear.gather [hbm4b:s13+s6], $0x80, $0x38;
	[tilespmem:$0x10A00] =	vst v63  }
0x48: {  	s15 =	spop (v2sf);
	(v2sf) =	vpush v1, $0x8  }
0x49: {  	s14 =	simm.s32 $0x600;
	s17 =	spop (v2sf)  }
0x4a: {  	(v2sf) =	vpush v2, $0x8;
	[tilespmem:s14], [sflag:$0x1] =	stream.linear.gather [hbm4b:s15+s6], $0x80, $0x38;
	[tilespmem:$0x10A00] =	vst v63  }
0x4b: {  	s16 =	simm.s32 $0x8600;
	s13 =	spop (v2sf)  }
0x4c: {  	(v2sf) =	vpush v1, $0x9;
	[tilespmem:s16], [sflag:$0x1] =	stream.linear.gather [hbm4b:s17+s6], $0x80, $0x38;
	[tilespmem:$0x10A00] =	vst v63  }
0x4d: {  	s5 =	simm.s32 $0x680;
	s15 =	spop (v2sf)  }
0x4e: {  	(v2sf) =	vpush v2, $0x9;
	[tilespmem:s5], [sflag:$0x1] =	stream.linear.gather [hbm4b:s13+s6], $0x80, $0x38;
	[tilespmem:$0x10A00] =	vst v63  }
0x4f: {  	s14 =	simm.s32 $0x8680;
	s17 =	spop (v2sf)  }
0x50: {  	(v2sf) =	vpush v1, $0xA;
	[tilespmem:s14], [sflag:$0x1] =	stream.linear.gather [hbm4b:s15+s6], $0x80, $0x38;
	[tilespmem:$0x10A00] =	vst v63  }
0x51: {  	s16 =	simm.s32 $0x700;
	s13 =	spop (v2sf)  }
0x52: {  	(v2sf) =	vpush v2, $0xA;
	[tilespmem:s16], [sflag:$0x1] =	stream.linear.gather [hbm4b:s17+s6], $0x80, $0x38;
	[tilespmem:$0x10A00] =	vst v63  }
0x53: {  	s5 =	simm.s32 $0x8700;
	s15 =	spop (v2sf)  }
0x54: {  	(v2sf) =	vpush v1, $0xB;
	[tilespmem:s5], [sflag:$0x1] =	stream.linear.gather [hbm4b:s13+s6], $0x80, $0x38;
	[tilespmem:$0x10A00] =	vst v63  }
0x55: {  	s14 =	simm.s32 $0x780;
	s17 =	spop (v2sf)  }
0x56: {  	(v2sf) =	vpush v2, $0xB;
	[tilespmem:s14], [sflag:$0x1] =	stream.linear.gather [hbm4b:s15+s6], $0x80, $0x38;
	[tilespmem:$0x10A00] =	vst v63  }
0x57: {  	s16 =	simm.s32 $0x8780;
	s13 =	spop (v2sf)  }
0x58: {  	(v2sf) =	vpush v1, $0xC;
	[tilespmem:s16], [sflag:$0x1] =	stream.linear.gather [hbm4b:s17+s6], $0x80, $0x38;
	[tilespmem:$0x10A00] =	vst v63  }
0x59: {  	s5 =	simm.s32 $0x800;
	s15 =	spop (v2sf)  }
0x5a: {  	(v2sf) =	vpush v2, $0xC;
	[tilespmem:s5], [sflag:$0x1] =	stream.linear.gather [hbm4b:s13+s6], $0x80, $0x38;
	[tilespmem:$0x10A00] =	vst v63  }
0x5b: {  	s14 =	simm.s32 $0x8800;
	s17 =	spop (v2sf)  }
0x5c: {  	(v2sf) =	vpush v1, $0xD;
	[tilespmem:s14], [sflag:$0x1] =	stream.linear.gather [hbm4b:s15+s6], $0x80, $0x38;
	[tilespmem:$0x10A00] =	vst v63  }
0x5d: {  	s16 =	simm.s32 $0x880;
	s13 =	spop (v2sf)  }
0x5e: {  	(v2sf) =	vpush v2, $0xD;
	[tilespmem:s16], [sflag:$0x1] =	stream.linear.gather [hbm4b:s17+s6], $0x80, $0x38;
	[tilespmem:$0x10A00] =	vst v63  }
0x5f: {  	s5 =	simm.s32 $0x8880;
	s15 =	spop (v2sf)  }
0x60: {  	(v2sf) =	vpush v1, $0xE;
	[tilespmem:s5], [sflag:$0x1] =	stream.linear.gather [hbm4b:s13+s6], $0x80, $0x38;
	[tilespmem:$0x10A00] =	vst v63  }
0x61: {  	s14 =	simm.s32 $0x900;
	s17 =	spop (v2sf)  }
0x62: {  	(v2sf) =	vpush v2, $0xE;
	[tilespmem:s14], [sflag:$0x1] =	stream.linear.gather [hbm4b:s15+s6], $0x80, $0x38;
	[tilespmem:$0x10A00] =	vst v63  }
0x63: {  	s16 =	simm.s32 $0x8900;
	s13 =	spop (v2sf)  }
0x64: {  	(v2sf) =	vpush v1, $0xF;
	[tilespmem:s16], [sflag:$0x1] =	stream.linear.gather [hbm4b:s17+s6], $0x80, $0x38;
	[tilespmem:$0x10A00] =	vst v63  }
0x65: {  	s5 =	simm.s32 $0x980;
	s15 =	spop (v2sf)  }
0x66: {  	(v2sf) =	vpush v2, $0xF;
	[tilespmem:s5], [sflag:$0x1] =	stream.linear.gather [hbm4b:s13+s6], $0x80, $0x38;
	[tilespmem:$0x10A00] =	vst v63  }
0x67: {  	s14 =	simm.s32 $0x8980;
	s17 =	spop (v2sf)  }
0x68: {  	[tilespmem:s14], [sflag:$0x1] =	stream.linear.gather [hbm4b:s15+s6], $0x80, $0x38;
	[tilespmem:$0x10A00] =	vst v63  }
0x69: {  	s16 =	simm.s32 $0xA00;
	s13 =	spop (v2sf)  }
0x6a: {  	[tilespmem:s16], [sflag:$0x1] =	stream.linear.gather [hbm4b:s17+s6], $0x80, $0x38;
	[tilespmem:$0x10A00] =	vst v63  }
0x6b: {  	s5 =	simm.s32 $0x8A00;
	s15 =	spop (v2sf)  }
0x6c: {  	[tilespmem:s5], [sflag:$0x1] =	stream.linear.gather [hbm4b:s13+s6], $0x80, $0x38;
	[tilespmem:$0x10A00] =	vst v63  }
0x6d: {  	s14 =	simm.s32 $0xA80;
	s17 =	spop (v2sf)  }
0x6e: {  	[tilespmem:s14], [sflag:$0x1] =	stream.linear.gather [hbm4b:s15+s6], $0x80, $0x38;
	[tilespmem:$0x10A00] =	vst v63  }
0x6f: {  	s0 =	simm.s32 $0x2000;
	s16 =	simm.s32 $0x8A80;
	s13 =	spop (v2sf)  }
0x70: {  	[tilespmem:s16], [sflag:$0x1] =	stream.linear.gather [hbm4b:s17+s6], $0x80, $0x38;
	[tilespmem:$0x10A00] =	vst v63  }
0x71: {  	s5 =	simm.s32 $0xB00;
	s14 =	simm.s32 $0x8B00;
	s15 =	spop (v2sf)  }
0x72: {  	[tilespmem:s5], [sflag:$0x1] =	stream.linear.gather [hbm4b:s13+s6], $0x80, $0x38;
	[tilespmem:$0x10A00] =	vst v63  }
0x73: {  	s16 =	simm.s32 $0xB80;
	s17 =	spop (v2sf);
	s5 =	simm.s32 $0x210  }
0x74: {  	[tilespmem:s14], [sflag:$0x1] =	stream.linear.gather [hbm4b:s15+s6], $0x80, $0x38;
	[tilespmem:$0x10A00] =	vst v63  }
0x75: {  	s13 =	simm.s32 $0x10;
	s14 =	simm.s32 $0x8B80;
	s15 =	spop (v2sf)  }
0x76: {  	[tilespmem:s16], [sflag:$0x1] =	stream.linear.gather [hbm4b:s17+s6], $0x80, $0x38;
	[tilespmem:$0x10A00] =	vst v63  }
.LBB2_2:
0x77: {  	[tilespmem:s14], [sflag:$0x1] =	stream.linear.gather [hbm4b:s15+s6], $0x80, $0x38;
	[tilespmem:$0x10A00] =	vst v63  }
0x78: {  	p0 =	sne.s32 s0, $0x1E000;
	s14 =	smov.u32 s0;
	s0 =	sadd.s32 $0x2000, s0;
	v1 =	vld [tilespmem:s13+$0x0]  }
0x79: {  	_ = 	snop  }
0x7a: {  	v2 =	vld [tilespmem:s5+$0x0];
	_ =	sdelay $0x2  }
0x7b: {  	v1 =	vshll.u32 v1, $0x6  }
0x7c: {  	v1 =	vand.u32 $0xFFFFFF80, v1  }
0x7d: {  	v2 =	vshll.u32 v2, $0x6;
	v1 =	vshrl.u32 v1, $0x3  }
0x7e: {  	v3 =	vand.u32 $0xFFFFFF80, v2;
	v2 =	vadd.s32 s1, v1  }
0x7f: {  	v1 =	vshrl.u32 v3, $0x3;
	(v2sf) =	vpush v2, $0x0  }
0x80: {  	v1 =	vadd.s32 s2, v1  }
0x81: {  	(v2sf) =	vpush v1, $0x0;
	_ =	sdelay $0x1  }
0x82: {  	(v2sf) =	vpush v2, $0x1;
	_ =	sdelay $0x1  }
0x83: {  	(v2sf) =	vpush v1, $0x1;
	_ =	sdelay $0x1  }
0x84: {  	(v2sf) =	vpush v2, $0x2;
	_ =	sdelay $0x1  }
0x85: {  	(v2sf) =	vpush v1, $0x2;
	_ =	sdelay $0x1  }
0x86: {  	(v2sf) =	vpush v2, $0x3;
	_ =	sdelay $0x1  }
0x87: {  	s14 =	sshra.s32 s14, $0x2;
	(v2sf) =	vpush v1, $0x3  }
0x88: {  	s15 =	sadd.s32 $0x400, s14;
	s16 =	spop (v2sf)  }
0x89: {  	[tilespmem:s15], [sflag:$0x1] =	stream.linear.gather [hbm4b:s16+s6], $0x80, $0x38;
	(v2sf) =	vpush v2, $0x4;
	[tilespmem:$0x10A00] =	vst v63  }
0x8a: {  	s15 =	sadd.s32 $0x8400, s14;
	s16 =	spop (v2sf)  }
0x8b: {  	[tilespmem:s15], [sflag:$0x1] =	stream.linear.gather [hbm4b:s16+s6], $0x80, $0x38;
	(v2sf) =	vpush v1, $0x4;
	[tilespmem:$0x10A00] =	vst v63  }
0x8c: {  	s15 =	sadd.s32 $0x480, s14;
	s16 =	spop (v2sf)  }
0x8d: {  	[tilespmem:s15], [sflag:$0x1] =	stream.linear.gather [hbm4b:s16+s6], $0x80, $0x38;
	(v2sf) =	vpush v2, $0x5;
	[tilespmem:$0x10A00] =	vst v63  }
0x8e: {  	s15 =	sadd.s32 $0x8480, s14;
	s16 =	spop (v2sf)  }
0x8f: {  	[tilespmem:s15], [sflag:$0x1] =	stream.linear.gather [hbm4b:s16+s6], $0x80, $0x38;
	(v2sf) =	vpush v1, $0x5;
	[tilespmem:$0x10A00] =	vst v63  }
0x90: {  	s15 =	sadd.s32 $0x500, s14;
	s16 =	spop (v2sf)  }
0x91: {  	[tilespmem:s15], [sflag:$0x1] =	stream.linear.gather [hbm4b:s16+s6], $0x80, $0x38;
	(v2sf) =	vpush v2, $0x6;
	[tilespmem:$0x10A00] =	vst v63  }
0x92: {  	s15 =	sadd.s32 $0x8500, s14;
	s16 =	spop (v2sf)  }
0x93: {  	[tilespmem:s15], [sflag:$0x1] =	stream.linear.gather [hbm4b:s16+s6], $0x80, $0x38;
	(v2sf) =	vpush v1, $0x6;
	[tilespmem:$0x10A00] =	vst v63  }
0x94: {  	s15 =	sadd.s32 $0x580, s14;
	s16 =	spop (v2sf)  }
0x95: {  	[tilespmem:s15], [sflag:$0x1] =	stream.linear.gather [hbm4b:s16+s6], $0x80, $0x38;
	(v2sf) =	vpush v2, $0x7;
	[tilespmem:$0x10A00] =	vst v63  }
0x96: {  	s15 =	sadd.s32 $0x8580, s14;
	s16 =	spop (v2sf)  }
0x97: {  	[tilespmem:s15], [sflag:$0x1] =	stream.linear.gather [hbm4b:s16+s6], $0x80, $0x38;
	(v2sf) =	vpush v1, $0x7;
	[tilespmem:$0x10A00] =	vst v63  }
0x98: {  	s15 =	sadd.s32 $0x600, s14;
	s16 =	spop (v2sf)  }
0x99: {  	[tilespmem:s15], [sflag:$0x1] =	stream.linear.gather [hbm4b:s16+s6], $0x80, $0x38;
	(v2sf) =	vpush v2, $0x8;
	[tilespmem:$0x10A00] =	vst v63  }
0x9a: {  	s15 =	sadd.s32 $0x8600, s14;
	s16 =	spop (v2sf)  }
0x9b: {  	[tilespmem:s15], [sflag:$0x1] =	stream.linear.gather [hbm4b:s16+s6], $0x80, $0x38;
	(v2sf) =	vpush v1, $0x8;
	[tilespmem:$0x10A00] =	vst v63  }
0x9c: {  	s15 =	sadd.s32 $0x680, s14;
	s16 =	spop (v2sf)  }
0x9d: {  	[tilespmem:s15], [sflag:$0x1] =	stream.linear.gather [hbm4b:s16+s6], $0x80, $0x38;
	(v2sf) =	vpush v2, $0x9;
	[tilespmem:$0x10A00] =	vst v63  }
0x9e: {  	s15 =	sadd.s32 $0x8680, s14;
	s16 =	spop (v2sf)  }
0x9f: {  	[tilespmem:s15], [sflag:$0x1] =	stream.linear.gather [hbm4b:s16+s6], $0x80, $0x38;
	(v2sf) =	vpush v1, $0x9;
	[tilespmem:$0x10A00] =	vst v63  }
0xa0: {  	s15 =	sadd.s32 $0x700, s14;
	s16 =	spop (v2sf)  }
0xa1: {  	[tilespmem:s15], [sflag:$0x1] =	stream.linear.gather [hbm4b:s16+s6], $0x80, $0x38;
	(v2sf) =	vpush v2, $0xA;
	[tilespmem:$0x10A00] =	vst v63  }
0xa2: {  	s15 =	sadd.s32 $0x8700, s14;
	s16 =	spop (v2sf)  }
0xa3: {  	[tilespmem:s15], [sflag:$0x1] =	stream.linear.gather [hbm4b:s16+s6], $0x80, $0x38;
	(v2sf) =	vpush v1, $0xA;
	[tilespmem:$0x10A00] =	vst v63  }
0xa4: {  	s15 =	sadd.s32 $0x780, s14;
	s16 =	spop (v2sf)  }
0xa5: {  	[tilespmem:s15], [sflag:$0x1] =	stream.linear.gather [hbm4b:s16+s6], $0x80, $0x38;
	(v2sf) =	vpush v2, $0xB;
	[tilespmem:$0x10A00] =	vst v63  }
0xa6: {  	s15 =	sadd.s32 $0x8780, s14;
	s16 =	spop (v2sf)  }
0xa7: {  	[tilespmem:s15], [sflag:$0x1] =	stream.linear.gather [hbm4b:s16+s6], $0x80, $0x38;
	(v2sf) =	vpush v1, $0xB;
	[tilespmem:$0x10A00] =	vst v63  }
0xa8: {  	s15 =	sadd.s32 $0x800, s14;
	s16 =	spop (v2sf)  }
0xa9: {  	[tilespmem:s15], [sflag:$0x1] =	stream.linear.gather [hbm4b:s16+s6], $0x80, $0x38;
	(v2sf) =	vpush v2, $0xC;
	[tilespmem:$0x10A00] =	vst v63  }
0xaa: {  	s15 =	sadd.s32 $0x8800, s14;
	s16 =	spop (v2sf)  }
0xab: {  	[tilespmem:s15], [sflag:$0x1] =	stream.linear.gather [hbm4b:s16+s6], $0x80, $0x38;
	(v2sf) =	vpush v1, $0xC;
	[tilespmem:$0x10A00] =	vst v63  }
0xac: {  	s15 =	sadd.s32 $0x880, s14;
	s16 =	spop (v2sf)  }
0xad: {  	[tilespmem:s15], [sflag:$0x1] =	stream.linear.gather [hbm4b:s16+s6], $0x80, $0x38;
	(v2sf) =	vpush v2, $0xD;
	[tilespmem:$0x10A00] =	vst v63  }
0xae: {  	s15 =	sadd.s32 $0x8880, s14;
	s16 =	spop (v2sf)  }
0xaf: {  	[tilespmem:s15], [sflag:$0x1] =	stream.linear.gather [hbm4b:s16+s6], $0x80, $0x38;
	(v2sf) =	vpush v1, $0xD;
	[tilespmem:$0x10A00] =	vst v63  }
0xb0: {  	s15 =	sadd.s32 $0x900, s14;
	s16 =	spop (v2sf)  }
0xb1: {  	[tilespmem:s15], [sflag:$0x1] =	stream.linear.gather [hbm4b:s16+s6], $0x80, $0x38;
	(v2sf) =	vpush v2, $0xE;
	[tilespmem:$0x10A00] =	vst v63  }
0xb2: {  	s15 =	sadd.s32 $0x8900, s14;
	s16 =	spop (v2sf)  }
0xb3: {  	[tilespmem:s15], [sflag:$0x1] =	stream.linear.gather [hbm4b:s16+s6], $0x80, $0x38;
	(v2sf) =	vpush v1, $0xE;
	[tilespmem:$0x10A00] =	vst v63  }
0xb4: {  	s15 =	sadd.s32 $0x980, s14;
	s16 =	spop (v2sf)  }
0xb5: {  	[tilespmem:s15], [sflag:$0x1] =	stream.linear.gather [hbm4b:s16+s6], $0x80, $0x38;
	(v2sf) =	vpush v2, $0xF;
	[tilespmem:$0x10A00] =	vst v63  }
0xb6: {  	s15 =	sadd.s32 $0x8980, s14;
	s16 =	spop (v2sf)  }
0xb7: {  	[tilespmem:s15], [sflag:$0x1] =	stream.linear.gather [hbm4b:s16+s6], $0x80, $0x38;
	(v2sf) =	vpush v1, $0xF;
	[tilespmem:$0x10A00] =	vst v63  }
0xb8: {  	s15 =	sadd.s32 $0xA00, s14;
	s16 =	spop (v2sf)  }
0xb9: {  	[tilespmem:s15], [sflag:$0x1] =	stream.linear.gather [hbm4b:s16+s6], $0x80, $0x38;
	[tilespmem:$0x10A00] =	vst v63  }
0xba: {  	s15 =	sadd.s32 $0x8A00, s14;
	s16 =	spop (v2sf)  }
0xbb: {  	[tilespmem:s15], [sflag:$0x1] =	stream.linear.gather [hbm4b:s16+s6], $0x80, $0x38;
	[tilespmem:$0x10A00] =	vst v63  }
0xbc: {  	s15 =	sadd.s32 $0xA80, s14;
	s16 =	spop (v2sf)  }
0xbd: {  	[tilespmem:s15], [sflag:$0x1] =	stream.linear.gather [hbm4b:s16+s6], $0x80, $0x38;
	[tilespmem:$0x10A00] =	vst v63  }
0xbe: {  	s15 =	sadd.s32 $0x8A80, s14;
	s16 =	spop (v2sf)  }
0xbf: {  	[tilespmem:s15], [sflag:$0x1] =	stream.linear.gather [hbm4b:s16+s6], $0x80, $0x38;
	[tilespmem:$0x10A00] =	vst v63  }
0xc0: {  	s15 =	sadd.s32 $0xB00, s14;
	s16 =	spop (v2sf)  }
0xc1: {  	[tilespmem:s15], [sflag:$0x1] =	stream.linear.gather [hbm4b:s16+s6], $0x80, $0x38;
	[tilespmem:$0x10A00] =	vst v63  }
.Ltmp0:
0xc2: {  	s15 =	sadd.s32 $0x8B00, s14;
	s16 =	spop (v2sf);
	(pc) =	sbr.rel @p0 .LBB2_2-.Ltmp0, $4  }
0xc3: {  	[tilespmem:s15], [sflag:$0x1] =	stream.linear.gather [hbm4b:s16+s6], $0x80, $0x38;
	[tilespmem:$0x10A00] =	vst v63  }
0xc4: {  	s5 =	sadd.s32 $0x10, s5;
	s15 =	sadd.s32 $0xB80, s14;
	s16 =	spop (v2sf)  }
0xc5: {  	[tilespmem:s15], [sflag:$0x1] =	stream.linear.gather [hbm4b:s16+s6], $0x80, $0x38;
	[tilespmem:$0x10A00] =	vst v63  }
0xc6: {  	s13 =	sadd.s32 $0x10, s13;
	s14 =	sadd.s32 $0x8B80, s14;
	s15 =	spop (v2sf)  }
0xc7: {  	[tilespmem:s14], [sflag:$0x1] =	stream.linear.gather [hbm4b:s15+s6], $0x80, $0x38;
	[tilespmem:$0x10A00] =	vst v63  }
0xc8: {  	_ =	swait.ge [sflag:s26], $0x80  }
0xc9: {  	[sflag:s26] =	ssyncset.done $0x0  }
0xca: {  	[sflag:s26] =	ssyncadd.s32 $0xFFFFFF80  }
0xcb: {  	_ =	swait.ge [sflag:s26], $0x80  }
0xcc: {  	s0 =	simm.s32 $0xFF;
	[sflag:s26] =	ssyncset.done $0x0  }
.LBB2_4:
0xcd: {  	p0 =	sne.s32 s0, $0x1;
	s0 =	sadd.s32 $0xFFFFFFFF, s0;
	[sflag:s26] =	ssyncadd.s32 $0xFFFFFF80  }
.Ltmp1:
0xce: {  	_ =	swait.ge [sflag:s26], $0x80;
	(pc) =	sbr.rel @p0 .LBB2_4-.Ltmp1, $4  }
0xcf: {  	[sflag:s26] =	ssyncset.done $0x0  }
0xd0: {  	[sflag:s26] =	ssyncadd.s32 $0xFFFFFF80  }
0xd1: {  	_ =	swait.ge [sflag:s26], $0x80  }
0xd2: {  	[sflag:s26] =	ssyncset.done $0x0  }
0xd3: {  	[sflag:s26] =	ssyncadd.s32 $0xFFFFFF80  }
0xd4: {  	_ =	swait.ge [sflag:s26], $0x80  }
0xd5: {  	[sflag:s26] =	ssyncset.done $0x0  }
0xd6: {  	[sflag:s26] =	ssyncadd.s32 $0xFFFFFF80  }
0xd7: {  	_ =	swait.ge [sflag:s26], $0x80  }
0xd8: {  	[sflag:s26] =	ssyncset.done $0x0  }
0xd9: {  	[sflag:s26] =	ssyncadd.s32 $0xFFFFFF80  }
0xda: {  	_ =	swait.ge [sflag:s26], $0x80  }
0xdb: {  	[sflag:s26] =	ssyncset.done $0x0  }
0xdc: {  	[sflag:s26] =	ssyncadd.s32 $0xFFFFFF80  }
0xdd: {  	_ =	swait.ge [sflag:s26], $0x80  }
0xde: {  	[sflag:s26] =	ssyncset.done $0x0  }
0xdf: {  	[sflag:s26] =	ssyncadd.s32 $0xFFFFFF80  }
0xe0: {  	_ =	swait.ge [sflag:s26], $0x80  }
0xe1: {  	[sflag:s26] =	ssyncset.done $0x0  }
0xe2: {  	[sflag:s26] =	ssyncadd.s32 $0xFFFFFF80  }
0xe3: {  	_ =	swait.ge [sflag:s26], $0x80  }
0xe4: {  	[sflag:s26] =	ssyncset.done $0x0  }
0xe5: {  	[sflag:s26] =	ssyncadd.s32 $0xFFFFFF80  }
0xe6: {  	_ =	swait.ge [sflag:s26], $0x80  }
0xe7: {  	[sflag:s26] =	ssyncset.done $0x0  }
0xe8: {  	[sflag:s26] =	ssyncadd.s32 $0xFFFFFF80  }
0xe9: {  	s0 =	simm.s32 $0x0;
	s5 =	simm.s32 $0x200;
	_ =	swait.ge [sflag:s26], $0x80  }
0xea: {  	s13 =	simm.s32 $0x10400;
	s14 =	simm.s32 $0x10600;
	[sflag:s26] =	ssyncset.done $0x0  }
0xeb: {  	s15 =	simm.s32 $0x10800;
	s16 =	simm.s32 $0x0;
	[sflag:s26] =	ssyncadd.s32 $0xFFFFFF80  }
.LBB2_6:
0xec: {  	v1 =	vld [tilespmem:s0+$0x0]  }
0xed: {  	v2 =	vld [tilespmem:s5+$0x0];
	_ =	sdelay $0x2  }
0xee: {  	v3 =	vmov s16  }
0xef: {  	v3 =	vshll.u32 v3, $0x7;
	v1 =	vshll.u32 v1, $0x6  }
0xf0: {  	v3 =	vor.u32 v0, v3;
	v2 =	vshll.u32 v2, $0x6;
	v1 =	vand.u32 $0x40, v1  }
0xf1: {  	v4 =	vand.u32 $0x40, v2;
	v2 =	vor.u32 v3, v1  }
0xf2: {  	v1 =	vor.u32 v3, v4  }
0xf3: {  	v3 =	vor.u32 $0x1, v2  }
0xf4: {  	v53 =	vld [tilespmem:s13+$0x0];
	v5 =	vor.u32 $0x1, v1  }
0xf5: {  	v6 =	vld [tilespmem:s14+$0x0];
	v7 =	vor.u32 $0x2, v2  }
0xf6: {  	v9 =	vor.u32 $0x2, v1;
	v8 =	vld.idx.msk [tilespmem:v2+s28+$0x0], $0xffff  }
0xf7: {  	v11 =	vor.u32 $0x3, v2;
	v10 =	vld.idx.msk [tilespmem:v1+s29+$0x0], $0xffff  }
0xf8: {  	v12 =	vor.u32 $0x3, v1;
	v3 =	vld.idx.msk [tilespmem:v3+s28+$0x0], $0xffff  }
0xf9: {  	v13 =	vor.u32 $0x4, v2;
	v5 =	vld.idx.msk [tilespmem:v5+s29+$0x0], $0xffff  }
0xfa: {  	v14 =	vor.u32 $0x4, v1;
	v7 =	vld.idx.msk [tilespmem:v7+s28+$0x0], $0xffff  }
0xfb: {  	v15 =	vor.u32 $0x5, v2;
	v9 =	vld.idx.msk [tilespmem:v9+s29+$0x0], $0xffff  }
0xfc: {  	v4 =	vadd.f32 v6, v53;
	v56 =	vor.u32 $0x5, v1;
	v55 =	vld.idx.msk [tilespmem:v11+s28+$0x0], $0xffff;
	v54 =	vmul.f32 v10, v8  }
0xfd: {  	v58 =	vor.u32 $0x6, v2;
	v57 =	vld.idx.msk [tilespmem:v12+s29+$0x0], $0xffff  }
0xfe: {  	v60 =	vor.u32 $0x6, v1;
	v59 =	vld.idx.msk [tilespmem:v13+s28+$0x0], $0xffff;
	v3 =	vmul.f32 v5, v3;
	v4 =	vadd.f32 v54, v4  }
0xff: {  	v62 =	vor.u32 $0x7, v2;
	v61 =	vld.idx.msk [tilespmem:v14+s29+$0x0], $0xffff  }
0x100: {  	v19 =	vor.u32 $0x7, v1;
	v18 =	vld.idx.msk [tilespmem:v15+s28+$0x0], $0xffff;
	v63 =	vmul.f32 v9, v7;
	v3 =	vadd.f32 v3, v4  }
0x101: {  	v20 =	vor.u32 $0x8, v2;
	v10 =	vld.idx.msk [tilespmem:v56+s29+$0x0], $0xffff  }
0x102: {  	v23 =	vor.u32 $0x8, v1;
	v22 =	vld.idx.msk [tilespmem:v58+s28+$0x0], $0xffff;
	v21 =	vmul.f32 v57, v55;
	v3 =	vadd.f32 v63, v3  }
0x103: {  	v24 =	vor.u32 $0x9, v2;
	v6 =	vld.idx.msk [tilespmem:v60+s29+$0x0], $0xffff  }
0x104: {  	v27 =	vor.u32 $0x9, v1;
	v26 =	vld.idx.msk [tilespmem:v62+s28+$0x0], $0xffff;
	v25 =	vmul.f32 v61, v59;
	v3 =	vadd.f32 v21, v3  }
0x105: {  	v28 =	vor.u32 $0xA, v2;
	v9 =	vld.idx.msk [tilespmem:v19+s29+$0x0], $0xffff  }
0x106: {  	v31 =	vor.u32 $0xA, v1;
	v30 =	vld.idx.msk [tilespmem:v20+s28+$0x0], $0xffff;
	v29 =	vmul.f32 v10, v18;
	v3 =	vadd.f32 v25, v3  }
0x107: {  	v32 =	vor.u32 $0xB, v2;
	v11 =	vld.idx.msk [tilespmem:v23+s29+$0x0], $0xffff  }
0x108: {  	v35 =	vor.u32 $0xB, v1;
	v34 =	vld.idx.msk [tilespmem:v24+s28+$0x0], $0xffff;
	v33 =	vmul.f32 v6, v22;
	v3 =	vadd.f32 v29, v3  }
0x109: {  	v37 =	vor.u32 $0xC, v2;
	v36 =	vld.idx.msk [tilespmem:v27+s29+$0x0], $0xffff  }
0x10a: {  	v40 =	vor.u32 $0xC, v1;
	v39 =	vld.idx.msk [tilespmem:v28+s28+$0x0], $0xffff;
	v38 =	vmul.f32 v9, v26;
	v3 =	vadd.f32 v33, v3  }
0x10b: {  	v41 =	vor.u32 $0xD, v2;
	v10 =	vld.idx.msk [tilespmem:v31+s29+$0x0], $0xffff  }
0x10c: {  	v44 =	vor.u32 $0xD, v1;
	v43 =	vld.idx.msk [tilespmem:v32+s28+$0x0], $0xffff;
	v42 =	vmul.f32 v11, v30;
	v3 =	vadd.f32 v38, v3  }
0x10d: {  	v48 =	vor.u32 $0xE, v1;
	v8 =	vld.idx.msk [tilespmem:v35+s29+$0x0], $0xffff  }
0x10e: {  	v45 =	vor.u32 $0xE, v2;
	v47 =	vld.idx.msk [tilespmem:v37+s28+$0x0], $0xffff;
	v46 =	vmul.f32 v36, v34;
	v3 =	vadd.f32 v42, v3  }
0x10f: {  	v49 =	vor.u32 $0xF, v2;
	v9 =	vld.idx.msk [tilespmem:v40+s29+$0x0], $0xffff  }
0x110: {  	v52 =	vor.u32 $0xF, v1;
	v51 =	vld.idx.msk [tilespmem:v41+s28+$0x0], $0xffff;
	v50 =	vmul.f32 v10, v39;
	v3 =	vadd.f32 v46, v3  }
0x111: {  	v56 =	vor.u32 $0x10, v1;
	v11 =	vld.idx.msk [tilespmem:v44+s29+$0x0], $0xffff  }
0x112: {  	v53 =	vor.u32 $0x10, v2;
	v12 =	vld.idx.msk [tilespmem:v48+s29+$0x0], $0xffff;
	v54 =	vmul.f32 v8, v43;
	v3 =	vadd.f32 v50, v3  }
0x113: {  	v55 =	vld.idx.msk [tilespmem:v45+s28+$0x0], $0xffff;
	v57 =	vor.u32 $0x11, v2  }
0x114: {  	v60 =	vor.u32 $0x11, v1;
	v59 =	vld.idx.msk [tilespmem:v49+s28+$0x0], $0xffff;
	v58 =	vmul.f32 v9, v47;
	v3 =	vadd.f32 v54, v3  }
0x115: {  	v61 =	vor.u32 $0x12, v2;
	v10 =	vld.idx.msk [tilespmem:v52+s29+$0x0], $0xffff  }
0x116: {  	v18 =	vor.u32 $0x12, v1;
	v8 =	vld.idx.msk [tilespmem:v56+s29+$0x0], $0xffff;
	v62 =	vmul.f32 v11, v51;
	v3 =	vadd.f32 v58, v3  }
0x117: {  	v22 =	vor.u32 $0x13, v1;
	v63 =	vld.idx.msk [tilespmem:v53+s28+$0x0], $0xffff  }
0x118: {  	v19 =	vor.u32 $0x13, v2;
	v20 =	vmul.f32 v12, v55;
	v21 =	vld.idx.msk [tilespmem:v57+s28+$0x0], $0xffff;
	v3 =	vadd.f32 v62, v3  }
0x119: {  	v23 =	vor.u32 $0x14, v2;
	v9 =	vld.idx.msk [tilespmem:v60+s29+$0x0], $0xffff  }
0x11a: {  	v26 =	vor.u32 $0x14, v1;
	v25 =	vld.idx.msk [tilespmem:v61+s28+$0x0], $0xffff;
	v24 =	vmul.f32 v10, v59;
	v3 =	vadd.f32 v20, v3  }
0x11b: {  	v27 =	vor.u32 $0x15, v2;
	v11 =	vld.idx.msk [tilespmem:v18+s29+$0x0], $0xffff  }
0x11c: {  	v30 =	vor.u32 $0x15, v1;
	v12 =	vld.idx.msk [tilespmem:v22+s29+$0x0], $0xffff;
	v28 =	vmul.f32 v8, v63;
	v3 =	vadd.f32 v24, v3  }
0x11d: {  	v31 =	vor.u32 $0x16, v2;
	v29 =	vld.idx.msk [tilespmem:v19+s28+$0x0], $0xffff  }
0x11e: {  	v34 =	vor.u32 $0x16, v1;
	v33 =	vld.idx.msk [tilespmem:v23+s28+$0x0], $0xffff;
	v32 =	vmul.f32 v9, v21;
	v3 =	vadd.f32 v28, v3  }
0x11f: {  	v35 =	vor.u32 $0x17, v2;
	v10 =	vld.idx.msk [tilespmem:v26+s29+$0x0], $0xffff  }
0x120: {  	v37 =	vld.idx.msk [tilespmem:v27+s28+$0x0], $0xffff;
	v36 =	vmul.f32 v11, v25;
	v38 =	vor.u32 $0x17, v1;
	v3 =	vadd.f32 v32, v3  }
0x121: {  	v39 =	vor.u32 $0x18, v2;
	v8 =	vld.idx.msk [tilespmem:v30+s29+$0x0], $0xffff  }
0x122: {  	v41 =	vld.idx.msk [tilespmem:v31+s28+$0x0], $0xffff;
	v40 =	vmul.f32 v12, v29;
	v42 =	vor.u32 $0x18, v1;
	v3 =	vadd.f32 v36, v3  }
0x123: {  	v43 =	vor.u32 $0x19, v2;
	v9 =	vld.idx.msk [tilespmem:v34+s29+$0x0], $0xffff  }
0x124: {  	v45 =	vld.idx.msk [tilespmem:v35+s28+$0x0], $0xffff;
	v44 =	vmul.f32 v10, v33;
	v46 =	vor.u32 $0x19, v1;
	v3 =	vadd.f32 v40, v3  }
0x125: {  	v47 =	vor.u32 $0x1A, v2;
	v11 =	vld.idx.msk [tilespmem:v38+s29+$0x0], $0xffff  }
0x126: {  	v49 =	vld.idx.msk [tilespmem:v39+s28+$0x0], $0xffff;
	v48 =	vmul.f32 v8, v37;
	v50 =	vor.u32 $0x1A, v1;
	v3 =	vadd.f32 v44, v3  }
0x127: {  	v51 =	vor.u32 $0x1B, v2;
	v12 =	vld.idx.msk [tilespmem:v42+s29+$0x0], $0xffff  }
0x128: {  	v53 =	vld.idx.msk [tilespmem:v43+s28+$0x0], $0xffff;
	v52 =	vmul.f32 v9, v41;
	v54 =	vor.u32 $0x1B, v1;
	v3 =	vadd.f32 v48, v3  }
0x129: {  	v55 =	vor.u32 $0x1C, v2;
	v10 =	vld.idx.msk [tilespmem:v46+s29+$0x0], $0xffff  }
0x12a: {  	v57 =	vld.idx.msk [tilespmem:v47+s28+$0x0], $0xffff;
	v56 =	vmul.f32 v11, v45;
	v58 =	vor.u32 $0x1C, v1;
	v3 =	vadd.f32 v52, v3  }
0x12b: {  	v59 =	vor.u32 $0x1D, v2;
	v8 =	vld.idx.msk [tilespmem:v50+s29+$0x0], $0xffff  }
0x12c: {  	v61 =	vld.idx.msk [tilespmem:v51+s28+$0x0], $0xffff;
	v60 =	vmul.f32 v12, v49;
	v62 =	vor.u32 $0x1D, v1;
	v3 =	vadd.f32 v56, v3  }
0x12d: {  	v63 =	vor.u32 $0x1E, v2;
	v9 =	vld.idx.msk [tilespmem:v54+s29+$0x0], $0xffff  }
0x12e: {  	v19 =	vld.idx.msk [tilespmem:v55+s28+$0x0], $0xffff;
	v18 =	vmul.f32 v10, v53;
	v20 =	vor.u32 $0x1E, v1;
	v3 =	vadd.f32 v60, v3  }
0x12f: {  	v21 =	vor.u32 $0x1F, v2;
	v11 =	vld.idx.msk [tilespmem:v58+s29+$0x0], $0xffff  }
0x130: {  	v23 =	vld.idx.msk [tilespmem:v59+s28+$0x0], $0xffff;
	v22 =	vmul.f32 v8, v57;
	v24 =	vor.u32 $0x1F, v1;
	v3 =	vadd.f32 v18, v3  }
0x131: {  	v25 =	vor.u32 $0x20, v2;
	v12 =	vld.idx.msk [tilespmem:v62+s29+$0x0], $0xffff  }
0x132: {  	v27 =	vld.idx.msk [tilespmem:v63+s28+$0x0], $0xffff;
	v26 =	vmul.f32 v9, v61;
	v28 =	vor.u32 $0x20, v1;
	v3 =	vadd.f32 v22, v3  }
0x133: {  	v29 =	vor.u32 $0x21, v2;
	v10 =	vld.idx.msk [tilespmem:v20+s29+$0x0], $0xffff  }
0x134: {  	v31 =	vld.idx.msk [tilespmem:v21+s28+$0x0], $0xffff;
	v30 =	vmul.f32 v11, v19;
	v32 =	vor.u32 $0x21, v1;
	v3 =	vadd.f32 v26, v3  }
0x135: {  	v33 =	vor.u32 $0x22, v2;
	v8 =	vld.idx.msk [tilespmem:v24+s29+$0x0], $0xffff  }
0x136: {  	v35 =	vld.idx.msk [tilespmem:v25+s28+$0x0], $0xffff;
	v34 =	vmul.f32 v12, v23;
	v36 =	vor.u32 $0x22, v1;
	v3 =	vadd.f32 v30, v3  }
0x137: {  	v37 =	vor.u32 $0x23, v2;
	v9 =	vld.idx.msk [tilespmem:v28+s29+$0x0], $0xffff  }
0x138: {  	v39 =	vld.idx.msk [tilespmem:v29+s28+$0x0], $0xffff;
	v38 =	vmul.f32 v10, v27;
	v40 =	vor.u32 $0x23, v1;
	v3 =	vadd.f32 v34, v3  }
0x139: {  	v41 =	vor.u32 $0x24, v2;
	v11 =	vld.idx.msk [tilespmem:v32+s29+$0x0], $0xffff  }
0x13a: {  	v43 =	vld.idx.msk [tilespmem:v33+s28+$0x0], $0xffff;
	v42 =	vmul.f32 v8, v31;
	v44 =	vor.u32 $0x24, v1;
	v3 =	vadd.f32 v38, v3  }
0x13b: {  	v45 =	vor.u32 $0x25, v2;
	v12 =	vld.idx.msk [tilespmem:v36+s29+$0x0], $0xffff  }
0x13c: {  	v47 =	vld.idx.msk [tilespmem:v37+s28+$0x0], $0xffff;
	v46 =	vmul.f32 v9, v35;
	v48 =	vor.u32 $0x25, v1;
	v3 =	vadd.f32 v42, v3  }
0x13d: {  	v49 =	vor.u32 $0x26, v2;
	v10 =	vld.idx.msk [tilespmem:v40+s29+$0x0], $0xffff  }
0x13e: {  	v51 =	vld.idx.msk [tilespmem:v41+s28+$0x0], $0xffff;
	v50 =	vmul.f32 v11, v39;
	v52 =	vor.u32 $0x26, v1;
	v3 =	vadd.f32 v46, v3  }
0x13f: {  	v53 =	vor.u32 $0x27, v2;
	v8 =	vld.idx.msk [tilespmem:v44+s29+$0x0], $0xffff  }
0x140: {  	v55 =	vld.idx.msk [tilespmem:v45+s28+$0x0], $0xffff;
	v54 =	vmul.f32 v12, v43;
	v56 =	vor.u32 $0x27, v1;
	v3 =	vadd.f32 v50, v3  }
0x141: {  	v57 =	vor.u32 $0x28, v2;
	v9 =	vld.idx.msk [tilespmem:v48+s29+$0x0], $0xffff  }
0x142: {  	v59 =	vld.idx.msk [tilespmem:v49+s28+$0x0], $0xffff;
	v58 =	vmul.f32 v10, v47;
	v60 =	vor.u32 $0x28, v1;
	v3 =	vadd.f32 v54, v3  }
0x143: {  	v61 =	vor.u32 $0x29, v2;
	v11 =	vld.idx.msk [tilespmem:v52+s29+$0x0], $0xffff  }
0x144: {  	v63 =	vld.idx.msk [tilespmem:v53+s28+$0x0], $0xffff;
	v62 =	vmul.f32 v8, v51;
	v18 =	vor.u32 $0x29, v1;
	v3 =	vadd.f32 v58, v3  }
0x145: {  	v19 =	vor.u32 $0x2A, v2;
	v12 =	vld.idx.msk [tilespmem:v56+s29+$0x0], $0xffff  }
0x146: {  	v21 =	vld.idx.msk [tilespmem:v57+s28+$0x0], $0xffff;
	v20 =	vmul.f32 v9, v55;
	v22 =	vor.u32 $0x2A, v1;
	v3 =	vadd.f32 v62, v3  }
0x147: {  	v23 =	vor.u32 $0x2B, v2;
	v10 =	vld.idx.msk [tilespmem:v60+s29+$0x0], $0xffff  }
0x148: {  	v25 =	vld.idx.msk [tilespmem:v61+s28+$0x0], $0xffff;
	v24 =	vmul.f32 v11, v59;
	v26 =	vor.u32 $0x2B, v1;
	v3 =	vadd.f32 v20, v3  }
0x149: {  	v27 =	vor.u32 $0x2C, v2;
	v8 =	vld.idx.msk [tilespmem:v18+s29+$0x0], $0xffff  }
0x14a: {  	v29 =	vld.idx.msk [tilespmem:v19+s28+$0x0], $0xffff;
	v28 =	vmul.f32 v12, v63;
	v30 =	vor.u32 $0x2C, v1;
	v3 =	vadd.f32 v24, v3  }
0x14b: {  	v31 =	vor.u32 $0x2D, v2;
	v9 =	vld.idx.msk [tilespmem:v22+s29+$0x0], $0xffff  }
0x14c: {  	v33 =	vld.idx.msk [tilespmem:v23+s28+$0x0], $0xffff;
	v32 =	vmul.f32 v10, v21;
	v34 =	vor.u32 $0x2D, v1;
	v3 =	vadd.f32 v28, v3  }
0x14d: {  	v35 =	vor.u32 $0x2E, v2;
	v11 =	vld.idx.msk [tilespmem:v26+s29+$0x0], $0xffff  }
0x14e: {  	v37 =	vld.idx.msk [tilespmem:v27+s28+$0x0], $0xffff;
	v36 =	vmul.f32 v8, v25;
	v38 =	vor.u32 $0x2E, v1;
	v3 =	vadd.f32 v32, v3  }
0x14f: {  	v39 =	vor.u32 $0x2F, v2;
	v12 =	vld.idx.msk [tilespmem:v30+s29+$0x0], $0xffff  }
0x150: {  	v41 =	vld.idx.msk [tilespmem:v31+s28+$0x0], $0xffff;
	v40 =	vmul.f32 v9, v29;
	v42 =	vor.u32 $0x2F, v1;
	v3 =	vadd.f32 v36, v3  }
0x151: {  	v43 =	vor.u32 $0x30, v2;
	v10 =	vld.idx.msk [tilespmem:v34+s29+$0x0], $0xffff  }
0x152: {  	v45 =	vld.idx.msk [tilespmem:v35+s28+$0x0], $0xffff;
	v44 =	vmul.f32 v11, v33;
	v46 =	vor.u32 $0x30, v1;
	v3 =	vadd.f32 v40, v3  }
0x153: {  	v47 =	vor.u32 $0x31, v2;
	v8 =	vld.idx.msk [tilespmem:v38+s29+$0x0], $0xffff  }
0x154: {  	v49 =	vld.idx.msk [tilespmem:v39+s28+$0x0], $0xffff;
	v48 =	vmul.f32 v12, v37;
	v50 =	vor.u32 $0x31, v1;
	v3 =	vadd.f32 v44, v3  }
0x155: {  	v51 =	vor.u32 $0x32, v2;
	v9 =	vld.idx.msk [tilespmem:v42+s29+$0x0], $0xffff  }
0x156: {  	v53 =	vld.idx.msk [tilespmem:v43+s28+$0x0], $0xffff;
	v52 =	vmul.f32 v10, v41;
	v54 =	vor.u32 $0x32, v1;
	v3 =	vadd.f32 v48, v3  }
0x157: {  	v55 =	vor.u32 $0x33, v2;
	v11 =	vld.idx.msk [tilespmem:v46+s29+$0x0], $0xffff  }
0x158: {  	v57 =	vld.idx.msk [tilespmem:v47+s28+$0x0], $0xffff;
	v56 =	vmul.f32 v8, v45;
	v58 =	vor.u32 $0x33, v1;
	v3 =	vadd.f32 v52, v3  }
0x159: {  	v59 =	vor.u32 $0x34, v2;
	v12 =	vld.idx.msk [tilespmem:v50+s29+$0x0], $0xffff  }
0x15a: {  	v61 =	vld.idx.msk [tilespmem:v51+s28+$0x0], $0xffff;
	v60 =	vmul.f32 v9, v49;
	v62 =	vor.u32 $0x34, v1;
	v3 =	vadd.f32 v56, v3  }
0x15b: {  	v63 =	vor.u32 $0x35, v2;
	v10 =	vld.idx.msk [tilespmem:v54+s29+$0x0], $0xffff  }
0x15c: {  	v19 =	vld.idx.msk [tilespmem:v55+s28+$0x0], $0xffff;
	v18 =	vmul.f32 v11, v53;
	v20 =	vor.u32 $0x35, v1;
	v3 =	vadd.f32 v60, v3  }
0x15d: {  	v21 =	vor.u32 $0x36, v2;
	v8 =	vld.idx.msk [tilespmem:v58+s29+$0x0], $0xffff  }
0x15e: {  	v23 =	vld.idx.msk [tilespmem:v59+s28+$0x0], $0xffff;
	v22 =	vmul.f32 v12, v57;
	v24 =	vor.u32 $0x36, v1;
	v3 =	vadd.f32 v18, v3  }
0x15f: {  	v25 =	vor.u32 $0x37, v2;
	v9 =	vld.idx.msk [tilespmem:v62+s29+$0x0], $0xffff  }
0x160: {  	v27 =	vld.idx.msk [tilespmem:v63+s28+$0x0], $0xffff;
	v26 =	vmul.f32 v10, v61;
	v28 =	vor.u32 $0x37, v1;
	v3 =	vadd.f32 v22, v3  }
0x161: {  	v29 =	vor.u32 $0x38, v2;
	v11 =	vld.idx.msk [tilespmem:v20+s29+$0x0], $0xffff  }
0x162: {  	v31 =	vld.idx.msk [tilespmem:v21+s28+$0x0], $0xffff;
	v30 =	vmul.f32 v8, v19;
	v32 =	vor.u32 $0x38, v1;
	v3 =	vadd.f32 v26, v3  }
0x163: {  	v33 =	vor.u32 $0x39, v2;
	v12 =	vld.idx.msk [tilespmem:v24+s29+$0x0], $0xffff  }
0x164: {  	v35 =	vld.idx.msk [tilespmem:v25+s28+$0x0], $0xffff;
	v34 =	vmul.f32 v9, v23;
	v36 =	vor.u32 $0x39, v1;
	v3 =	vadd.f32 v30, v3  }
0x165: {  	v37 =	vor.u32 $0x3A, v2;
	v10 =	vld.idx.msk [tilespmem:v28+s29+$0x0], $0xffff  }
0x166: {  	v39 =	vld.idx.msk [tilespmem:v29+s28+$0x0], $0xffff;
	v38 =	vmul.f32 v11, v27;
	v40 =	vor.u32 $0x3A, v1;
	v3 =	vadd.f32 v34, v3  }
0x167: {  	v41 =	vor.u32 $0x3B, v2;
	v8 =	vld.idx.msk [tilespmem:v32+s29+$0x0], $0xffff  }
0x168: {  	v43 =	vld.idx.msk [tilespmem:v33+s28+$0x0], $0xffff;
	v42 =	vmul.f32 v12, v31;
	v44 =	vor.u32 $0x3B, v1;
	v3 =	vadd.f32 v38, v3  }
0x169: {  	v45 =	vor.u32 $0x3C, v2;
	v9 =	vld.idx.msk [tilespmem:v36+s29+$0x0], $0xffff  }
0x16a: {  	v47 =	vld.idx.msk [tilespmem:v37+s28+$0x0], $0xffff;
	v46 =	vmul.f32 v10, v35;
	v48 =	vor.u32 $0x3C, v1;
	v3 =	vadd.f32 v42, v3  }
0x16b: {  	v49 =	vor.u32 $0x3D, v2;
	v11 =	vld.idx.msk [tilespmem:v40+s29+$0x0], $0xffff  }
0x16c: {  	v51 =	vld.idx.msk [tilespmem:v41+s28+$0x0], $0xffff;
	v50 =	vmul.f32 v8, v39;
	v52 =	vor.u32 $0x3D, v1;
	v3 =	vadd.f32 v46, v3  }
0x16d: {  	v53 =	vor.u32 $0x3E, v2;
	v12 =	vld.idx.msk [tilespmem:v44+s29+$0x0], $0xffff  }
0x16e: {  	v55 =	vld.idx.msk [tilespmem:v45+s28+$0x0], $0xffff;
	v54 =	vmul.f32 v9, v43;
	v56 =	vor.u32 $0x3E, v1;
	v3 =	vadd.f32 v50, v3  }
0x16f: {  	v2 =	vor.u32 $0x3F, v2;
	v10 =	vld.idx.msk [tilespmem:v48+s29+$0x0], $0xffff  }
0x170: {  	v58 =	vld.idx.msk [tilespmem:v49+s28+$0x0], $0xffff;
	v1 =	vor.u32 $0x3F, v1;
	v57 =	vmul.f32 v11, v47;
	v3 =	vadd.f32 v54, v3  }
0x171: {  	v8 =	vld.idx.msk [tilespmem:v52+s29+$0x0], $0xffff  }
0x172: {  	v60 =	vld.idx.msk [tilespmem:v53+s28+$0x0], $0xffff;
	v59 =	vmul.f32 v12, v51;
	v3 =	vadd.f32 v57, v3  }
0x173: {  	v9 =	vld.idx.msk [tilespmem:v56+s29+$0x0], $0xffff  }
0x174: {  	v2 =	vld.idx.msk [tilespmem:v2+s28+$0x0], $0xffff;
	v61 =	vmul.f32 v10, v55;
	v3 =	vadd.f32 v59, v3  }
0x175: {  	v1 =	vld.idx.msk [tilespmem:v1+s29+$0x0], $0xffff  }
0x176: {  	v62 =	vmul.f32 v8, v58;
	v3 =	vadd.f32 v61, v3;
	_ =	sdelay $0x1  }
0x177: {  	v63 =	vmul.f32 v9, v60;
	v3 =	vadd.f32 v62, v3  }
0x178: {  	p0 =	sne.s32 s16, $0xF0  }
.Ltmp2:
0x179: {  	v1 =	vmul.f32 v1, v2;
	v3 =	vadd.f32 v63, v3;
	(pc) =	sbr.rel @p0 .LBB2_6-.Ltmp2, $4  }
0x17a: {  	_ = 	snop  }
0x17b: {  	v1 =	vadd.f32 v1, v3  }
0x17c: {  	s0 =	sadd.s32 $0x10, s0;
	s5 =	sadd.s32 $0x10, s5;
	s13 =	sadd.s32 $0x10, s13  }
0x17d: {  	s14 =	sadd.s32 $0x10, s14;
	s16 =	sadd.s32 $0x10, s16;
	[tilespmem:s15+$0x0] =	vst v1;
	s15 =	sadd.s32 $0x10, s15  }
0x17e: {  	s0 =	simm.s32 $0x100  }
0x17f: {  	v1 =	vld [tilespmem:s0+$0x0]  }
0x180: {  	s16 =	simm.s32 $0x300  }
0x181: {  	v2 =	vld [tilespmem:s16+$0x0];
	_ =	sdelay $0x2  }
0x182: {  	v1 =	vshll.u32 v1, $0x6  }
0x183: {  	v1 =	vand.u32 $0xFFFFFF80, v1  }
0x184: {  	v2 =	vshll.u32 v2, $0x6;
	v1 =	vshrl.u32 v1, $0x3  }
0x185: {  	v2 =	vand.u32 $0xFFFFFF80, v2;
	v1 =	vadd.s32 s1, v1  }
0x186: {  	v2 =	vshrl.u32 v2, $0x3;
	(v2sf) =	vpush v1, $0x0  }
0x187: {  	v2 =	vadd.s32 s2, v2  }
0x188: {  	(v2sf) =	vpush v2, $0x0;
	_ =	sdelay $0x1  }
0x189: {  	(v2sf) =	vpush v1, $0x1;
	_ =	sdelay $0x1  }
0x18a: {  	(v2sf) =	vpush v2, $0x1;
	_ =	sdelay $0x1  }
0x18b: {  	(v2sf) =	vpush v1, $0x2;
	_ =	sdelay $0x1  }
0x18c: {  	(v2sf) =	vpush v2, $0x2;
	_ =	sdelay $0x1  }
0x18d: {  	(v2sf) =	vpush v1, $0x3;
	_ =	sdelay $0x1  }
0x18e: {  	(v2sf) =	vpush v2, $0x3  }
0x18f: {  	s17 =	simm.s32 $0x400;
	s5 =	spop (v2sf)  }
0x190: {  	(v2sf) =	vpush v1, $0x4;
	[tilespmem:s17], [sflag:$0x1] =	stream.linear.gather [hbm4b:s5+s6], $0x80, $0x38;
	[tilespmem:$0x10A00] =	vst v63  }
0x191: {  	s5 =	simm.s32 $0x8400;
	s13 =	spop (v2sf);
	(v2sf) =	vpush v2, $0x4  }
0x192: {  	[tilespmem:s5], [sflag:$0x1] =	stream.linear.gather [hbm4b:s13+s6], $0x80, $0x38;
	[tilespmem:$0x10A00] =	vst v63  }
0x193: {  	s14 =	simm.s32 $0x480;
	s15 =	spop (v2sf);
	(v2sf) =	vpush v1, $0x5  }
0x194: {  	[tilespmem:s14], [sflag:$0x1] =	stream.linear.gather [hbm4b:s15+s6], $0x80, $0x38;
	[tilespmem:$0x10A00] =	vst v63  }
0x195: {  	s16 =	simm.s32 $0x8480;
	s17 =	spop (v2sf);
	(v2sf) =	vpush v2, $0x5  }
0x196: {  	[tilespmem:s16], [sflag:$0x1] =	stream.linear.gather [hbm4b:s17+s6], $0x80, $0x38;
	[tilespmem:$0x10A00] =	vst v63  }
0x197: {  	s5 =	simm.s32 $0x500;
	s13 =	spop (v2sf);
	(v2sf) =	vpush v1, $0x6  }
0x198: {  	[tilespmem:s5], [sflag:$0x1] =	stream.linear.gather [hbm4b:s13+s6], $0x80, $0x38;
	[tilespmem:$0x10A00] =	vst v63  }
0x199: {  	s14 =	simm.s32 $0x8500;
	s15 =	spop (v2sf);
	(v2sf) =	vpush v2, $0x6  }
0x19a: {  	[tilespmem:s14], [sflag:$0x1] =	stream.linear.gather [hbm4b:s15+s6], $0x80, $0x38;
	[tilespmem:$0x10A00] =	vst v63  }
0x19b: {  	s16 =	simm.s32 $0x580;
	s17 =	spop (v2sf);
	(v2sf) =	vpush v1, $0x7  }
0x19c: {  	[tilespmem:s16], [sflag:$0x1] =	stream.linear.gather [hbm4b:s17+s6], $0x80, $0x38;
	[tilespmem:$0x10A00] =	vst v63  }
0x19d: {  	s5 =	simm.s32 $0x8580;
	s13 =	spop (v2sf);
	(v2sf) =	vpush v2, $0x7  }
0x19e: {  	[tilespmem:s5], [sflag:$0x1] =	stream.linear.gather [hbm4b:s13+s6], $0x80, $0x38;
	[tilespmem:$0x10A00] =	vst v63  }
0x19f: {  	s15 =	spop (v2sf);
	(v2sf) =	vpush v1, $0x8  }
0x1a0: {  	s14 =	simm.s32 $0x600;
	s17 =	spop (v2sf)  }
0x1a1: {  	(v2sf) =	vpush v2, $0x8;
	[tilespmem:s14], [sflag:$0x1] =	stream.linear.gather [hbm4b:s15+s6], $0x80, $0x38;
	[tilespmem:$0x10A00] =	vst v63  }
0x1a2: {  	s16 =	simm.s32 $0x8600;
	s13 =	spop (v2sf)  }
0x1a3: {  	(v2sf) =	vpush v1, $0x9;
	[tilespmem:s16], [sflag:$0x1] =	stream.linear.gather [hbm4b:s17+s6], $0x80, $0x38;
	[tilespmem:$0x10A00] =	vst v63  }
0x1a4: {  	s5 =	simm.s32 $0x680;
	s15 =	spop (v2sf)  }
0x1a5: {  	(v2sf) =	vpush v2, $0x9;
	[tilespmem:s5], [sflag:$0x1] =	stream.linear.gather [hbm4b:s13+s6], $0x80, $0x38;
	[tilespmem:$0x10A00] =	vst v63  }
0x1a6: {  	s14 =	simm.s32 $0x8680;
	s17 =	spop (v2sf)  }
0x1a7: {  	(v2sf) =	vpush v1, $0xA;
	[tilespmem:s14], [sflag:$0x1] =	stream.linear.gather [hbm4b:s15+s6], $0x80, $0x38;
	[tilespmem:$0x10A00] =	vst v63  }
0x1a8: {  	s16 =	simm.s32 $0x700;
	s13 =	spop (v2sf)  }
0x1a9: {  	(v2sf) =	vpush v2, $0xA;
	[tilespmem:s16], [sflag:$0x1] =	stream.linear.gather [hbm4b:s17+s6], $0x80, $0x38;
	[tilespmem:$0x10A00] =	vst v63  }
0x1aa: {  	s5 =	simm.s32 $0x8700;
	s15 =	spop (v2sf)  }
0x1ab: {  	(v2sf) =	vpush v1, $0xB;
	[tilespmem:s5], [sflag:$0x1] =	stream.linear.gather [hbm4b:s13+s6], $0x80, $0x38;
	[tilespmem:$0x10A00] =	vst v63  }
0x1ac: {  	s14 =	simm.s32 $0x780;
	s17 =	spop (v2sf)  }
0x1ad: {  	(v2sf) =	vpush v2, $0xB;
	[tilespmem:s14], [sflag:$0x1] =	stream.linear.gather [hbm4b:s15+s6], $0x80, $0x38;
	[tilespmem:$0x10A00] =	vst v63  }
0x1ae: {  	s16 =	simm.s32 $0x8780;
	s13 =	spop (v2sf)  }
0x1af: {  	(v2sf) =	vpush v1, $0xC;
	[tilespmem:s16], [sflag:$0x1] =	stream.linear.gather [hbm4b:s17+s6], $0x80, $0x38;
	[tilespmem:$0x10A00] =	vst v63  }
0x1b0: {  	s5 =	simm.s32 $0x800;
	s15 =	spop (v2sf)  }
0x1b1: {  	(v2sf) =	vpush v2, $0xC;
	[tilespmem:s5], [sflag:$0x1] =	stream.linear.gather [hbm4b:s13+s6], $0x80, $0x38;
	[tilespmem:$0x10A00] =	vst v63  }
0x1b2: {  	s14 =	simm.s32 $0x8800;
	s17 =	spop (v2sf)  }
0x1b3: {  	(v2sf) =	vpush v1, $0xD;
	[tilespmem:s14], [sflag:$0x1] =	stream.linear.gather [hbm4b:s15+s6], $0x80, $0x38;
	[tilespmem:$0x10A00] =	vst v63  }
0x1b4: {  	s16 =	simm.s32 $0x880;
	s13 =	spop (v2sf)  }
0x1b5: {  	(v2sf) =	vpush v2, $0xD;
	[tilespmem:s16], [sflag:$0x1] =	stream.linear.gather [hbm4b:s17+s6], $0x80, $0x38;
	[tilespmem:$0x10A00] =	vst v63  }
0x1b6: {  	s5 =	simm.s32 $0x8880;
	s15 =	spop (v2sf)  }
0x1b7: {  	(v2sf) =	vpush v1, $0xE;
	[tilespmem:s5], [sflag:$0x1] =	stream.linear.gather [hbm4b:s13+s6], $0x80, $0x38;
	[tilespmem:$0x10A00] =	vst v63  }
0x1b8: {  	s14 =	simm.s32 $0x900;
	s17 =	spop (v2sf)  }
0x1b9: {  	(v2sf) =	vpush v2, $0xE;
	[tilespmem:s14], [sflag:$0x1] =	stream.linear.gather [hbm4b:s15+s6], $0x80, $0x38;
	[tilespmem:$0x10A00] =	vst v63  }
0x1ba: {  	s16 =	simm.s32 $0x8900;
	s13 =	spop (v2sf)  }
0x1bb: {  	(v2sf) =	vpush v1, $0xF;
	[tilespmem:s16], [sflag:$0x1] =	stream.linear.gather [hbm4b:s17+s6], $0x80, $0x38;
	[tilespmem:$0x10A00] =	vst v63  }
0x1bc: {  	s5 =	simm.s32 $0x980;
	s15 =	spop (v2sf)  }
0x1bd: {  	(v2sf) =	vpush v2, $0xF;
	[tilespmem:s5], [sflag:$0x1] =	stream.linear.gather [hbm4b:s13+s6], $0x80, $0x38;
	[tilespmem:$0x10A00] =	vst v63  }
0x1be: {  	s14 =	simm.s32 $0x8980;
	s17 =	spop (v2sf)  }
0x1bf: {  	[tilespmem:s14], [sflag:$0x1] =	stream.linear.gather [hbm4b:s15+s6], $0x80, $0x38;
	[tilespmem:$0x10A00] =	vst v63  }
0x1c0: {  	s16 =	simm.s32 $0xA00;
	s13 =	spop (v2sf)  }
0x1c1: {  	[tilespmem:s16], [sflag:$0x1] =	stream.linear.gather [hbm4b:s17+s6], $0x80, $0x38;
	[tilespmem:$0x10A00] =	vst v63  }
0x1c2: {  	s5 =	simm.s32 $0x8A00;
	s15 =	spop (v2sf)  }
0x1c3: {  	[tilespmem:s5], [sflag:$0x1] =	stream.linear.gather [hbm4b:s13+s6], $0x80, $0x38;
	[tilespmem:$0x10A00] =	vst v63  }
0x1c4: {  	s14 =	simm.s32 $0xA80;
	s17 =	spop (v2sf)  }
0x1c5: {  	[tilespmem:s14], [sflag:$0x1] =	stream.linear.gather [hbm4b:s15+s6], $0x80, $0x38;
	[tilespmem:$0x10A00] =	vst v63  }
0x1c6: {  	s0 =	simm.s32 $0x2000;
	s16 =	simm.s32 $0x8A80;
	s13 =	spop (v2sf)  }
0x1c7: {  	[tilespmem:s16], [sflag:$0x1] =	stream.linear.gather [hbm4b:s17+s6], $0x80, $0x38;
	[tilespmem:$0x10A00] =	vst v63  }
0x1c8: {  	s5 =	simm.s32 $0xB00;
	s14 =	simm.s32 $0x8B00;
	s15 =	spop (v2sf)  }
0x1c9: {  	[tilespmem:s5], [sflag:$0x1] =	stream.linear.gather [hbm4b:s13+s6], $0x80, $0x38;
	[tilespmem:$0x10A00] =	vst v63  }
0x1ca: {  	s16 =	simm.s32 $0xB80;
	s17 =	spop (v2sf);
	s5 =	simm.s32 $0x310  }
0x1cb: {  	[tilespmem:s14], [sflag:$0x1] =	stream.linear.gather [hbm4b:s15+s6], $0x80, $0x38;
	[tilespmem:$0x10A00] =	vst v63  }
0x1cc: {  	s13 =	simm.s32 $0x110;
	s14 =	simm.s32 $0x8B80;
	s15 =	spop (v2sf)  }
0x1cd: {  	[tilespmem:s16], [sflag:$0x1] =	stream.linear.gather [hbm4b:s17+s6], $0x80, $0x38;
	[tilespmem:$0x10A00] =	vst v63  }
.LBB2_8:
0x1ce: {  	[tilespmem:s14], [sflag:$0x1] =	stream.linear.gather [hbm4b:s15+s6], $0x80, $0x38;
	[tilespmem:$0x10A00] =	vst v63  }
0x1cf: {  	p0 =	sne.s32 s0, $0x1E000;
	s14 =	smov.u32 s0;
	s0 =	sadd.s32 $0x2000, s0;
	v1 =	vld [tilespmem:s13+$0x0]  }
0x1d0: {  	_ = 	snop  }
0x1d1: {  	v2 =	vld [tilespmem:s5+$0x0];
	_ =	sdelay $0x2  }
0x1d2: {  	v1 =	vshll.u32 v1, $0x6  }
0x1d3: {  	v1 =	vand.u32 $0xFFFFFF80, v1  }
0x1d4: {  	v2 =	vshll.u32 v2, $0x6;
	v1 =	vshrl.u32 v1, $0x3  }
0x1d5: {  	v3 =	vand.u32 $0xFFFFFF80, v2;
	v2 =	vadd.s32 s1, v1  }
0x1d6: {  	v1 =	vshrl.u32 v3, $0x3;
	(v2sf) =	vpush v2, $0x0  }
0x1d7: {  	v1 =	vadd.s32 s2, v1  }
0x1d8: {  	(v2sf) =	vpush v1, $0x0;
	_ =	sdelay $0x1  }
0x1d9: {  	(v2sf) =	vpush v2, $0x1;
	_ =	sdelay $0x1  }
0x1da: {  	(v2sf) =	vpush v1, $0x1;
	_ =	sdelay $0x1  }
0x1db: {  	(v2sf) =	vpush v2, $0x2;
	_ =	sdelay $0x1  }
0x1dc: {  	(v2sf) =	vpush v1, $0x2;
	_ =	sdelay $0x1  }
0x1dd: {  	(v2sf) =	vpush v2, $0x3;
	_ =	sdelay $0x1  }
0x1de: {  	s14 =	sshra.s32 s14, $0x2;
	(v2sf) =	vpush v1, $0x3  }
0x1df: {  	s15 =	sadd.s32 $0x400, s14;
	s16 =	spop (v2sf)  }
0x1e0: {  	[tilespmem:s15], [sflag:$0x1] =	stream.linear.gather [hbm4b:s16+s6], $0x80, $0x38;
	(v2sf) =	vpush v2, $0x4;
	[tilespmem:$0x10A00] =	vst v63  }
0x1e1: {  	s15 =	sadd.s32 $0x8400, s14;
	s16 =	spop (v2sf)  }
0x1e2: {  	[tilespmem:s15], [sflag:$0x1] =	stream.linear.gather [hbm4b:s16+s6], $0x80, $0x38;
	(v2sf) =	vpush v1, $0x4;
	[tilespmem:$0x10A00] =	vst v63  }
0x1e3: {  	s15 =	sadd.s32 $0x480, s14;
	s16 =	spop (v2sf)  }
0x1e4: {  	[tilespmem:s15], [sflag:$0x1] =	stream.linear.gather [hbm4b:s16+s6], $0x80, $0x38;
	(v2sf) =	vpush v2, $0x5;
	[tilespmem:$0x10A00] =	vst v63  }
0x1e5: {  	s15 =	sadd.s32 $0x8480, s14;
	s16 =	spop (v2sf)  }
0x1e6: {  	[tilespmem:s15], [sflag:$0x1] =	stream.linear.gather [hbm4b:s16+s6], $0x80, $0x38;
	(v2sf) =	vpush v1, $0x5;
	[tilespmem:$0x10A00] =	vst v63  }
0x1e7: {  	s15 =	sadd.s32 $0x500, s14;
	s16 =	spop (v2sf)  }
0x1e8: {  	[tilespmem:s15], [sflag:$0x1] =	stream.linear.gather [hbm4b:s16+s6], $0x80, $0x38;
	(v2sf) =	vpush v2, $0x6;
	[tilespmem:$0x10A00] =	vst v63  }
0x1e9: {  	s15 =	sadd.s32 $0x8500, s14;
	s16 =	spop (v2sf)  }
0x1ea: {  	[tilespmem:s15], [sflag:$0x1] =	stream.linear.gather [hbm4b:s16+s6], $0x80, $0x38;
	(v2sf) =	vpush v1, $0x6;
	[tilespmem:$0x10A00] =	vst v63  }
0x1eb: {  	s15 =	sadd.s32 $0x580, s14;
	s16 =	spop (v2sf)  }
0x1ec: {  	[tilespmem:s15], [sflag:$0x1] =	stream.linear.gather [hbm4b:s16+s6], $0x80, $0x38;
	(v2sf) =	vpush v2, $0x7;
	[tilespmem:$0x10A00] =	vst v63  }
0x1ed: {  	s15 =	sadd.s32 $0x8580, s14;
	s16 =	spop (v2sf)  }
0x1ee: {  	[tilespmem:s15], [sflag:$0x1] =	stream.linear.gather [hbm4b:s16+s6], $0x80, $0x38;
	(v2sf) =	vpush v1, $0x7;
	[tilespmem:$0x10A00] =	vst v63  }
0x1ef: {  	s15 =	sadd.s32 $0x600, s14;
	s16 =	spop (v2sf)  }
0x1f0: {  	[tilespmem:s15], [sflag:$0x1] =	stream.linear.gather [hbm4b:s16+s6], $0x80, $0x38;
	(v2sf) =	vpush v2, $0x8;
	[tilespmem:$0x10A00] =	vst v63  }
0x1f1: {  	s15 =	sadd.s32 $0x8600, s14;
	s16 =	spop (v2sf)  }
0x1f2: {  	[tilespmem:s15], [sflag:$0x1] =	stream.linear.gather [hbm4b:s16+s6], $0x80, $0x38;
	(v2sf) =	vpush v1, $0x8;
	[tilespmem:$0x10A00] =	vst v63  }
0x1f3: {  	s15 =	sadd.s32 $0x680, s14;
	s16 =	spop (v2sf)  }
0x1f4: {  	[tilespmem:s15], [sflag:$0x1] =	stream.linear.gather [hbm4b:s16+s6], $0x80, $0x38;
	(v2sf) =	vpush v2, $0x9;
	[tilespmem:$0x10A00] =	vst v63  }
0x1f5: {  	s15 =	sadd.s32 $0x8680, s14;
	s16 =	spop (v2sf)  }
0x1f6: {  	[tilespmem:s15], [sflag:$0x1] =	stream.linear.gather [hbm4b:s16+s6], $0x80, $0x38;
	(v2sf) =	vpush v1, $0x9;
	[tilespmem:$0x10A00] =	vst v63  }
0x1f7: {  	s15 =	sadd.s32 $0x700, s14;
	s16 =	spop (v2sf)  }
0x1f8: {  	[tilespmem:s15], [sflag:$0x1] =	stream.linear.gather [hbm4b:s16+s6], $0x80, $0x38;
	(v2sf) =	vpush v2, $0xA;
	[tilespmem:$0x10A00] =	vst v63  }
0x1f9: {  	s15 =	sadd.s32 $0x8700, s14;
	s16 =	spop (v2sf)  }
0x1fa: {  	[tilespmem:s15], [sflag:$0x1] =	stream.linear.gather [hbm4b:s16+s6], $0x80, $0x38;
	(v2sf) =	vpush v1, $0xA;
	[tilespmem:$0x10A00] =	vst v63  }
0x1fb: {  	s15 =	sadd.s32 $0x780, s14;
	s16 =	spop (v2sf)  }
0x1fc: {  	[tilespmem:s15], [sflag:$0x1] =	stream.linear.gather [hbm4b:s16+s6], $0x80, $0x38;
	(v2sf) =	vpush v2, $0xB;
	[tilespmem:$0x10A00] =	vst v63  }
0x1fd: {  	s15 =	sadd.s32 $0x8780, s14;
	s16 =	spop (v2sf)  }
0x1fe: {  	[tilespmem:s15], [sflag:$0x1] =	stream.linear.gather [hbm4b:s16+s6], $0x80, $0x38;
	(v2sf) =	vpush v1, $0xB;
	[tilespmem:$0x10A00] =	vst v63  }
0x1ff: {  	s15 =	sadd.s32 $0x800, s14;
	s16 =	spop (v2sf)  }
0x200: {  	[tilespmem:s15], [sflag:$0x1] =	stream.linear.gather [hbm4b:s16+s6], $0x80, $0x38;
	(v2sf) =	vpush v2, $0xC;
	[tilespmem:$0x10A00] =	vst v63  }
0x201: {  	s15 =	sadd.s32 $0x8800, s14;
	s16 =	spop (v2sf)  }
0x202: {  	[tilespmem:s15], [sflag:$0x1] =	stream.linear.gather [hbm4b:s16+s6], $0x80, $0x38;
	(v2sf) =	vpush v1, $0xC;
	[tilespmem:$0x10A00] =	vst v63  }
0x203: {  	s15 =	sadd.s32 $0x880, s14;
	s16 =	spop (v2sf)  }
0x204: {  	[tilespmem:s15], [sflag:$0x1] =	stream.linear.gather [hbm4b:s16+s6], $0x80, $0x38;
	(v2sf) =	vpush v2, $0xD;
	[tilespmem:$0x10A00] =	vst v63  }
0x205: {  	s15 =	sadd.s32 $0x8880, s14;
	s16 =	spop (v2sf)  }
0x206: {  	[tilespmem:s15], [sflag:$0x1] =	stream.linear.gather [hbm4b:s16+s6], $0x80, $0x38;
	(v2sf) =	vpush v1, $0xD;
	[tilespmem:$0x10A00] =	vst v63  }
0x207: {  	s15 =	sadd.s32 $0x900, s14;
	s16 =	spop (v2sf)  }
0x208: {  	[tilespmem:s15], [sflag:$0x1] =	stream.linear.gather [hbm4b:s16+s6], $0x80, $0x38;
	(v2sf) =	vpush v2, $0xE;
	[tilespmem:$0x10A00] =	vst v63  }
0x209: {  	s15 =	sadd.s32 $0x8900, s14;
	s16 =	spop (v2sf)  }
0x20a: {  	[tilespmem:s15], [sflag:$0x1] =	stream.linear.gather [hbm4b:s16+s6], $0x80, $0x38;
	(v2sf) =	vpush v1, $0xE;
	[tilespmem:$0x10A00] =	vst v63  }
0x20b: {  	s15 =	sadd.s32 $0x980, s14;
	s16 =	spop (v2sf)  }
0x20c: {  	[tilespmem:s15], [sflag:$0x1] =	stream.linear.gather [hbm4b:s16+s6], $0x80, $0x38;
	(v2sf) =	vpush v2, $0xF;
	[tilespmem:$0x10A00] =	vst v63  }
0x20d: {  	s15 =	sadd.s32 $0x8980, s14;
	s16 =	spop (v2sf)  }
0x20e: {  	[tilespmem:s15], [sflag:$0x1] =	stream.linear.gather [hbm4b:s16+s6], $0x80, $0x38;
	(v2sf) =	vpush v1, $0xF;
	[tilespmem:$0x10A00] =	vst v63  }
0x20f: {  	s15 =	sadd.s32 $0xA00, s14;
	s16 =	spop (v2sf)  }
0x210: {  	[tilespmem:s15], [sflag:$0x1] =	stream.linear.gather [hbm4b:s16+s6], $0x80, $0x38;
	[tilespmem:$0x10A00] =	vst v63  }
0x211: {  	s15 =	sadd.s32 $0x8A00, s14;
	s16 =	spop (v2sf)  }
0x212: {  	[tilespmem:s15], [sflag:$0x1] =	stream.linear.gather [hbm4b:s16+s6], $0x80, $0x38;
	[tilespmem:$0x10A00] =	vst v63  }
0x213: {  	s15 =	sadd.s32 $0xA80, s14;
	s16 =	spop (v2sf)  }
0x214: {  	[tilespmem:s15], [sflag:$0x1] =	stream.linear.gather [hbm4b:s16+s6], $0x80, $0x38;
	[tilespmem:$0x10A00] =	vst v63  }
0x215: {  	s15 =	sadd.s32 $0x8A80, s14;
	s16 =	spop (v2sf)  }
0x216: {  	[tilespmem:s15], [sflag:$0x1] =	stream.linear.gather [hbm4b:s16+s6], $0x80, $0x38;
	[tilespmem:$0x10A00] =	vst v63  }
0x217: {  	s15 =	sadd.s32 $0xB00, s14;
	s16 =	spop (v2sf)  }
0x218: {  	[tilespmem:s15], [sflag:$0x1] =	stream.linear.gather [hbm4b:s16+s6], $0x80, $0x38;
	[tilespmem:$0x10A00] =	vst v63  }
.Ltmp3:
0x219: {  	s15 =	sadd.s32 $0x8B00, s14;
	s16 =	spop (v2sf);
	(pc) =	sbr.rel @p0 .LBB2_8-.Ltmp3, $4  }
0x21a: {  	[tilespmem:s15], [sflag:$0x1] =	stream.linear.gather [hbm4b:s16+s6], $0x80, $0x38;
	[tilespmem:$0x10A00] =	vst v63  }
0x21b: {  	s5 =	sadd.s32 $0x10, s5;
	s15 =	sadd.s32 $0xB80, s14;
	s16 =	spop (v2sf)  }
0x21c: {  	[tilespmem:s15], [sflag:$0x1] =	stream.linear.gather [hbm4b:s16+s6], $0x80, $0x38;
	[tilespmem:$0x10A00] =	vst v63  }
0x21d: {  	s13 =	sadd.s32 $0x10, s13;
	s14 =	sadd.s32 $0x8B80, s14;
	s15 =	spop (v2sf)  }
0x21e: {  	[tilespmem:s14], [sflag:$0x1] =	stream.linear.gather [hbm4b:s15+s6], $0x80, $0x38;
	[tilespmem:$0x10A00] =	vst v63  }
0x21f: {  	_ =	swait.ge [sflag:s26], $0x80  }
0x220: {  	[sflag:s26] =	ssyncset.done $0x0  }
0x221: {  	[sflag:s26] =	ssyncadd.s32 $0xFFFFFF80  }
0x222: {  	_ =	swait.ge [sflag:s26], $0x80  }
0x223: {  	s0 =	simm.s32 $0xFF;
	[sflag:s26] =	ssyncset.done $0x0  }
.LBB2_10:
0x224: {  	p0 =	sne.s32 s0, $0x1;
	s0 =	sadd.s32 $0xFFFFFFFF, s0;
	[sflag:s26] =	ssyncadd.s32 $0xFFFFFF80  }
.Ltmp4:
0x225: {  	_ =	swait.ge [sflag:s26], $0x80;
	(pc) =	sbr.rel @p0 .LBB2_10-.Ltmp4, $4  }
0x226: {  	[sflag:s26] =	ssyncset.done $0x0  }
0x227: {  	[sflag:s26] =	ssyncadd.s32 $0xFFFFFF80  }
0x228: {  	_ =	swait.ge [sflag:s26], $0x80  }
0x229: {  	[sflag:s26] =	ssyncset.done $0x0  }
0x22a: {  	[sflag:s26] =	ssyncadd.s32 $0xFFFFFF80;
	s0 =	simm.s32 $0x100  }
0x22b: {  	s5 =	simm.s32 $0x300;
	v1 =	vld [tilespmem:s0+$0x0]  }
0x22c: {  	v2 =	vld [tilespmem:s5+$0x0];
	_ =	sdelay $0x1  }
0x22d: {  	s17 =	simm.s32 $0x0  }
0x22e: {  	v3 =	vmov s17  }
0x22f: {  	v3 =	vshll.u32 v3, $0x7;
	v1 =	vshll.u32 v1, $0x6  }
0x230: {  	v3 =	vor.u32 v0, v3;
	v2 =	vshll.u32 v2, $0x6;
	v1 =	vand.u32 $0x40, v1  }
0x231: {  	v4 =	vand.u32 $0x40, v2;
	v2 =	vor.u32 v3, v1  }
0x232: {  	v1 =	vor.u32 v3, v4  }
0x233: {  	s5 =	simm.s32 $0x10500;
	v3 =	vor.u32 $0x1, v2  }
0x234: {  	s0 =	simm.s32 $0x10700;
	v46 =	vld [tilespmem:s5+$0x0];
	v5 =	vor.u32 $0x1, v1  }
0x235: {  	v6 =	vld [tilespmem:s0+$0x0];
	v7 =	vor.u32 $0x2, v2  }
0x236: {  	v9 =	vor.u32 $0x2, v1;
	v8 =	vld.idx.msk [tilespmem:v2+s28+$0x0], $0xffff  }
0x237: {  	v11 =	vor.u32 $0x3, v2;
	v10 =	vld.idx.msk [tilespmem:v1+s29+$0x0], $0xffff  }
0x238: {  	v12 =	vor.u32 $0x3, v1;
	v3 =	vld.idx.msk [tilespmem:v3+s28+$0x0], $0xffff  }
0x239: {  	v13 =	vor.u32 $0x4, v2;
	v5 =	vld.idx.msk [tilespmem:v5+s29+$0x0], $0xffff  }
0x23a: {  	v14 =	vor.u32 $0x4, v1;
	v7 =	vld.idx.msk [tilespmem:v7+s28+$0x0], $0xffff  }
0x23b: {  	v15 =	vor.u32 $0x5, v2;
	v9 =	vld.idx.msk [tilespmem:v9+s29+$0x0], $0xffff  }
0x23c: {  	v4 =	vadd.f32 v6, v46;
	v16 =	vor.u32 $0x5, v1;
	v11 =	vld.idx.msk [tilespmem:v11+s28+$0x0], $0xffff;
	v47 =	vmul.f32 v10, v8  }
0x23d: {  	v51 =	vor.u32 $0x6, v1;
	v48 =	vld.idx.msk [tilespmem:v12+s29+$0x0], $0xffff  }
0x23e: {  	v49 =	vor.u32 $0x6, v2;
	v50 =	vld.idx.msk [tilespmem:v13+s28+$0x0], $0xffff;
	v3 =	vmul.f32 v5, v3;
	v4 =	vadd.f32 v47, v4  }
0x23f: {  	v53 =	vor.u32 $0x7, v2;
	v52 =	vld.idx.msk [tilespmem:v14+s29+$0x0], $0xffff  }
0x240: {  	v55 =	vor.u32 $0x7, v1;
	v54 =	vld.idx.msk [tilespmem:v15+s28+$0x0], $0xffff;
	v56 =	vmul.f32 v9, v7;
	v3 =	vadd.f32 v3, v4  }
0x241: {  	v59 =	vor.u32 $0x8, v1;
	v57 =	vld.idx.msk [tilespmem:v16+s29+$0x0], $0xffff  }
0x242: {  	v58 =	vor.u32 $0x8, v2;
	v61 =	vld.idx.msk [tilespmem:v51+s29+$0x0], $0xffff;
	v60 =	vmul.f32 v48, v11;
	v3 =	vadd.f32 v56, v3  }
0x243: {  	v63 =	vor.u32 $0x9, v1;
	v10 =	vld.idx.msk [tilespmem:v49+s28+$0x0], $0xffff  }
0x244: {  	v62 =	vor.u32 $0x9, v2;
	v6 =	vld.idx.msk [tilespmem:v53+s28+$0x0], $0xffff;
	v20 =	vmul.f32 v52, v50;
	v3 =	vadd.f32 v60, v3  }
0x245: {  	v22 =	vor.u32 $0xA, v2;
	v21 =	vld.idx.msk [tilespmem:v55+s29+$0x0], $0xffff  }
0x246: {  	v23 =	vor.u32 $0xA, v1;
	v25 =	vld.idx.msk [tilespmem:v59+s29+$0x0], $0xffff;
	v24 =	vmul.f32 v57, v54;
	v3 =	vadd.f32 v20, v3  }
0x247: {  	v26 =	vor.u32 $0xB, v2;
	v9 =	vld.idx.msk [tilespmem:v58+s28+$0x0], $0xffff  }
0x248: {  	v27 =	vor.u32 $0xB, v1;
	v29 =	vld.idx.msk [tilespmem:v63+s29+$0x0], $0xffff;
	v28 =	vmul.f32 v61, v10;
	v3 =	vadd.f32 v24, v3  }
0x249: {  	v31 =	vor.u32 $0xC, v1;
	v11 =	vld.idx.msk [tilespmem:v62+s28+$0x0], $0xffff  }
0x24a: {  	v30 =	vor.u32 $0xC, v2;
	v12 =	vld.idx.msk [tilespmem:v22+s28+$0x0], $0xffff;
	v32 =	vmul.f32 v21, v6;
	v3 =	vadd.f32 v28, v3  }
0x24b: {  	v35 =	vor.u32 $0xD, v1;
	v33 =	vld.idx.msk [tilespmem:v23+s29+$0x0], $0xffff  }
0x24c: {  	v34 =	vor.u32 $0xD, v2;
	v14 =	vld.idx.msk [tilespmem:v26+s28+$0x0], $0xffff;
	v36 =	vmul.f32 v25, v9;
	v3 =	vadd.f32 v32, v3  }
0x24d: {  	v39 =	vor.u32 $0xE, v1;
	v37 =	vld.idx.msk [tilespmem:v27+s29+$0x0], $0xffff  }
0x24e: {  	v38 =	vor.u32 $0xE, v2;
	v41 =	vld.idx.msk [tilespmem:v31+s29+$0x0], $0xffff;
	v40 =	vmul.f32 v29, v11;
	v3 =	vadd.f32 v36, v3  }
0x24f: {  	v43 =	vor.u32 $0xF, v1;
	v10 =	vld.idx.msk [tilespmem:v30+s28+$0x0], $0xffff  }
0x250: {  	v42 =	vor.u32 $0xF, v2;
	v45 =	vld.idx.msk [tilespmem:v35+s29+$0x0], $0xffff;
	v44 =	vmul.f32 v33, v12;
	v3 =	vadd.f32 v40, v3  }
0x251: {  	v46 =	vor.u32 $0x10, v2;
	v6 =	vld.idx.msk [tilespmem:v34+s28+$0x0], $0xffff  }
0x252: {  	v49 =	vld.idx.msk [tilespmem:v39+s29+$0x0], $0xffff;
	v48 =	vmul.f32 v37, v14;
	v47 =	vor.u32 $0x10, v1;
	v3 =	vadd.f32 v44, v3  }
0x253: {  	v51 =	vor.u32 $0x11, v1;
	v9 =	vld.idx.msk [tilespmem:v38+s28+$0x0], $0xffff  }
0x254: {  	v53 =	vld.idx.msk [tilespmem:v43+s29+$0x0], $0xffff;
	v50 =	vor.u32 $0x11, v2;
	v52 =	vmul.f32 v41, v10;
	v3 =	vadd.f32 v48, v3  }
0x255: {  	v55 =	vor.u32 $0x12, v1;
	v11 =	vld.idx.msk [tilespmem:v42+s28+$0x0], $0xffff  }
0x256: {  	v54 =	vor.u32 $0x12, v2;
	v12 =	vld.idx.msk [tilespmem:v46+s28+$0x0], $0xffff;
	v56 =	vmul.f32 v45, v6;
	v3 =	vadd.f32 v52, v3  }
0x257: {  	v58 =	vor.u32 $0x13, v2;
	v57 =	vld.idx.msk [tilespmem:v47+s29+$0x0], $0xffff  }
0x258: {  	v59 =	vor.u32 $0x13, v1;
	v61 =	vld.idx.msk [tilespmem:v51+s29+$0x0], $0xffff;
	v60 =	vmul.f32 v49, v9;
	v3 =	vadd.f32 v56, v3  }
0x259: {  	v63 =	vor.u32 $0x14, v1;
	v14 =	vld.idx.msk [tilespmem:v50+s28+$0x0], $0xffff  }
0x25a: {  	v62 =	vor.u32 $0x14, v2;
	v21 =	vld.idx.msk [tilespmem:v55+s29+$0x0], $0xffff;
	v20 =	vmul.f32 v53, v11;
	v3 =	vadd.f32 v60, v3  }
0x25b: {  	v23 =	vor.u32 $0x15, v1;
	v10 =	vld.idx.msk [tilespmem:v54+s28+$0x0], $0xffff  }
0x25c: {  	v22 =	vor.u32 $0x15, v2;
	v6 =	vld.idx.msk [tilespmem:v58+s28+$0x0], $0xffff;
	v24 =	vmul.f32 v57, v12;
	v3 =	vadd.f32 v20, v3  }
0x25d: {  	v27 =	vor.u32 $0x16, v1;
	v25 =	vld.idx.msk [tilespmem:v59+s29+$0x0], $0xffff  }
0x25e: {  	v26 =	vor.u32 $0x16, v2;
	v29 =	vld.idx.msk [tilespmem:v63+s29+$0x0], $0xffff;
	v28 =	vmul.f32 v61, v14;
	v3 =	vadd.f32 v24, v3  }
0x25f: {  	v31 =	vor.u32 $0x17, v1;
	v9 =	vld.idx.msk [tilespmem:v62+s28+$0x0], $0xffff  }
0x260: {  	v33 =	vld.idx.msk [tilespmem:v23+s29+$0x0], $0xffff;
	v30 =	vor.u32 $0x17, v2;
	v32 =	vmul.f32 v21, v10;
	v3 =	vadd.f32 v28, v3  }
0x261: {  	v35 =	vor.u32 $0x18, v1;
	v11 =	vld.idx.msk [tilespmem:v22+s28+$0x0], $0xffff  }
0x262: {  	v34 =	vor.u32 $0x18, v2;
	v37 =	vld.idx.msk [tilespmem:v27+s29+$0x0], $0xffff;
	v36 =	vmul.f32 v25, v6;
	v3 =	vadd.f32 v32, v3  }
0x263: {  	v39 =	vor.u32 $0x19, v1;
	v12 =	vld.idx.msk [tilespmem:v26+s28+$0x0], $0xffff  }
0x264: {  	v38 =	vor.u32 $0x19, v2;
	v41 =	vld.idx.msk [tilespmem:v31+s29+$0x0], $0xffff;
	v40 =	vmul.f32 v29, v9;
	v3 =	vadd.f32 v36, v3  }
0x265: {  	v43 =	vor.u32 $0x1A, v1;
	v14 =	vld.idx.msk [tilespmem:v30+s28+$0x0], $0xffff  }
0x266: {  	v42 =	vor.u32 $0x1A, v2;
	v45 =	vld.idx.msk [tilespmem:v35+s29+$0x0], $0xffff;
	v44 =	vmul.f32 v33, v11;
	v3 =	vadd.f32 v40, v3  }
0x267: {  	v47 =	vor.u32 $0x1B, v1;
	v10 =	vld.idx.msk [tilespmem:v34+s28+$0x0], $0xffff  }
0x268: {  	v46 =	vor.u32 $0x1B, v2;
	v49 =	vld.idx.msk [tilespmem:v39+s29+$0x0], $0xffff;
	v48 =	vmul.f32 v37, v12;
	v3 =	vadd.f32 v44, v3  }
0x269: {  	v51 =	vor.u32 $0x1C, v1;
	v6 =	vld.idx.msk [tilespmem:v38+s28+$0x0], $0xffff  }
0x26a: {  	v50 =	vor.u32 $0x1C, v2;
	v53 =	vld.idx.msk [tilespmem:v43+s29+$0x0], $0xffff;
	v52 =	vmul.f32 v41, v14;
	v3 =	vadd.f32 v48, v3  }
0x26b: {  	v55 =	vor.u32 $0x1D, v1;
	v9 =	vld.idx.msk [tilespmem:v42+s28+$0x0], $0xffff  }
0x26c: {  	v54 =	vor.u32 $0x1D, v2;
	v57 =	vld.idx.msk [tilespmem:v47+s29+$0x0], $0xffff;
	v56 =	vmul.f32 v45, v10;
	v3 =	vadd.f32 v52, v3  }
0x26d: {  	v59 =	vor.u32 $0x1E, v1;
	v11 =	vld.idx.msk [tilespmem:v46+s28+$0x0], $0xffff  }
0x26e: {  	v58 =	vor.u32 $0x1E, v2;
	v61 =	vld.idx.msk [tilespmem:v51+s29+$0x0], $0xffff;
	v60 =	vmul.f32 v49, v6;
	v3 =	vadd.f32 v56, v3  }
0x26f: {  	v63 =	vor.u32 $0x1F, v1;
	v12 =	vld.idx.msk [tilespmem:v50+s28+$0x0], $0xffff  }
0x270: {  	v62 =	vor.u32 $0x1F, v2;
	v21 =	vld.idx.msk [tilespmem:v55+s29+$0x0], $0xffff;
	v20 =	vmul.f32 v53, v9;
	v3 =	vadd.f32 v60, v3  }
0x271: {  	v23 =	vor.u32 $0x20, v1;
	v14 =	vld.idx.msk [tilespmem:v54+s28+$0x0], $0xffff  }
0x272: {  	v22 =	vor.u32 $0x20, v2;
	v25 =	vld.idx.msk [tilespmem:v59+s29+$0x0], $0xffff;
	v24 =	vmul.f32 v57, v11;
	v3 =	vadd.f32 v20, v3  }
0x273: {  	v27 =	vor.u32 $0x21, v1;
	v10 =	vld.idx.msk [tilespmem:v58+s28+$0x0], $0xffff  }
0x274: {  	v26 =	vor.u32 $0x21, v2;
	v29 =	vld.idx.msk [tilespmem:v63+s29+$0x0], $0xffff;
	v28 =	vmul.f32 v61, v12;
	v3 =	vadd.f32 v24, v3  }
0x275: {  	v31 =	vor.u32 $0x22, v1;
	v6 =	vld.idx.msk [tilespmem:v62+s28+$0x0], $0xffff  }
0x276: {  	v30 =	vor.u32 $0x22, v2;
	v33 =	vld.idx.msk [tilespmem:v23+s29+$0x0], $0xffff;
	v32 =	vmul.f32 v21, v14;
	v3 =	vadd.f32 v28, v3  }
0x277: {  	v35 =	vor.u32 $0x23, v1;
	v9 =	vld.idx.msk [tilespmem:v22+s28+$0x0], $0xffff  }
0x278: {  	v34 =	vor.u32 $0x23, v2;
	v37 =	vld.idx.msk [tilespmem:v27+s29+$0x0], $0xffff;
	v36 =	vmul.f32 v25, v10;
	v3 =	vadd.f32 v32, v3  }
0x279: {  	v39 =	vor.u32 $0x24, v1;
	v11 =	vld.idx.msk [tilespmem:v26+s28+$0x0], $0xffff  }
0x27a: {  	v38 =	vor.u32 $0x24, v2;
	v41 =	vld.idx.msk [tilespmem:v31+s29+$0x0], $0xffff;
	v40 =	vmul.f32 v29, v6;
	v3 =	vadd.f32 v36, v3  }
0x27b: {  	v43 =	vor.u32 $0x25, v1;
	v12 =	vld.idx.msk [tilespmem:v30+s28+$0x0], $0xffff  }
0x27c: {  	v42 =	vor.u32 $0x25, v2;
	v45 =	vld.idx.msk [tilespmem:v35+s29+$0x0], $0xffff;
	v44 =	vmul.f32 v33, v9;
	v3 =	vadd.f32 v40, v3  }
0x27d: {  	v47 =	vor.u32 $0x26, v1;
	v14 =	vld.idx.msk [tilespmem:v34+s28+$0x0], $0xffff  }
0x27e: {  	v46 =	vor.u32 $0x26, v2;
	v49 =	vld.idx.msk [tilespmem:v39+s29+$0x0], $0xffff;
	v48 =	vmul.f32 v37, v11;
	v3 =	vadd.f32 v44, v3  }
0x27f: {  	v51 =	vor.u32 $0x27, v1;
	v10 =	vld.idx.msk [tilespmem:v38+s28+$0x0], $0xffff  }
0x280: {  	v50 =	vor.u32 $0x27, v2;
	v53 =	vld.idx.msk [tilespmem:v43+s29+$0x0], $0xffff;
	v52 =	vmul.f32 v41, v12;
	v3 =	vadd.f32 v48, v3  }
0x281: {  	v55 =	vor.u32 $0x28, v1;
	v6 =	vld.idx.msk [tilespmem:v42+s28+$0x0], $0xffff  }
0x282: {  	v54 =	vor.u32 $0x28, v2;
	v57 =	vld.idx.msk [tilespmem:v47+s29+$0x0], $0xffff;
	v56 =	vmul.f32 v45, v14;
	v3 =	vadd.f32 v52, v3  }
0x283: {  	v59 =	vor.u32 $0x29, v1;
	v9 =	vld.idx.msk [tilespmem:v46+s28+$0x0], $0xffff  }
0x284: {  	v58 =	vor.u32 $0x29, v2;
	v61 =	vld.idx.msk [tilespmem:v51+s29+$0x0], $0xffff;
	v60 =	vmul.f32 v49, v10;
	v3 =	vadd.f32 v56, v3  }
0x285: {  	v63 =	vor.u32 $0x2A, v1;
	v11 =	vld.idx.msk [tilespmem:v50+s28+$0x0], $0xffff  }
0x286: {  	v62 =	vor.u32 $0x2A, v2;
	v21 =	vld.idx.msk [tilespmem:v55+s29+$0x0], $0xffff;
	v20 =	vmul.f32 v53, v6;
	v3 =	vadd.f32 v60, v3  }
0x287: {  	v23 =	vor.u32 $0x2B, v1;
	v12 =	vld.idx.msk [tilespmem:v54+s28+$0x0], $0xffff  }
0x288: {  	v22 =	vor.u32 $0x2B, v2;
	v25 =	vld.idx.msk [tilespmem:v59+s29+$0x0], $0xffff;
	v24 =	vmul.f32 v57, v9;
	v3 =	vadd.f32 v20, v3  }
0x289: {  	v27 =	vor.u32 $0x2C, v1;
	v14 =	vld.idx.msk [tilespmem:v58+s28+$0x0], $0xffff  }
0x28a: {  	v26 =	vor.u32 $0x2C, v2;
	v29 =	vld.idx.msk [tilespmem:v63+s29+$0x0], $0xffff;
	v28 =	vmul.f32 v61, v11;
	v3 =	vadd.f32 v24, v3  }
0x28b: {  	v31 =	vor.u32 $0x2D, v1;
	v10 =	vld.idx.msk [tilespmem:v62+s28+$0x0], $0xffff  }
0x28c: {  	v30 =	vor.u32 $0x2D, v2;
	v33 =	vld.idx.msk [tilespmem:v23+s29+$0x0], $0xffff;
	v32 =	vmul.f32 v21, v12;
	v3 =	vadd.f32 v28, v3  }
0x28d: {  	v35 =	vor.u32 $0x2E, v1;
	v6 =	vld.idx.msk [tilespmem:v22+s28+$0x0], $0xffff  }
0x28e: {  	v34 =	vor.u32 $0x2E, v2;
	v37 =	vld.idx.msk [tilespmem:v27+s29+$0x0], $0xffff;
	v36 =	vmul.f32 v25, v14;
	v3 =	vadd.f32 v32, v3  }
0x28f: {  	v39 =	vor.u32 $0x2F, v1;
	v9 =	vld.idx.msk [tilespmem:v26+s28+$0x0], $0xffff  }
0x290: {  	v38 =	vor.u32 $0x2F, v2;
	v41 =	vld.idx.msk [tilespmem:v31+s29+$0x0], $0xffff;
	v40 =	vmul.f32 v29, v10;
	v3 =	vadd.f32 v36, v3  }
0x291: {  	v43 =	vor.u32 $0x30, v1;
	v11 =	vld.idx.msk [tilespmem:v30+s28+$0x0], $0xffff  }
0x292: {  	v42 =	vor.u32 $0x30, v2;
	v45 =	vld.idx.msk [tilespmem:v35+s29+$0x0], $0xffff;
	v44 =	vmul.f32 v33, v6;
	v3 =	vadd.f32 v40, v3  }
0x293: {  	v47 =	vor.u32 $0x31, v1;
	v12 =	vld.idx.msk [tilespmem:v34+s28+$0x0], $0xffff  }
0x294: {  	v46 =	vor.u32 $0x31, v2;
	v49 =	vld.idx.msk [tilespmem:v39+s29+$0x0], $0xffff;
	v48 =	vmul.f32 v37, v9;
	v3 =	vadd.f32 v44, v3  }
0x295: {  	v51 =	vor.u32 $0x32, v1;
	v14 =	vld.idx.msk [tilespmem:v38+s28+$0x0], $0xffff  }
0x296: {  	v50 =	vor.u32 $0x32, v2;
	v53 =	vld.idx.msk [tilespmem:v43+s29+$0x0], $0xffff;
	v52 =	vmul.f32 v41, v11;
	v3 =	vadd.f32 v48, v3  }
0x297: {  	v54 =	vor.u32 $0x33, v2;
	v10 =	vld.idx.msk [tilespmem:v42+s28+$0x0], $0xffff  }
0x298: {  	v55 =	vor.u32 $0x33, v1;
	v57 =	vld.idx.msk [tilespmem:v47+s29+$0x0], $0xffff;
	v56 =	vmul.f32 v45, v12;
	v3 =	vadd.f32 v52, v3  }
0x299: {  	v58 =	vor.u32 $0x34, v2;
	v6 =	vld.idx.msk [tilespmem:v46+s28+$0x0], $0xffff  }
0x29a: {  	v59 =	vor.u32 $0x34, v1;
	v61 =	vld.idx.msk [tilespmem:v51+s29+$0x0], $0xffff;
	v60 =	vmul.f32 v49, v14;
	v3 =	vadd.f32 v56, v3  }
0x29b: {  	v62 =	vor.u32 $0x35, v2;
	v9 =	vld.idx.msk [tilespmem:v50+s28+$0x0], $0xffff  }
0x29c: {  	v63 =	vor.u32 $0x35, v1;
	v19 =	vmul.f32 v53, v10;
	v11 =	vld.idx.msk [tilespmem:v54+s28+$0x0], $0xffff;
	v3 =	vadd.f32 v60, v3  }
0x29d: {  	v21 =	vor.u32 $0x36, v2;
	v20 =	vld.idx.msk [tilespmem:v55+s29+$0x0], $0xffff  }
0x29e: {  	v22 =	vor.u32 $0x36, v1;
	v23 =	vmul.f32 v57, v6;
	v12 =	vld.idx.msk [tilespmem:v58+s28+$0x0], $0xffff;
	v3 =	vadd.f32 v19, v3  }
0x29f: {  	v25 =	vor.u32 $0x37, v2;
	v24 =	vld.idx.msk [tilespmem:v59+s29+$0x0], $0xffff  }
0x2a0: {  	v26 =	vor.u32 $0x37, v1;
	v27 =	vmul.f32 v61, v9;
	v14 =	vld.idx.msk [tilespmem:v62+s28+$0x0], $0xffff;
	v3 =	vadd.f32 v23, v3  }
0x2a1: {  	v29 =	vor.u32 $0x38, v2;
	v28 =	vld.idx.msk [tilespmem:v63+s29+$0x0], $0xffff  }
0x2a2: {  	v30 =	vor.u32 $0x38, v1;
	v10 =	vld.idx.msk [tilespmem:v21+s28+$0x0], $0xffff;
	v31 =	vmul.f32 v20, v11;
	v3 =	vadd.f32 v27, v3  }
0x2a3: {  	v33 =	vor.u32 $0x39, v2;
	v32 =	vld.idx.msk [tilespmem:v22+s29+$0x0], $0xffff  }
0x2a4: {  	v34 =	vor.u32 $0x39, v1;
	v6 =	vld.idx.msk [tilespmem:v25+s28+$0x0], $0xffff;
	v35 =	vmul.f32 v24, v12;
	v3 =	vadd.f32 v31, v3  }
0x2a5: {  	v37 =	vor.u32 $0x3A, v2;
	v36 =	vld.idx.msk [tilespmem:v26+s29+$0x0], $0xffff  }
0x2a6: {  	v38 =	vor.u32 $0x3A, v1;
	v9 =	vld.idx.msk [tilespmem:v29+s28+$0x0], $0xffff;
	v39 =	vmul.f32 v28, v14;
	v3 =	vadd.f32 v35, v3  }
0x2a7: {  	v41 =	vor.u32 $0x3B, v2;
	v40 =	vld.idx.msk [tilespmem:v30+s29+$0x0], $0xffff  }
0x2a8: {  	v42 =	vor.u32 $0x3B, v1;
	v11 =	vld.idx.msk [tilespmem:v33+s28+$0x0], $0xffff;
	v43 =	vmul.f32 v32, v10;
	v3 =	vadd.f32 v39, v3  }
0x2a9: {  	v45 =	vor.u32 $0x3C, v2;
	v44 =	vld.idx.msk [tilespmem:v34+s29+$0x0], $0xffff  }
0x2aa: {  	v46 =	vor.u32 $0x3C, v1;
	v12 =	vld.idx.msk [tilespmem:v37+s28+$0x0], $0xffff;
	v47 =	vmul.f32 v36, v6;
	v3 =	vadd.f32 v43, v3  }
0x2ab: {  	v50 =	vor.u32 $0x3D, v1;
	v48 =	vld.idx.msk [tilespmem:v38+s29+$0x0], $0xffff  }
0x2ac: {  	v49 =	vor.u32 $0x3D, v2;
	v14 =	vld.idx.msk [tilespmem:v41+s28+$0x0], $0xffff;
	v51 =	vmul.f32 v40, v9;
	v3 =	vadd.f32 v47, v3  }
0x2ad: {  	v53 =	vor.u32 $0x3E, v2;
	v52 =	vld.idx.msk [tilespmem:v42+s29+$0x0], $0xffff  }
0x2ae: {  	v54 =	vor.u32 $0x3E, v1;
	v10 =	vld.idx.msk [tilespmem:v45+s28+$0x0], $0xffff;
	v55 =	vmul.f32 v44, v11;
	v3 =	vadd.f32 v51, v3  }
0x2af: {  	v1 =	vor.u32 $0x3F, v1;
	v56 =	vld.idx.msk [tilespmem:v46+s29+$0x0], $0xffff  }
0x2b0: {  	v58 =	vld.idx.msk [tilespmem:v50+s29+$0x0], $0xffff;
	v2 =	vor.u32 $0x3F, v2;
	v57 =	vmul.f32 v48, v12;
	v3 =	vadd.f32 v55, v3  }
0x2b1: {  	v6 =	vld.idx.msk [tilespmem:v49+s28+$0x0], $0xffff  }
0x2b2: {  	v9 =	vld.idx.msk [tilespmem:v53+s28+$0x0], $0xffff;
	v59 =	vmul.f32 v52, v14;
	v3 =	vadd.f32 v57, v3  }
0x2b3: {  	v60 =	vld.idx.msk [tilespmem:v54+s29+$0x0], $0xffff  }
0x2b4: {  	v1 =	vld.idx.msk [tilespmem:v1+s29+$0x0], $0xffff;
	v61 =	vmul.f32 v56, v10;
	v3 =	vadd.f32 v59, v3  }
0x2b5: {  	v2 =	vld.idx.msk [tilespmem:v2+s28+$0x0], $0xffff  }
0x2b6: {  	v62 =	vmul.f32 v58, v6;
	v3 =	vadd.f32 v61, v3;
	_ =	sdelay $0x1  }
0x2b7: {  	v63 =	vmul.f32 v60, v9;
	v3 =	vadd.f32 v62, v3;
	_ =	sdelay $0x1  }
0x2b8: {  	v1 =	vmul.f32 v1, v2;
	v3 =	vadd.f32 v63, v3;
	_ =	sdelay $0x1  }
0x2b9: {  	v1 =	vadd.f32 v1, v3  }
0x2ba: {  	s13 =	simm.s32 $0x10900  }
0x2bb: {  	s14 =	simm.s32 $0x110;
	[tilespmem:s13+$0x0] =	vst v1  }
0x2bc: {  	s15 =	simm.s32 $0x310;
	v1 =	vld [tilespmem:s14+$0x0]  }
0x2bd: {  	s16 =	simm.s32 $0x10;
	s17 =	simm.s32 $0x20;
	v2 =	vld [tilespmem:s15+$0x0]  }
.LBB2_12:
0x2be: {  	p0 =	sne.s32 s17, $0xF0;
	_ =	sdelay $0x1  }
0x2bf: {  	v3 =	vmov s16;
	s16 =	smov.u32 s17  }
0x2c0: {  	v3 =	vshll.u32 v3, $0x7;
	v1 =	vshll.u32 v1, $0x6  }
0x2c1: {  	v3 =	vor.u32 v0, v3;
	v1 =	vand.u32 $0x40, v1;
	v2 =	vshll.u32 v2, $0x6  }
0x2c2: {  	v4 =	vand.u32 $0x40, v2;
	v2 =	vor.u32 v3, v1  }
0x2c3: {  	v1 =	vor.u32 v3, v4  }
0x2c4: {  	s5 =	sadd.s32 $0x10, s5;
	v3 =	vor.u32 $0x1, v2  }
0x2c5: {  	s0 =	sadd.s32 $0x10, s0;
	v5 =	vor.u32 $0x1, v1;
	v4 =	vld [tilespmem:s5+$0x0]  }
0x2c6: {  	v7 =	vor.u32 $0x2, v2;
	v6 =	vld [tilespmem:s0+$0x0]  }
0x2c7: {  	v9 =	vor.u32 $0x2, v1;
	v8 =	vld.idx.msk [tilespmem:v2+s28+$0x0], $0xffff  }
0x2c8: {  	v11 =	vor.u32 $0x3, v2;
	v10 =	vld.idx.msk [tilespmem:v1+s29+$0x0], $0xffff  }
0x2c9: {  	v12 =	vor.u32 $0x3, v1;
	v3 =	vld.idx.msk [tilespmem:v3+s28+$0x0], $0xffff  }
0x2ca: {  	v13 =	vor.u32 $0x4, v2;
	v5 =	vld.idx.msk [tilespmem:v5+s29+$0x0], $0xffff  }
0x2cb: {  	v14 =	vor.u32 $0x4, v1;
	v7 =	vld.idx.msk [tilespmem:v7+s28+$0x0], $0xffff  }
0x2cc: {  	v15 =	vor.u32 $0x5, v2;
	v9 =	vld.idx.msk [tilespmem:v9+s29+$0x0], $0xffff  }
0x2cd: {  	v16 =	vor.u32 $0x5, v1;
	v11 =	vld.idx.msk [tilespmem:v11+s28+$0x0], $0xffff  }
0x2ce: {  	v4 =	vadd.f32 v6, v4;
	v6 =	vmul.f32 v10, v8;
	v10 =	vor.u32 $0x6, v2;
	v8 =	vld.idx.msk [tilespmem:v12+s29+$0x0], $0xffff  }
0x2cf: {  	v12 =	vld.idx.msk [tilespmem:v13+s28+$0x0], $0xffff;
	v13 =	vor.u32 $0x6, v1  }
0x2d0: {  	v4 =	vadd.f32 v6, v4;
	v3 =	vmul.f32 v5, v3;
	v6 =	vor.u32 $0x7, v2;
	v5 =	vld.idx.msk [tilespmem:v14+s29+$0x0], $0xffff  }
0x2d1: {  	v14 =	vld.idx.msk [tilespmem:v15+s28+$0x0], $0xffff;
	v15 =	vor.u32 $0x7, v1  }
0x2d2: {  	v3 =	vadd.f32 v3, v4;
	v4 =	vmul.f32 v9, v7;
	v9 =	vor.u32 $0x8, v2;
	v7 =	vld.idx.msk [tilespmem:v16+s29+$0x0], $0xffff  }
0x2d3: {  	v16 =	vor.u32 $0x8, v1;
	v10 =	vld.idx.msk [tilespmem:v10+s28+$0x0], $0xffff  }
0x2d4: {  	v3 =	vadd.f32 v4, v3;
	v4 =	vmul.f32 v8, v11;
	v11 =	vor.u32 $0x9, v2;
	v8 =	vld.idx.msk [tilespmem:v13+s29+$0x0], $0xffff  }
0x2d5: {  	v13 =	vor.u32 $0x9, v1;
	v6 =	vld.idx.msk [tilespmem:v6+s28+$0x0], $0xffff  }
0x2d6: {  	v3 =	vadd.f32 v4, v3;
	v4 =	vmul.f32 v5, v12;
	v12 =	vor.u32 $0xA, v2;
	v5 =	vld.idx.msk [tilespmem:v15+s29+$0x0], $0xffff  }
0x2d7: {  	v15 =	vor.u32 $0xA, v1;
	v9 =	vld.idx.msk [tilespmem:v9+s28+$0x0], $0xffff  }
0x2d8: {  	v3 =	vadd.f32 v4, v3;
	v4 =	vmul.f32 v7, v14;
	v14 =	vor.u32 $0xB, v2;
	v7 =	vld.idx.msk [tilespmem:v16+s29+$0x0], $0xffff  }
0x2d9: {  	v16 =	vor.u32 $0xB, v1;
	v11 =	vld.idx.msk [tilespmem:v11+s28+$0x0], $0xffff  }
0x2da: {  	v3 =	vadd.f32 v4, v3;
	v4 =	vmul.f32 v8, v10;
	v10 =	vor.u32 $0xC, v2;
	v8 =	vld.idx.msk [tilespmem:v13+s29+$0x0], $0xffff  }
0x2db: {  	v13 =	vor.u32 $0xC, v1;
	v12 =	vld.idx.msk [tilespmem:v12+s28+$0x0], $0xffff  }
0x2dc: {  	v3 =	vadd.f32 v4, v3;
	v4 =	vmul.f32 v5, v6;
	v6 =	vor.u32 $0xD, v2;
	v5 =	vld.idx.msk [tilespmem:v15+s29+$0x0], $0xffff  }
0x2dd: {  	v15 =	vor.u32 $0xD, v1;
	v14 =	vld.idx.msk [tilespmem:v14+s28+$0x0], $0xffff  }
0x2de: {  	v3 =	vadd.f32 v4, v3;
	v4 =	vmul.f32 v7, v9;
	v9 =	vor.u32 $0xE, v2;
	v7 =	vld.idx.msk [tilespmem:v16+s29+$0x0], $0xffff  }
0x2df: {  	v16 =	vor.u32 $0xE, v1;
	v10 =	vld.idx.msk [tilespmem:v10+s28+$0x0], $0xffff  }
0x2e0: {  	v3 =	vadd.f32 v4, v3;
	v4 =	vmul.f32 v8, v11;
	v11 =	vor.u32 $0xF, v2;
	v8 =	vld.idx.msk [tilespmem:v13+s29+$0x0], $0xffff  }
0x2e1: {  	v13 =	vor.u32 $0xF, v1;
	v6 =	vld.idx.msk [tilespmem:v6+s28+$0x0], $0xffff  }
0x2e2: {  	v3 =	vadd.f32 v4, v3;
	v4 =	vmul.f32 v5, v12;
	v12 =	vor.u32 $0x10, v2;
	v5 =	vld.idx.msk [tilespmem:v15+s29+$0x0], $0xffff  }
0x2e3: {  	v15 =	vor.u32 $0x10, v1;
	v9 =	vld.idx.msk [tilespmem:v9+s28+$0x0], $0xffff  }
0x2e4: {  	v3 =	vadd.f32 v4, v3;
	v4 =	vmul.f32 v7, v14;
	v14 =	vor.u32 $0x11, v2;
	v7 =	vld.idx.msk [tilespmem:v16+s29+$0x0], $0xffff  }
0x2e5: {  	v16 =	vor.u32 $0x11, v1;
	v11 =	vld.idx.msk [tilespmem:v11+s28+$0x0], $0xffff  }
0x2e6: {  	v3 =	vadd.f32 v4, v3;
	v4 =	vmul.f32 v8, v10;
	v10 =	vor.u32 $0x12, v2;
	v8 =	vld.idx.msk [tilespmem:v13+s29+$0x0], $0xffff  }
0x2e7: {  	v13 =	vor.u32 $0x12, v1;
	v12 =	vld.idx.msk [tilespmem:v12+s28+$0x0], $0xffff  }
0x2e8: {  	v3 =	vadd.f32 v4, v3;
	v4 =	vmul.f32 v5, v6;
	v6 =	vor.u32 $0x13, v2;
	v5 =	vld.idx.msk [tilespmem:v15+s29+$0x0], $0xffff  }
0x2e9: {  	v15 =	vor.u32 $0x13, v1;
	v14 =	vld.idx.msk [tilespmem:v14+s28+$0x0], $0xffff  }
0x2ea: {  	v3 =	vadd.f32 v4, v3;
	v4 =	vmul.f32 v7, v9;
	v9 =	vor.u32 $0x14, v2;
	v7 =	vld.idx.msk [tilespmem:v16+s29+$0x0], $0xffff  }
0x2eb: {  	v16 =	vor.u32 $0x14, v1;
	v10 =	vld.idx.msk [tilespmem:v10+s28+$0x0], $0xffff  }
0x2ec: {  	v3 =	vadd.f32 v4, v3;
	v4 =	vmul.f32 v8, v11;
	v11 =	vor.u32 $0x15, v2;
	v8 =	vld.idx.msk [tilespmem:v13+s29+$0x0], $0xffff  }
0x2ed: {  	v13 =	vor.u32 $0x15, v1;
	v6 =	vld.idx.msk [tilespmem:v6+s28+$0x0], $0xffff  }
0x2ee: {  	v3 =	vadd.f32 v4, v3;
	v4 =	vmul.f32 v5, v12;
	v12 =	vor.u32 $0x16, v2;
	v5 =	vld.idx.msk [tilespmem:v15+s29+$0x0], $0xffff  }
0x2ef: {  	v15 =	vor.u32 $0x16, v1;
	v9 =	vld.idx.msk [tilespmem:v9+s28+$0x0], $0xffff  }
0x2f0: {  	v3 =	vadd.f32 v4, v3;
	v4 =	vmul.f32 v7, v14;
	v14 =	vor.u32 $0x17, v2;
	v7 =	vld.idx.msk [tilespmem:v16+s29+$0x0], $0xffff  }
0x2f1: {  	v16 =	vor.u32 $0x17, v1;
	v11 =	vld.idx.msk [tilespmem:v11+s28+$0x0], $0xffff  }
0x2f2: {  	v3 =	vadd.f32 v4, v3;
	v4 =	vmul.f32 v8, v10;
	v10 =	vor.u32 $0x18, v2;
	v8 =	vld.idx.msk [tilespmem:v13+s29+$0x0], $0xffff  }
0x2f3: {  	v13 =	vor.u32 $0x18, v1;
	v12 =	vld.idx.msk [tilespmem:v12+s28+$0x0], $0xffff  }
0x2f4: {  	v3 =	vadd.f32 v4, v3;
	v4 =	vmul.f32 v5, v6;
	v6 =	vor.u32 $0x19, v2;
	v5 =	vld.idx.msk [tilespmem:v15+s29+$0x0], $0xffff  }
0x2f5: {  	v15 =	vor.u32 $0x19, v1;
	v14 =	vld.idx.msk [tilespmem:v14+s28+$0x0], $0xffff  }
0x2f6: {  	v3 =	vadd.f32 v4, v3;
	v4 =	vmul.f32 v7, v9;
	v9 =	vor.u32 $0x1A, v2;
	v7 =	vld.idx.msk [tilespmem:v16+s29+$0x0], $0xffff  }
0x2f7: {  	v16 =	vor.u32 $0x1A, v1;
	v10 =	vld.idx.msk [tilespmem:v10+s28+$0x0], $0xffff  }
0x2f8: {  	v3 =	vadd.f32 v4, v3;
	v4 =	vmul.f32 v8, v11;
	v11 =	vor.u32 $0x1B, v2;
	v8 =	vld.idx.msk [tilespmem:v13+s29+$0x0], $0xffff  }
0x2f9: {  	v13 =	vor.u32 $0x1B, v1;
	v6 =	vld.idx.msk [tilespmem:v6+s28+$0x0], $0xffff  }
0x2fa: {  	v3 =	vadd.f32 v4, v3;
	v4 =	vmul.f32 v5, v12;
	v12 =	vor.u32 $0x1C, v2;
	v5 =	vld.idx.msk [tilespmem:v15+s29+$0x0], $0xffff  }
0x2fb: {  	v15 =	vor.u32 $0x1C, v1;
	v9 =	vld.idx.msk [tilespmem:v9+s28+$0x0], $0xffff  }
0x2fc: {  	v3 =	vadd.f32 v4, v3;
	v4 =	vmul.f32 v7, v14;
	v14 =	vor.u32 $0x1D, v2;
	v7 =	vld.idx.msk [tilespmem:v16+s29+$0x0], $0xffff  }
0x2fd: {  	v16 =	vor.u32 $0x1D, v1;
	v11 =	vld.idx.msk [tilespmem:v11+s28+$0x0], $0xffff  }
0x2fe: {  	v3 =	vadd.f32 v4, v3;
	v4 =	vmul.f32 v8, v10;
	v10 =	vor.u32 $0x1E, v2;
	v8 =	vld.idx.msk [tilespmem:v13+s29+$0x0], $0xffff  }
0x2ff: {  	v13 =	vor.u32 $0x1E, v1;
	v12 =	vld.idx.msk [tilespmem:v12+s28+$0x0], $0xffff  }
0x300: {  	v3 =	vadd.f32 v4, v3;
	v4 =	vmul.f32 v5, v6;
	v6 =	vor.u32 $0x1F, v2;
	v5 =	vld.idx.msk [tilespmem:v15+s29+$0x0], $0xffff  }
0x301: {  	v15 =	vor.u32 $0x1F, v1;
	v14 =	vld.idx.msk [tilespmem:v14+s28+$0x0], $0xffff  }
0x302: {  	v3 =	vadd.f32 v4, v3;
	v4 =	vmul.f32 v7, v9;
	v9 =	vor.u32 $0x20, v2;
	v7 =	vld.idx.msk [tilespmem:v16+s29+$0x0], $0xffff  }
0x303: {  	v16 =	vor.u32 $0x20, v1;
	v10 =	vld.idx.msk [tilespmem:v10+s28+$0x0], $0xffff  }
0x304: {  	v3 =	vadd.f32 v4, v3;
	v4 =	vmul.f32 v8, v11;
	v11 =	vor.u32 $0x21, v2;
	v8 =	vld.idx.msk [tilespmem:v13+s29+$0x0], $0xffff  }
0x305: {  	v13 =	vor.u32 $0x21, v1;
	v6 =	vld.idx.msk [tilespmem:v6+s28+$0x0], $0xffff  }
0x306: {  	v3 =	vadd.f32 v4, v3;
	v4 =	vmul.f32 v5, v12;
	v12 =	vor.u32 $0x22, v2;
	v5 =	vld.idx.msk [tilespmem:v15+s29+$0x0], $0xffff  }
0x307: {  	v15 =	vor.u32 $0x22, v1;
	v9 =	vld.idx.msk [tilespmem:v9+s28+$0x0], $0xffff  }
0x308: {  	v3 =	vadd.f32 v4, v3;
	v4 =	vmul.f32 v7, v14;
	v14 =	vor.u32 $0x23, v2;
	v7 =	vld.idx.msk [tilespmem:v16+s29+$0x0], $0xffff  }
0x309: {  	v16 =	vor.u32 $0x23, v1;
	v11 =	vld.idx.msk [tilespmem:v11+s28+$0x0], $0xffff  }
0x30a: {  	v3 =	vadd.f32 v4, v3;
	v4 =	vmul.f32 v8, v10;
	v10 =	vor.u32 $0x24, v2;
	v8 =	vld.idx.msk [tilespmem:v13+s29+$0x0], $0xffff  }
0x30b: {  	v13 =	vor.u32 $0x24, v1;
	v12 =	vld.idx.msk [tilespmem:v12+s28+$0x0], $0xffff  }
0x30c: {  	v3 =	vadd.f32 v4, v3;
	v4 =	vmul.f32 v5, v6;
	v6 =	vor.u32 $0x25, v2;
	v5 =	vld.idx.msk [tilespmem:v15+s29+$0x0], $0xffff  }
0x30d: {  	v15 =	vor.u32 $0x25, v1;
	v14 =	vld.idx.msk [tilespmem:v14+s28+$0x0], $0xffff  }
0x30e: {  	v3 =	vadd.f32 v4, v3;
	v4 =	vmul.f32 v7, v9;
	v9 =	vor.u32 $0x26, v2;
	v7 =	vld.idx.msk [tilespmem:v16+s29+$0x0], $0xffff  }
0x30f: {  	v16 =	vor.u32 $0x26, v1;
	v10 =	vld.idx.msk [tilespmem:v10+s28+$0x0], $0xffff  }
0x310: {  	v3 =	vadd.f32 v4, v3;
	v4 =	vmul.f32 v8, v11;
	v11 =	vor.u32 $0x27, v2;
	v8 =	vld.idx.msk [tilespmem:v13+s29+$0x0], $0xffff  }
0x311: {  	v13 =	vor.u32 $0x27, v1;
	v6 =	vld.idx.msk [tilespmem:v6+s28+$0x0], $0xffff  }
0x312: {  	v3 =	vadd.f32 v4, v3;
	v4 =	vmul.f32 v5, v12;
	v12 =	vor.u32 $0x28, v2;
	v5 =	vld.idx.msk [tilespmem:v15+s29+$0x0], $0xffff  }
0x313: {  	v15 =	vor.u32 $0x28, v1;
	v9 =	vld.idx.msk [tilespmem:v9+s28+$0x0], $0xffff  }
0x314: {  	v3 =	vadd.f32 v4, v3;
	v4 =	vmul.f32 v7, v14;
	v14 =	vor.u32 $0x29, v2;
	v7 =	vld.idx.msk [tilespmem:v16+s29+$0x0], $0xffff  }
0x315: {  	v16 =	vor.u32 $0x29, v1;
	v11 =	vld.idx.msk [tilespmem:v11+s28+$0x0], $0xffff  }
0x316: {  	v3 =	vadd.f32 v4, v3;
	v4 =	vmul.f32 v8, v10;
	v10 =	vor.u32 $0x2A, v2;
	v8 =	vld.idx.msk [tilespmem:v13+s29+$0x0], $0xffff  }
0x317: {  	v13 =	vor.u32 $0x2A, v1;
	v12 =	vld.idx.msk [tilespmem:v12+s28+$0x0], $0xffff  }
0x318: {  	v3 =	vadd.f32 v4, v3;
	v4 =	vmul.f32 v5, v6;
	v6 =	vor.u32 $0x2B, v2;
	v5 =	vld.idx.msk [tilespmem:v15+s29+$0x0], $0xffff  }
0x319: {  	v15 =	vor.u32 $0x2B, v1;
	v14 =	vld.idx.msk [tilespmem:v14+s28+$0x0], $0xffff  }
0x31a: {  	v3 =	vadd.f32 v4, v3;
	v4 =	vmul.f32 v7, v9;
	v9 =	vor.u32 $0x2C, v2;
	v7 =	vld.idx.msk [tilespmem:v16+s29+$0x0], $0xffff  }
0x31b: {  	v16 =	vor.u32 $0x2C, v1;
	v10 =	vld.idx.msk [tilespmem:v10+s28+$0x0], $0xffff  }
0x31c: {  	v3 =	vadd.f32 v4, v3;
	v4 =	vmul.f32 v8, v11;
	v11 =	vor.u32 $0x2D, v2;
	v8 =	vld.idx.msk [tilespmem:v13+s29+$0x0], $0xffff  }
0x31d: {  	v13 =	vor.u32 $0x2D, v1;
	v6 =	vld.idx.msk [tilespmem:v6+s28+$0x0], $0xffff  }
0x31e: {  	v3 =	vadd.f32 v4, v3;
	v4 =	vmul.f32 v5, v12;
	v12 =	vor.u32 $0x2E, v2;
	v5 =	vld.idx.msk [tilespmem:v15+s29+$0x0], $0xffff  }
0x31f: {  	v15 =	vor.u32 $0x2E, v1;
	v9 =	vld.idx.msk [tilespmem:v9+s28+$0x0], $0xffff  }
0x320: {  	v3 =	vadd.f32 v4, v3;
	v4 =	vmul.f32 v7, v14;
	v14 =	vor.u32 $0x2F, v2;
	v7 =	vld.idx.msk [tilespmem:v16+s29+$0x0], $0xffff  }
0x321: {  	v16 =	vor.u32 $0x2F, v1;
	v11 =	vld.idx.msk [tilespmem:v11+s28+$0x0], $0xffff  }
0x322: {  	v3 =	vadd.f32 v4, v3;
	v4 =	vmul.f32 v8, v10;
	v10 =	vor.u32 $0x30, v2;
	v8 =	vld.idx.msk [tilespmem:v13+s29+$0x0], $0xffff  }
0x323: {  	v13 =	vor.u32 $0x30, v1;
	v12 =	vld.idx.msk [tilespmem:v12+s28+$0x0], $0xffff  }
0x324: {  	v3 =	vadd.f32 v4, v3;
	v4 =	vmul.f32 v5, v6;
	v6 =	vor.u32 $0x31, v2;
	v5 =	vld.idx.msk [tilespmem:v15+s29+$0x0], $0xffff  }
0x325: {  	v15 =	vor.u32 $0x31, v1;
	v14 =	vld.idx.msk [tilespmem:v14+s28+$0x0], $0xffff  }
0x326: {  	v3 =	vadd.f32 v4, v3;
	v4 =	vmul.f32 v7, v9;
	v9 =	vor.u32 $0x32, v2;
	v7 =	vld.idx.msk [tilespmem:v16+s29+$0x0], $0xffff  }
0x327: {  	v16 =	vor.u32 $0x32, v1;
	v10 =	vld.idx.msk [tilespmem:v10+s28+$0x0], $0xffff  }
0x328: {  	v3 =	vadd.f32 v4, v3;
	v4 =	vmul.f32 v8, v11;
	v11 =	vor.u32 $0x33, v2;
	v8 =	vld.idx.msk [tilespmem:v13+s29+$0x0], $0xffff  }
0x329: {  	v13 =	vor.u32 $0x33, v1;
	v6 =	vld.idx.msk [tilespmem:v6+s28+$0x0], $0xffff  }
0x32a: {  	v3 =	vadd.f32 v4, v3;
	v4 =	vmul.f32 v5, v12;
	v12 =	vor.u32 $0x34, v2;
	v5 =	vld.idx.msk [tilespmem:v15+s29+$0x0], $0xffff  }
0x32b: {  	v15 =	vor.u32 $0x34, v1;
	v9 =	vld.idx.msk [tilespmem:v9+s28+$0x0], $0xffff  }
0x32c: {  	v3 =	vadd.f32 v4, v3;
	v4 =	vmul.f32 v7, v14;
	v14 =	vor.u32 $0x35, v2;
	v7 =	vld.idx.msk [tilespmem:v16+s29+$0x0], $0xffff  }
0x32d: {  	v16 =	vor.u32 $0x35, v1;
	v11 =	vld.idx.msk [tilespmem:v11+s28+$0x0], $0xffff  }
0x32e: {  	v3 =	vadd.f32 v4, v3;
	v4 =	vmul.f32 v8, v10;
	v10 =	vor.u32 $0x36, v2;
	v8 =	vld.idx.msk [tilespmem:v13+s29+$0x0], $0xffff  }
0x32f: {  	v13 =	vor.u32 $0x36, v1;
	v12 =	vld.idx.msk [tilespmem:v12+s28+$0x0], $0xffff  }
0x330: {  	v3 =	vadd.f32 v4, v3;
	v4 =	vmul.f32 v5, v6;
	v6 =	vor.u32 $0x37, v2;
	v5 =	vld.idx.msk [tilespmem:v15+s29+$0x0], $0xffff  }
0x331: {  	v15 =	vor.u32 $0x37, v1;
	v14 =	vld.idx.msk [tilespmem:v14+s28+$0x0], $0xffff  }
0x332: {  	v3 =	vadd.f32 v4, v3;
	v4 =	vmul.f32 v7, v9;
	v9 =	vor.u32 $0x38, v2;
	v7 =	vld.idx.msk [tilespmem:v16+s29+$0x0], $0xffff  }
0x333: {  	v16 =	vor.u32 $0x38, v1;
	v10 =	vld.idx.msk [tilespmem:v10+s28+$0x0], $0xffff  }
0x334: {  	v3 =	vadd.f32 v4, v3;
	v4 =	vmul.f32 v8, v11;
	v11 =	vor.u32 $0x39, v2;
	v8 =	vld.idx.msk [tilespmem:v13+s29+$0x0], $0xffff  }
0x335: {  	v13 =	vor.u32 $0x39, v1;
	v6 =	vld.idx.msk [tilespmem:v6+s28+$0x0], $0xffff  }
0x336: {  	v3 =	vadd.f32 v4, v3;
	v4 =	vmul.f32 v5, v12;
	v12 =	vor.u32 $0x3A, v2;
	v5 =	vld.idx.msk [tilespmem:v15+s29+$0x0], $0xffff  }
0x337: {  	v15 =	vor.u32 $0x3A, v1;
	v9 =	vld.idx.msk [tilespmem:v9+s28+$0x0], $0xffff  }
0x338: {  	v3 =	vadd.f32 v4, v3;
	v4 =	vmul.f32 v7, v14;
	v14 =	vor.u32 $0x3B, v2;
	v7 =	vld.idx.msk [tilespmem:v16+s29+$0x0], $0xffff  }
0x339: {  	v16 =	vor.u32 $0x3B, v1;
	v11 =	vld.idx.msk [tilespmem:v11+s28+$0x0], $0xffff  }
0x33a: {  	v3 =	vadd.f32 v4, v3;
	v4 =	vmul.f32 v8, v10;
	v10 =	vor.u32 $0x3C, v2;
	v8 =	vld.idx.msk [tilespmem:v13+s29+$0x0], $0xffff  }
0x33b: {  	v13 =	vor.u32 $0x3C, v1;
	v12 =	vld.idx.msk [tilespmem:v12+s28+$0x0], $0xffff  }
0x33c: {  	v3 =	vadd.f32 v4, v3;
	v4 =	vmul.f32 v5, v6;
	v6 =	vor.u32 $0x3D, v2;
	v5 =	vld.idx.msk [tilespmem:v15+s29+$0x0], $0xffff  }
0x33d: {  	v15 =	vor.u32 $0x3D, v1;
	v14 =	vld.idx.msk [tilespmem:v14+s28+$0x0], $0xffff  }
0x33e: {  	v3 =	vadd.f32 v4, v3;
	v4 =	vmul.f32 v7, v9;
	v9 =	vor.u32 $0x3E, v2;
	v7 =	vld.idx.msk [tilespmem:v16+s29+$0x0], $0xffff  }
0x33f: {  	v16 =	vor.u32 $0x3E, v1;
	v10 =	vld.idx.msk [tilespmem:v10+s28+$0x0], $0xffff  }
0x340: {  	v2 =	vor.u32 $0x3F, v2;
	v3 =	vadd.f32 v4, v3;
	v4 =	vmul.f32 v8, v11;
	v8 =	vld.idx.msk [tilespmem:v13+s29+$0x0], $0xffff  }
0x341: {  	v1 =	vor.u32 $0x3F, v1;
	v6 =	vld.idx.msk [tilespmem:v6+s28+$0x0], $0xffff  }
0x342: {  	v3 =	vadd.f32 v4, v3;
	v4 =	vmul.f32 v5, v12;
	v5 =	vld.idx.msk [tilespmem:v15+s29+$0x0], $0xffff  }
0x343: {  	v9 =	vld.idx.msk [tilespmem:v9+s28+$0x0], $0xffff  }
0x344: {  	v3 =	vadd.f32 v4, v3;
	v4 =	vmul.f32 v7, v14;
	v7 =	vld.idx.msk [tilespmem:v16+s29+$0x0], $0xffff  }
0x345: {  	v2 =	vld.idx.msk [tilespmem:v2+s28+$0x0], $0xffff  }
0x346: {  	v3 =	vadd.f32 v4, v3;
	v4 =	vmul.f32 v8, v10;
	v1 =	vld.idx.msk [tilespmem:v1+s29+$0x0], $0xffff;
	_ =	sdelay $0x1  }
0x347: {  	v3 =	vadd.f32 v4, v3;
	v4 =	vmul.f32 v5, v6;
	_ =	sdelay $0x1  }
0x348: {  	v3 =	vadd.f32 v4, v3;
	v4 =	vmul.f32 v7, v9;
	_ =	sdelay $0x1  }
0x349: {  	v3 =	vadd.f32 v4, v3;
	v1 =	vmul.f32 v1, v2;
	_ =	sdelay $0x1  }
.Ltmp5:
0x34a: {  	v1 =	vadd.f32 v1, v3;
	(pc) =	sbr.rel @p0 .LBB2_12-.Ltmp5, $4  }
0x34b: {  	s13 =	sadd.s32 $0x10, s13  }
0x34c: {  	s14 =	sadd.s32 $0x10, s14;
	[tilespmem:s13+$0x0] =	vst v1  }
0x34d: {  	s15 =	sadd.s32 $0x10, s15;
	v1 =	vld [tilespmem:s14+$0x0]  }
0x34e: {  	s17 =	sadd.s32 $0x10, s17;
	v2 =	vld [tilespmem:s15+$0x0]  }
0x34f: {  	_ =	sdelay $0x1  }
0x350: {  	v3 =	vmov s16  }
0x351: {  	v3 =	vshll.u32 v3, $0x7;
	v1 =	vshll.u32 v1, $0x6  }
0x352: {  	v3 =	vor.u32 v0, v3;
	v1 =	vand.u32 $0x40, v1;
	v2 =	vshll.u32 v2, $0x6  }
0x353: {  	v4 =	vand.u32 $0x40, v2;
	v2 =	vor.u32 v3, v1  }
0x354: {  	v1 =	vor.u32 v3, v4  }
0x355: {  	s5 =	sadd.s32 $0x10, s5;
	v3 =	vor.u32 $0x1, v2  }
0x356: {  	s0 =	sadd.s32 $0x10, s0;
	v46 =	vld [tilespmem:s5+$0x0];
	v5 =	vor.u32 $0x1, v1  }
0x357: {  	v6 =	vld [tilespmem:s0+$0x0];
	v7 =	vor.u32 $0x2, v2  }
0x358: {  	v9 =	vor.u32 $0x2, v1;
	v8 =	vld.idx.msk [tilespmem:v2+s28+$0x0], $0xffff  }
0x359: {  	v11 =	vor.u32 $0x3, v2;
	v10 =	vld.idx.msk [tilespmem:v1+s29+$0x0], $0xffff  }
0x35a: {  	v12 =	vor.u32 $0x3, v1;
	v3 =	vld.idx.msk [tilespmem:v3+s28+$0x0], $0xffff  }
0x35b: {  	v13 =	vor.u32 $0x4, v2;
	v5 =	vld.idx.msk [tilespmem:v5+s29+$0x0], $0xffff  }
0x35c: {  	v14 =	vor.u32 $0x4, v1;
	v7 =	vld.idx.msk [tilespmem:v7+s28+$0x0], $0xffff  }
0x35d: {  	v15 =	vor.u32 $0x5, v2;
	v9 =	vld.idx.msk [tilespmem:v9+s29+$0x0], $0xffff  }
0x35e: {  	v4 =	vadd.f32 v6, v46;
	v16 =	vor.u32 $0x5, v1;
	v11 =	vld.idx.msk [tilespmem:v11+s28+$0x0], $0xffff;
	v47 =	vmul.f32 v10, v8  }
0x35f: {  	v51 =	vor.u32 $0x6, v1;
	v48 =	vld.idx.msk [tilespmem:v12+s29+$0x0], $0xffff  }
0x360: {  	v49 =	vor.u32 $0x6, v2;
	v50 =	vld.idx.msk [tilespmem:v13+s28+$0x0], $0xffff;
	v3 =	vmul.f32 v5, v3;
	v4 =	vadd.f32 v47, v4  }
0x361: {  	v53 =	vor.u32 $0x7, v2;
	v52 =	vld.idx.msk [tilespmem:v14+s29+$0x0], $0xffff  }
0x362: {  	v55 =	vor.u32 $0x7, v1;
	v54 =	vld.idx.msk [tilespmem:v15+s28+$0x0], $0xffff;
	v56 =	vmul.f32 v9, v7;
	v3 =	vadd.f32 v3, v4  }
0x363: {  	v59 =	vor.u32 $0x8, v1;
	v57 =	vld.idx.msk [tilespmem:v16+s29+$0x0], $0xffff  }
0x364: {  	v58 =	vor.u32 $0x8, v2;
	v61 =	vld.idx.msk [tilespmem:v51+s29+$0x0], $0xffff;
	v60 =	vmul.f32 v48, v11;
	v3 =	vadd.f32 v56, v3  }
0x365: {  	v63 =	vor.u32 $0x9, v1;
	v10 =	vld.idx.msk [tilespmem:v49+s28+$0x0], $0xffff  }
0x366: {  	v62 =	vor.u32 $0x9, v2;
	v6 =	vld.idx.msk [tilespmem:v53+s28+$0x0], $0xffff;
	v20 =	vmul.f32 v52, v50;
	v3 =	vadd.f32 v60, v3  }
0x367: {  	v22 =	vor.u32 $0xA, v2;
	v21 =	vld.idx.msk [tilespmem:v55+s29+$0x0], $0xffff  }
0x368: {  	v23 =	vor.u32 $0xA, v1;
	v25 =	vld.idx.msk [tilespmem:v59+s29+$0x0], $0xffff;
	v24 =	vmul.f32 v57, v54;
	v3 =	vadd.f32 v20, v3  }
0x369: {  	v26 =	vor.u32 $0xB, v2;
	v9 =	vld.idx.msk [tilespmem:v58+s28+$0x0], $0xffff  }
0x36a: {  	v27 =	vor.u32 $0xB, v1;
	v29 =	vld.idx.msk [tilespmem:v63+s29+$0x0], $0xffff;
	v28 =	vmul.f32 v61, v10;
	v3 =	vadd.f32 v24, v3  }
0x36b: {  	v31 =	vor.u32 $0xC, v1;
	v11 =	vld.idx.msk [tilespmem:v62+s28+$0x0], $0xffff  }
0x36c: {  	v30 =	vor.u32 $0xC, v2;
	v12 =	vld.idx.msk [tilespmem:v22+s28+$0x0], $0xffff;
	v32 =	vmul.f32 v21, v6;
	v3 =	vadd.f32 v28, v3  }
0x36d: {  	v35 =	vor.u32 $0xD, v1;
	v33 =	vld.idx.msk [tilespmem:v23+s29+$0x0], $0xffff  }
0x36e: {  	v34 =	vor.u32 $0xD, v2;
	v14 =	vld.idx.msk [tilespmem:v26+s28+$0x0], $0xffff;
	v36 =	vmul.f32 v25, v9;
	v3 =	vadd.f32 v32, v3  }
0x36f: {  	v39 =	vor.u32 $0xE, v1;
	v37 =	vld.idx.msk [tilespmem:v27+s29+$0x0], $0xffff  }
0x370: {  	v38 =	vor.u32 $0xE, v2;
	v41 =	vld.idx.msk [tilespmem:v31+s29+$0x0], $0xffff;
	v40 =	vmul.f32 v29, v11;
	v3 =	vadd.f32 v36, v3  }
0x371: {  	v43 =	vor.u32 $0xF, v1;
	v10 =	vld.idx.msk [tilespmem:v30+s28+$0x0], $0xffff  }
0x372: {  	v42 =	vor.u32 $0xF, v2;
	v45 =	vld.idx.msk [tilespmem:v35+s29+$0x0], $0xffff;
	v44 =	vmul.f32 v33, v12;
	v3 =	vadd.f32 v40, v3  }
0x373: {  	v46 =	vor.u32 $0x10, v2;
	v6 =	vld.idx.msk [tilespmem:v34+s28+$0x0], $0xffff  }
0x374: {  	v49 =	vld.idx.msk [tilespmem:v39+s29+$0x0], $0xffff;
	v48 =	vmul.f32 v37, v14;
	v47 =	vor.u32 $0x10, v1;
	v3 =	vadd.f32 v44, v3  }
0x375: {  	v51 =	vor.u32 $0x11, v1;
	v9 =	vld.idx.msk [tilespmem:v38+s28+$0x0], $0xffff  }
0x376: {  	v53 =	vld.idx.msk [tilespmem:v43+s29+$0x0], $0xffff;
	v50 =	vor.u32 $0x11, v2;
	v52 =	vmul.f32 v41, v10;
	v3 =	vadd.f32 v48, v3  }
0x377: {  	v55 =	vor.u32 $0x12, v1;
	v11 =	vld.idx.msk [tilespmem:v42+s28+$0x0], $0xffff  }
0x378: {  	v54 =	vor.u32 $0x12, v2;
	v12 =	vld.idx.msk [tilespmem:v46+s28+$0x0], $0xffff;
	v56 =	vmul.f32 v45, v6;
	v3 =	vadd.f32 v52, v3  }
0x379: {  	v58 =	vor.u32 $0x13, v2;
	v57 =	vld.idx.msk [tilespmem:v47+s29+$0x0], $0xffff  }
0x37a: {  	v59 =	vor.u32 $0x13, v1;
	v61 =	vld.idx.msk [tilespmem:v51+s29+$0x0], $0xffff;
	v60 =	vmul.f32 v49, v9;
	v3 =	vadd.f32 v56, v3  }
0x37b: {  	v63 =	vor.u32 $0x14, v1;
	v14 =	vld.idx.msk [tilespmem:v50+s28+$0x0], $0xffff  }
0x37c: {  	v62 =	vor.u32 $0x14, v2;
	v21 =	vld.idx.msk [tilespmem:v55+s29+$0x0], $0xffff;
	v20 =	vmul.f32 v53, v11;
	v3 =	vadd.f32 v60, v3  }
0x37d: {  	v23 =	vor.u32 $0x15, v1;
	v10 =	vld.idx.msk [tilespmem:v54+s28+$0x0], $0xffff  }
0x37e: {  	v22 =	vor.u32 $0x15, v2;
	v6 =	vld.idx.msk [tilespmem:v58+s28+$0x0], $0xffff;
	v24 =	vmul.f32 v57, v12;
	v3 =	vadd.f32 v20, v3  }
0x37f: {  	v27 =	vor.u32 $0x16, v1;
	v25 =	vld.idx.msk [tilespmem:v59+s29+$0x0], $0xffff  }
0x380: {  	v26 =	vor.u32 $0x16, v2;
	v29 =	vld.idx.msk [tilespmem:v63+s29+$0x0], $0xffff;
	v28 =	vmul.f32 v61, v14;
	v3 =	vadd.f32 v24, v3  }
0x381: {  	v31 =	vor.u32 $0x17, v1;
	v9 =	vld.idx.msk [tilespmem:v62+s28+$0x0], $0xffff  }
0x382: {  	v33 =	vld.idx.msk [tilespmem:v23+s29+$0x0], $0xffff;
	v30 =	vor.u32 $0x17, v2;
	v32 =	vmul.f32 v21, v10;
	v3 =	vadd.f32 v28, v3  }
0x383: {  	v35 =	vor.u32 $0x18, v1;
	v11 =	vld.idx.msk [tilespmem:v22+s28+$0x0], $0xffff  }
0x384: {  	v34 =	vor.u32 $0x18, v2;
	v37 =	vld.idx.msk [tilespmem:v27+s29+$0x0], $0xffff;
	v36 =	vmul.f32 v25, v6;
	v3 =	vadd.f32 v32, v3  }
0x385: {  	v39 =	vor.u32 $0x19, v1;
	v12 =	vld.idx.msk [tilespmem:v26+s28+$0x0], $0xffff  }
0x386: {  	v38 =	vor.u32 $0x19, v2;
	v41 =	vld.idx.msk [tilespmem:v31+s29+$0x0], $0xffff;
	v40 =	vmul.f32 v29, v9;
	v3 =	vadd.f32 v36, v3  }
0x387: {  	v43 =	vor.u32 $0x1A, v1;
	v14 =	vld.idx.msk [tilespmem:v30+s28+$0x0], $0xffff  }
0x388: {  	v42 =	vor.u32 $0x1A, v2;
	v45 =	vld.idx.msk [tilespmem:v35+s29+$0x0], $0xffff;
	v44 =	vmul.f32 v33, v11;
	v3 =	vadd.f32 v40, v3  }
0x389: {  	v47 =	vor.u32 $0x1B, v1;
	v10 =	vld.idx.msk [tilespmem:v34+s28+$0x0], $0xffff  }
0x38a: {  	v46 =	vor.u32 $0x1B, v2;
	v49 =	vld.idx.msk [tilespmem:v39+s29+$0x0], $0xffff;
	v48 =	vmul.f32 v37, v12;
	v3 =	vadd.f32 v44, v3  }
0x38b: {  	v51 =	vor.u32 $0x1C, v1;
	v6 =	vld.idx.msk [tilespmem:v38+s28+$0x0], $0xffff  }
0x38c: {  	v50 =	vor.u32 $0x1C, v2;
	v53 =	vld.idx.msk [tilespmem:v43+s29+$0x0], $0xffff;
	v52 =	vmul.f32 v41, v14;
	v3 =	vadd.f32 v48, v3  }
0x38d: {  	v55 =	vor.u32 $0x1D, v1;
	v9 =	vld.idx.msk [tilespmem:v42+s28+$0x0], $0xffff  }
0x38e: {  	v54 =	vor.u32 $0x1D, v2;
	v57 =	vld.idx.msk [tilespmem:v47+s29+$0x0], $0xffff;
	v56 =	vmul.f32 v45, v10;
	v3 =	vadd.f32 v52, v3  }
0x38f: {  	v59 =	vor.u32 $0x1E, v1;
	v11 =	vld.idx.msk [tilespmem:v46+s28+$0x0], $0xffff  }
0x390: {  	v58 =	vor.u32 $0x1E, v2;
	v61 =	vld.idx.msk [tilespmem:v51+s29+$0x0], $0xffff;
	v60 =	vmul.f32 v49, v6;
	v3 =	vadd.f32 v56, v3  }
0x391: {  	v63 =	vor.u32 $0x1F, v1;
	v12 =	vld.idx.msk [tilespmem:v50+s28+$0x0], $0xffff  }
0x392: {  	v62 =	vor.u32 $0x1F, v2;
	v21 =	vld.idx.msk [tilespmem:v55+s29+$0x0], $0xffff;
	v20 =	vmul.f32 v53, v9;
	v3 =	vadd.f32 v60, v3  }
0x393: {  	v23 =	vor.u32 $0x20, v1;
	v14 =	vld.idx.msk [tilespmem:v54+s28+$0x0], $0xffff  }
0x394: {  	v22 =	vor.u32 $0x20, v2;
	v25 =	vld.idx.msk [tilespmem:v59+s29+$0x0], $0xffff;
	v24 =	vmul.f32 v57, v11;
	v3 =	vadd.f32 v20, v3  }
0x395: {  	v27 =	vor.u32 $0x21, v1;
	v10 =	vld.idx.msk [tilespmem:v58+s28+$0x0], $0xffff  }
0x396: {  	v26 =	vor.u32 $0x21, v2;
	v29 =	vld.idx.msk [tilespmem:v63+s29+$0x0], $0xffff;
	v28 =	vmul.f32 v61, v12;
	v3 =	vadd.f32 v24, v3  }
0x397: {  	v31 =	vor.u32 $0x22, v1;
	v6 =	vld.idx.msk [tilespmem:v62+s28+$0x0], $0xffff  }
0x398: {  	v30 =	vor.u32 $0x22, v2;
	v33 =	vld.idx.msk [tilespmem:v23+s29+$0x0], $0xffff;
	v32 =	vmul.f32 v21, v14;
	v3 =	vadd.f32 v28, v3  }
0x399: {  	v35 =	vor.u32 $0x23, v1;
	v9 =	vld.idx.msk [tilespmem:v22+s28+$0x0], $0xffff  }
0x39a: {  	v34 =	vor.u32 $0x23, v2;
	v37 =	vld.idx.msk [tilespmem:v27+s29+$0x0], $0xffff;
	v36 =	vmul.f32 v25, v10;
	v3 =	vadd.f32 v32, v3  }
0x39b: {  	v39 =	vor.u32 $0x24, v1;
	v11 =	vld.idx.msk [tilespmem:v26+s28+$0x0], $0xffff  }
0x39c: {  	v38 =	vor.u32 $0x24, v2;
	v41 =	vld.idx.msk [tilespmem:v31+s29+$0x0], $0xffff;
	v40 =	vmul.f32 v29, v6;
	v3 =	vadd.f32 v36, v3  }
0x39d: {  	v43 =	vor.u32 $0x25, v1;
	v12 =	vld.idx.msk [tilespmem:v30+s28+$0x0], $0xffff  }
0x39e: {  	v42 =	vor.u32 $0x25, v2;
	v45 =	vld.idx.msk [tilespmem:v35+s29+$0x0], $0xffff;
	v44 =	vmul.f32 v33, v9;
	v3 =	vadd.f32 v40, v3  }
0x39f: {  	v47 =	vor.u32 $0x26, v1;
	v14 =	vld.idx.msk [tilespmem:v34+s28+$0x0], $0xffff  }
0x3a0: {  	v46 =	vor.u32 $0x26, v2;
	v49 =	vld.idx.msk [tilespmem:v39+s29+$0x0], $0xffff;
	v48 =	vmul.f32 v37, v11;
	v3 =	vadd.f32 v44, v3  }
0x3a1: {  	v51 =	vor.u32 $0x27, v1;
	v10 =	vld.idx.msk [tilespmem:v38+s28+$0x0], $0xffff  }
0x3a2: {  	v50 =	vor.u32 $0x27, v2;
	v53 =	vld.idx.msk [tilespmem:v43+s29+$0x0], $0xffff;
	v52 =	vmul.f32 v41, v12;
	v3 =	vadd.f32 v48, v3  }
0x3a3: {  	v55 =	vor.u32 $0x28, v1;
	v6 =	vld.idx.msk [tilespmem:v42+s28+$0x0], $0xffff  }
0x3a4: {  	v54 =	vor.u32 $0x28, v2;
	v57 =	vld.idx.msk [tilespmem:v47+s29+$0x0], $0xffff;
	v56 =	vmul.f32 v45, v14;
	v3 =	vadd.f32 v52, v3  }
0x3a5: {  	v59 =	vor.u32 $0x29, v1;
	v9 =	vld.idx.msk [tilespmem:v46+s28+$0x0], $0xffff  }
0x3a6: {  	v58 =	vor.u32 $0x29, v2;
	v61 =	vld.idx.msk [tilespmem:v51+s29+$0x0], $0xffff;
	v60 =	vmul.f32 v49, v10;
	v3 =	vadd.f32 v56, v3  }
0x3a7: {  	v63 =	vor.u32 $0x2A, v1;
	v11 =	vld.idx.msk [tilespmem:v50+s28+$0x0], $0xffff  }
0x3a8: {  	v62 =	vor.u32 $0x2A, v2;
	v21 =	vld.idx.msk [tilespmem:v55+s29+$0x0], $0xffff;
	v20 =	vmul.f32 v53, v6;
	v3 =	vadd.f32 v60, v3  }
0x3a9: {  	v23 =	vor.u32 $0x2B, v1;
	v12 =	vld.idx.msk [tilespmem:v54+s28+$0x0], $0xffff  }
0x3aa: {  	v22 =	vor.u32 $0x2B, v2;
	v25 =	vld.idx.msk [tilespmem:v59+s29+$0x0], $0xffff;
	v24 =	vmul.f32 v57, v9;
	v3 =	vadd.f32 v20, v3  }
0x3ab: {  	v27 =	vor.u32 $0x2C, v1;
	v14 =	vld.idx.msk [tilespmem:v58+s28+$0x0], $0xffff  }
0x3ac: {  	v26 =	vor.u32 $0x2C, v2;
	v29 =	vld.idx.msk [tilespmem:v63+s29+$0x0], $0xffff;
	v28 =	vmul.f32 v61, v11;
	v3 =	vadd.f32 v24, v3  }
0x3ad: {  	v31 =	vor.u32 $0x2D, v1;
	v10 =	vld.idx.msk [tilespmem:v62+s28+$0x0], $0xffff  }
0x3ae: {  	v30 =	vor.u32 $0x2D, v2;
	v33 =	vld.idx.msk [tilespmem:v23+s29+$0x0], $0xffff;
	v32 =	vmul.f32 v21, v12;
	v3 =	vadd.f32 v28, v3  }
0x3af: {  	v35 =	vor.u32 $0x2E, v1;
	v6 =	vld.idx.msk [tilespmem:v22+s28+$0x0], $0xffff  }
0x3b0: {  	v34 =	vor.u32 $0x2E, v2;
	v37 =	vld.idx.msk [tilespmem:v27+s29+$0x0], $0xffff;
	v36 =	vmul.f32 v25, v14;
	v3 =	vadd.f32 v32, v3  }
0x3b1: {  	v39 =	vor.u32 $0x2F, v1;
	v9 =	vld.idx.msk [tilespmem:v26+s28+$0x0], $0xffff  }
0x3b2: {  	v38 =	vor.u32 $0x2F, v2;
	v41 =	vld.idx.msk [tilespmem:v31+s29+$0x0], $0xffff;
	v40 =	vmul.f32 v29, v10;
	v3 =	vadd.f32 v36, v3  }
0x3b3: {  	v43 =	vor.u32 $0x30, v1;
	v11 =	vld.idx.msk [tilespmem:v30+s28+$0x0], $0xffff  }
0x3b4: {  	v42 =	vor.u32 $0x30, v2;
	v45 =	vld.idx.msk [tilespmem:v35+s29+$0x0], $0xffff;
	v44 =	vmul.f32 v33, v6;
	v3 =	vadd.f32 v40, v3  }
0x3b5: {  	v47 =	vor.u32 $0x31, v1;
	v12 =	vld.idx.msk [tilespmem:v34+s28+$0x0], $0xffff  }
0x3b6: {  	v46 =	vor.u32 $0x31, v2;
	v49 =	vld.idx.msk [tilespmem:v39+s29+$0x0], $0xffff;
	v48 =	vmul.f32 v37, v9;
	v3 =	vadd.f32 v44, v3  }
0x3b7: {  	v51 =	vor.u32 $0x32, v1;
	v14 =	vld.idx.msk [tilespmem:v38+s28+$0x0], $0xffff  }
0x3b8: {  	v50 =	vor.u32 $0x32, v2;
	v53 =	vld.idx.msk [tilespmem:v43+s29+$0x0], $0xffff;
	v52 =	vmul.f32 v41, v11;
	v3 =	vadd.f32 v48, v3  }
0x3b9: {  	v54 =	vor.u32 $0x33, v2;
	v10 =	vld.idx.msk [tilespmem:v42+s28+$0x0], $0xffff  }
0x3ba: {  	v55 =	vor.u32 $0x33, v1;
	v57 =	vld.idx.msk [tilespmem:v47+s29+$0x0], $0xffff;
	v56 =	vmul.f32 v45, v12;
	v3 =	vadd.f32 v52, v3  }
0x3bb: {  	v58 =	vor.u32 $0x34, v2;
	v6 =	vld.idx.msk [tilespmem:v46+s28+$0x0], $0xffff  }
0x3bc: {  	v59 =	vor.u32 $0x34, v1;
	v61 =	vld.idx.msk [tilespmem:v51+s29+$0x0], $0xffff;
	v60 =	vmul.f32 v49, v14;
	v3 =	vadd.f32 v56, v3  }
0x3bd: {  	v62 =	vor.u32 $0x35, v2;
	v9 =	vld.idx.msk [tilespmem:v50+s28+$0x0], $0xffff  }
0x3be: {  	v63 =	vor.u32 $0x35, v1;
	v19 =	vmul.f32 v53, v10;
	v11 =	vld.idx.msk [tilespmem:v54+s28+$0x0], $0xffff;
	v3 =	vadd.f32 v60, v3  }
0x3bf: {  	v21 =	vor.u32 $0x36, v2;
	v20 =	vld.idx.msk [tilespmem:v55+s29+$0x0], $0xffff  }
0x3c0: {  	v22 =	vor.u32 $0x36, v1;
	v23 =	vmul.f32 v57, v6;
	v12 =	vld.idx.msk [tilespmem:v58+s28+$0x0], $0xffff;
	v3 =	vadd.f32 v19, v3  }
0x3c1: {  	v25 =	vor.u32 $0x37, v2;
	v24 =	vld.idx.msk [tilespmem:v59+s29+$0x0], $0xffff  }
0x3c2: {  	v26 =	vor.u32 $0x37, v1;
	v27 =	vmul.f32 v61, v9;
	v14 =	vld.idx.msk [tilespmem:v62+s28+$0x0], $0xffff;
	v3 =	vadd.f32 v23, v3  }
0x3c3: {  	v29 =	vor.u32 $0x38, v2;
	v28 =	vld.idx.msk [tilespmem:v63+s29+$0x0], $0xffff  }
0x3c4: {  	v30 =	vor.u32 $0x38, v1;
	v10 =	vld.idx.msk [tilespmem:v21+s28+$0x0], $0xffff;
	v31 =	vmul.f32 v20, v11;
	v3 =	vadd.f32 v27, v3  }
0x3c5: {  	v33 =	vor.u32 $0x39, v2;
	v32 =	vld.idx.msk [tilespmem:v22+s29+$0x0], $0xffff  }
0x3c6: {  	v34 =	vor.u32 $0x39, v1;
	v6 =	vld.idx.msk [tilespmem:v25+s28+$0x0], $0xffff;
	v35 =	vmul.f32 v24, v12;
	v3 =	vadd.f32 v31, v3  }
0x3c7: {  	v37 =	vor.u32 $0x3A, v2;
	v36 =	vld.idx.msk [tilespmem:v26+s29+$0x0], $0xffff  }
0x3c8: {  	v38 =	vor.u32 $0x3A, v1;
	v9 =	vld.idx.msk [tilespmem:v29+s28+$0x0], $0xffff;
	v39 =	vmul.f32 v28, v14;
	v3 =	vadd.f32 v35, v3  }
0x3c9: {  	v41 =	vor.u32 $0x3B, v2;
	v40 =	vld.idx.msk [tilespmem:v30+s29+$0x0], $0xffff  }
0x3ca: {  	v42 =	vor.u32 $0x3B, v1;
	v11 =	vld.idx.msk [tilespmem:v33+s28+$0x0], $0xffff;
	v43 =	vmul.f32 v32, v10;
	v3 =	vadd.f32 v39, v3  }
0x3cb: {  	v45 =	vor.u32 $0x3C, v2;
	v44 =	vld.idx.msk [tilespmem:v34+s29+$0x0], $0xffff  }
0x3cc: {  	v46 =	vor.u32 $0x3C, v1;
	v12 =	vld.idx.msk [tilespmem:v37+s28+$0x0], $0xffff;
	v47 =	vmul.f32 v36, v6;
	v3 =	vadd.f32 v43, v3  }
0x3cd: {  	v50 =	vor.u32 $0x3D, v1;
	v48 =	vld.idx.msk [tilespmem:v38+s29+$0x0], $0xffff  }
0x3ce: {  	v49 =	vor.u32 $0x3D, v2;
	v14 =	vld.idx.msk [tilespmem:v41+s28+$0x0], $0xffff;
	v51 =	vmul.f32 v40, v9;
	v3 =	vadd.f32 v47, v3  }
0x3cf: {  	v53 =	vor.u32 $0x3E, v2;
	v52 =	vld.idx.msk [tilespmem:v42+s29+$0x0], $0xffff  }
0x3d0: {  	v54 =	vor.u32 $0x3E, v1;
	v10 =	vld.idx.msk [tilespmem:v45+s28+$0x0], $0xffff;
	v55 =	vmul.f32 v44, v11;
	v3 =	vadd.f32 v51, v3  }
0x3d1: {  	v1 =	vor.u32 $0x3F, v1;
	v56 =	vld.idx.msk [tilespmem:v46+s29+$0x0], $0xffff  }
0x3d2: {  	v58 =	vld.idx.msk [tilespmem:v50+s29+$0x0], $0xffff;
	v2 =	vor.u32 $0x3F, v2;
	v57 =	vmul.f32 v48, v12;
	v3 =	vadd.f32 v55, v3  }
0x3d3: {  	v6 =	vld.idx.msk [tilespmem:v49+s28+$0x0], $0xffff  }
0x3d4: {  	v9 =	vld.idx.msk [tilespmem:v53+s28+$0x0], $0xffff;
	v59 =	vmul.f32 v52, v14;
	v3 =	vadd.f32 v57, v3  }
0x3d5: {  	v60 =	vld.idx.msk [tilespmem:v54+s29+$0x0], $0xffff  }
0x3d6: {  	v1 =	vld.idx.msk [tilespmem:v1+s29+$0x0], $0xffff;
	v61 =	vmul.f32 v56, v10;
	v3 =	vadd.f32 v59, v3  }
0x3d7: {  	v2 =	vld.idx.msk [tilespmem:v2+s28+$0x0], $0xffff  }
0x3d8: {  	v62 =	vmul.f32 v58, v6;
	v3 =	vadd.f32 v61, v3;
	_ =	sdelay $0x1  }
0x3d9: {  	v63 =	vmul.f32 v60, v9;
	v3 =	vadd.f32 v62, v3;
	_ =	sdelay $0x1  }
0x3da: {  	v1 =	vmul.f32 v1, v2;
	v3 =	vadd.f32 v63, v3;
	_ =	sdelay $0x1  }
0x3db: {  	s31 =	sadd.s32 $0x1, s31;
	v1 =	vadd.f32 v1, v3  }
0x3dc: {  	s17 =	sadd.s32 $0x10, s13;
	p0 =	sne.s32 s31, s10  }
.Ltmp6:
0x3dd: {  	[tilespmem:s17+$0x0] =	vst v1;
	(pc) =	sbr.rel @p0 .LBB2_1-.Ltmp6, $4  }
0x3de: {  	[hbm4b:s9+s6] =	stream.linear.scatter [tilespmem:s30], [sflag:$0x2], $0x200, $0x38;
	[tilespmem:$0x10A00] =	vst v63  }
0x3df: {  	_ =	swait.ge [sflag:s11], $0x200  }
0x3e0: {  	[sflag:s11] =	ssyncset.done $0x0  }
0x3e1: {  	[sflag:s11] =	ssyncadd.s32 $0xFFFFFE00  }
0x3e2: {  	_ =	sfence.sel $0x180000  }
0x3e3: {  	[bflag:$0x0] =	sbarrier.arrive $0xFFFF  }
0x3e4: {  	_ =	strace $0x90000047  }
0x3e5: {  	s0 =	stileid.u32;
	[bflag:$0x2] =	sbarrier.arrive $0xFFFF  }
0x3e6: {  	p0 =	sne.s32 s0, $0x0;
	s0 =	rddreg [dreg:$0x7]  }
0x3e7: {  	s0 =	sadd.s32 @!p0 $0x100000, s0  }
0x3e8: {  	[sflag:s0] =	ssyncadd.tile.s32 @!p0 $0x1;
	_ =	shalt  }
.Lfunc_end2:
_tile_overlayer_lowered:
.L_overlay_start_2:
0x3e9: {  	(tag) =	ssettag $0x2  }
0x3ea: {  	s0 =	rddreg [dreg:$0x0];
	s2 =	stileid.u32  }
0x3eb: {  	s1 =	rddreg [dreg:$0x1];
	p0 =	sne.s32 s2, $0x0  }
0x3ec: {  	s3 =	rddreg [dreg:$0x2];
	[bflag:$0x3] =	sbarrier.arrive $0xFFFF;
	s2 =	simm.s32 @!p0 $0x1C02  }
0x3ed: {  	[timem:s3], [sflag:s2] =	dma.local @!p0 [hbm:s0], s1  }
0x3ee: {  	s0 =	simm.s32 @!p0 $0x2  }
0x3ef: {  	_ =	swait.ge @!p0 [sflag:s0], s1  }
0x3f0: {  	s1 =	ssub.s32 @!p0 $0x0, s1;
	[sflag:s0] =	ssyncset.done @!p0 $0x0  }
0x3f1: {  	[sflag:s0] =	ssyncadd.s32 @!p0 s1  }
0x3f2: {  	[bflag:$0x3] =	sbarrier.arrive $0xFFFF  }
0x3f3: {  	_ =	shalt  }

</sc_bundles>
